<compile_context>
chip_gen: v7x
topology: tpu7x:2x2x1
jax: 0.10.2.dev20260603
libtpu: 0.0.44.dev20260713+nightly
codegen_flags: <defaults>
</compile_context>

<pallas_src>
import functools

import jax
import jax.numpy as jnp
from jax import lax
from jax.experimental import pallas as pl
from jax.experimental.pallas import tpu as pltpu
from jax.experimental.pallas import tpu_sc as plsc

_LOG2 = 0.6931471805599453


def _ssp(x):
    return jnp.maximum(x, 0.0) + jnp.log1p(jnp.exp(-jnp.abs(x))) - _LOG2




def _node_body(x_ref, w_ref, b_ref, o_ref):
    o_ref[...] = (
        jnp.dot(x_ref[...], w_ref[...], preferred_element_type=jnp.float32)
        + b_ref[...]
    )


def _node_proj(x, W, b):
    N, D = x.shape
    H = W.shape[1]
    BN = 1000
    return pl.pallas_call(
        _node_body,
        grid=(N // BN,),
        in_specs=[
            pl.BlockSpec((BN, D), lambda i: (i, 0)),
            pl.BlockSpec((D, H), lambda i: (0, 0)),
            pl.BlockSpec((1, H), lambda i: (0, 0)),
        ],
        out_specs=pl.BlockSpec((BN, H), lambda i: (i, 0)),
        out_shape=jax.ShapeDtypeStruct((N, H), jnp.float32),
    )(x, W, b.reshape(1, H))


def _edge_body(x_ref, w1_ref, b1_ref, w2_ref, b2_ref, o_ref):
    h1 = _ssp(
        jnp.dot(x_ref[...], w1_ref[...], preferred_element_type=jnp.float32)
        + b1_ref[...]
    )
    o_ref[...] = _ssp(
        jnp.dot(h1, w2_ref[...], preferred_element_type=jnp.float32)
        + b2_ref[...]
    )


def _edge_mlp(e, W1, b1, W2, b2):
    E, DE = e.shape
    H = W1.shape[1]
    BE = 4000
    return pl.pallas_call(
        _edge_body,
        grid=(E // BE,),
        in_specs=[
            pl.BlockSpec((BE, DE), lambda i: (i, 0)),
            pl.BlockSpec((DE, H), lambda i: (0, 0)),
            pl.BlockSpec((1, H), lambda i: (0, 0)),
            pl.BlockSpec((H, H), lambda i: (0, 0)),
            pl.BlockSpec((1, H), lambda i: (0, 0)),
        ],
        out_specs=pl.BlockSpec((BE, H), lambda i: (i, 0)),
        out_shape=jax.ShapeDtypeStruct((E, H), jnp.float32),
    )(e, W1, b1.reshape(1, H), W2, b2.reshape(1, H))


def _out_body(pa_ref, pb_ref, wcf_ref, bcf_ref, wout_ref, bout_ref, o_ref):
    agg = pa_ref[0] + pa_ref[1] + pb_ref[0] + pb_ref[1]
    h = _ssp(
        jnp.dot(agg, wcf_ref[...], preferred_element_type=jnp.float32)
        + bcf_ref[...]
    )
    o_ref[...] = (
        jnp.dot(h, wout_ref[...], preferred_element_type=jnp.float32)
        + bout_ref[...]
    )


def _out_proj(pa, pb, W_cf, b_cf, W_out, b_out):
    _, N, H = pa.shape
    D = W_cf.shape[1]
    BN = 1000
    return pl.pallas_call(
        _out_body,
        grid=(N // BN,),
        in_specs=[
            pl.BlockSpec((2, BN, H), lambda i: (0, i, 0)),
            pl.BlockSpec((2, BN, H), lambda i: (0, i, 0)),
            pl.BlockSpec((H, D), lambda i: (0, 0)),
            pl.BlockSpec((1, D), lambda i: (0, 0)),
            pl.BlockSpec((D, D), lambda i: (0, 0)),
            pl.BlockSpec((1, D), lambda i: (0, 0)),
        ],
        out_specs=pl.BlockSpec((BN, D), lambda i: (i, 0)),
        out_shape=jax.ShapeDtypeStruct((N, D), jnp.float32),
    )(pa, pb, W_cf, b_cf.reshape(1, D), W_out, b_out.reshape(1, D))



_NC = 2
_NS = 16
_C = 96


@functools.lru_cache(maxsize=None)
def _make_sc_gather_scatter(N, E, H):
    NW = _NC * _NS
    assert E % NW == 0
    EPW = E // NW
    nchunk = EPW // _C
    tail = EPW % _C
    assert tail % 8 == 0 and tail > 0 and nchunk % 2 == 0
    npairs = nchunk // 2
    nflush = 10
    rows_pt = N // nflush
    assert N % nflush == 0 and rows_pt % 8 == 0
    lanes = 16
    assert H % lanes == 0

    mesh = plsc.VectorSubcoreMesh(
        core_axis_name="c", subcore_axis_name="s",
        num_cores=_NC, num_subcores=_NS,
    )

    @functools.partial(
        pl.kernel,
        out_type=jax.ShapeDtypeStruct((_NC, N, H), jnp.float32),
        mesh=mesh,
        scratch_types=[
            pltpu.VMEM((_C,), jnp.int32),
            pltpu.VMEM((_C,), jnp.int32),
            pltpu.VMEM((_C, H), jnp.float32),
            pltpu.VMEM((_C, H), jnp.float32),
            pltpu.VMEM((_C,), jnp.int32),
            pltpu.VMEM((_C,), jnp.int32),
            pltpu.VMEM((_C, H), jnp.float32),
            pltpu.VMEM((_C, H), jnp.float32),
            pltpu.VMEM((tail,), jnp.int32),
            pltpu.VMEM((tail,), jnp.int32),
            pltpu.VMEM_SHARED((N, H), jnp.float32),
            pltpu.SemaphoreType.DMA,
            pltpu.SemaphoreType.DMA,
            pltpu.SemaphoreType.DMA,
            pltpu.SemaphoreType.DMA,
            pltpu.SemaphoreType.DMA,
            pltpu.SemaphoreType.DMA,
        ],
    )
    def sc_kernel(hv_hbm, he_hbm, src_hbm, dst_hbm, out_hbm,
                  src0, dst0, rows0, he0,
                  src1, dst1, rows1, he1,
                  src_t, dst_t,
                  agg, sg0, sh0, ss0, sg1, sh1, ss1):
        cid = lax.axis_index("c")
        sid = lax.axis_index("s")
        wid = cid * _NS + sid
        base = wid * EPW
        bufs = ((src0, dst0, rows0, he0, sg0, sh0, ss0),
                (src1, dst1, rows1, he1, sg1, sh1, ss1))

        @pl.when(sid < nflush)
        def _zero():
            def _zrow(rr, carry):
                for j in range(H // lanes):
                    rows0[rr, pl.ds(j * lanes, lanes)] = jnp.zeros(
                        (lanes,), jnp.float32)
                return carry
            lax.fori_loop(0, _C, _zrow, 0)
            done = 0
            while done < rows_pt:
                n = min(_C, rows_pt - done)
                assert n % 8 == 0
                pltpu.sync_copy(
                    rows0.at[pl.ds(0, n)],
                    agg.at[pl.ds(sid * rows_pt + done, n)])
                done += n
        plsc.subcore_barrier()

        def _issue(off, b):
            s_v, d_v, r_v, h_v, sg, sh, _ = bufs[b]
            pltpu.sync_copy(src_hbm.at[pl.ds(off, _C)], s_v)
            pltpu.sync_copy(dst_hbm.at[pl.ds(off, _C)], d_v)
            pltpu.async_copy(hv_hbm.at[s_v], r_v, sg)
            pltpu.async_copy(he_hbm.at[pl.ds(off, _C)], h_v, sh)

        def _wait_in(b):
            s_v, _, r_v, h_v, sg, sh, _ = bufs[b]
            pltpu.make_async_copy(hv_hbm.at[s_v], r_v, sg).wait()
            pltpu.make_async_copy(he_hbm.at[pl.ds(0, _C)], h_v, sh).wait()

        def _mul(r_v, h_v, n):
            @plsc.parallel_loop(0, n, unroll=2)
            def _mrow(rr):
                for j in range(H // lanes):
                    sl = pl.ds(j * lanes, lanes)
                    r_v[rr, sl] = r_v[rr, sl] * h_v[rr, sl]

        def _scatter(b):
            _, d_v, r_v, _, _, _, ss = bufs[b]
            pltpu.async_copy(r_v, agg.at[d_v], ss, add=True)

        def _wait_scatter(b):
            _, d_v, r_v, _, _, _, ss = bufs[b]
            pltpu.make_async_copy(r_v, agg.at[d_v], ss).wait()

        _issue(base, 0)

        def _pair(p, carry):
            off0 = base + (2 * p) * _C
            _wait_in(0)
            _issue(off0 + _C, 1)
            _mul(rows0, he0, _C)
            _scatter(0)
            _wait_in(1)
            _wait_scatter(0)

            @pl.when(2 * p + 2 < nchunk)
            def _():
                _issue(off0 + 2 * _C, 0)
            _mul(rows1, he1, _C)
            _scatter(1)
            _wait_scatter(1)
            return carry
        lax.fori_loop(0, npairs, _pair, 0)

        toff = base + nchunk * _C
        pltpu.sync_copy(src_hbm.at[pl.ds(toff, tail)], src_t)
        pltpu.sync_copy(dst_hbm.at[pl.ds(toff, tail)], dst_t)
        pltpu.async_copy(
            hv_hbm.at[src_t], rows0.at[pl.ds(0, tail)], sg0).wait()
        pltpu.sync_copy(he_hbm.at[pl.ds(toff, tail)], he0.at[pl.ds(0, tail)])
        _mul(rows0, he0, tail)
        pltpu.sync_copy(rows0.at[pl.ds(0, tail)], agg.at[dst_t], add=True)

        plsc.subcore_barrier()

        @pl.when(sid < nflush)
        def _flush():
            pltpu.sync_copy(
                agg.at[pl.ds(sid * rows_pt, rows_pt)],
                out_hbm.at[cid, pl.ds(sid * rows_pt, rows_pt)],
            )

    return sc_kernel




def kernel(node_feats, edge_feats, edge_index,
           W_node, b_node, W_e1, b_e1, W_e2, b_e2,
           W_cf, b_cf, W_out, b_out):
    N, D = node_feats.shape
    E = edge_feats.shape[0]
    H = W_node.shape[1]
    src = edge_index[0]
    dst = edge_index[1]
    hv = _node_proj(node_feats, W_node, b_node)
    Eh = E // 2
    sc = _make_sc_gather_scatter(N, Eh, H)
    he_a = _edge_mlp(edge_feats[:Eh], W_e1, b_e1, W_e2, b_e2)
    pa = sc(hv, he_a, src[:Eh], dst[:Eh])
    he_b = _edge_mlp(edge_feats[Eh:], W_e1, b_e1, W_e2, b_e2)
    pb = sc(hv, he_b, src[Eh:], dst[Eh:])
    return _out_proj(pa, pb, W_cf, b_cf, W_out, b_out)

# --- scband reference (transcript-rebuilt; emitter-appended) ---
"""Pipeline reference for scband-interaction-18227841204693 (READ-ONLY COPY).

The authoritative reference and input builder live on the scoring server;
editing this copy changes nothing except your own understanding.
"""

import jax, jax.numpy as jnp
import numpy as np

N = 10000
E = 320000
D = 128
DE = 16
H = 128
_LOG2 = float(np.log(2.0))


def _ssp(x):
    # ShiftedSoftplus used by SchNet: softplus(x) - log(2)
    return jax.nn.softplus(x) - _LOG2


def _lin_params(key, fan_in, fan_out):
    k1, k2 = jax.random.split(key)
    bound = 1.0 / np.sqrt(fan_in)
    W = jax.random.uniform(k1, (fan_in, fan_out), minval=-bound, maxval=bound, dtype=jnp.float32)
    b = jax.random.uniform(k2, (fan_out,), minval=-bound, maxval=bound, dtype=jnp.float32)
    return W, b


def setup_inputs(seed: int = 0) -> dict:
    key = jax.random.key(seed)
    ks = jax.random.split(key, 8)
    inp = {}
    inp["node_feats"] = jax.random.normal(ks[0], (N, D), dtype=jnp.float32)
    inp["edge_feats"] = jax.random.normal(ks[1], (E, DE), dtype=jnp.float32)
    inp["edge_index"] = jax.random.randint(ks[2], (2, E), 0, N, dtype=jnp.int32)
    # CFConv.project_node: Linear(node_feats -> hidden)
    inp["W_node"], inp["b_node"] = _lin_params(ks[3], D, H)
    # CFConv.project_edge: Linear(edge_in -> hidden), SSP, Linear(hidden -> hidden), SSP
    inp["W_e1"], inp["b_e1"] = _lin_params(ks[4], DE, H)
    inp["W_e2"], inp["b_e2"] = _lin_params(ks[5], H, H)
    # CFConv.project_out: Linear(hidden -> node_feats), SSP
    inp["W_cf"], inp["b_cf"] = _lin_params(ks[6], H, D)
    # Interaction.project_out: Linear(node_feats -> node_feats)
    inp["W_out"], inp["b_out"] = _lin_params(ks[7], D, D)
    return inp


def reference(node_feats, edge_feats, edge_index, W_node, b_node, W_e1, b_e1, W_e2, b_e2, W_cf, b_cf, W_out, b_out):
    src = edge_index[0]
    dst = edge_index[1]
    # project node features into hidden space
    hv = node_feats @ W_node + b_node  # [N, H]
    # continuous-filter weights from edge features
    he = _ssp(_ssp(edge_feats @ W_e1 + b_e1) @ W_e2 + b_e2)  # [E, H]
    # message: u_mul_e (gather source node hidden feats, multiply by edge filter)
    m = jnp.take(hv, src, axis=0) * he  # [E, H]
    # reduce: sum messages at destination nodes (scatter-add)
    agg = jax.ops.segment_sum(m, dst, num_segments=N)  # [N, H]
    # CFConv output projection with shifted softplus
    h = _ssp(agg @ W_cf + b_cf)  # [N, D]
    # Interaction final linear projection
    return h @ W_out + b_out  # [N, D]

if __name__ == "__main__":
    import jax
    _d = setup_inputs()
    print(jax.jit(kernel)(*tuple(_d.values())))

</pallas_src>

<mosaic_0001>
#map = affine_map<(d0, d1) -> (0, 0)>
#map1 = affine_map<(d0, d1) -> (0)>
#map2 = affine_map<(d0, d1) -> (0, 0, 0)>
module attributes {stable_mosaic.version = 14 : i64} {
  func.func @sc_kernel(%arg0: i32, %arg1: i32, %arg2: memref<10000x128xf32, #tpu.memory_space<hbm>>, %arg3: memref<160000x128xf32, #tpu.memory_space<hbm>>, %arg4: memref<160000xi32, #tpu.memory_space<hbm>>, %arg5: memref<160000xi32, #tpu.memory_space<hbm>>, %arg6: memref<2x10000x128xf32, #tpu.memory_space<hbm>>, %arg7: memref<96xi32, #tpu.memory_space<vmem>>, %arg8: memref<96xi32, #tpu.memory_space<vmem>>, %arg9: memref<96x128xf32, #tpu.memory_space<vmem>>, %arg10: memref<96x128xf32, #tpu.memory_space<vmem>>, %arg11: memref<96xi32, #tpu.memory_space<vmem>>, %arg12: memref<96xi32, #tpu.memory_space<vmem>>, %arg13: memref<96x128xf32, #tpu.memory_space<vmem>>, %arg14: memref<96x128xf32, #tpu.memory_space<vmem>>, %arg15: memref<8xi32, #tpu.memory_space<vmem>>, %arg16: memref<8xi32, #tpu.memory_space<vmem>>, %arg17: memref<10000x128xf32, #tpu.memory_space<vmem_shared>>, %arg18: memref<!tpu.dma_semaphore, #tpu.memory_space<semaphore_mem>>, %arg19: memref<!tpu.dma_semaphore, #tpu.memory_space<semaphore_mem>>, %arg20: memref<!tpu.dma_semaphore, #tpu.memory_space<semaphore_mem>>, %arg21: memref<!tpu.dma_semaphore, #tpu.memory_space<semaphore_mem>>, %arg22: memref<!tpu.dma_semaphore, #tpu.memory_space<semaphore_mem>>, %arg23: memref<!tpu.dma_semaphore, #tpu.memory_space<semaphore_mem>>) attributes {dimension_semantics = [#tpu.dimension_semantics<core_parallel>, #tpu.dimension_semantics<subcore_parallel>], iteration_bounds = array<i64: 2, 16>, scalar_prefetch = 0 : i64, scratch_operands = 17 : i64, tpu.core_type = #tpu.core_type<sc_vector_subcore>, window_params = [{transform_indices = #map}, {transform_indices = #map}, {transform_indices = #map1}, {transform_indices = #map1}, {transform_indices = #map2}]} {
    %mul3A = arith.constant 16 : i32
    %mul3A_0 = arith.muli %arg0, %mul3A : i32
    %add3A = arith.addi %mul3A_0, %arg1 : i32
    %mul3A_1 = arith.constant 5000 : i32
    %mul3A_2 = arith.muli %add3A, %mul3A_1 : i32
    %lt3A = arith.constant 10 : i32
    %lt3A_3 = arith.cmpi slt, %arg1, %lt3A : i32
    %convert_element_type3A = arith.extui %lt3A_3 : i1 to i32
    %cond3A = arith.constant 0 : i32
    %cond3A_4 = arith.cmpi ne, %convert_element_type3A, %cond3A : i32
    scf.if %cond3A_4 {
      %scan3A_37 = arith.constant 0 : i32
      %scan3A_38 = arith.constant 0 : i32
      %scan3A_39 = arith.constant 96 : i32
      %scan3A_40 = arith.addi %scan3A_38, %scan3A_39 : i32
      %scan3A_41 = arith.constant 1 : i32
      scf.for %scan3A_87 = %scan3A_38 to %scan3A_40 step %scan3A_41  : i32 {
        %broadcast_in_dim3A = arith.constant 0.000000e+00 : f32
        %broadcast_in_dim3A_88 = vector.broadcast %broadcast_in_dim3A : f32 to vector<16xf32>
        %swap3A = arith.index_cast %scan3A_87 : i32 to index
        %swap3A_89 = arith.constant 0 : index
        %swap3A_90 = tpu.vector_load %arg9[%swap3A, %swap3A_89] {strides = array<i32>} : memref<96x128xf32, #tpu.memory_space<vmem>>, vector<1x16xf32>,
        %swap3A_91 = vector.shape_cast %swap3A_90 : vector<1x16xf32> to vector<16xf32>
        %swap3A_92 = vector.shape_cast %broadcast_in_dim3A_88 : vector<16xf32> to vector<1x16xf32>
        tpu.vector_store %arg9[%swap3A, %swap3A_89], %swap3A_92 {strides = array<i32>} : memref<96x128xf32, #tpu.memory_space<vmem>>, vector<1x16xf32>,
        %broadcast_in_dim3A_93 = arith.constant 0.000000e+00 : f32
        %broadcast_in_dim3A_94 = vector.broadcast %broadcast_in_dim3A_93 : f32 to vector<16xf32>
        %swap3A_95 = arith.index_cast %scan3A_87 : i32 to index
        %swap3A_96 = arith.constant 16 : index
        %swap3A_97 = tpu.vector_load %arg9[%swap3A_95, %swap3A_96] {strides = array<i32>} : memref<96x128xf32, #tpu.memory_space<vmem>>, vector<1x16xf32>,
        %swap3A_98 = vector.shape_cast %swap3A_97 : vector<1x16xf32> to vector<16xf32>
        %swap3A_99 = vector.shape_cast %broadcast_in_dim3A_94 : vector<16xf32> to vector<1x16xf32>
        tpu.vector_store %arg9[%swap3A_95, %swap3A_96], %swap3A_99 {strides = array<i32>} : memref<96x128xf32, #tpu.memory_space<vmem>>, vector<1x16xf32>,
        %broadcast_in_dim3A_100 = arith.constant 0.000000e+00 : f32
        %broadcast_in_dim3A_101 = vector.broadcast %broadcast_in_dim3A_100 : f32 to vector<16xf32>
        %swap3A_102 = arith.index_cast %scan3A_87 : i32 to index
        %swap3A_103 = arith.constant 32 : index
        %swap3A_104 = tpu.vector_load %arg9[%swap3A_102, %swap3A_103] {strides = array<i32>} : memref<96x128xf32, #tpu.memory_space<vmem>>, vector<1x16xf32>,
        %swap3A_105 = vector.shape_cast %swap3A_104 : vector<1x16xf32> to vector<16xf32>
        %swap3A_106 = vector.shape_cast %broadcast_in_dim3A_101 : vector<16xf32> to vector<1x16xf32>
        tpu.vector_store %arg9[%swap3A_102, %swap3A_103], %swap3A_106 {strides = array<i32>} : memref<96x128xf32, #tpu.memory_space<vmem>>, vector<1x16xf32>,
        %broadcast_in_dim3A_107 = arith.constant 0.000000e+00 : f32
        %broadcast_in_dim3A_108 = vector.broadcast %broadcast_in_dim3A_107 : f32 to vector<16xf32>
        %swap3A_109 = arith.index_cast %scan3A_87 : i32 to index
        %swap3A_110 = arith.constant 48 : index
        %swap3A_111 = tpu.vector_load %arg9[%swap3A_109, %swap3A_110] {strides = array<i32>} : memref<96x128xf32, #tpu.memory_space<vmem>>, vector<1x16xf32>,
        %swap3A_112 = vector.shape_cast %swap3A_111 : vector<1x16xf32> to vector<16xf32>
        %swap3A_113 = vector.shape_cast %broadcast_in_dim3A_108 : vector<16xf32> to vector<1x16xf32>
        tpu.vector_store %arg9[%swap3A_109, %swap3A_110], %swap3A_113 {strides = array<i32>} : memref<96x128xf32, #tpu.memory_space<vmem>>, vector<1x16xf32>,
        %broadcast_in_dim3A_114 = arith.constant 0.000000e+00 : f32
        %broadcast_in_dim3A_115 = vector.broadcast %broadcast_in_dim3A_114 : f32 to vector<16xf32>
        %swap3A_116 = arith.index_cast %scan3A_87 : i32 to index
        %swap3A_117 = arith.constant 64 : index
        %swap3A_118 = tpu.vector_load %arg9[%swap3A_116, %swap3A_117] {strides = array<i32>} : memref<96x128xf32, #tpu.memory_space<vmem>>, vector<1x16xf32>,
        %swap3A_119 = vector.shape_cast %swap3A_118 : vector<1x16xf32> to vector<16xf32>
        %swap3A_120 = vector.shape_cast %broadcast_in_dim3A_115 : vector<16xf32> to vector<1x16xf32>
        tpu.vector_store %arg9[%swap3A_116, %swap3A_117], %swap3A_120 {strides = array<i32>} : memref<96x128xf32, #tpu.memory_space<vmem>>, vector<1x16xf32>,
        %broadcast_in_dim3A_121 = arith.constant 0.000000e+00 : f32
        %broadcast_in_dim3A_122 = vector.broadcast %broadcast_in_dim3A_121 : f32 to vector<16xf32>
        %swap3A_123 = arith.index_cast %scan3A_87 : i32 to index
        %swap3A_124 = arith.constant 80 : index
        %swap3A_125 = tpu.vector_load %arg9[%swap3A_123, %swap3A_124] {strides = array<i32>} : memref<96x128xf32, #tpu.memory_space<vmem>>, vector<1x16xf32>,
        %swap3A_126 = vector.shape_cast %swap3A_125 : vector<1x16xf32> to vector<16xf32>
        %swap3A_127 = vector.shape_cast %broadcast_in_dim3A_122 : vector<16xf32> to vector<1x16xf32>
        tpu.vector_store %arg9[%swap3A_123, %swap3A_124], %swap3A_127 {strides = array<i32>} : memref<96x128xf32, #tpu.memory_space<vmem>>, vector<1x16xf32>,
        %broadcast_in_dim3A_128 = arith.constant 0.000000e+00 : f32
        %broadcast_in_dim3A_129 = vector.broadcast %broadcast_in_dim3A_128 : f32 to vector<16xf32>
        %swap3A_130 = arith.index_cast %scan3A_87 : i32 to index
        %swap3A_131 = arith.constant 96 : index
        %swap3A_132 = tpu.vector_load %arg9[%swap3A_130, %swap3A_131] {strides = array<i32>} : memref<96x128xf32, #tpu.memory_space<vmem>>, vector<1x16xf32>,
        %swap3A_133 = vector.shape_cast %swap3A_132 : vector<1x16xf32> to vector<16xf32>
        %swap3A_134 = vector.shape_cast %broadcast_in_dim3A_129 : vector<16xf32> to vector<1x16xf32>
        tpu.vector_store %arg9[%swap3A_130, %swap3A_131], %swap3A_134 {strides = array<i32>} : memref<96x128xf32, #tpu.memory_space<vmem>>, vector<1x16xf32>,
        %broadcast_in_dim3A_135 = arith.constant 0.000000e+00 : f32
        %broadcast_in_dim3A_136 = vector.broadcast %broadcast_in_dim3A_135 : f32 to vector<16xf32>
        %swap3A_137 = arith.index_cast %scan3A_87 : i32 to index
        %swap3A_138 = arith.constant 112 : index
        %swap3A_139 = tpu.vector_load %arg9[%swap3A_137, %swap3A_138] {strides = array<i32>} : memref<96x128xf32, #tpu.memory_space<vmem>>, vector<1x16xf32>,
        %swap3A_140 = vector.shape_cast %swap3A_139 : vector<1x16xf32> to vector<16xf32>
        %swap3A_141 = vector.shape_cast %broadcast_in_dim3A_136 : vector<16xf32> to vector<1x16xf32>
        tpu.vector_store %arg9[%swap3A_137, %swap3A_138], %swap3A_141 {strides = array<i32>} : memref<96x128xf32, #tpu.memory_space<vmem>>, vector<1x16xf32>,
      }
      %scan3A_42 = arith.constant 96 : i32
      %mul3A_43 = arith.constant 1000 : i32
      %mul3A_44 = arith.muli %arg1, %mul3A_43 : i32
      %add3A_45 = arith.constant 0 : i32
      %add3A_46 = arith.addi %mul3A_44, %add3A_45 : i32
      "tpu.region"() ({
        %run_scoped3A = tpu.sem_alloc : memref<!tpu.dma_semaphore, #tpu.memory_space<semaphore_mem>>
        %dma_start3A_87 = arith.constant 0 : i32
        %dma_start3A_88 = arith.constant 0 : i32
        %dma_start3A_89 = tpu.memref_slice %arg9[%dma_start3A_87, %dma_start3A_88] : memref<96x128xf32, #tpu.memory_space<vmem>> -> memref<96x128xf32, #tpu.memory_space<vmem>>
        %dma_start3A_90 = arith.constant 0 : i32
        %dma_start3A_91 = tpu.memref_slice %arg17[%add3A_46, %dma_start3A_90] : memref<10000x128xf32, #tpu.memory_space<vmem_shared>> -> memref<96x128xf32, #tpu.memory_space<vmem_shared>>
        %dma_start3A_92 = arith.constant 0 : i32
        %dma_start3A_93 = tpu.memref_slice %arg17[%add3A_46, %dma_start3A_92] : memref<10000x128xf32, #tpu.memory_space<vmem_shared>> -> memref<96x128xf32, #tpu.memory_space<vmem_shared>>
        %dma_start3A_94 = arith.constant 0 : i32
        %dma_start3A_95 = arith.constant 0 : i32
        %dma_start3A_96 = tpu.memref_slice %arg9[%dma_start3A_94, %dma_start3A_95] : memref<96x128xf32, #tpu.memory_space<vmem>> -> memref<96x128xf32, #tpu.memory_space<vmem>>
        tpu.enqueue_dma source(%dma_start3A_96 : memref<96x128xf32, #tpu.memory_space<vmem>>) target(%dma_start3A_93 : memref<96x128xf32, #tpu.memory_space<vmem_shared>>) target_semaphore(%run_scoped3A : memref<!tpu.dma_semaphore, #tpu.memory_space<semaphore_mem>>)
        %dma_wait3A_97 = arith.constant 0 : i32
        %dma_wait3A_98 = arith.constant 0 : i32
        %dma_wait3A_99 = tpu.memref_slice %arg9[%dma_wait3A_97, %dma_wait3A_98] : memref<96x128xf32, #tpu.memory_space<vmem>> -> memref<96x128xf32, #tpu.memory_space<vmem>>
        %dma_wait3A_100 = arith.constant 0 : i32
        %dma_wait3A_101 = tpu.memref_slice %arg17[%add3A_46, %dma_wait3A_100] : memref<10000x128xf32, #tpu.memory_space<vmem_shared>> -> memref<96x128xf32, #tpu.memory_space<vmem_shared>>
        %dma_wait3A_102 = arith.constant 0 : i32
        %dma_wait3A_103 = tpu.memref_slice %arg17[%add3A_46, %dma_wait3A_102] : memref<10000x128xf32, #tpu.memory_space<vmem_shared>> -> memref<96x128xf32, #tpu.memory_space<vmem_shared>>
        %dma_wait3A_104 = arith.constant 0 : i32
        %dma_wait3A_105 = arith.constant 0 : i32
        %dma_wait3A_106 = tpu.memref_slice %arg9[%dma_wait3A_104, %dma_wait3A_105] : memref<96x128xf32, #tpu.memory_space<vmem>> -> memref<96x128xf32, #tpu.memory_space<vmem>>
        tpu.wait_dma2 semaphore(%run_scoped3A : memref<!tpu.dma_semaphore, #tpu.memory_space<semaphore_mem>>) src(%dma_wait3A_106 : memref<96x128xf32, #tpu.memory_space<vmem>>) dst(%dma_wait3A_103 : memref<96x128xf32, #tpu.memory_space<vmem_shared>>)
        tpu.yield
      }) : () -> ()
      %mul3A_47 = arith.constant 1000 : i32
      %mul3A_48 = arith.muli %arg1, %mul3A_47 : i32
      %add3A_49 = arith.constant 96 : i32
      %add3A_50 = arith.addi %mul3A_48, %add3A_49 : i32
      "tpu.region"() ({
        %run_scoped3A = tpu.sem_alloc : memref<!tpu.dma_semaphore, #tpu.memory_space<semaphore_mem>>
        %dma_start3A_87 = arith.constant 0 : i32
        %dma_start3A_88 = arith.constant 0 : i32
        %dma_start3A_89 = tpu.memref_slice %arg9[%dma_start3A_87, %dma_start3A_88] : memref<96x128xf32, #tpu.memory_space<vmem>> -> memref<96x128xf32, #tpu.memory_space<vmem>>
        %dma_start3A_90 = arith.constant 0 : i32
        %dma_start3A_91 = tpu.memref_slice %arg17[%add3A_50, %dma_start3A_90] : memref<10000x128xf32, #tpu.memory_space<vmem_shared>> -> memref<96x128xf32, #tpu.memory_space<vmem_shared>>
        %dma_start3A_92 = arith.constant 0 : i32
        %dma_start3A_93 = tpu.memref_slice %arg17[%add3A_50, %dma_start3A_92] : memref<10000x128xf32, #tpu.memory_space<vmem_shared>> -> memref<96x128xf32, #tpu.memory_space<vmem_shared>>
        %dma_start3A_94 = arith.constant 0 : i32
        %dma_start3A_95 = arith.constant 0 : i32
        %dma_start3A_96 = tpu.memref_slice %arg9[%dma_start3A_94, %dma_start3A_95] : memref<96x128xf32, #tpu.memory_space<vmem>> -> memref<96x128xf32, #tpu.memory_space<vmem>>
        tpu.enqueue_dma source(%dma_start3A_96 : memref<96x128xf32, #tpu.memory_space<vmem>>) target(%dma_start3A_93 : memref<96x128xf32, #tpu.memory_space<vmem_shared>>) target_semaphore(%run_scoped3A : memref<!tpu.dma_semaphore, #tpu.memory_space<semaphore_mem>>)
        %dma_wait3A_97 = arith.constant 0 : i32
        %dma_wait3A_98 = arith.constant 0 : i32
        %dma_wait3A_99 = tpu.memref_slice %arg9[%dma_wait3A_97, %dma_wait3A_98] : memref<96x128xf32, #tpu.memory_space<vmem>> -> memref<96x128xf32, #tpu.memory_space<vmem>>
        %dma_wait3A_100 = arith.constant 0 : i32
        %dma_wait3A_101 = tpu.memref_slice %arg17[%add3A_50, %dma_wait3A_100] : memref<10000x128xf32, #tpu.memory_space<vmem_shared>> -> memref<96x128xf32, #tpu.memory_space<vmem_shared>>
        %dma_wait3A_102 = arith.constant 0 : i32
        %dma_wait3A_103 = tpu.memref_slice %arg17[%add3A_50, %dma_wait3A_102] : memref<10000x128xf32, #tpu.memory_space<vmem_shared>> -> memref<96x128xf32, #tpu.memory_space<vmem_shared>>
        %dma_wait3A_104 = arith.constant 0 : i32
        %dma_wait3A_105 = arith.constant 0 : i32
        %dma_wait3A_106 = tpu.memref_slice %arg9[%dma_wait3A_104, %dma_wait3A_105] : memref<96x128xf32, #tpu.memory_space<vmem>> -> memref<96x128xf32, #tpu.memory_space<vmem>>
        tpu.wait_dma2 semaphore(%run_scoped3A : memref<!tpu.dma_semaphore, #tpu.memory_space<semaphore_mem>>) src(%dma_wait3A_106 : memref<96x128xf32, #tpu.memory_space<vmem>>) dst(%dma_wait3A_103 : memref<96x128xf32, #tpu.memory_space<vmem_shared>>)
        tpu.yield
      }) : () -> ()
      %mul3A_51 = arith.constant 1000 : i32
      %mul3A_52 = arith.muli %arg1, %mul3A_51 : i32
      %add3A_53 = arith.constant 192 : i32
      %add3A_54 = arith.addi %mul3A_52, %add3A_53 : i32
      "tpu.region"() ({
        %run_scoped3A = tpu.sem_alloc : memref<!tpu.dma_semaphore, #tpu.memory_space<semaphore_mem>>
        %dma_start3A_87 = arith.constant 0 : i32
        %dma_start3A_88 = arith.constant 0 : i32
        %dma_start3A_89 = tpu.memref_slice %arg9[%dma_start3A_87, %dma_start3A_88] : memref<96x128xf32, #tpu.memory_space<vmem>> -> memref<96x128xf32, #tpu.memory_space<vmem>>
        %dma_start3A_90 = arith.constant 0 : i32
        %dma_start3A_91 = tpu.memref_slice %arg17[%add3A_54, %dma_start3A_90] : memref<10000x128xf32, #tpu.memory_space<vmem_shared>> -> memref<96x128xf32, #tpu.memory_space<vmem_shared>>
        %dma_start3A_92 = arith.constant 0 : i32
        %dma_start3A_93 = tpu.memref_slice %arg17[%add3A_54, %dma_start3A_92] : memref<10000x128xf32, #tpu.memory_space<vmem_shared>> -> memref<96x128xf32, #tpu.memory_space<vmem_shared>>
        %dma_start3A_94 = arith.constant 0 : i32
        %dma_start3A_95 = arith.constant 0 : i32
        %dma_start3A_96 = tpu.memref_slice %arg9[%dma_start3A_94, %dma_start3A_95] : memref<96x128xf32, #tpu.memory_space<vmem>> -> memref<96x128xf32, #tpu.memory_space<vmem>>
        tpu.enqueue_dma source(%dma_start3A_96 : memref<96x128xf32, #tpu.memory_space<vmem>>) target(%dma_start3A_93 : memref<96x128xf32, #tpu.memory_space<vmem_shared>>) target_semaphore(%run_scoped3A : memref<!tpu.dma_semaphore, #tpu.memory_space<semaphore_mem>>)
        %dma_wait3A_97 = arith.constant 0 : i32
        %dma_wait3A_98 = arith.constant 0 : i32
        %dma_wait3A_99 = tpu.memref_slice %arg9[%dma_wait3A_97, %dma_wait3A_98] : memref<96x128xf32, #tpu.memory_space<vmem>> -> memref<96x128xf32, #tpu.memory_space<vmem>>
        %dma_wait3A_100 = arith.constant 0 : i32
        %dma_wait3A_101 = tpu.memref_slice %arg17[%add3A_54, %dma_wait3A_100] : memref<10000x128xf32, #tpu.memory_space<vmem_shared>> -> memref<96x128xf32, #tpu.memory_space<vmem_shared>>
        %dma_wait3A_102 = arith.constant 0 : i32
        %dma_wait3A_103 = tpu.memref_slice %arg17[%add3A_54, %dma_wait3A_102] : memref<10000x128xf32, #tpu.memory_space<vmem_shared>> -> memref<96x128xf32, #tpu.memory_space<vmem_shared>>
        %dma_wait3A_104 = arith.constant 0 : i32
        %dma_wait3A_105 = arith.constant 0 : i32
        %dma_wait3A_106 = tpu.memref_slice %arg9[%dma_wait3A_104, %dma_wait3A_105] : memref<96x128xf32, #tpu.memory_space<vmem>> -> memref<96x128xf32, #tpu.memory_space<vmem>>
        tpu.wait_dma2 semaphore(%run_scoped3A : memref<!tpu.dma_semaphore, #tpu.memory_space<semaphore_mem>>) src(%dma_wait3A_106 : memref<96x128xf32, #tpu.memory_space<vmem>>) dst(%dma_wait3A_103 : memref<96x128xf32, #tpu.memory_space<vmem_shared>>)
        tpu.yield
      }) : () -> ()
      %mul3A_55 = arith.constant 1000 : i32
      %mul3A_56 = arith.muli %arg1, %mul3A_55 : i32
      %add3A_57 = arith.constant 288 : i32
      %add3A_58 = arith.addi %mul3A_56, %add3A_57 : i32
      "tpu.region"() ({
        %run_scoped3A = tpu.sem_alloc : memref<!tpu.dma_semaphore, #tpu.memory_space<semaphore_mem>>
        %dma_start3A_87 = arith.constant 0 : i32
        %dma_start3A_88 = arith.constant 0 : i32
        %dma_start3A_89 = tpu.memref_slice %arg9[%dma_start3A_87, %dma_start3A_88] : memref<96x128xf32, #tpu.memory_space<vmem>> -> memref<96x128xf32, #tpu.memory_space<vmem>>
        %dma_start3A_90 = arith.constant 0 : i32
        %dma_start3A_91 = tpu.memref_slice %arg17[%add3A_58, %dma_start3A_90] : memref<10000x128xf32, #tpu.memory_space<vmem_shared>> -> memref<96x128xf32, #tpu.memory_space<vmem_shared>>
        %dma_start3A_92 = arith.constant 0 : i32
        %dma_start3A_93 = tpu.memref_slice %arg17[%add3A_58, %dma_start3A_92] : memref<10000x128xf32, #tpu.memory_space<vmem_shared>> -> memref<96x128xf32, #tpu.memory_space<vmem_shared>>
        %dma_start3A_94 = arith.constant 0 : i32
        %dma_start3A_95 = arith.constant 0 : i32
        %dma_start3A_96 = tpu.memref_slice %arg9[%dma_start3A_94, %dma_start3A_95] : memref<96x128xf32, #tpu.memory_space<vmem>> -> memref<96x128xf32, #tpu.memory_space<vmem>>
        tpu.enqueue_dma source(%dma_start3A_96 : memref<96x128xf32, #tpu.memory_space<vmem>>) target(%dma_start3A_93 : memref<96x128xf32, #tpu.memory_space<vmem_shared>>) target_semaphore(%run_scoped3A : memref<!tpu.dma_semaphore, #tpu.memory_space<semaphore_mem>>)
        %dma_wait3A_97 = arith.constant 0 : i32
        %dma_wait3A_98 = arith.constant 0 : i32
        %dma_wait3A_99 = tpu.memref_slice %arg9[%dma_wait3A_97, %dma_wait3A_98] : memref<96x128xf32, #tpu.memory_space<vmem>> -> memref<96x128xf32, #tpu.memory_space<vmem>>
        %dma_wait3A_100 = arith.constant 0 : i32
        %dma_wait3A_101 = tpu.memref_slice %arg17[%add3A_58, %dma_wait3A_100] : memref<10000x128xf32, #tpu.memory_space<vmem_shared>> -> memref<96x128xf32, #tpu.memory_space<vmem_shared>>
        %dma_wait3A_102 = arith.constant 0 : i32
        %dma_wait3A_103 = tpu.memref_slice %arg17[%add3A_58, %dma_wait3A_102] : memref<10000x128xf32, #tpu.memory_space<vmem_shared>> -> memref<96x128xf32, #tpu.memory_space<vmem_shared>>
        %dma_wait3A_104 = arith.constant 0 : i32
        %dma_wait3A_105 = arith.constant 0 : i32
        %dma_wait3A_106 = tpu.memref_slice %arg9[%dma_wait3A_104, %dma_wait3A_105] : memref<96x128xf32, #tpu.memory_space<vmem>> -> memref<96x128xf32, #tpu.memory_space<vmem>>
        tpu.wait_dma2 semaphore(%run_scoped3A : memref<!tpu.dma_semaphore, #tpu.memory_space<semaphore_mem>>) src(%dma_wait3A_106 : memref<96x128xf32, #tpu.memory_space<vmem>>) dst(%dma_wait3A_103 : memref<96x128xf32, #tpu.memory_space<vmem_shared>>)
        tpu.yield
      }) : () -> ()
      %mul3A_59 = arith.constant 1000 : i32
      %mul3A_60 = arith.muli %arg1, %mul3A_59 : i32
      %add3A_61 = arith.constant 384 : i32
      %add3A_62 = arith.addi %mul3A_60, %add3A_61 : i32
      "tpu.region"() ({
        %run_scoped3A = tpu.sem_alloc : memref<!tpu.dma_semaphore, #tpu.memory_space<semaphore_mem>>
        %dma_start3A_87 = arith.constant 0 : i32
        %dma_start3A_88 = arith.constant 0 : i32
        %dma_start3A_89 = tpu.memref_slice %arg9[%dma_start3A_87, %dma_start3A_88] : memref<96x128xf32, #tpu.memory_space<vmem>> -> memref<96x128xf32, #tpu.memory_space<vmem>>
        %dma_start3A_90 = arith.constant 0 : i32
        %dma_start3A_91 = tpu.memref_slice %arg17[%add3A_62, %dma_start3A_90] : memref<10000x128xf32, #tpu.memory_space<vmem_shared>> -> memref<96x128xf32, #tpu.memory_space<vmem_shared>>
        %dma_start3A_92 = arith.constant 0 : i32
        %dma_start3A_93 = tpu.memref_slice %arg17[%add3A_62, %dma_start3A_92] : memref<10000x128xf32, #tpu.memory_space<vmem_shared>> -> memref<96x128xf32, #tpu.memory_space<vmem_shared>>
        %dma_start3A_94 = arith.constant 0 : i32
        %dma_start3A_95 = arith.constant 0 : i32
        %dma_start3A_96 = tpu.memref_slice %arg9[%dma_start3A_94, %dma_start3A_95] : memref<96x128xf32, #tpu.memory_space<vmem>> -> memref<96x128xf32, #tpu.memory_space<vmem>>
        tpu.enqueue_dma source(%dma_start3A_96 : memref<96x128xf32, #tpu.memory_space<vmem>>) target(%dma_start3A_93 : memref<96x128xf32, #tpu.memory_space<vmem_shared>>) target_semaphore(%run_scoped3A : memref<!tpu.dma_semaphore, #tpu.memory_space<semaphore_mem>>)
        %dma_wait3A_97 = arith.constant 0 : i32
        %dma_wait3A_98 = arith.constant 0 : i32
        %dma_wait3A_99 = tpu.memref_slice %arg9[%dma_wait3A_97, %dma_wait3A_98] : memref<96x128xf32, #tpu.memory_space<vmem>> -> memref<96x128xf32, #tpu.memory_space<vmem>>
        %dma_wait3A_100 = arith.constant 0 : i32
        %dma_wait3A_101 = tpu.memref_slice %arg17[%add3A_62, %dma_wait3A_100] : memref<10000x128xf32, #tpu.memory_space<vmem_shared>> -> memref<96x128xf32, #tpu.memory_space<vmem_shared>>
        %dma_wait3A_102 = arith.constant 0 : i32
        %dma_wait3A_103 = tpu.memref_slice %arg17[%add3A_62, %dma_wait3A_102] : memref<10000x128xf32, #tpu.memory_space<vmem_shared>> -> memref<96x128xf32, #tpu.memory_space<vmem_shared>>
        %dma_wait3A_104 = arith.constant 0 : i32
        %dma_wait3A_105 = arith.constant 0 : i32
        %dma_wait3A_106 = tpu.memref_slice %arg9[%dma_wait3A_104, %dma_wait3A_105] : memref<96x128xf32, #tpu.memory_space<vmem>> -> memref<96x128xf32, #tpu.memory_space<vmem>>
        tpu.wait_dma2 semaphore(%run_scoped3A : memref<!tpu.dma_semaphore, #tpu.memory_space<semaphore_mem>>) src(%dma_wait3A_106 : memref<96x128xf32, #tpu.memory_space<vmem>>) dst(%dma_wait3A_103 : memref<96x128xf32, #tpu.memory_space<vmem_shared>>)
        tpu.yield
      }) : () -> ()
      %mul3A_63 = arith.constant 1000 : i32
      %mul3A_64 = arith.muli %arg1, %mul3A_63 : i32
      %add3A_65 = arith.constant 480 : i32
      %add3A_66 = arith.addi %mul3A_64, %add3A_65 : i32
      "tpu.region"() ({
        %run_scoped3A = tpu.sem_alloc : memref<!tpu.dma_semaphore, #tpu.memory_space<semaphore_mem>>
        %dma_start3A_87 = arith.constant 0 : i32
        %dma_start3A_88 = arith.constant 0 : i32
        %dma_start3A_89 = tpu.memref_slice %arg9[%dma_start3A_87, %dma_start3A_88] : memref<96x128xf32, #tpu.memory_space<vmem>> -> memref<96x128xf32, #tpu.memory_space<vmem>>
        %dma_start3A_90 = arith.constant 0 : i32
        %dma_start3A_91 = tpu.memref_slice %arg17[%add3A_66, %dma_start3A_90] : memref<10000x128xf32, #tpu.memory_space<vmem_shared>> -> memref<96x128xf32, #tpu.memory_space<vmem_shared>>
        %dma_start3A_92 = arith.constant 0 : i32
        %dma_start3A_93 = tpu.memref_slice %arg17[%add3A_66, %dma_start3A_92] : memref<10000x128xf32, #tpu.memory_space<vmem_shared>> -> memref<96x128xf32, #tpu.memory_space<vmem_shared>>
        %dma_start3A_94 = arith.constant 0 : i32
        %dma_start3A_95 = arith.constant 0 : i32
        %dma_start3A_96 = tpu.memref_slice %arg9[%dma_start3A_94, %dma_start3A_95] : memref<96x128xf32, #tpu.memory_space<vmem>> -> memref<96x128xf32, #tpu.memory_space<vmem>>
        tpu.enqueue_dma source(%dma_start3A_96 : memref<96x128xf32, #tpu.memory_space<vmem>>) target(%dma_start3A_93 : memref<96x128xf32, #tpu.memory_space<vmem_shared>>) target_semaphore(%run_scoped3A : memref<!tpu.dma_semaphore, #tpu.memory_space<semaphore_mem>>)
        %dma_wait3A_97 = arith.constant 0 : i32
        %dma_wait3A_98 = arith.constant 0 : i32
        %dma_wait3A_99 = tpu.memref_slice %arg9[%dma_wait3A_97, %dma_wait3A_98] : memref<96x128xf32, #tpu.memory_space<vmem>> -> memref<96x128xf32, #tpu.memory_space<vmem>>
        %dma_wait3A_100 = arith.constant 0 : i32
        %dma_wait3A_101 = tpu.memref_slice %arg17[%add3A_66, %dma_wait3A_100] : memref<10000x128xf32, #tpu.memory_space<vmem_shared>> -> memref<96x128xf32, #tpu.memory_space<vmem_shared>>
        %dma_wait3A_102 = arith.constant 0 : i32
        %dma_wait3A_103 = tpu.memref_slice %arg17[%add3A_66, %dma_wait3A_102] : memref<10000x128xf32, #tpu.memory_space<vmem_shared>> -> memref<96x128xf32, #tpu.memory_space<vmem_shared>>
        %dma_wait3A_104 = arith.constant 0 : i32
        %dma_wait3A_105 = arith.constant 0 : i32
        %dma_wait3A_106 = tpu.memref_slice %arg9[%dma_wait3A_104, %dma_wait3A_105] : memref<96x128xf32, #tpu.memory_space<vmem>> -> memref<96x128xf32, #tpu.memory_space<vmem>>
        tpu.wait_dma2 semaphore(%run_scoped3A : memref<!tpu.dma_semaphore, #tpu.memory_space<semaphore_mem>>) src(%dma_wait3A_106 : memref<96x128xf32, #tpu.memory_space<vmem>>) dst(%dma_wait3A_103 : memref<96x128xf32, #tpu.memory_space<vmem_shared>>)
        tpu.yield
      }) : () -> ()
      %mul3A_67 = arith.constant 1000 : i32
      %mul3A_68 = arith.muli %arg1, %mul3A_67 : i32
      %add3A_69 = arith.constant 576 : i32
      %add3A_70 = arith.addi %mul3A_68, %add3A_69 : i32
      "tpu.region"() ({
        %run_scoped3A = tpu.sem_alloc : memref<!tpu.dma_semaphore, #tpu.memory_space<semaphore_mem>>
        %dma_start3A_87 = arith.constant 0 : i32
        %dma_start3A_88 = arith.constant 0 : i32
        %dma_start3A_89 = tpu.memref_slice %arg9[%dma_start3A_87, %dma_start3A_88] : memref<96x128xf32, #tpu.memory_space<vmem>> -> memref<96x128xf32, #tpu.memory_space<vmem>>
        %dma_start3A_90 = arith.constant 0 : i32
        %dma_start3A_91 = tpu.memref_slice %arg17[%add3A_70, %dma_start3A_90] : memref<10000x128xf32, #tpu.memory_space<vmem_shared>> -> memref<96x128xf32, #tpu.memory_space<vmem_shared>>
        %dma_start3A_92 = arith.constant 0 : i32
        %dma_start3A_93 = tpu.memref_slice %arg17[%add3A_70, %dma_start3A_92] : memref<10000x128xf32, #tpu.memory_space<vmem_shared>> -> memref<96x128xf32, #tpu.memory_space<vmem_shared>>
        %dma_start3A_94 = arith.constant 0 : i32
        %dma_start3A_95 = arith.constant 0 : i32
        %dma_start3A_96 = tpu.memref_slice %arg9[%dma_start3A_94, %dma_start3A_95] : memref<96x128xf32, #tpu.memory_space<vmem>> -> memref<96x128xf32, #tpu.memory_space<vmem>>
        tpu.enqueue_dma source(%dma_start3A_96 : memref<96x128xf32, #tpu.memory_space<vmem>>) target(%dma_start3A_93 : memref<96x128xf32, #tpu.memory_space<vmem_shared>>) target_semaphore(%run_scoped3A : memref<!tpu.dma_semaphore, #tpu.memory_space<semaphore_mem>>)
        %dma_wait3A_97 = arith.constant 0 : i32
        %dma_wait3A_98 = arith.constant 0 : i32
        %dma_wait3A_99 = tpu.memref_slice %arg9[%dma_wait3A_97, %dma_wait3A_98] : memref<96x128xf32, #tpu.memory_space<vmem>> -> memref<96x128xf32, #tpu.memory_space<vmem>>
        %dma_wait3A_100 = arith.constant 0 : i32
        %dma_wait3A_101 = tpu.memref_slice %arg17[%add3A_70, %dma_wait3A_100] : memref<10000x128xf32, #tpu.memory_space<vmem_shared>> -> memref<96x128xf32, #tpu.memory_space<vmem_shared>>
        %dma_wait3A_102 = arith.constant 0 : i32
        %dma_wait3A_103 = tpu.memref_slice %arg17[%add3A_70, %dma_wait3A_102] : memref<10000x128xf32, #tpu.memory_space<vmem_shared>> -> memref<96x128xf32, #tpu.memory_space<vmem_shared>>
        %dma_wait3A_104 = arith.constant 0 : i32
        %dma_wait3A_105 = arith.constant 0 : i32
        %dma_wait3A_106 = tpu.memref_slice %arg9[%dma_wait3A_104, %dma_wait3A_105] : memref<96x128xf32, #tpu.memory_space<vmem>> -> memref<96x128xf32, #tpu.memory_space<vmem>>
        tpu.wait_dma2 semaphore(%run_scoped3A : memref<!tpu.dma_semaphore, #tpu.memory_space<semaphore_mem>>) src(%dma_wait3A_106 : memref<96x128xf32, #tpu.memory_space<vmem>>) dst(%dma_wait3A_103 : memref<96x128xf32, #tpu.memory_space<vmem_shared>>)
        tpu.yield
      }) : () -> ()
      %mul3A_71 = arith.constant 1000 : i32
      %mul3A_72 = arith.muli %arg1, %mul3A_71 : i32
      %add3A_73 = arith.constant 672 : i32
      %add3A_74 = arith.addi %mul3A_72, %add3A_73 : i32
      "tpu.region"() ({
        %run_scoped3A = tpu.sem_alloc : memref<!tpu.dma_semaphore, #tpu.memory_space<semaphore_mem>>
        %dma_start3A_87 = arith.constant 0 : i32
        %dma_start3A_88 = arith.constant 0 : i32
        %dma_start3A_89 = tpu.memref_slice %arg9[%dma_start3A_87, %dma_start3A_88] : memref<96x128xf32, #tpu.memory_space<vmem>> -> memref<96x128xf32, #tpu.memory_space<vmem>>
        %dma_start3A_90 = arith.constant 0 : i32
        %dma_start3A_91 = tpu.memref_slice %arg17[%add3A_74, %dma_start3A_90] : memref<10000x128xf32, #tpu.memory_space<vmem_shared>> -> memref<96x128xf32, #tpu.memory_space<vmem_shared>>
        %dma_start3A_92 = arith.constant 0 : i32
        %dma_start3A_93 = tpu.memref_slice %arg17[%add3A_74, %dma_start3A_92] : memref<10000x128xf32, #tpu.memory_space<vmem_shared>> -> memref<96x128xf32, #tpu.memory_space<vmem_shared>>
        %dma_start3A_94 = arith.constant 0 : i32
        %dma_start3A_95 = arith.constant 0 : i32
        %dma_start3A_96 = tpu.memref_slice %arg9[%dma_start3A_94, %dma_start3A_95] : memref<96x128xf32, #tpu.memory_space<vmem>> -> memref<96x128xf32, #tpu.memory_space<vmem>>
        tpu.enqueue_dma source(%dma_start3A_96 : memref<96x128xf32, #tpu.memory_space<vmem>>) target(%dma_start3A_93 : memref<96x128xf32, #tpu.memory_space<vmem_shared>>) target_semaphore(%run_scoped3A : memref<!tpu.dma_semaphore, #tpu.memory_space<semaphore_mem>>)
        %dma_wait3A_97 = arith.constant 0 : i32
        %dma_wait3A_98 = arith.constant 0 : i32
        %dma_wait3A_99 = tpu.memref_slice %arg9[%dma_wait3A_97, %dma_wait3A_98] : memref<96x128xf32, #tpu.memory_space<vmem>> -> memref<96x128xf32, #tpu.memory_space<vmem>>
        %dma_wait3A_100 = arith.constant 0 : i32
        %dma_wait3A_101 = tpu.memref_slice %arg17[%add3A_74, %dma_wait3A_100] : memref<10000x128xf32, #tpu.memory_space<vmem_shared>> -> memref<96x128xf32, #tpu.memory_space<vmem_shared>>
        %dma_wait3A_102 = arith.constant 0 : i32
        %dma_wait3A_103 = tpu.memref_slice %arg17[%add3A_74, %dma_wait3A_102] : memref<10000x128xf32, #tpu.memory_space<vmem_shared>> -> memref<96x128xf32, #tpu.memory_space<vmem_shared>>
        %dma_wait3A_104 = arith.constant 0 : i32
        %dma_wait3A_105 = arith.constant 0 : i32
        %dma_wait3A_106 = tpu.memref_slice %arg9[%dma_wait3A_104, %dma_wait3A_105] : memref<96x128xf32, #tpu.memory_space<vmem>> -> memref<96x128xf32, #tpu.memory_space<vmem>>
        tpu.wait_dma2 semaphore(%run_scoped3A : memref<!tpu.dma_semaphore, #tpu.memory_space<semaphore_mem>>) src(%dma_wait3A_106 : memref<96x128xf32, #tpu.memory_space<vmem>>) dst(%dma_wait3A_103 : memref<96x128xf32, #tpu.memory_space<vmem_shared>>)
        tpu.yield
      }) : () -> ()
      %mul3A_75 = arith.constant 1000 : i32
      %mul3A_76 = arith.muli %arg1, %mul3A_75 : i32
      %add3A_77 = arith.constant 768 : i32
      %add3A_78 = arith.addi %mul3A_76, %add3A_77 : i32
      "tpu.region"() ({
        %run_scoped3A = tpu.sem_alloc : memref<!tpu.dma_semaphore, #tpu.memory_space<semaphore_mem>>
        %dma_start3A_87 = arith.constant 0 : i32
        %dma_start3A_88 = arith.constant 0 : i32
        %dma_start3A_89 = tpu.memref_slice %arg9[%dma_start3A_87, %dma_start3A_88] : memref<96x128xf32, #tpu.memory_space<vmem>> -> memref<96x128xf32, #tpu.memory_space<vmem>>
        %dma_start3A_90 = arith.constant 0 : i32
        %dma_start3A_91 = tpu.memref_slice %arg17[%add3A_78, %dma_start3A_90] : memref<10000x128xf32, #tpu.memory_space<vmem_shared>> -> memref<96x128xf32, #tpu.memory_space<vmem_shared>>
        %dma_start3A_92 = arith.constant 0 : i32
        %dma_start3A_93 = tpu.memref_slice %arg17[%add3A_78, %dma_start3A_92] : memref<10000x128xf32, #tpu.memory_space<vmem_shared>> -> memref<96x128xf32, #tpu.memory_space<vmem_shared>>
        %dma_start3A_94 = arith.constant 0 : i32
        %dma_start3A_95 = arith.constant 0 : i32
        %dma_start3A_96 = tpu.memref_slice %arg9[%dma_start3A_94, %dma_start3A_95] : memref<96x128xf32, #tpu.memory_space<vmem>> -> memref<96x128xf32, #tpu.memory_space<vmem>>
        tpu.enqueue_dma source(%dma_start3A_96 : memref<96x128xf32, #tpu.memory_space<vmem>>) target(%dma_start3A_93 : memref<96x128xf32, #tpu.memory_space<vmem_shared>>) target_semaphore(%run_scoped3A : memref<!tpu.dma_semaphore, #tpu.memory_space<semaphore_mem>>)
        %dma_wait3A_97 = arith.constant 0 : i32
        %dma_wait3A_98 = arith.constant 0 : i32
        %dma_wait3A_99 = tpu.memref_slice %arg9[%dma_wait3A_97, %dma_wait3A_98] : memref<96x128xf32, #tpu.memory_space<vmem>> -> memref<96x128xf32, #tpu.memory_space<vmem>>
        %dma_wait3A_100 = arith.constant 0 : i32
        %dma_wait3A_101 = tpu.memref_slice %arg17[%add3A_78, %dma_wait3A_100] : memref<10000x128xf32, #tpu.memory_space<vmem_shared>> -> memref<96x128xf32, #tpu.memory_space<vmem_shared>>
        %dma_wait3A_102 = arith.constant 0 : i32
        %dma_wait3A_103 = tpu.memref_slice %arg17[%add3A_78, %dma_wait3A_102] : memref<10000x128xf32, #tpu.memory_space<vmem_shared>> -> memref<96x128xf32, #tpu.memory_space<vmem_shared>>
        %dma_wait3A_104 = arith.constant 0 : i32
        %dma_wait3A_105 = arith.constant 0 : i32
        %dma_wait3A_106 = tpu.memref_slice %arg9[%dma_wait3A_104, %dma_wait3A_105] : memref<96x128xf32, #tpu.memory_space<vmem>> -> memref<96x128xf32, #tpu.memory_space<vmem>>
        tpu.wait_dma2 semaphore(%run_scoped3A : memref<!tpu.dma_semaphore, #tpu.memory_space<semaphore_mem>>) src(%dma_wait3A_106 : memref<96x128xf32, #tpu.memory_space<vmem>>) dst(%dma_wait3A_103 : memref<96x128xf32, #tpu.memory_space<vmem_shared>>)
        tpu.yield
      }) : () -> ()
      %mul3A_79 = arith.constant 1000 : i32
      %mul3A_80 = arith.muli %arg1, %mul3A_79 : i32
      %add3A_81 = arith.constant 864 : i32
      %add3A_82 = arith.addi %mul3A_80, %add3A_81 : i32
      "tpu.region"() ({
        %run_scoped3A = tpu.sem_alloc : memref<!tpu.dma_semaphore, #tpu.memory_space<semaphore_mem>>
        %dma_start3A_87 = arith.constant 0 : i32
        %dma_start3A_88 = arith.constant 0 : i32
        %dma_start3A_89 = tpu.memref_slice %arg9[%dma_start3A_87, %dma_start3A_88] : memref<96x128xf32, #tpu.memory_space<vmem>> -> memref<96x128xf32, #tpu.memory_space<vmem>>
        %dma_start3A_90 = arith.constant 0 : i32
        %dma_start3A_91 = tpu.memref_slice %arg17[%add3A_82, %dma_start3A_90] : memref<10000x128xf32, #tpu.memory_space<vmem_shared>> -> memref<96x128xf32, #tpu.memory_space<vmem_shared>>
        %dma_start3A_92 = arith.constant 0 : i32
        %dma_start3A_93 = tpu.memref_slice %arg17[%add3A_82, %dma_start3A_92] : memref<10000x128xf32, #tpu.memory_space<vmem_shared>> -> memref<96x128xf32, #tpu.memory_space<vmem_shared>>
        %dma_start3A_94 = arith.constant 0 : i32
        %dma_start3A_95 = arith.constant 0 : i32
        %dma_start3A_96 = tpu.memref_slice %arg9[%dma_start3A_94, %dma_start3A_95] : memref<96x128xf32, #tpu.memory_space<vmem>> -> memref<96x128xf32, #tpu.memory_space<vmem>>
        tpu.enqueue_dma source(%dma_start3A_96 : memref<96x128xf32, #tpu.memory_space<vmem>>) target(%dma_start3A_93 : memref<96x128xf32, #tpu.memory_space<vmem_shared>>) target_semaphore(%run_scoped3A : memref<!tpu.dma_semaphore, #tpu.memory_space<semaphore_mem>>)
        %dma_wait3A_97 = arith.constant 0 : i32
        %dma_wait3A_98 = arith.constant 0 : i32
        %dma_wait3A_99 = tpu.memref_slice %arg9[%dma_wait3A_97, %dma_wait3A_98] : memref<96x128xf32, #tpu.memory_space<vmem>> -> memref<96x128xf32, #tpu.memory_space<vmem>>
        %dma_wait3A_100 = arith.constant 0 : i32
        %dma_wait3A_101 = tpu.memref_slice %arg17[%add3A_82, %dma_wait3A_100] : memref<10000x128xf32, #tpu.memory_space<vmem_shared>> -> memref<96x128xf32, #tpu.memory_space<vmem_shared>>
        %dma_wait3A_102 = arith.constant 0 : i32
        %dma_wait3A_103 = tpu.memref_slice %arg17[%add3A_82, %dma_wait3A_102] : memref<10000x128xf32, #tpu.memory_space<vmem_shared>> -> memref<96x128xf32, #tpu.memory_space<vmem_shared>>
        %dma_wait3A_104 = arith.constant 0 : i32
        %dma_wait3A_105 = arith.constant 0 : i32
        %dma_wait3A_106 = tpu.memref_slice %arg9[%dma_wait3A_104, %dma_wait3A_105] : memref<96x128xf32, #tpu.memory_space<vmem>> -> memref<96x128xf32, #tpu.memory_space<vmem>>
        tpu.wait_dma2 semaphore(%run_scoped3A : memref<!tpu.dma_semaphore, #tpu.memory_space<semaphore_mem>>) src(%dma_wait3A_106 : memref<96x128xf32, #tpu.memory_space<vmem>>) dst(%dma_wait3A_103 : memref<96x128xf32, #tpu.memory_space<vmem_shared>>)
        tpu.yield
      }) : () -> ()
      %mul3A_83 = arith.constant 1000 : i32
      %mul3A_84 = arith.muli %arg1, %mul3A_83 : i32
      %add3A_85 = arith.constant 960 : i32
      %add3A_86 = arith.addi %mul3A_84, %add3A_85 : i32
      "tpu.region"() ({
        %run_scoped3A = tpu.sem_alloc : memref<!tpu.dma_semaphore, #tpu.memory_space<semaphore_mem>>
        %dma_start3A_87 = arith.constant 0 : i32
        %dma_start3A_88 = arith.constant 0 : i32
        %dma_start3A_89 = tpu.memref_slice %arg9[%dma_start3A_87, %dma_start3A_88] : memref<96x128xf32, #tpu.memory_space<vmem>> -> memref<40x128xf32, #tpu.memory_space<vmem>>
        %dma_start3A_90 = arith.constant 0 : i32
        %dma_start3A_91 = tpu.memref_slice %arg17[%add3A_86, %dma_start3A_90] : memref<10000x128xf32, #tpu.memory_space<vmem_shared>> -> memref<40x128xf32, #tpu.memory_space<vmem_shared>>
        %dma_start3A_92 = arith.constant 0 : i32
        %dma_start3A_93 = tpu.memref_slice %arg17[%add3A_86, %dma_start3A_92] : memref<10000x128xf32, #tpu.memory_space<vmem_shared>> -> memref<40x128xf32, #tpu.memory_space<vmem_shared>>
        %dma_start3A_94 = arith.constant 0 : i32
        %dma_start3A_95 = arith.constant 0 : i32
        %dma_start3A_96 = tpu.memref_slice %arg9[%dma_start3A_94, %dma_start3A_95] : memref<96x128xf32, #tpu.memory_space<vmem>> -> memref<40x128xf32, #tpu.memory_space<vmem>>
        tpu.enqueue_dma source(%dma_start3A_96 : memref<40x128xf32, #tpu.memory_space<vmem>>) target(%dma_start3A_93 : memref<40x128xf32, #tpu.memory_space<vmem_shared>>) target_semaphore(%run_scoped3A : memref<!tpu.dma_semaphore, #tpu.memory_space<semaphore_mem>>)
        %dma_wait3A_97 = arith.constant 0 : i32
        %dma_wait3A_98 = arith.constant 0 : i32
        %dma_wait3A_99 = tpu.memref_slice %arg9[%dma_wait3A_97, %dma_wait3A_98] : memref<96x128xf32, #tpu.memory_space<vmem>> -> memref<40x128xf32, #tpu.memory_space<vmem>>
        %dma_wait3A_100 = arith.constant 0 : i32
        %dma_wait3A_101 = tpu.memref_slice %arg17[%add3A_86, %dma_wait3A_100] : memref<10000x128xf32, #tpu.memory_space<vmem_shared>> -> memref<40x128xf32, #tpu.memory_space<vmem_shared>>
        %dma_wait3A_102 = arith.constant 0 : i32
        %dma_wait3A_103 = tpu.memref_slice %arg17[%add3A_86, %dma_wait3A_102] : memref<10000x128xf32, #tpu.memory_space<vmem_shared>> -> memref<40x128xf32, #tpu.memory_space<vmem_shared>>
        %dma_wait3A_104 = arith.constant 0 : i32
        %dma_wait3A_105 = arith.constant 0 : i32
        %dma_wait3A_106 = tpu.memref_slice %arg9[%dma_wait3A_104, %dma_wait3A_105] : memref<96x128xf32, #tpu.memory_space<vmem>> -> memref<40x128xf32, #tpu.memory_space<vmem>>
        tpu.wait_dma2 semaphore(%run_scoped3A : memref<!tpu.dma_semaphore, #tpu.memory_space<semaphore_mem>>) src(%dma_wait3A_106 : memref<40x128xf32, #tpu.memory_space<vmem>>) dst(%dma_wait3A_103 : memref<40x128xf32, #tpu.memory_space<vmem_shared>>)
        tpu.yield
      }) : () -> ()
    } else {
    }
    %barrier3A = arith.constant 0 : index
    tpu.barrier barrier_id(%barrier3A)
    "tpu.region"() ({
      %run_scoped3A = tpu.sem_alloc : memref<!tpu.dma_semaphore, #tpu.memory_space<semaphore_mem>>
      %dma_start3A_37 = tpu.memref_slice %arg4[%mul3A_2] : memref<160000xi32, #tpu.memory_space<hbm>> -> memref<96xi32, #tpu.memory_space<hbm>>
      %dma_start3A_38 = tpu.memref_slice %arg4[%mul3A_2] : memref<160000xi32, #tpu.memory_space<hbm>> -> memref<96xi32, #tpu.memory_space<hbm>>
      tpu.enqueue_dma source(%dma_start3A_38 : memref<96xi32, #tpu.memory_space<hbm>>) target(%arg7 : memref<96xi32, #tpu.memory_space<vmem>>) target_semaphore(%run_scoped3A : memref<!tpu.dma_semaphore, #tpu.memory_space<semaphore_mem>>)
      %dma_wait3A_39 = tpu.memref_slice %arg4[%mul3A_2] : memref<160000xi32, #tpu.memory_space<hbm>> -> memref<96xi32, #tpu.memory_space<hbm>>
      %dma_wait3A_40 = tpu.memref_slice %arg4[%mul3A_2] : memref<160000xi32, #tpu.memory_space<hbm>> -> memref<96xi32, #tpu.memory_space<hbm>>
      tpu.wait_dma2 semaphore(%run_scoped3A : memref<!tpu.dma_semaphore, #tpu.memory_space<semaphore_mem>>) src(%dma_wait3A_40 : memref<96xi32, #tpu.memory_space<hbm>>) dst(%arg7 : memref<96xi32, #tpu.memory_space<vmem>>)
      tpu.yield
    }) : () -> ()
    "tpu.region"() ({
      %run_scoped3A = tpu.sem_alloc : memref<!tpu.dma_semaphore, #tpu.memory_space<semaphore_mem>>
      %dma_start3A_37 = tpu.memref_slice %arg5[%mul3A_2] : memref<160000xi32, #tpu.memory_space<hbm>> -> memref<96xi32, #tpu.memory_space<hbm>>
      %dma_start3A_38 = tpu.memref_slice %arg5[%mul3A_2] : memref<160000xi32, #tpu.memory_space<hbm>> -> memref<96xi32, #tpu.memory_space<hbm>>
      tpu.enqueue_dma source(%dma_start3A_38 : memref<96xi32, #tpu.memory_space<hbm>>) target(%arg8 : memref<96xi32, #tpu.memory_space<vmem>>) target_semaphore(%run_scoped3A : memref<!tpu.dma_semaphore, #tpu.memory_space<semaphore_mem>>)
      %dma_wait3A_39 = tpu.memref_slice %arg5[%mul3A_2] : memref<160000xi32, #tpu.memory_space<hbm>> -> memref<96xi32, #tpu.memory_space<hbm>>
      %dma_wait3A_40 = tpu.memref_slice %arg5[%mul3A_2] : memref<160000xi32, #tpu.memory_space<hbm>> -> memref<96xi32, #tpu.memory_space<hbm>>
      tpu.wait_dma2 semaphore(%run_scoped3A : memref<!tpu.dma_semaphore, #tpu.memory_space<semaphore_mem>>) src(%dma_wait3A_40 : memref<96xi32, #tpu.memory_space<hbm>>) dst(%arg8 : memref<96xi32, #tpu.memory_space<vmem>>)
      tpu.yield
    }) : () -> ()
    %dma_start3A = arith.constant 0 : i32
    %dma_start3A_5 = arith.constant 0 : i32
    %dma_start3A_6 = tpu.memref_slice %arg2[%dma_start3A, %dma_start3A_5] : memref<10000x128xf32, #tpu.memory_space<hbm>> -> memref<10000x128xf32, #tpu.memory_space<hbm>>
    tpu.enqueue_indirect_dma source(%dma_start3A_6 : memref<10000x128xf32, #tpu.memory_space<hbm>>) target(%arg9 : memref<96x128xf32, #tpu.memory_space<vmem>>) offsets(%arg7 : memref<96xi32, #tpu.memory_space<vmem>>) semaphore(%arg18 : memref<!tpu.dma_semaphore, #tpu.memory_space<semaphore_mem>>)
    %dma_start3A_7 = arith.constant 0 : i32
    %dma_start3A_8 = tpu.memref_slice %arg3[%mul3A_2, %dma_start3A_7] : memref<160000x128xf32, #tpu.memory_space<hbm>> -> memref<96x128xf32, #tpu.memory_space<hbm>>
    %dma_start3A_9 = arith.constant 0 : i32
    %dma_start3A_10 = tpu.memref_slice %arg3[%mul3A_2, %dma_start3A_9] : memref<160000x128xf32, #tpu.memory_space<hbm>> -> memref<96x128xf32, #tpu.memory_space<hbm>>
    tpu.enqueue_dma source(%dma_start3A_10 : memref<96x128xf32, #tpu.memory_space<hbm>>) target(%arg10 : memref<96x128xf32, #tpu.memory_space<vmem>>) target_semaphore(%arg19 : memref<!tpu.dma_semaphore, #tpu.memory_space<semaphore_mem>>)
    %scan3A = arith.constant 0 : i32
    %scan3A_11 = arith.constant 0 : i32
    %scan3A_12 = arith.constant 26 : i32
    %scan3A_13 = arith.addi %scan3A_11, %scan3A_12 : i32
    %scan3A_14 = arith.constant 1 : i32
    scf.for %scan3A_37 = %scan3A_11 to %scan3A_13 step %scan3A_14  : i32 {
      %mul3A_38 = arith.constant 2 : i32
      %mul3A_39 = arith.muli %mul3A_38, %scan3A_37 : i32
      %mul3A_40 = arith.constant 96 : i32
      %mul3A_41 = arith.muli %mul3A_39, %mul3A_40 : i32
      %add3A_42 = arith.addi %mul3A_2, %mul3A_41 : i32
      %dma_wait3A_43 = arith.constant 0 : i32
      %dma_wait3A_44 = arith.constant 0 : i32
      %dma_wait3A_45 = tpu.memref_slice %arg2[%dma_wait3A_43, %dma_wait3A_44] : memref<10000x128xf32, #tpu.memory_space<hbm>> -> memref<10000x128xf32, #tpu.memory_space<hbm>>
      tpu.wait_indirect_dma semaphore(%arg18 : memref<!tpu.dma_semaphore, #tpu.memory_space<semaphore_mem>>) src(%dma_wait3A_45 : memref<10000x128xf32, #tpu.memory_space<hbm>>) dst(%arg9 : memref<96x128xf32, #tpu.memory_space<vmem>>)
      %dma_wait3A_46 = arith.constant 0 : i32
      %dma_wait3A_47 = arith.constant 0 : i32
      %dma_wait3A_48 = tpu.memref_slice %arg3[%dma_wait3A_46, %dma_wait3A_47] : memref<160000x128xf32, #tpu.memory_space<hbm>> -> memref<96x128xf32, #tpu.memory_space<hbm>>
      %dma_wait3A_49 = arith.constant 0 : i32
      %dma_wait3A_50 = arith.constant 0 : i32
      %dma_wait3A_51 = tpu.memref_slice %arg3[%dma_wait3A_49, %dma_wait3A_50] : memref<160000x128xf32, #tpu.memory_space<hbm>> -> memref<96x128xf32, #tpu.memory_space<hbm>>
      tpu.wait_dma2 semaphore(%arg19 : memref<!tpu.dma_semaphore, #tpu.memory_space<semaphore_mem>>) src(%dma_wait3A_51 : memref<96x128xf32, #tpu.memory_space<hbm>>) dst(%arg10 : memref<96x128xf32, #tpu.memory_space<vmem>>)
      %add3A_52 = arith.constant 96 : i32
      %add3A_53 = arith.addi %add3A_42, %add3A_52 : i32
      "tpu.region"() ({
        %run_scoped3A = tpu.sem_alloc : memref<!tpu.dma_semaphore, #tpu.memory_space<semaphore_mem>>
        %dma_start3A_97 = tpu.memref_slice %arg4[%add3A_53] : memref<160000xi32, #tpu.memory_space<hbm>> -> memref<96xi32, #tpu.memory_space<hbm>>
        %dma_start3A_98 = tpu.memref_slice %arg4[%add3A_53] : memref<160000xi32, #tpu.memory_space<hbm>> -> memref<96xi32, #tpu.memory_space<hbm>>
        tpu.enqueue_dma source(%dma_start3A_98 : memref<96xi32, #tpu.memory_space<hbm>>) target(%arg11 : memref<96xi32, #tpu.memory_space<vmem>>) target_semaphore(%run_scoped3A : memref<!tpu.dma_semaphore, #tpu.memory_space<semaphore_mem>>)
        %dma_wait3A_99 = tpu.memref_slice %arg4[%add3A_53] : memref<160000xi32, #tpu.memory_space<hbm>> -> memref<96xi32, #tpu.memory_space<hbm>>
        %dma_wait3A_100 = tpu.memref_slice %arg4[%add3A_53] : memref<160000xi32, #tpu.memory_space<hbm>> -> memref<96xi32, #tpu.memory_space<hbm>>
        tpu.wait_dma2 semaphore(%run_scoped3A : memref<!tpu.dma_semaphore, #tpu.memory_space<semaphore_mem>>) src(%dma_wait3A_100 : memref<96xi32, #tpu.memory_space<hbm>>) dst(%arg11 : memref<96xi32, #tpu.memory_space<vmem>>)
        tpu.yield
      }) : () -> ()
      "tpu.region"() ({
        %run_scoped3A = tpu.sem_alloc : memref<!tpu.dma_semaphore, #tpu.memory_space<semaphore_mem>>
        %dma_start3A_97 = tpu.memref_slice %arg5[%add3A_53] : memref<160000xi32, #tpu.memory_space<hbm>> -> memref<96xi32, #tpu.memory_space<hbm>>
        %dma_start3A_98 = tpu.memref_slice %arg5[%add3A_53] : memref<160000xi32, #tpu.memory_space<hbm>> -> memref<96xi32, #tpu.memory_space<hbm>>
        tpu.enqueue_dma source(%dma_start3A_98 : memref<96xi32, #tpu.memory_space<hbm>>) target(%arg12 : memref<96xi32, #tpu.memory_space<vmem>>) target_semaphore(%run_scoped3A : memref<!tpu.dma_semaphore, #tpu.memory_space<semaphore_mem>>)
        %dma_wait3A_99 = tpu.memref_slice %arg5[%add3A_53] : memref<160000xi32, #tpu.memory_space<hbm>> -> memref<96xi32, #tpu.memory_space<hbm>>
        %dma_wait3A_100 = tpu.memref_slice %arg5[%add3A_53] : memref<160000xi32, #tpu.memory_space<hbm>> -> memref<96xi32, #tpu.memory_space<hbm>>
        tpu.wait_dma2 semaphore(%run_scoped3A : memref<!tpu.dma_semaphore, #tpu.memory_space<semaphore_mem>>) src(%dma_wait3A_100 : memref<96xi32, #tpu.memory_space<hbm>>) dst(%arg12 : memref<96xi32, #tpu.memory_space<vmem>>)
        tpu.yield
      }) : () -> ()
      %dma_start3A_54 = arith.constant 0 : i32
      %dma_start3A_55 = arith.constant 0 : i32
      %dma_start3A_56 = tpu.memref_slice %arg2[%dma_start3A_54, %dma_start3A_55] : memref<10000x128xf32, #tpu.memory_space<hbm>> -> memref<10000x128xf32, #tpu.memory_space<hbm>>
      tpu.enqueue_indirect_dma source(%dma_start3A_56 : memref<10000x128xf32, #tpu.memory_space<hbm>>) target(%arg13 : memref<96x128xf32, #tpu.memory_space<vmem>>) offsets(%arg11 : memref<96xi32, #tpu.memory_space<vmem>>) semaphore(%arg21 : memref<!tpu.dma_semaphore, #tpu.memory_space<semaphore_mem>>)
      %dma_start3A_57 = arith.constant 0 : i32
      %dma_start3A_58 = tpu.memref_slice %arg3[%add3A_53, %dma_start3A_57] : memref<160000x128xf32, #tpu.memory_space<hbm>> -> memref<96x128xf32, #tpu.memory_space<hbm>>
      %dma_start3A_59 = arith.constant 0 : i32
      %dma_start3A_60 = tpu.memref_slice %arg3[%add3A_53, %dma_start3A_59] : memref<160000x128xf32, #tpu.memory_space<hbm>> -> memref<96x128xf32, #tpu.memory_space<hbm>>
      tpu.enqueue_dma source(%dma_start3A_60 : memref<96x128xf32, #tpu.memory_space<hbm>>) target(%arg14 : memref<96x128xf32, #tpu.memory_space<vmem>>) target_semaphore(%arg22 : memref<!tpu.dma_semaphore, #tpu.memory_space<semaphore_mem>>)
      %parallel_loop3A_61 = arith.constant 0 : i32
      %parallel_loop3A_62 = arith.constant 96 : i32
      %parallel_loop3A_63 = arith.constant 1 : i32
      scf.for %parallel_loop3A_97 = %parallel_loop3A_61 to %parallel_loop3A_62 step %parallel_loop3A_63  : i32 {
        %parallel_loop3A_98 = arith.index_cast %parallel_loop3A_97 : i32 to index
        %parallel_loop3A_99 = arith.constant 0 : index
        %parallel_loop3A_100 = tpu.vector_load %arg9[%parallel_loop3A_98, %parallel_loop3A_99] {strides = array<i32>} : memref<96x128xf32, #tpu.memory_space<vmem>>, vector<1x16xf32>,
        %parallel_loop3A_101 = vector.shape_cast %parallel_loop3A_100 : vector<1x16xf32> to vector<16xf32>
        %parallel_loop3A_102 = arith.index_cast %parallel_loop3A_97 : i32 to index
        %parallel_loop3A_103 = arith.constant 0 : index
        %parallel_loop3A_104 = tpu.vector_load %arg10[%parallel_loop3A_102, %parallel_loop3A_103] {strides = array<i32>} : memref<96x128xf32, #tpu.memory_space<vmem>>, vector<1x16xf32>,
        %parallel_loop3A_105 = vector.shape_cast %parallel_loop3A_104 : vector<1x16xf32> to vector<16xf32>
        %parallel_loop3A_106 = arith.mulf %parallel_loop3A_101, %parallel_loop3A_105 : vector<16xf32>
        %parallel_loop3A_107 = arith.index_cast %parallel_loop3A_97 : i32 to index
        %parallel_loop3A_108 = arith.constant 0 : index
        %parallel_loop3A_109 = tpu.vector_load %arg9[%parallel_loop3A_107, %parallel_loop3A_108] {strides = array<i32>} : memref<96x128xf32, #tpu.memory_space<vmem>>, vector<1x16xf32>,
        %parallel_loop3A_110 = vector.shape_cast %parallel_loop3A_109 : vector<1x16xf32> to vector<16xf32>
        %parallel_loop3A_111 = vector.shape_cast %parallel_loop3A_106 : vector<16xf32> to vector<1x16xf32>
        tpu.vector_store %arg9[%parallel_loop3A_107, %parallel_loop3A_108], %parallel_loop3A_111 {strides = array<i32>} : memref<96x128xf32, #tpu.memory_space<vmem>>, vector<1x16xf32>,
        %parallel_loop3A_112 = arith.index_cast %parallel_loop3A_97 : i32 to index
        %parallel_loop3A_113 = arith.constant 16 : index
        %parallel_loop3A_114 = tpu.vector_load %arg9[%parallel_loop3A_112, %parallel_loop3A_113] {strides = array<i32>} : memref<96x128xf32, #tpu.memory_space<vmem>>, vector<1x16xf32>,
        %parallel_loop3A_115 = vector.shape_cast %parallel_loop3A_114 : vector<1x16xf32> to vector<16xf32>
        %parallel_loop3A_116 = arith.index_cast %parallel_loop3A_97 : i32 to index
        %parallel_loop3A_117 = arith.constant 16 : index
        %parallel_loop3A_118 = tpu.vector_load %arg10[%parallel_loop3A_116, %parallel_loop3A_117] {strides = array<i32>} : memref<96x128xf32, #tpu.memory_space<vmem>>, vector<1x16xf32>,
        %parallel_loop3A_119 = vector.shape_cast %parallel_loop3A_118 : vector<1x16xf32> to vector<16xf32>
        %parallel_loop3A_120 = arith.mulf %parallel_loop3A_115, %parallel_loop3A_119 : vector<16xf32>
        %parallel_loop3A_121 = arith.index_cast %parallel_loop3A_97 : i32 to index
        %parallel_loop3A_122 = arith.constant 16 : index
        %parallel_loop3A_123 = tpu.vector_load %arg9[%parallel_loop3A_121, %parallel_loop3A_122] {strides = array<i32>} : memref<96x128xf32, #tpu.memory_space<vmem>>, vector<1x16xf32>,
        %parallel_loop3A_124 = vector.shape_cast %parallel_loop3A_123 : vector<1x16xf32> to vector<16xf32>
        %parallel_loop3A_125 = vector.shape_cast %parallel_loop3A_120 : vector<16xf32> to vector<1x16xf32>
        tpu.vector_store %arg9[%parallel_loop3A_121, %parallel_loop3A_122], %parallel_loop3A_125 {strides = array<i32>} : memref<96x128xf32, #tpu.memory_space<vmem>>, vector<1x16xf32>,
        %parallel_loop3A_126 = arith.index_cast %parallel_loop3A_97 : i32 to index
        %parallel_loop3A_127 = arith.constant 32 : index
        %parallel_loop3A_128 = tpu.vector_load %arg9[%parallel_loop3A_126, %parallel_loop3A_127] {strides = array<i32>} : memref<96x128xf32, #tpu.memory_space<vmem>>, vector<1x16xf32>,
        %parallel_loop3A_129 = vector.shape_cast %parallel_loop3A_128 : vector<1x16xf32> to vector<16xf32>
        %parallel_loop3A_130 = arith.index_cast %parallel_loop3A_97 : i32 to index
        %parallel_loop3A_131 = arith.constant 32 : index
        %parallel_loop3A_132 = tpu.vector_load %arg10[%parallel_loop3A_130, %parallel_loop3A_131] {strides = array<i32>} : memref<96x128xf32, #tpu.memory_space<vmem>>, vector<1x16xf32>,
        %parallel_loop3A_133 = vector.shape_cast %parallel_loop3A_132 : vector<1x16xf32> to vector<16xf32>
        %parallel_loop3A_134 = arith.mulf %parallel_loop3A_129, %parallel_loop3A_133 : vector<16xf32>
        %parallel_loop3A_135 = arith.index_cast %parallel_loop3A_97 : i32 to index
        %parallel_loop3A_136 = arith.constant 32 : index
        %parallel_loop3A_137 = tpu.vector_load %arg9[%parallel_loop3A_135, %parallel_loop3A_136] {strides = array<i32>} : memref<96x128xf32, #tpu.memory_space<vmem>>, vector<1x16xf32>,
        %parallel_loop3A_138 = vector.shape_cast %parallel_loop3A_137 : vector<1x16xf32> to vector<16xf32>
        %parallel_loop3A_139 = vector.shape_cast %parallel_loop3A_134 : vector<16xf32> to vector<1x16xf32>
        tpu.vector_store %arg9[%parallel_loop3A_135, %parallel_loop3A_136], %parallel_loop3A_139 {strides = array<i32>} : memref<96x128xf32, #tpu.memory_space<vmem>>, vector<1x16xf32>,
        %parallel_loop3A_140 = arith.index_cast %parallel_loop3A_97 : i32 to index
        %parallel_loop3A_141 = arith.constant 48 : index
        %parallel_loop3A_142 = tpu.vector_load %arg9[%parallel_loop3A_140, %parallel_loop3A_141] {strides = array<i32>} : memref<96x128xf32, #tpu.memory_space<vmem>>, vector<1x16xf32>,
        %parallel_loop3A_143 = vector.shape_cast %parallel_loop3A_142 : vector<1x16xf32> to vector<16xf32>
        %parallel_loop3A_144 = arith.index_cast %parallel_loop3A_97 : i32 to index
        %parallel_loop3A_145 = arith.constant 48 : index
        %parallel_loop3A_146 = tpu.vector_load %arg10[%parallel_loop3A_144, %parallel_loop3A_145] {strides = array<i32>} : memref<96x128xf32, #tpu.memory_space<vmem>>, vector<1x16xf32>,
        %parallel_loop3A_147 = vector.shape_cast %parallel_loop3A_146 : vector<1x16xf32> to vector<16xf32>
        %parallel_loop3A_148 = arith.mulf %parallel_loop3A_143, %parallel_loop3A_147 : vector<16xf32>
        %parallel_loop3A_149 = arith.index_cast %parallel_loop3A_97 : i32 to index
        %parallel_loop3A_150 = arith.constant 48 : index
        %parallel_loop3A_151 = tpu.vector_load %arg9[%parallel_loop3A_149, %parallel_loop3A_150] {strides = array<i32>} : memref<96x128xf32, #tpu.memory_space<vmem>>, vector<1x16xf32>,
        %parallel_loop3A_152 = vector.shape_cast %parallel_loop3A_151 : vector<1x16xf32> to vector<16xf32>
        %parallel_loop3A_153 = vector.shape_cast %parallel_loop3A_148 : vector<16xf32> to vector<1x16xf32>
        tpu.vector_store %arg9[%parallel_loop3A_149, %parallel_loop3A_150], %parallel_loop3A_153 {strides = array<i32>} : memref<96x128xf32, #tpu.memory_space<vmem>>, vector<1x16xf32>,
        %parallel_loop3A_154 = arith.index_cast %parallel_loop3A_97 : i32 to index
        %parallel_loop3A_155 = arith.constant 64 : index
        %parallel_loop3A_156 = tpu.vector_load %arg9[%parallel_loop3A_154, %parallel_loop3A_155] {strides = array<i32>} : memref<96x128xf32, #tpu.memory_space<vmem>>, vector<1x16xf32>,
        %parallel_loop3A_157 = vector.shape_cast %parallel_loop3A_156 : vector<1x16xf32> to vector<16xf32>
        %parallel_loop3A_158 = arith.index_cast %parallel_loop3A_97 : i32 to index
        %parallel_loop3A_159 = arith.constant 64 : index
        %parallel_loop3A_160 = tpu.vector_load %arg10[%parallel_loop3A_158, %parallel_loop3A_159] {strides = array<i32>} : memref<96x128xf32, #tpu.memory_space<vmem>>, vector<1x16xf32>,
        %parallel_loop3A_161 = vector.shape_cast %parallel_loop3A_160 : vector<1x16xf32> to vector<16xf32>
        %parallel_loop3A_162 = arith.mulf %parallel_loop3A_157, %parallel_loop3A_161 : vector<16xf32>
        %parallel_loop3A_163 = arith.index_cast %parallel_loop3A_97 : i32 to index
        %parallel_loop3A_164 = arith.constant 64 : index
        %parallel_loop3A_165 = tpu.vector_load %arg9[%parallel_loop3A_163, %parallel_loop3A_164] {strides = array<i32>} : memref<96x128xf32, #tpu.memory_space<vmem>>, vector<1x16xf32>,
        %parallel_loop3A_166 = vector.shape_cast %parallel_loop3A_165 : vector<1x16xf32> to vector<16xf32>
        %parallel_loop3A_167 = vector.shape_cast %parallel_loop3A_162 : vector<16xf32> to vector<1x16xf32>
        tpu.vector_store %arg9[%parallel_loop3A_163, %parallel_loop3A_164], %parallel_loop3A_167 {strides = array<i32>} : memref<96x128xf32, #tpu.memory_space<vmem>>, vector<1x16xf32>,
        %parallel_loop3A_168 = arith.index_cast %parallel_loop3A_97 : i32 to index
        %parallel_loop3A_169 = arith.constant 80 : index
        %parallel_loop3A_170 = tpu.vector_load %arg9[%parallel_loop3A_168, %parallel_loop3A_169] {strides = array<i32>} : memref<96x128xf32, #tpu.memory_space<vmem>>, vector<1x16xf32>,
        %parallel_loop3A_171 = vector.shape_cast %parallel_loop3A_170 : vector<1x16xf32> to vector<16xf32>
        %parallel_loop3A_172 = arith.index_cast %parallel_loop3A_97 : i32 to index
        %parallel_loop3A_173 = arith.constant 80 : index
        %parallel_loop3A_174 = tpu.vector_load %arg10[%parallel_loop3A_172, %parallel_loop3A_173] {strides = array<i32>} : memref<96x128xf32, #tpu.memory_space<vmem>>, vector<1x16xf32>,
        %parallel_loop3A_175 = vector.shape_cast %parallel_loop3A_174 : vector<1x16xf32> to vector<16xf32>
        %parallel_loop3A_176 = arith.mulf %parallel_loop3A_171, %parallel_loop3A_175 : vector<16xf32>
        %parallel_loop3A_177 = arith.index_cast %parallel_loop3A_97 : i32 to index
        %parallel_loop3A_178 = arith.constant 80 : index
        %parallel_loop3A_179 = tpu.vector_load %arg9[%parallel_loop3A_177, %parallel_loop3A_178] {strides = array<i32>} : memref<96x128xf32, #tpu.memory_space<vmem>>, vector<1x16xf32>,
        %parallel_loop3A_180 = vector.shape_cast %parallel_loop3A_179 : vector<1x16xf32> to vector<16xf32>
        %parallel_loop3A_181 = vector.shape_cast %parallel_loop3A_176 : vector<16xf32> to vector<1x16xf32>
        tpu.vector_store %arg9[%parallel_loop3A_177, %parallel_loop3A_178], %parallel_loop3A_181 {strides = array<i32>} : memref<96x128xf32, #tpu.memory_space<vmem>>, vector<1x16xf32>,
        %parallel_loop3A_182 = arith.index_cast %parallel_loop3A_97 : i32 to index
        %parallel_loop3A_183 = arith.constant 96 : index
        %parallel_loop3A_184 = tpu.vector_load %arg9[%parallel_loop3A_182, %parallel_loop3A_183] {strides = array<i32>} : memref<96x128xf32, #tpu.memory_space<vmem>>, vector<1x16xf32>,
        %parallel_loop3A_185 = vector.shape_cast %parallel_loop3A_184 : vector<1x16xf32> to vector<16xf32>
        %parallel_loop3A_186 = arith.index_cast %parallel_loop3A_97 : i32 to index
        %parallel_loop3A_187 = arith.constant 96 : index
        %parallel_loop3A_188 = tpu.vector_load %arg10[%parallel_loop3A_186, %parallel_loop3A_187] {strides = array<i32>} : memref<96x128xf32, #tpu.memory_space<vmem>>, vector<1x16xf32>,
        %parallel_loop3A_189 = vector.shape_cast %parallel_loop3A_188 : vector<1x16xf32> to vector<16xf32>
        %parallel_loop3A_190 = arith.mulf %parallel_loop3A_185, %parallel_loop3A_189 : vector<16xf32>
        %parallel_loop3A_191 = arith.index_cast %parallel_loop3A_97 : i32 to index
        %parallel_loop3A_192 = arith.constant 96 : index
        %parallel_loop3A_193 = tpu.vector_load %arg9[%parallel_loop3A_191, %parallel_loop3A_192] {strides = array<i32>} : memref<96x128xf32, #tpu.memory_space<vmem>>, vector<1x16xf32>,
        %parallel_loop3A_194 = vector.shape_cast %parallel_loop3A_193 : vector<1x16xf32> to vector<16xf32>
        %parallel_loop3A_195 = vector.shape_cast %parallel_loop3A_190 : vector<16xf32> to vector<1x16xf32>
        tpu.vector_store %arg9[%parallel_loop3A_191, %parallel_loop3A_192], %parallel_loop3A_195 {strides = array<i32>} : memref<96x128xf32, #tpu.memory_space<vmem>>, vector<1x16xf32>,
        %parallel_loop3A_196 = arith.index_cast %parallel_loop3A_97 : i32 to index
        %parallel_loop3A_197 = arith.constant 112 : index
        %parallel_loop3A_198 = tpu.vector_load %arg9[%parallel_loop3A_196, %parallel_loop3A_197] {strides = array<i32>} : memref<96x128xf32, #tpu.memory_space<vmem>>, vector<1x16xf32>,
        %parallel_loop3A_199 = vector.shape_cast %parallel_loop3A_198 : vector<1x16xf32> to vector<16xf32>
        %parallel_loop3A_200 = arith.index_cast %parallel_loop3A_97 : i32 to index
        %parallel_loop3A_201 = arith.constant 112 : index
        %parallel_loop3A_202 = tpu.vector_load %arg10[%parallel_loop3A_200, %parallel_loop3A_201] {strides = array<i32>} : memref<96x128xf32, #tpu.memory_space<vmem>>, vector<1x16xf32>,
        %parallel_loop3A_203 = vector.shape_cast %parallel_loop3A_202 : vector<1x16xf32> to vector<16xf32>
        %parallel_loop3A_204 = arith.mulf %parallel_loop3A_199, %parallel_loop3A_203 : vector<16xf32>
        %parallel_loop3A_205 = arith.index_cast %parallel_loop3A_97 : i32 to index
        %parallel_loop3A_206 = arith.constant 112 : index
        %parallel_loop3A_207 = tpu.vector_load %arg9[%parallel_loop3A_205, %parallel_loop3A_206] {strides = array<i32>} : memref<96x128xf32, #tpu.memory_space<vmem>>, vector<1x16xf32>,
        %parallel_loop3A_208 = vector.shape_cast %parallel_loop3A_207 : vector<1x16xf32> to vector<16xf32>
        %parallel_loop3A_209 = vector.shape_cast %parallel_loop3A_204 : vector<16xf32> to vector<1x16xf32>
        tpu.vector_store %arg9[%parallel_loop3A_205, %parallel_loop3A_206], %parallel_loop3A_209 {strides = array<i32>} : memref<96x128xf32, #tpu.memory_space<vmem>>, vector<1x16xf32>,
      } {sc.loop_unroll_factor = 2 : i64, sc.parallel_access}
      %dma_start3A_64 = arith.constant 0 : i32
      %dma_start3A_65 = arith.constant 0 : i32
      %dma_start3A_66 = tpu.memref_slice %arg17[%dma_start3A_64, %dma_start3A_65] : memref<10000x128xf32, #tpu.memory_space<vmem_shared>> -> memref<10000x128xf32, #tpu.memory_space<vmem_shared>>
      tpu.enqueue_indirect_dma source(%arg9 : memref<96x128xf32, #tpu.memory_space<vmem>>) target(%dma_start3A_66 : memref<10000x128xf32, #tpu.memory_space<vmem_shared>>) offsets(%arg8 : memref<96xi32, #tpu.memory_space<vmem>>) semaphore(%arg20 : memref<!tpu.dma_semaphore, #tpu.memory_space<semaphore_mem>>) {add = true}
      %dma_wait3A_67 = arith.constant 0 : i32
      %dma_wait3A_68 = arith.constant 0 : i32
      %dma_wait3A_69 = tpu.memref_slice %arg2[%dma_wait3A_67, %dma_wait3A_68] : memref<10000x128xf32, #tpu.memory_space<hbm>> -> memref<10000x128xf32, #tpu.memory_space<hbm>>
      tpu.wait_indirect_dma semaphore(%arg21 : memref<!tpu.dma_semaphore, #tpu.memory_space<semaphore_mem>>) src(%dma_wait3A_69 : memref<10000x128xf32, #tpu.memory_space<hbm>>) dst(%arg13 : memref<96x128xf32, #tpu.memory_space<vmem>>)
      %dma_wait3A_70 = arith.constant 0 : i32
      %dma_wait3A_71 = arith.constant 0 : i32
      %dma_wait3A_72 = tpu.memref_slice %arg3[%dma_wait3A_70, %dma_wait3A_71] : memref<160000x128xf32, #tpu.memory_space<hbm>> -> memref<96x128xf32, #tpu.memory_space<hbm>>
      %dma_wait3A_73 = arith.constant 0 : i32
      %dma_wait3A_74 = arith.constant 0 : i32
      %dma_wait3A_75 = tpu.memref_slice %arg3[%dma_wait3A_73, %dma_wait3A_74] : memref<160000x128xf32, #tpu.memory_space<hbm>> -> memref<96x128xf32, #tpu.memory_space<hbm>>
      tpu.wait_dma2 semaphore(%arg22 : memref<!tpu.dma_semaphore, #tpu.memory_space<semaphore_mem>>) src(%dma_wait3A_75 : memref<96x128xf32, #tpu.memory_space<hbm>>) dst(%arg14 : memref<96x128xf32, #tpu.memory_space<vmem>>)
      %dma_wait3A_76 = arith.constant 0 : i32
      %dma_wait3A_77 = arith.constant 0 : i32
      %dma_wait3A_78 = tpu.memref_slice %arg17[%dma_wait3A_76, %dma_wait3A_77] : memref<10000x128xf32, #tpu.memory_space<vmem_shared>> -> memref<10000x128xf32, #tpu.memory_space<vmem_shared>>
      tpu.wait_indirect_dma semaphore(%arg20 : memref<!tpu.dma_semaphore, #tpu.memory_space<semaphore_mem>>) src(%arg9 : memref<96x128xf32, #tpu.memory_space<vmem>>) dst(%dma_wait3A_78 : memref<10000x128xf32, #tpu.memory_space<vmem_shared>>)
      %mul3A_79 = arith.constant 2 : i32
      %mul3A_80 = arith.muli %mul3A_79, %scan3A_37 : i32
      %add3A_81 = arith.constant 2 : i32
      %add3A_82 = arith.addi %mul3A_80, %add3A_81 : i32
      %lt3A_83 = arith.constant 52 : i32
      %lt3A_84 = arith.cmpi slt, %add3A_82, %lt3A_83 : i32
      %convert_element_type3A_85 = arith.extui %lt3A_84 : i1 to i32
      %cond3A_86 = arith.constant 0 : i32
      %cond3A_87 = arith.cmpi ne, %convert_element_type3A_85, %cond3A_86 : i32
      scf.if %cond3A_87 {
        %add3A_97 = arith.constant 192 : i32
        %add3A_98 = arith.addi %add3A_42, %add3A_97 : i32
        "tpu.region"() ({
          %run_scoped3A = tpu.sem_alloc : memref<!tpu.dma_semaphore, #tpu.memory_space<semaphore_mem>>
          %dma_start3A_106 = tpu.memref_slice %arg4[%add3A_98] : memref<160000xi32, #tpu.memory_space<hbm>> -> memref<96xi32, #tpu.memory_space<hbm>>
          %dma_start3A_107 = tpu.memref_slice %arg4[%add3A_98] : memref<160000xi32, #tpu.memory_space<hbm>> -> memref<96xi32, #tpu.memory_space<hbm>>
          tpu.enqueue_dma source(%dma_start3A_107 : memref<96xi32, #tpu.memory_space<hbm>>) target(%arg7 : memref<96xi32, #tpu.memory_space<vmem>>) target_semaphore(%run_scoped3A : memref<!tpu.dma_semaphore, #tpu.memory_space<semaphore_mem>>)
          %dma_wait3A_108 = tpu.memref_slice %arg4[%add3A_98] : memref<160000xi32, #tpu.memory_space<hbm>> -> memref<96xi32, #tpu.memory_space<hbm>>
          %dma_wait3A_109 = tpu.memref_slice %arg4[%add3A_98] : memref<160000xi32, #tpu.memory_space<hbm>> -> memref<96xi32, #tpu.memory_space<hbm>>
          tpu.wait_dma2 semaphore(%run_scoped3A : memref<!tpu.dma_semaphore, #tpu.memory_space<semaphore_mem>>) src(%dma_wait3A_109 : memref<96xi32, #tpu.memory_space<hbm>>) dst(%arg7 : memref<96xi32, #tpu.memory_space<vmem>>)
          tpu.yield
        }) : () -> ()
        "tpu.region"() ({
          %run_scoped3A = tpu.sem_alloc : memref<!tpu.dma_semaphore, #tpu.memory_space<semaphore_mem>>
          %dma_start3A_106 = tpu.memref_slice %arg5[%add3A_98] : memref<160000xi32, #tpu.memory_space<hbm>> -> memref<96xi32, #tpu.memory_space<hbm>>
          %dma_start3A_107 = tpu.memref_slice %arg5[%add3A_98] : memref<160000xi32, #tpu.memory_space<hbm>> -> memref<96xi32, #tpu.memory_space<hbm>>
          tpu.enqueue_dma source(%dma_start3A_107 : memref<96xi32, #tpu.memory_space<hbm>>) target(%arg8 : memref<96xi32, #tpu.memory_space<vmem>>) target_semaphore(%run_scoped3A : memref<!tpu.dma_semaphore, #tpu.memory_space<semaphore_mem>>)
          %dma_wait3A_108 = tpu.memref_slice %arg5[%add3A_98] : memref<160000xi32, #tpu.memory_space<hbm>> -> memref<96xi32, #tpu.memory_space<hbm>>
          %dma_wait3A_109 = tpu.memref_slice %arg5[%add3A_98] : memref<160000xi32, #tpu.memory_space<hbm>> -> memref<96xi32, #tpu.memory_space<hbm>>
          tpu.wait_dma2 semaphore(%run_scoped3A : memref<!tpu.dma_semaphore, #tpu.memory_space<semaphore_mem>>) src(%dma_wait3A_109 : memref<96xi32, #tpu.memory_space<hbm>>) dst(%arg8 : memref<96xi32, #tpu.memory_space<vmem>>)
          tpu.yield
        }) : () -> ()
        %dma_start3A_99 = arith.constant 0 : i32
        %dma_start3A_100 = arith.constant 0 : i32
        %dma_start3A_101 = tpu.memref_slice %arg2[%dma_start3A_99, %dma_start3A_100] : memref<10000x128xf32, #tpu.memory_space<hbm>> -> memref<10000x128xf32, #tpu.memory_space<hbm>>
        tpu.enqueue_indirect_dma source(%dma_start3A_101 : memref<10000x128xf32, #tpu.memory_space<hbm>>) target(%arg9 : memref<96x128xf32, #tpu.memory_space<vmem>>) offsets(%arg7 : memref<96xi32, #tpu.memory_space<vmem>>) semaphore(%arg18 : memref<!tpu.dma_semaphore, #tpu.memory_space<semaphore_mem>>)
        %dma_start3A_102 = arith.constant 0 : i32
        %dma_start3A_103 = tpu.memref_slice %arg3[%add3A_98, %dma_start3A_102] : memref<160000x128xf32, #tpu.memory_space<hbm>> -> memref<96x128xf32, #tpu.memory_space<hbm>>
        %dma_start3A_104 = arith.constant 0 : i32
        %dma_start3A_105 = tpu.memref_slice %arg3[%add3A_98, %dma_start3A_104] : memref<160000x128xf32, #tpu.memory_space<hbm>> -> memref<96x128xf32, #tpu.memory_space<hbm>>
        tpu.enqueue_dma source(%dma_start3A_105 : memref<96x128xf32, #tpu.memory_space<hbm>>) target(%arg10 : memref<96x128xf32, #tpu.memory_space<vmem>>) target_semaphore(%arg19 : memref<!tpu.dma_semaphore, #tpu.memory_space<semaphore_mem>>)
      } else {
      }
      %parallel_loop3A_88 = arith.constant 0 : i32
      %parallel_loop3A_89 = arith.constant 96 : i32
      %parallel_loop3A_90 = arith.constant 1 : i32
      scf.for %parallel_loop3A_97 = %parallel_loop3A_88 to %parallel_loop3A_89 step %parallel_loop3A_90  : i32 {
        %parallel_loop3A_98 = arith.index_cast %parallel_loop3A_97 : i32 to index
        %parallel_loop3A_99 = arith.constant 0 : index
        %parallel_loop3A_100 = tpu.vector_load %arg13[%parallel_loop3A_98, %parallel_loop3A_99] {strides = array<i32>} : memref<96x128xf32, #tpu.memory_space<vmem>>, vector<1x16xf32>,
        %parallel_loop3A_101 = vector.shape_cast %parallel_loop3A_100 : vector<1x16xf32> to vector<16xf32>
        %parallel_loop3A_102 = arith.index_cast %parallel_loop3A_97 : i32 to index
        %parallel_loop3A_103 = arith.constant 0 : index
        %parallel_loop3A_104 = tpu.vector_load %arg14[%parallel_loop3A_102, %parallel_loop3A_103] {strides = array<i32>} : memref<96x128xf32, #tpu.memory_space<vmem>>, vector<1x16xf32>,
        %parallel_loop3A_105 = vector.shape_cast %parallel_loop3A_104 : vector<1x16xf32> to vector<16xf32>
        %parallel_loop3A_106 = arith.mulf %parallel_loop3A_101, %parallel_loop3A_105 : vector<16xf32>
        %parallel_loop3A_107 = arith.index_cast %parallel_loop3A_97 : i32 to index
        %parallel_loop3A_108 = arith.constant 0 : index
        %parallel_loop3A_109 = tpu.vector_load %arg13[%parallel_loop3A_107, %parallel_loop3A_108] {strides = array<i32>} : memref<96x128xf32, #tpu.memory_space<vmem>>, vector<1x16xf32>,
        %parallel_loop3A_110 = vector.shape_cast %parallel_loop3A_109 : vector<1x16xf32> to vector<16xf32>
        %parallel_loop3A_111 = vector.shape_cast %parallel_loop3A_106 : vector<16xf32> to vector<1x16xf32>
        tpu.vector_store %arg13[%parallel_loop3A_107, %parallel_loop3A_108], %parallel_loop3A_111 {strides = array<i32>} : memref<96x128xf32, #tpu.memory_space<vmem>>, vector<1x16xf32>,
        %parallel_loop3A_112 = arith.index_cast %parallel_loop3A_97 : i32 to index
        %parallel_loop3A_113 = arith.constant 16 : index
        %parallel_loop3A_114 = tpu.vector_load %arg13[%parallel_loop3A_112, %parallel_loop3A_113] {strides = array<i32>} : memref<96x128xf32, #tpu.memory_space<vmem>>, vector<1x16xf32>,
        %parallel_loop3A_115 = vector.shape_cast %parallel_loop3A_114 : vector<1x16xf32> to vector<16xf32>
        %parallel_loop3A_116 = arith.index_cast %parallel_loop3A_97 : i32 to index
        %parallel_loop3A_117 = arith.constant 16 : index
        %parallel_loop3A_118 = tpu.vector_load %arg14[%parallel_loop3A_116, %parallel_loop3A_117] {strides = array<i32>} : memref<96x128xf32, #tpu.memory_space<vmem>>, vector<1x16xf32>,
        %parallel_loop3A_119 = vector.shape_cast %parallel_loop3A_118 : vector<1x16xf32> to vector<16xf32>
        %parallel_loop3A_120 = arith.mulf %parallel_loop3A_115, %parallel_loop3A_119 : vector<16xf32>
        %parallel_loop3A_121 = arith.index_cast %parallel_loop3A_97 : i32 to index
        %parallel_loop3A_122 = arith.constant 16 : index
        %parallel_loop3A_123 = tpu.vector_load %arg13[%parallel_loop3A_121, %parallel_loop3A_122] {strides = array<i32>} : memref<96x128xf32, #tpu.memory_space<vmem>>, vector<1x16xf32>,
        %parallel_loop3A_124 = vector.shape_cast %parallel_loop3A_123 : vector<1x16xf32> to vector<16xf32>
        %parallel_loop3A_125 = vector.shape_cast %parallel_loop3A_120 : vector<16xf32> to vector<1x16xf32>
        tpu.vector_store %arg13[%parallel_loop3A_121, %parallel_loop3A_122], %parallel_loop3A_125 {strides = array<i32>} : memref<96x128xf32, #tpu.memory_space<vmem>>, vector<1x16xf32>,
        %parallel_loop3A_126 = arith.index_cast %parallel_loop3A_97 : i32 to index
        %parallel_loop3A_127 = arith.constant 32 : index
        %parallel_loop3A_128 = tpu.vector_load %arg13[%parallel_loop3A_126, %parallel_loop3A_127] {strides = array<i32>} : memref<96x128xf32, #tpu.memory_space<vmem>>, vector<1x16xf32>,
        %parallel_loop3A_129 = vector.shape_cast %parallel_loop3A_128 : vector<1x16xf32> to vector<16xf32>
        %parallel_loop3A_130 = arith.index_cast %parallel_loop3A_97 : i32 to index
        %parallel_loop3A_131 = arith.constant 32 : index
        %parallel_loop3A_132 = tpu.vector_load %arg14[%parallel_loop3A_130, %parallel_loop3A_131] {strides = array<i32>} : memref<96x128xf32, #tpu.memory_space<vmem>>, vector<1x16xf32>,
        %parallel_loop3A_133 = vector.shape_cast %parallel_loop3A_132 : vector<1x16xf32> to vector<16xf32>
        %parallel_loop3A_134 = arith.mulf %parallel_loop3A_129, %parallel_loop3A_133 : vector<16xf32>
        %parallel_loop3A_135 = arith.index_cast %parallel_loop3A_97 : i32 to index
        %parallel_loop3A_136 = arith.constant 32 : index
        %parallel_loop3A_137 = tpu.vector_load %arg13[%parallel_loop3A_135, %parallel_loop3A_136] {strides = array<i32>} : memref<96x128xf32, #tpu.memory_space<vmem>>, vector<1x16xf32>,
        %parallel_loop3A_138 = vector.shape_cast %parallel_loop3A_137 : vector<1x16xf32> to vector<16xf32>
        %parallel_loop3A_139 = vector.shape_cast %parallel_loop3A_134 : vector<16xf32> to vector<1x16xf32>
        tpu.vector_store %arg13[%parallel_loop3A_135, %parallel_loop3A_136], %parallel_loop3A_139 {strides = array<i32>} : memref<96x128xf32, #tpu.memory_space<vmem>>, vector<1x16xf32>,
        %parallel_loop3A_140 = arith.index_cast %parallel_loop3A_97 : i32 to index
        %parallel_loop3A_141 = arith.constant 48 : index
        %parallel_loop3A_142 = tpu.vector_load %arg13[%parallel_loop3A_140, %parallel_loop3A_141] {strides = array<i32>} : memref<96x128xf32, #tpu.memory_space<vmem>>, vector<1x16xf32>,
        %parallel_loop3A_143 = vector.shape_cast %parallel_loop3A_142 : vector<1x16xf32> to vector<16xf32>
        %parallel_loop3A_144 = arith.index_cast %parallel_loop3A_97 : i32 to index
        %parallel_loop3A_145 = arith.constant 48 : index
        %parallel_loop3A_146 = tpu.vector_load %arg14[%parallel_loop3A_144, %parallel_loop3A_145] {strides = array<i32>} : memref<96x128xf32, #tpu.memory_space<vmem>>, vector<1x16xf32>,
        %parallel_loop3A_147 = vector.shape_cast %parallel_loop3A_146 : vector<1x16xf32> to vector<16xf32>
        %parallel_loop3A_148 = arith.mulf %parallel_loop3A_143, %parallel_loop3A_147 : vector<16xf32>
        %parallel_loop3A_149 = arith.index_cast %parallel_loop3A_97 : i32 to index
        %parallel_loop3A_150 = arith.constant 48 : index
        %parallel_loop3A_151 = tpu.vector_load %arg13[%parallel_loop3A_149, %parallel_loop3A_150] {strides = array<i32>} : memref<96x128xf32, #tpu.memory_space<vmem>>, vector<1x16xf32>,
        %parallel_loop3A_152 = vector.shape_cast %parallel_loop3A_151 : vector<1x16xf32> to vector<16xf32>
        %parallel_loop3A_153 = vector.shape_cast %parallel_loop3A_148 : vector<16xf32> to vector<1x16xf32>
        tpu.vector_store %arg13[%parallel_loop3A_149, %parallel_loop3A_150], %parallel_loop3A_153 {strides = array<i32>} : memref<96x128xf32, #tpu.memory_space<vmem>>, vector<1x16xf32>,
        %parallel_loop3A_154 = arith.index_cast %parallel_loop3A_97 : i32 to index
        %parallel_loop3A_155 = arith.constant 64 : index
        %parallel_loop3A_156 = tpu.vector_load %arg13[%parallel_loop3A_154, %parallel_loop3A_155] {strides = array<i32>} : memref<96x128xf32, #tpu.memory_space<vmem>>, vector<1x16xf32>,
        %parallel_loop3A_157 = vector.shape_cast %parallel_loop3A_156 : vector<1x16xf32> to vector<16xf32>
        %parallel_loop3A_158 = arith.index_cast %parallel_loop3A_97 : i32 to index
        %parallel_loop3A_159 = arith.constant 64 : index
        %parallel_loop3A_160 = tpu.vector_load %arg14[%parallel_loop3A_158, %parallel_loop3A_159] {strides = array<i32>} : memref<96x128xf32, #tpu.memory_space<vmem>>, vector<1x16xf32>,
        %parallel_loop3A_161 = vector.shape_cast %parallel_loop3A_160 : vector<1x16xf32> to vector<16xf32>
        %parallel_loop3A_162 = arith.mulf %parallel_loop3A_157, %parallel_loop3A_161 : vector<16xf32>
        %parallel_loop3A_163 = arith.index_cast %parallel_loop3A_97 : i32 to index
        %parallel_loop3A_164 = arith.constant 64 : index
        %parallel_loop3A_165 = tpu.vector_load %arg13[%parallel_loop3A_163, %parallel_loop3A_164] {strides = array<i32>} : memref<96x128xf32, #tpu.memory_space<vmem>>, vector<1x16xf32>,
        %parallel_loop3A_166 = vector.shape_cast %parallel_loop3A_165 : vector<1x16xf32> to vector<16xf32>
        %parallel_loop3A_167 = vector.shape_cast %parallel_loop3A_162 : vector<16xf32> to vector<1x16xf32>
        tpu.vector_store %arg13[%parallel_loop3A_163, %parallel_loop3A_164], %parallel_loop3A_167 {strides = array<i32>} : memref<96x128xf32, #tpu.memory_space<vmem>>, vector<1x16xf32>,
        %parallel_loop3A_168 = arith.index_cast %parallel_loop3A_97 : i32 to index
        %parallel_loop3A_169 = arith.constant 80 : index
        %parallel_loop3A_170 = tpu.vector_load %arg13[%parallel_loop3A_168, %parallel_loop3A_169] {strides = array<i32>} : memref<96x128xf32, #tpu.memory_space<vmem>>, vector<1x16xf32>,
        %parallel_loop3A_171 = vector.shape_cast %parallel_loop3A_170 : vector<1x16xf32> to vector<16xf32>
        %parallel_loop3A_172 = arith.index_cast %parallel_loop3A_97 : i32 to index
        %parallel_loop3A_173 = arith.constant 80 : index
        %parallel_loop3A_174 = tpu.vector_load %arg14[%parallel_loop3A_172, %parallel_loop3A_173] {strides = array<i32>} : memref<96x128xf32, #tpu.memory_space<vmem>>, vector<1x16xf32>,
        %parallel_loop3A_175 = vector.shape_cast %parallel_loop3A_174 : vector<1x16xf32> to vector<16xf32>
        %parallel_loop3A_176 = arith.mulf %parallel_loop3A_171, %parallel_loop3A_175 : vector<16xf32>
        %parallel_loop3A_177 = arith.index_cast %parallel_loop3A_97 : i32 to index
        %parallel_loop3A_178 = arith.constant 80 : index
        %parallel_loop3A_179 = tpu.vector_load %arg13[%parallel_loop3A_177, %parallel_loop3A_178] {strides = array<i32>} : memref<96x128xf32, #tpu.memory_space<vmem>>, vector<1x16xf32>,
        %parallel_loop3A_180 = vector.shape_cast %parallel_loop3A_179 : vector<1x16xf32> to vector<16xf32>
        %parallel_loop3A_181 = vector.shape_cast %parallel_loop3A_176 : vector<16xf32> to vector<1x16xf32>
        tpu.vector_store %arg13[%parallel_loop3A_177, %parallel_loop3A_178], %parallel_loop3A_181 {strides = array<i32>} : memref<96x128xf32, #tpu.memory_space<vmem>>, vector<1x16xf32>,
        %parallel_loop3A_182 = arith.index_cast %parallel_loop3A_97 : i32 to index
        %parallel_loop3A_183 = arith.constant 96 : index
        %parallel_loop3A_184 = tpu.vector_load %arg13[%parallel_loop3A_182, %parallel_loop3A_183] {strides = array<i32>} : memref<96x128xf32, #tpu.memory_space<vmem>>, vector<1x16xf32>,
        %parallel_loop3A_185 = vector.shape_cast %parallel_loop3A_184 : vector<1x16xf32> to vector<16xf32>
        %parallel_loop3A_186 = arith.index_cast %parallel_loop3A_97 : i32 to index
        %parallel_loop3A_187 = arith.constant 96 : index
        %parallel_loop3A_188 = tpu.vector_load %arg14[%parallel_loop3A_186, %parallel_loop3A_187] {strides = array<i32>} : memref<96x128xf32, #tpu.memory_space<vmem>>, vector<1x16xf32>,
        %parallel_loop3A_189 = vector.shape_cast %parallel_loop3A_188 : vector<1x16xf32> to vector<16xf32>
        %parallel_loop3A_190 = arith.mulf %parallel_loop3A_185, %parallel_loop3A_189 : vector<16xf32>
        %parallel_loop3A_191 = arith.index_cast %parallel_loop3A_97 : i32 to index
        %parallel_loop3A_192 = arith.constant 96 : index
        %parallel_loop3A_193 = tpu.vector_load %arg13[%parallel_loop3A_191, %parallel_loop3A_192] {strides = array<i32>} : memref<96x128xf32, #tpu.memory_space<vmem>>, vector<1x16xf32>,
        %parallel_loop3A_194 = vector.shape_cast %parallel_loop3A_193 : vector<1x16xf32> to vector<16xf32>
        %parallel_loop3A_195 = vector.shape_cast %parallel_loop3A_190 : vector<16xf32> to vector<1x16xf32>
        tpu.vector_store %arg13[%parallel_loop3A_191, %parallel_loop3A_192], %parallel_loop3A_195 {strides = array<i32>} : memref<96x128xf32, #tpu.memory_space<vmem>>, vector<1x16xf32>,
        %parallel_loop3A_196 = arith.index_cast %parallel_loop3A_97 : i32 to index
        %parallel_loop3A_197 = arith.constant 112 : index
        %parallel_loop3A_198 = tpu.vector_load %arg13[%parallel_loop3A_196, %parallel_loop3A_197] {strides = array<i32>} : memref<96x128xf32, #tpu.memory_space<vmem>>, vector<1x16xf32>,
        %parallel_loop3A_199 = vector.shape_cast %parallel_loop3A_198 : vector<1x16xf32> to vector<16xf32>
        %parallel_loop3A_200 = arith.index_cast %parallel_loop3A_97 : i32 to index
        %parallel_loop3A_201 = arith.constant 112 : index
        %parallel_loop3A_202 = tpu.vector_load %arg14[%parallel_loop3A_200, %parallel_loop3A_201] {strides = array<i32>} : memref<96x128xf32, #tpu.memory_space<vmem>>, vector<1x16xf32>,
        %parallel_loop3A_203 = vector.shape_cast %parallel_loop3A_202 : vector<1x16xf32> to vector<16xf32>
        %parallel_loop3A_204 = arith.mulf %parallel_loop3A_199, %parallel_loop3A_203 : vector<16xf32>
        %parallel_loop3A_205 = arith.index_cast %parallel_loop3A_97 : i32 to index
        %parallel_loop3A_206 = arith.constant 112 : index
        %parallel_loop3A_207 = tpu.vector_load %arg13[%parallel_loop3A_205, %parallel_loop3A_206] {strides = array<i32>} : memref<96x128xf32, #tpu.memory_space<vmem>>, vector<1x16xf32>,
        %parallel_loop3A_208 = vector.shape_cast %parallel_loop3A_207 : vector<1x16xf32> to vector<16xf32>
        %parallel_loop3A_209 = vector.shape_cast %parallel_loop3A_204 : vector<16xf32> to vector<1x16xf32>
        tpu.vector_store %arg13[%parallel_loop3A_205, %parallel_loop3A_206], %parallel_loop3A_209 {strides = array<i32>} : memref<96x128xf32, #tpu.memory_space<vmem>>, vector<1x16xf32>,
      } {sc.loop_unroll_factor = 2 : i64, sc.parallel_access}
      %dma_start3A_91 = arith.constant 0 : i32
      %dma_start3A_92 = arith.constant 0 : i32
      %dma_start3A_93 = tpu.memref_slice %arg17[%dma_start3A_91, %dma_start3A_92] : memref<10000x128xf32, #tpu.memory_space<vmem_shared>> -> memref<10000x128xf32, #tpu.memory_space<vmem_shared>>
      tpu.enqueue_indirect_dma source(%arg13 : memref<96x128xf32, #tpu.memory_space<vmem>>) target(%dma_start3A_93 : memref<10000x128xf32, #tpu.memory_space<vmem_shared>>) offsets(%arg12 : memref<96xi32, #tpu.memory_space<vmem>>) semaphore(%arg23 : memref<!tpu.dma_semaphore, #tpu.memory_space<semaphore_mem>>) {add = true}
      %dma_wait3A_94 = arith.constant 0 : i32
      %dma_wait3A_95 = arith.constant 0 : i32
      %dma_wait3A_96 = tpu.memref_slice %arg17[%dma_wait3A_94, %dma_wait3A_95] : memref<10000x128xf32, #tpu.memory_space<vmem_shared>> -> memref<10000x128xf32, #tpu.memory_space<vmem_shared>>
      tpu.wait_indirect_dma semaphore(%arg23 : memref<!tpu.dma_semaphore, #tpu.memory_space<semaphore_mem>>) src(%arg13 : memref<96x128xf32, #tpu.memory_space<vmem>>) dst(%dma_wait3A_96 : memref<10000x128xf32, #tpu.memory_space<vmem_shared>>)
    }
    %scan3A_15 = arith.constant 26 : i32
    %add3A_16 = arith.constant 4992 : i32
    %add3A_17 = arith.addi %mul3A_2, %add3A_16 : i32
    "tpu.region"() ({
      %run_scoped3A = tpu.sem_alloc : memref<!tpu.dma_semaphore, #tpu.memory_space<semaphore_mem>>
      %dma_start3A_37 = tpu.memref_slice %arg4[%add3A_17] : memref<160000xi32, #tpu.memory_space<hbm>> -> memref<8xi32, #tpu.memory_space<hbm>>
      %dma_start3A_38 = tpu.memref_slice %arg4[%add3A_17] : memref<160000xi32, #tpu.memory_space<hbm>> -> memref<8xi32, #tpu.memory_space<hbm>>
      tpu.enqueue_dma source(%dma_start3A_38 : memref<8xi32, #tpu.memory_space<hbm>>) target(%arg15 : memref<8xi32, #tpu.memory_space<vmem>>) target_semaphore(%run_scoped3A : memref<!tpu.dma_semaphore, #tpu.memory_space<semaphore_mem>>)
      %dma_wait3A_39 = tpu.memref_slice %arg4[%add3A_17] : memref<160000xi32, #tpu.memory_space<hbm>> -> memref<8xi32, #tpu.memory_space<hbm>>
      %dma_wait3A_40 = tpu.memref_slice %arg4[%add3A_17] : memref<160000xi32, #tpu.memory_space<hbm>> -> memref<8xi32, #tpu.memory_space<hbm>>
      tpu.wait_dma2 semaphore(%run_scoped3A : memref<!tpu.dma_semaphore, #tpu.memory_space<semaphore_mem>>) src(%dma_wait3A_40 : memref<8xi32, #tpu.memory_space<hbm>>) dst(%arg15 : memref<8xi32, #tpu.memory_space<vmem>>)
      tpu.yield
    }) : () -> ()
    "tpu.region"() ({
      %run_scoped3A = tpu.sem_alloc : memref<!tpu.dma_semaphore, #tpu.memory_space<semaphore_mem>>
      %dma_start3A_37 = tpu.memref_slice %arg5[%add3A_17] : memref<160000xi32, #tpu.memory_space<hbm>> -> memref<8xi32, #tpu.memory_space<hbm>>
      %dma_start3A_38 = tpu.memref_slice %arg5[%add3A_17] : memref<160000xi32, #tpu.memory_space<hbm>> -> memref<8xi32, #tpu.memory_space<hbm>>
      tpu.enqueue_dma source(%dma_start3A_38 : memref<8xi32, #tpu.memory_space<hbm>>) target(%arg16 : memref<8xi32, #tpu.memory_space<vmem>>) target_semaphore(%run_scoped3A : memref<!tpu.dma_semaphore, #tpu.memory_space<semaphore_mem>>)
      %dma_wait3A_39 = tpu.memref_slice %arg5[%add3A_17] : memref<160000xi32, #tpu.memory_space<hbm>> -> memref<8xi32, #tpu.memory_space<hbm>>
      %dma_wait3A_40 = tpu.memref_slice %arg5[%add3A_17] : memref<160000xi32, #tpu.memory_space<hbm>> -> memref<8xi32, #tpu.memory_space<hbm>>
      tpu.wait_dma2 semaphore(%run_scoped3A : memref<!tpu.dma_semaphore, #tpu.memory_space<semaphore_mem>>) src(%dma_wait3A_40 : memref<8xi32, #tpu.memory_space<hbm>>) dst(%arg16 : memref<8xi32, #tpu.memory_space<vmem>>)
      tpu.yield
    }) : () -> ()
    %dma_start3A_18 = arith.constant 0 : i32
    %dma_start3A_19 = arith.constant 0 : i32
    %dma_start3A_20 = tpu.memref_slice %arg9[%dma_start3A_18, %dma_start3A_19] : memref<96x128xf32, #tpu.memory_space<vmem>> -> memref<8x128xf32, #tpu.memory_space<vmem>>
    %dma_start3A_21 = arith.constant 0 : i32
    %dma_start3A_22 = arith.constant 0 : i32
    %dma_start3A_23 = tpu.memref_slice %arg2[%dma_start3A_21, %dma_start3A_22] : memref<10000x128xf32, #tpu.memory_space<hbm>> -> memref<10000x128xf32, #tpu.memory_space<hbm>>
    tpu.enqueue_indirect_dma source(%dma_start3A_23 : memref<10000x128xf32, #tpu.memory_space<hbm>>) target(%dma_start3A_20 : memref<8x128xf32, #tpu.memory_space<vmem>>) offsets(%arg15 : memref<8xi32, #tpu.memory_space<vmem>>) semaphore(%arg18 : memref<!tpu.dma_semaphore, #tpu.memory_space<semaphore_mem>>)
    %dma_wait3A = arith.constant 0 : i32
    %dma_wait3A_24 = arith.constant 0 : i32
    %dma_wait3A_25 = tpu.memref_slice %arg9[%dma_wait3A, %dma_wait3A_24] : memref<96x128xf32, #tpu.memory_space<vmem>> -> memref<8x128xf32, #tpu.memory_space<vmem>>
    %dma_wait3A_26 = arith.constant 0 : i32
    %dma_wait3A_27 = arith.constant 0 : i32
    %dma_wait3A_28 = tpu.memref_slice %arg2[%dma_wait3A_26, %dma_wait3A_27] : memref<10000x128xf32, #tpu.memory_space<hbm>> -> memref<10000x128xf32, #tpu.memory_space<hbm>>
    tpu.wait_indirect_dma semaphore(%arg18 : memref<!tpu.dma_semaphore, #tpu.memory_space<semaphore_mem>>) src(%dma_wait3A_28 : memref<10000x128xf32, #tpu.memory_space<hbm>>) dst(%dma_wait3A_25 : memref<8x128xf32, #tpu.memory_space<vmem>>)
    "tpu.region"() ({
      %run_scoped3A = tpu.sem_alloc : memref<!tpu.dma_semaphore, #tpu.memory_space<semaphore_mem>>
      %dma_start3A_37 = arith.constant 0 : i32
      %dma_start3A_38 = arith.constant 0 : i32
      %dma_start3A_39 = tpu.memref_slice %arg10[%dma_start3A_37, %dma_start3A_38] : memref<96x128xf32, #tpu.memory_space<vmem>> -> memref<8x128xf32, #tpu.memory_space<vmem>>
      %dma_start3A_40 = arith.constant 0 : i32
      %dma_start3A_41 = tpu.memref_slice %arg3[%add3A_17, %dma_start3A_40] : memref<160000x128xf32, #tpu.memory_space<hbm>> -> memref<8x128xf32, #tpu.memory_space<hbm>>
      %dma_start3A_42 = arith.constant 0 : i32
      %dma_start3A_43 = arith.constant 0 : i32
      %dma_start3A_44 = tpu.memref_slice %arg10[%dma_start3A_42, %dma_start3A_43] : memref<96x128xf32, #tpu.memory_space<vmem>> -> memref<8x128xf32, #tpu.memory_space<vmem>>
      %dma_start3A_45 = arith.constant 0 : i32
      %dma_start3A_46 = tpu.memref_slice %arg3[%add3A_17, %dma_start3A_45] : memref<160000x128xf32, #tpu.memory_space<hbm>> -> memref<8x128xf32, #tpu.memory_space<hbm>>
      tpu.enqueue_dma source(%dma_start3A_46 : memref<8x128xf32, #tpu.memory_space<hbm>>) target(%dma_start3A_44 : memref<8x128xf32, #tpu.memory_space<vmem>>) target_semaphore(%run_scoped3A : memref<!tpu.dma_semaphore, #tpu.memory_space<semaphore_mem>>)
      %dma_wait3A_47 = arith.constant 0 : i32
      %dma_wait3A_48 = arith.constant 0 : i32
      %dma_wait3A_49 = tpu.memref_slice %arg10[%dma_wait3A_47, %dma_wait3A_48] : memref<96x128xf32, #tpu.memory_space<vmem>> -> memref<8x128xf32, #tpu.memory_space<vmem>>
      %dma_wait3A_50 = arith.constant 0 : i32
      %dma_wait3A_51 = tpu.memref_slice %arg3[%add3A_17, %dma_wait3A_50] : memref<160000x128xf32, #tpu.memory_space<hbm>> -> memref<8x128xf32, #tpu.memory_space<hbm>>
      %dma_wait3A_52 = arith.constant 0 : i32
      %dma_wait3A_53 = arith.constant 0 : i32
      %dma_wait3A_54 = tpu.memref_slice %arg10[%dma_wait3A_52, %dma_wait3A_53] : memref<96x128xf32, #tpu.memory_space<vmem>> -> memref<8x128xf32, #tpu.memory_space<vmem>>
      %dma_wait3A_55 = arith.constant 0 : i32
      %dma_wait3A_56 = tpu.memref_slice %arg3[%add3A_17, %dma_wait3A_55] : memref<160000x128xf32, #tpu.memory_space<hbm>> -> memref<8x128xf32, #tpu.memory_space<hbm>>
      tpu.wait_dma2 semaphore(%run_scoped3A : memref<!tpu.dma_semaphore, #tpu.memory_space<semaphore_mem>>) src(%dma_wait3A_56 : memref<8x128xf32, #tpu.memory_space<hbm>>) dst(%dma_wait3A_54 : memref<8x128xf32, #tpu.memory_space<vmem>>)
      tpu.yield
    }) : () -> ()
    %parallel_loop3A = arith.constant 0 : i32
    %parallel_loop3A_29 = arith.constant 8 : i32
    %parallel_loop3A_30 = arith.constant 1 : i32
    scf.for %parallel_loop3A_37 = %parallel_loop3A to %parallel_loop3A_29 step %parallel_loop3A_30  : i32 {
      %parallel_loop3A_38 = arith.index_cast %parallel_loop3A_37 : i32 to index
      %parallel_loop3A_39 = arith.constant 0 : index
      %parallel_loop3A_40 = tpu.vector_load %arg9[%parallel_loop3A_38, %parallel_loop3A_39] {strides = array<i32>} : memref<96x128xf32, #tpu.memory_space<vmem>>, vector<1x16xf32>,
      %parallel_loop3A_41 = vector.shape_cast %parallel_loop3A_40 : vector<1x16xf32> to vector<16xf32>
      %parallel_loop3A_42 = arith.index_cast %parallel_loop3A_37 : i32 to index
      %parallel_loop3A_43 = arith.constant 0 : index
      %parallel_loop3A_44 = tpu.vector_load %arg10[%parallel_loop3A_42, %parallel_loop3A_43] {strides = array<i32>} : memref<96x128xf32, #tpu.memory_space<vmem>>, vector<1x16xf32>,
      %parallel_loop3A_45 = vector.shape_cast %parallel_loop3A_44 : vector<1x16xf32> to vector<16xf32>
      %parallel_loop3A_46 = arith.mulf %parallel_loop3A_41, %parallel_loop3A_45 : vector<16xf32>
      %parallel_loop3A_47 = arith.index_cast %parallel_loop3A_37 : i32 to index
      %parallel_loop3A_48 = arith.constant 0 : index
      %parallel_loop3A_49 = tpu.vector_load %arg9[%parallel_loop3A_47, %parallel_loop3A_48] {strides = array<i32>} : memref<96x128xf32, #tpu.memory_space<vmem>>, vector<1x16xf32>,
      %parallel_loop3A_50 = vector.shape_cast %parallel_loop3A_49 : vector<1x16xf32> to vector<16xf32>
      %parallel_loop3A_51 = vector.shape_cast %parallel_loop3A_46 : vector<16xf32> to vector<1x16xf32>
      tpu.vector_store %arg9[%parallel_loop3A_47, %parallel_loop3A_48], %parallel_loop3A_51 {strides = array<i32>} : memref<96x128xf32, #tpu.memory_space<vmem>>, vector<1x16xf32>,
      %parallel_loop3A_52 = arith.index_cast %parallel_loop3A_37 : i32 to index
      %parallel_loop3A_53 = arith.constant 16 : index
      %parallel_loop3A_54 = tpu.vector_load %arg9[%parallel_loop3A_52, %parallel_loop3A_53] {strides = array<i32>} : memref<96x128xf32, #tpu.memory_space<vmem>>, vector<1x16xf32>,
      %parallel_loop3A_55 = vector.shape_cast %parallel_loop3A_54 : vector<1x16xf32> to vector<16xf32>
      %parallel_loop3A_56 = arith.index_cast %parallel_loop3A_37 : i32 to index
      %parallel_loop3A_57 = arith.constant 16 : index
      %parallel_loop3A_58 = tpu.vector_load %arg10[%parallel_loop3A_56, %parallel_loop3A_57] {strides = array<i32>} : memref<96x128xf32, #tpu.memory_space<vmem>>, vector<1x16xf32>,
      %parallel_loop3A_59 = vector.shape_cast %parallel_loop3A_58 : vector<1x16xf32> to vector<16xf32>
      %parallel_loop3A_60 = arith.mulf %parallel_loop3A_55, %parallel_loop3A_59 : vector<16xf32>
      %parallel_loop3A_61 = arith.index_cast %parallel_loop3A_37 : i32 to index
      %parallel_loop3A_62 = arith.constant 16 : index
      %parallel_loop3A_63 = tpu.vector_load %arg9[%parallel_loop3A_61, %parallel_loop3A_62] {strides = array<i32>} : memref<96x128xf32, #tpu.memory_space<vmem>>, vector<1x16xf32>,
      %parallel_loop3A_64 = vector.shape_cast %parallel_loop3A_63 : vector<1x16xf32> to vector<16xf32>
      %parallel_loop3A_65 = vector.shape_cast %parallel_loop3A_60 : vector<16xf32> to vector<1x16xf32>
      tpu.vector_store %arg9[%parallel_loop3A_61, %parallel_loop3A_62], %parallel_loop3A_65 {strides = array<i32>} : memref<96x128xf32, #tpu.memory_space<vmem>>, vector<1x16xf32>,
      %parallel_loop3A_66 = arith.index_cast %parallel_loop3A_37 : i32 to index
      %parallel_loop3A_67 = arith.constant 32 : index
      %parallel_loop3A_68 = tpu.vector_load %arg9[%parallel_loop3A_66, %parallel_loop3A_67] {strides = array<i32>} : memref<96x128xf32, #tpu.memory_space<vmem>>, vector<1x16xf32>,
      %parallel_loop3A_69 = vector.shape_cast %parallel_loop3A_68 : vector<1x16xf32> to vector<16xf32>
      %parallel_loop3A_70 = arith.index_cast %parallel_loop3A_37 : i32 to index
      %parallel_loop3A_71 = arith.constant 32 : index
      %parallel_loop3A_72 = tpu.vector_load %arg10[%parallel_loop3A_70, %parallel_loop3A_71] {strides = array<i32>} : memref<96x128xf32, #tpu.memory_space<vmem>>, vector<1x16xf32>,
      %parallel_loop3A_73 = vector.shape_cast %parallel_loop3A_72 : vector<1x16xf32> to vector<16xf32>
      %parallel_loop3A_74 = arith.mulf %parallel_loop3A_69, %parallel_loop3A_73 : vector<16xf32>
      %parallel_loop3A_75 = arith.index_cast %parallel_loop3A_37 : i32 to index
      %parallel_loop3A_76 = arith.constant 32 : index
      %parallel_loop3A_77 = tpu.vector_load %arg9[%parallel_loop3A_75, %parallel_loop3A_76] {strides = array<i32>} : memref<96x128xf32, #tpu.memory_space<vmem>>, vector<1x16xf32>,
      %parallel_loop3A_78 = vector.shape_cast %parallel_loop3A_77 : vector<1x16xf32> to vector<16xf32>
      %parallel_loop3A_79 = vector.shape_cast %parallel_loop3A_74 : vector<16xf32> to vector<1x16xf32>
      tpu.vector_store %arg9[%parallel_loop3A_75, %parallel_loop3A_76], %parallel_loop3A_79 {strides = array<i32>} : memref<96x128xf32, #tpu.memory_space<vmem>>, vector<1x16xf32>,
      %parallel_loop3A_80 = arith.index_cast %parallel_loop3A_37 : i32 to index
      %parallel_loop3A_81 = arith.constant 48 : index
      %parallel_loop3A_82 = tpu.vector_load %arg9[%parallel_loop3A_80, %parallel_loop3A_81] {strides = array<i32>} : memref<96x128xf32, #tpu.memory_space<vmem>>, vector<1x16xf32>,
      %parallel_loop3A_83 = vector.shape_cast %parallel_loop3A_82 : vector<1x16xf32> to vector<16xf32>
      %parallel_loop3A_84 = arith.index_cast %parallel_loop3A_37 : i32 to index
      %parallel_loop3A_85 = arith.constant 48 : index
      %parallel_loop3A_86 = tpu.vector_load %arg10[%parallel_loop3A_84, %parallel_loop3A_85] {strides = array<i32>} : memref<96x128xf32, #tpu.memory_space<vmem>>, vector<1x16xf32>,
      %parallel_loop3A_87 = vector.shape_cast %parallel_loop3A_86 : vector<1x16xf32> to vector<16xf32>
      %parallel_loop3A_88 = arith.mulf %parallel_loop3A_83, %parallel_loop3A_87 : vector<16xf32>
      %parallel_loop3A_89 = arith.index_cast %parallel_loop3A_37 : i32 to index
      %parallel_loop3A_90 = arith.constant 48 : index
      %parallel_loop3A_91 = tpu.vector_load %arg9[%parallel_loop3A_89, %parallel_loop3A_90] {strides = array<i32>} : memref<96x128xf32, #tpu.memory_space<vmem>>, vector<1x16xf32>,
      %parallel_loop3A_92 = vector.shape_cast %parallel_loop3A_91 : vector<1x16xf32> to vector<16xf32>
      %parallel_loop3A_93 = vector.shape_cast %parallel_loop3A_88 : vector<16xf32> to vector<1x16xf32>
      tpu.vector_store %arg9[%parallel_loop3A_89, %parallel_loop3A_90], %parallel_loop3A_93 {strides = array<i32>} : memref<96x128xf32, #tpu.memory_space<vmem>>, vector<1x16xf32>,
      %parallel_loop3A_94 = arith.index_cast %parallel_loop3A_37 : i32 to index
      %parallel_loop3A_95 = arith.constant 64 : index
      %parallel_loop3A_96 = tpu.vector_load %arg9[%parallel_loop3A_94, %parallel_loop3A_95] {strides = array<i32>} : memref<96x128xf32, #tpu.memory_space<vmem>>, vector<1x16xf32>,
      %parallel_loop3A_97 = vector.shape_cast %parallel_loop3A_96 : vector<1x16xf32> to vector<16xf32>
      %parallel_loop3A_98 = arith.index_cast %parallel_loop3A_37 : i32 to index
      %parallel_loop3A_99 = arith.constant 64 : index
      %parallel_loop3A_100 = tpu.vector_load %arg10[%parallel_loop3A_98, %parallel_loop3A_99] {strides = array<i32>} : memref<96x128xf32, #tpu.memory_space<vmem>>, vector<1x16xf32>,
      %parallel_loop3A_101 = vector.shape_cast %parallel_loop3A_100 : vector<1x16xf32> to vector<16xf32>
      %parallel_loop3A_102 = arith.mulf %parallel_loop3A_97, %parallel_loop3A_101 : vector<16xf32>
      %parallel_loop3A_103 = arith.index_cast %parallel_loop3A_37 : i32 to index
      %parallel_loop3A_104 = arith.constant 64 : index
      %parallel_loop3A_105 = tpu.vector_load %arg9[%parallel_loop3A_103, %parallel_loop3A_104] {strides = array<i32>} : memref<96x128xf32, #tpu.memory_space<vmem>>, vector<1x16xf32>,
      %parallel_loop3A_106 = vector.shape_cast %parallel_loop3A_105 : vector<1x16xf32> to vector<16xf32>
      %parallel_loop3A_107 = vector.shape_cast %parallel_loop3A_102 : vector<16xf32> to vector<1x16xf32>
      tpu.vector_store %arg9[%parallel_loop3A_103, %parallel_loop3A_104], %parallel_loop3A_107 {strides = array<i32>} : memref<96x128xf32, #tpu.memory_space<vmem>>, vector<1x16xf32>,
      %parallel_loop3A_108 = arith.index_cast %parallel_loop3A_37 : i32 to index
      %parallel_loop3A_109 = arith.constant 80 : index
      %parallel_loop3A_110 = tpu.vector_load %arg9[%parallel_loop3A_108, %parallel_loop3A_109] {strides = array<i32>} : memref<96x128xf32, #tpu.memory_space<vmem>>, vector<1x16xf32>,
      %parallel_loop3A_111 = vector.shape_cast %parallel_loop3A_110 : vector<1x16xf32> to vector<16xf32>
      %parallel_loop3A_112 = arith.index_cast %parallel_loop3A_37 : i32 to index
      %parallel_loop3A_113 = arith.constant 80 : index
      %parallel_loop3A_114 = tpu.vector_load %arg10[%parallel_loop3A_112, %parallel_loop3A_113] {strides = array<i32>} : memref<96x128xf32, #tpu.memory_space<vmem>>, vector<1x16xf32>,
      %parallel_loop3A_115 = vector.shape_cast %parallel_loop3A_114 : vector<1x16xf32> to vector<16xf32>
      %parallel_loop3A_116 = arith.mulf %parallel_loop3A_111, %parallel_loop3A_115 : vector<16xf32>
      %parallel_loop3A_117 = arith.index_cast %parallel_loop3A_37 : i32 to index
      %parallel_loop3A_118 = arith.constant 80 : index
      %parallel_loop3A_119 = tpu.vector_load %arg9[%parallel_loop3A_117, %parallel_loop3A_118] {strides = array<i32>} : memref<96x128xf32, #tpu.memory_space<vmem>>, vector<1x16xf32>,
      %parallel_loop3A_120 = vector.shape_cast %parallel_loop3A_119 : vector<1x16xf32> to vector<16xf32>
      %parallel_loop3A_121 = vector.shape_cast %parallel_loop3A_116 : vector<16xf32> to vector<1x16xf32>
      tpu.vector_store %arg9[%parallel_loop3A_117, %parallel_loop3A_118], %parallel_loop3A_121 {strides = array<i32>} : memref<96x128xf32, #tpu.memory_space<vmem>>, vector<1x16xf32>,
      %parallel_loop3A_122 = arith.index_cast %parallel_loop3A_37 : i32 to index
      %parallel_loop3A_123 = arith.constant 96 : index
      %parallel_loop3A_124 = tpu.vector_load %arg9[%parallel_loop3A_122, %parallel_loop3A_123] {strides = array<i32>} : memref<96x128xf32, #tpu.memory_space<vmem>>, vector<1x16xf32>,
      %parallel_loop3A_125 = vector.shape_cast %parallel_loop3A_124 : vector<1x16xf32> to vector<16xf32>
      %parallel_loop3A_126 = arith.index_cast %parallel_loop3A_37 : i32 to index
      %parallel_loop3A_127 = arith.constant 96 : index
      %parallel_loop3A_128 = tpu.vector_load %arg10[%parallel_loop3A_126, %parallel_loop3A_127] {strides = array<i32>} : memref<96x128xf32, #tpu.memory_space<vmem>>, vector<1x16xf32>,
      %parallel_loop3A_129 = vector.shape_cast %parallel_loop3A_128 : vector<1x16xf32> to vector<16xf32>
      %parallel_loop3A_130 = arith.mulf %parallel_loop3A_125, %parallel_loop3A_129 : vector<16xf32>
      %parallel_loop3A_131 = arith.index_cast %parallel_loop3A_37 : i32 to index
      %parallel_loop3A_132 = arith.constant 96 : index
      %parallel_loop3A_133 = tpu.vector_load %arg9[%parallel_loop3A_131, %parallel_loop3A_132] {strides = array<i32>} : memref<96x128xf32, #tpu.memory_space<vmem>>, vector<1x16xf32>,
      %parallel_loop3A_134 = vector.shape_cast %parallel_loop3A_133 : vector<1x16xf32> to vector<16xf32>
      %parallel_loop3A_135 = vector.shape_cast %parallel_loop3A_130 : vector<16xf32> to vector<1x16xf32>
      tpu.vector_store %arg9[%parallel_loop3A_131, %parallel_loop3A_132], %parallel_loop3A_135 {strides = array<i32>} : memref<96x128xf32, #tpu.memory_space<vmem>>, vector<1x16xf32>,
      %parallel_loop3A_136 = arith.index_cast %parallel_loop3A_37 : i32 to index
      %parallel_loop3A_137 = arith.constant 112 : index
      %parallel_loop3A_138 = tpu.vector_load %arg9[%parallel_loop3A_136, %parallel_loop3A_137] {strides = array<i32>} : memref<96x128xf32, #tpu.memory_space<vmem>>, vector<1x16xf32>,
      %parallel_loop3A_139 = vector.shape_cast %parallel_loop3A_138 : vector<1x16xf32> to vector<16xf32>
      %parallel_loop3A_140 = arith.index_cast %parallel_loop3A_37 : i32 to index
      %parallel_loop3A_141 = arith.constant 112 : index
      %parallel_loop3A_142 = tpu.vector_load %arg10[%parallel_loop3A_140, %parallel_loop3A_141] {strides = array<i32>} : memref<96x128xf32, #tpu.memory_space<vmem>>, vector<1x16xf32>,
      %parallel_loop3A_143 = vector.shape_cast %parallel_loop3A_142 : vector<1x16xf32> to vector<16xf32>
      %parallel_loop3A_144 = arith.mulf %parallel_loop3A_139, %parallel_loop3A_143 : vector<16xf32>
      %parallel_loop3A_145 = arith.index_cast %parallel_loop3A_37 : i32 to index
      %parallel_loop3A_146 = arith.constant 112 : index
      %parallel_loop3A_147 = tpu.vector_load %arg9[%parallel_loop3A_145, %parallel_loop3A_146] {strides = array<i32>} : memref<96x128xf32, #tpu.memory_space<vmem>>, vector<1x16xf32>,
      %parallel_loop3A_148 = vector.shape_cast %parallel_loop3A_147 : vector<1x16xf32> to vector<16xf32>
      %parallel_loop3A_149 = vector.shape_cast %parallel_loop3A_144 : vector<16xf32> to vector<1x16xf32>
      tpu.vector_store %arg9[%parallel_loop3A_145, %parallel_loop3A_146], %parallel_loop3A_149 {strides = array<i32>} : memref<96x128xf32, #tpu.memory_space<vmem>>, vector<1x16xf32>,
    } {sc.loop_unroll_factor = 2 : i64, sc.parallel_access}
    "tpu.region"() ({
      %run_scoped3A = tpu.sem_alloc : memref<!tpu.dma_semaphore, #tpu.memory_space<semaphore_mem>>
      %dma_start3A_37 = arith.constant 0 : i32
      %dma_start3A_38 = arith.constant 0 : i32
      %dma_start3A_39 = tpu.memref_slice %arg9[%dma_start3A_37, %dma_start3A_38] : memref<96x128xf32, #tpu.memory_space<vmem>> -> memref<8x128xf32, #tpu.memory_space<vmem>>
      %dma_start3A_40 = arith.constant 0 : i32
      %dma_start3A_41 = arith.constant 0 : i32
      %dma_start3A_42 = tpu.memref_slice %arg17[%dma_start3A_40, %dma_start3A_41] : memref<10000x128xf32, #tpu.memory_space<vmem_shared>> -> memref<10000x128xf32, #tpu.memory_space<vmem_shared>>
      tpu.enqueue_indirect_dma source(%dma_start3A_39 : memref<8x128xf32, #tpu.memory_space<vmem>>) target(%dma_start3A_42 : memref<10000x128xf32, #tpu.memory_space<vmem_shared>>) offsets(%arg16 : memref<8xi32, #tpu.memory_space<vmem>>) semaphore(%run_scoped3A : memref<!tpu.dma_semaphore, #tpu.memory_space<semaphore_mem>>) {add = true}
      %dma_wait3A_43 = arith.constant 0 : i32
      %dma_wait3A_44 = arith.constant 0 : i32
      %dma_wait3A_45 = tpu.memref_slice %arg9[%dma_wait3A_43, %dma_wait3A_44] : memref<96x128xf32, #tpu.memory_space<vmem>> -> memref<8x128xf32, #tpu.memory_space<vmem>>
      %dma_wait3A_46 = arith.constant 0 : i32
      %dma_wait3A_47 = arith.constant 0 : i32
      %dma_wait3A_48 = tpu.memref_slice %arg17[%dma_wait3A_46, %dma_wait3A_47] : memref<10000x128xf32, #tpu.memory_space<vmem_shared>> -> memref<10000x128xf32, #tpu.memory_space<vmem_shared>>
      tpu.wait_indirect_dma semaphore(%run_scoped3A : memref<!tpu.dma_semaphore, #tpu.memory_space<semaphore_mem>>) src(%dma_wait3A_45 : memref<8x128xf32, #tpu.memory_space<vmem>>) dst(%dma_wait3A_48 : memref<10000x128xf32, #tpu.memory_space<vmem_shared>>)
      tpu.yield
    }) : () -> ()
    %barrier3A_31 = arith.constant 0 : index
    tpu.barrier barrier_id(%barrier3A_31)
    %lt3A_32 = arith.constant 10 : i32
    %lt3A_33 = arith.cmpi slt, %arg1, %lt3A_32 : i32
    %convert_element_type3A_34 = arith.extui %lt3A_33 : i1 to i32
    %cond3A_35 = arith.constant 0 : i32
    %cond3A_36 = arith.cmpi ne, %convert_element_type3A_34, %cond3A_35 : i32
    scf.if %cond3A_36 {
      %mul3A_37 = arith.constant 1000 : i32
      %mul3A_38 = arith.muli %arg1, %mul3A_37 : i32
      %mul3A_39 = arith.constant 1000 : i32
      %mul3A_40 = arith.muli %arg1, %mul3A_39 : i32
      "tpu.region"() ({
        %run_scoped3A = tpu.sem_alloc : memref<!tpu.dma_semaphore, #tpu.memory_space<semaphore_mem>>
        %dma_start3A_41 = arith.constant 0 : i32
        %dma_start3A_42 = tpu.memref_slice %arg6[%arg0, %mul3A_40, %dma_start3A_41] : memref<2x10000x128xf32, #tpu.memory_space<hbm>> -> memref<1x1000x128xf32, #tpu.memory_space<hbm>>
        %dma_start3A_43 = tpu.memref_squeeze %dma_start3A_42 : memref<1x1000x128xf32, #tpu.memory_space<hbm>> -> memref<1000x128xf32, #tpu.memory_space<hbm>>
        %dma_start3A_44 = arith.constant 0 : i32
        %dma_start3A_45 = tpu.memref_slice %arg17[%mul3A_38, %dma_start3A_44] : memref<10000x128xf32, #tpu.memory_space<vmem_shared>> -> memref<1000x128xf32, #tpu.memory_space<vmem_shared>>
        tpu.enqueue_dma source(%dma_start3A_45 : memref<1000x128xf32, #tpu.memory_space<vmem_shared>>) target(%dma_start3A_43 : memref<1000x128xf32, #tpu.memory_space<hbm>>) target_semaphore(%run_scoped3A : memref<!tpu.dma_semaphore, #tpu.memory_space<semaphore_mem>>)
        %dma_wait3A_46 = arith.constant 0 : i32
        %dma_wait3A_47 = tpu.memref_slice %arg6[%arg0, %mul3A_40, %dma_wait3A_46] : memref<2x10000x128xf32, #tpu.memory_space<hbm>> -> memref<1x1000x128xf32, #tpu.memory_space<hbm>>
        %dma_wait3A_48 = tpu.memref_squeeze %dma_wait3A_47 : memref<1x1000x128xf32, #tpu.memory_space<hbm>> -> memref<1000x128xf32, #tpu.memory_space<hbm>>
        %dma_wait3A_49 = arith.constant 0 : i32
        %dma_wait3A_50 = tpu.memref_slice %arg17[%mul3A_38, %dma_wait3A_49] : memref<10000x128xf32, #tpu.memory_space<vmem_shared>> -> memref<1000x128xf32, #tpu.memory_space<vmem_shared>>
        tpu.wait_dma2 semaphore(%run_scoped3A : memref<!tpu.dma_semaphore, #tpu.memory_space<semaphore_mem>>) src(%dma_wait3A_50 : memref<1000x128xf32, #tpu.memory_space<vmem_shared>>) dst(%dma_wait3A_48 : memref<1000x128xf32, #tpu.memory_space<hbm>>)
        tpu.yield
      }) : () -> ()
    } else {
    }
    return
  }
}

#map = affine_map<(d0, d1) -> (0, 0)>
#map1 = affine_map<(d0, d1) -> (0)>
#map2 = affine_map<(d0, d1) -> (0, 0, 0)>
module attributes {stable_mosaic.version = 14 : i64} {
  func.func @sc_kernel(%arg0: i32, %arg1: i32, %arg2: memref<10000x128xf32, #tpu.memory_space<hbm>>, %arg3: memref<160000x128xf32, #tpu.memory_space<hbm>>, %arg4: memref<160000xi32, #tpu.memory_space<hbm>>, %arg5: memref<160000xi32, #tpu.memory_space<hbm>>, %arg6: memref<2x10000x128xf32, #tpu.memory_space<hbm>>, %arg7: memref<96xi32, #tpu.memory_space<vmem>>, %arg8: memref<96xi32, #tpu.memory_space<vmem>>, %arg9: memref<96x128xf32, #tpu.memory_space<vmem>>, %arg10: memref<96x128xf32, #tpu.memory_space<vmem>>, %arg11: memref<96xi32, #tpu.memory_space<vmem>>, %arg12: memref<96xi32, #tpu.memory_space<vmem>>, %arg13: memref<96x128xf32, #tpu.memory_space<vmem>>, %arg14: memref<96x128xf32, #tpu.memory_space<vmem>>, %arg15: memref<8xi32, #tpu.memory_space<vmem>>, %arg16: memref<8xi32, #tpu.memory_space<vmem>>, %arg17: memref<10000x128xf32, #tpu.memory_space<vmem_shared>>, %arg18: memref<!tpu.dma_semaphore, #tpu.memory_space<semaphore_mem>>, %arg19: memref<!tpu.dma_semaphore, #tpu.memory_space<semaphore_mem>>, %arg20: memref<!tpu.dma_semaphore, #tpu.memory_space<semaphore_mem>>, %arg21: memref<!tpu.dma_semaphore, #tpu.memory_space<semaphore_mem>>, %arg22: memref<!tpu.dma_semaphore, #tpu.memory_space<semaphore_mem>>, %arg23: memref<!tpu.dma_semaphore, #tpu.memory_space<semaphore_mem>>) attributes {dimension_semantics = [#tpu.dimension_semantics<core_parallel>, #tpu.dimension_semantics<subcore_parallel>], iteration_bounds = array<i64: 2, 16>, scalar_prefetch = 0 : i64, scratch_operands = 17 : i64, tpu.core_type = #tpu.core_type<sc_vector_subcore>, window_params = [{transform_indices = #map}, {transform_indices = #map}, {transform_indices = #map1}, {transform_indices = #map1}, {transform_indices = #map2}]} {
    %mul3A = arith.constant 16 : i32
    %mul3A_0 = arith.muli %arg0, %mul3A : i32
    %add3A = arith.addi %mul3A_0, %arg1 : i32
    %mul3A_1 = arith.constant 5000 : i32
    %mul3A_2 = arith.muli %add3A, %mul3A_1 : i32
    %lt3A = arith.constant 10 : i32
    %lt3A_3 = arith.cmpi slt, %arg1, %lt3A : i32
    %convert_element_type3A = arith.extui %lt3A_3 : i1 to i32
    %cond3A = arith.constant 0 : i32
    %cond3A_4 = arith.cmpi ne, %convert_element_type3A, %cond3A : i32
    scf.if %cond3A_4 {
      %scan3A_37 = arith.constant 0 : i32
      %scan3A_38 = arith.constant 0 : i32
      %scan3A_39 = arith.constant 96 : i32
      %scan3A_40 = arith.addi %scan3A_38, %scan3A_39 : i32
      %scan3A_41 = arith.constant 1 : i32
      scf.for %scan3A_87 = %scan3A_38 to %scan3A_40 step %scan3A_41  : i32 {
        %broadcast_in_dim3A = arith.constant 0.000000e+00 : f32
        %broadcast_in_dim3A_88 = vector.broadcast %broadcast_in_dim3A : f32 to vector<16xf32>
        %swap3A = arith.index_cast %scan3A_87 : i32 to index
        %swap3A_89 = arith.constant 0 : index
        %swap3A_90 = tpu.vector_load %arg9[%swap3A, %swap3A_89] {strides = array<i32>} : memref<96x128xf32, #tpu.memory_space<vmem>>, vector<1x16xf32>,
        %swap3A_91 = vector.shape_cast %swap3A_90 : vector<1x16xf32> to vector<16xf32>
        %swap3A_92 = vector.shape_cast %broadcast_in_dim3A_88 : vector<16xf32> to vector<1x16xf32>
        tpu.vector_store %arg9[%swap3A, %swap3A_89], %swap3A_92 {strides = array<i32>} : memref<96x128xf32, #tpu.memory_space<vmem>>, vector<1x16xf32>,
        %broadcast_in_dim3A_93 = arith.constant 0.000000e+00 : f32
        %broadcast_in_dim3A_94 = vector.broadcast %broadcast_in_dim3A_93 : f32 to vector<16xf32>
        %swap3A_95 = arith.index_cast %scan3A_87 : i32 to index
        %swap3A_96 = arith.constant 16 : index
        %swap3A_97 = tpu.vector_load %arg9[%swap3A_95, %swap3A_96] {strides = array<i32>} : memref<96x128xf32, #tpu.memory_space<vmem>>, vector<1x16xf32>,
        %swap3A_98 = vector.shape_cast %swap3A_97 : vector<1x16xf32> to vector<16xf32>
        %swap3A_99 = vector.shape_cast %broadcast_in_dim3A_94 : vector<16xf32> to vector<1x16xf32>
        tpu.vector_store %arg9[%swap3A_95, %swap3A_96], %swap3A_99 {strides = array<i32>} : memref<96x128xf32, #tpu.memory_space<vmem>>, vector<1x16xf32>,
        %broadcast_in_dim3A_100 = arith.constant 0.000000e+00 : f32
        %broadcast_in_dim3A_101 = vector.broadcast %broadcast_in_dim3A_100 : f32 to vector<16xf32>
        %swap3A_102 = arith.index_cast %scan3A_87 : i32 to index
        %swap3A_103 = arith.constant 32 : index
        %swap3A_104 = tpu.vector_load %arg9[%swap3A_102, %swap3A_103] {strides = array<i32>} : memref<96x128xf32, #tpu.memory_space<vmem>>, vector<1x16xf32>,
        %swap3A_105 = vector.shape_cast %swap3A_104 : vector<1x16xf32> to vector<16xf32>
        %swap3A_106 = vector.shape_cast %broadcast_in_dim3A_101 : vector<16xf32> to vector<1x16xf32>
        tpu.vector_store %arg9[%swap3A_102, %swap3A_103], %swap3A_106 {strides = array<i32>} : memref<96x128xf32, #tpu.memory_space<vmem>>, vector<1x16xf32>,
        %broadcast_in_dim3A_107 = arith.constant 0.000000e+00 : f32
        %broadcast_in_dim3A_108 = vector.broadcast %broadcast_in_dim3A_107 : f32 to vector<16xf32>
        %swap3A_109 = arith.index_cast %scan3A_87 : i32 to index
        %swap3A_110 = arith.constant 48 : index
        %swap3A_111 = tpu.vector_load %arg9[%swap3A_109, %swap3A_110] {strides = array<i32>} : memref<96x128xf32, #tpu.memory_space<vmem>>, vector<1x16xf32>,
        %swap3A_112 = vector.shape_cast %swap3A_111 : vector<1x16xf32> to vector<16xf32>
        %swap3A_113 = vector.shape_cast %broadcast_in_dim3A_108 : vector<16xf32> to vector<1x16xf32>
        tpu.vector_store %arg9[%swap3A_109, %swap3A_110], %swap3A_113 {strides = array<i32>} : memref<96x128xf32, #tpu.memory_space<vmem>>, vector<1x16xf32>,
        %broadcast_in_dim3A_114 = arith.constant 0.000000e+00 : f32
        %broadcast_in_dim3A_115 = vector.broadcast %broadcast_in_dim3A_114 : f32 to vector<16xf32>
        %swap3A_116 = arith.index_cast %scan3A_87 : i32 to index
        %swap3A_117 = arith.constant 64 : index
        %swap3A_118 = tpu.vector_load %arg9[%swap3A_116, %swap3A_117] {strides = array<i32>} : memref<96x128xf32, #tpu.memory_space<vmem>>, vector<1x16xf32>,
        %swap3A_119 = vector.shape_cast %swap3A_118 : vector<1x16xf32> to vector<16xf32>
        %swap3A_120 = vector.shape_cast %broadcast_in_dim3A_115 : vector<16xf32> to vector<1x16xf32>
        tpu.vector_store %arg9[%swap3A_116, %swap3A_117], %swap3A_120 {strides = array<i32>} : memref<96x128xf32, #tpu.memory_space<vmem>>, vector<1x16xf32>,
        %broadcast_in_dim3A_121 = arith.constant 0.000000e+00 : f32
        %broadcast_in_dim3A_122 = vector.broadcast %broadcast_in_dim3A_121 : f32 to vector<16xf32>
        %swap3A_123 = arith.index_cast %scan3A_87 : i32 to index
        %swap3A_124 = arith.constant 80 : index
        %swap3A_125 = tpu.vector_load %arg9[%swap3A_123, %swap3A_124] {strides = array<i32>} : memref<96x128xf32, #tpu.memory_space<vmem>>, vector<1x16xf32>,
        %swap3A_126 = vector.shape_cast %swap3A_125 : vector<1x16xf32> to vector<16xf32>
        %swap3A_127 = vector.shape_cast %broadcast_in_dim3A_122 : vector<16xf32> to vector<1x16xf32>
        tpu.vector_store %arg9[%swap3A_123, %swap3A_124], %swap3A_127 {strides = array<i32>} : memref<96x128xf32, #tpu.memory_space<vmem>>, vector<1x16xf32>,
        %broadcast_in_dim3A_128 = arith.constant 0.000000e+00 : f32
        %broadcast_in_dim3A_129 = vector.broadcast %broadcast_in_dim3A_128 : f32 to vector<16xf32>
        %swap3A_130 = arith.index_cast %scan3A_87 : i32 to index
        %swap3A_131 = arith.constant 96 : index
        %swap3A_132 = tpu.vector_load %arg9[%swap3A_130, %swap3A_131] {strides = array<i32>} : memref<96x128xf32, #tpu.memory_space<vmem>>, vector<1x16xf32>,
        %swap3A_133 = vector.shape_cast %swap3A_132 : vector<1x16xf32> to vector<16xf32>
        %swap3A_134 = vector.shape_cast %broadcast_in_dim3A_129 : vector<16xf32> to vector<1x16xf32>
        tpu.vector_store %arg9[%swap3A_130, %swap3A_131], %swap3A_134 {strides = array<i32>} : memref<96x128xf32, #tpu.memory_space<vmem>>, vector<1x16xf32>,
        %broadcast_in_dim3A_135 = arith.constant 0.000000e+00 : f32
        %broadcast_in_dim3A_136 = vector.broadcast %broadcast_in_dim3A_135 : f32 to vector<16xf32>
        %swap3A_137 = arith.index_cast %scan3A_87 : i32 to index
        %swap3A_138 = arith.constant 112 : index
        %swap3A_139 = tpu.vector_load %arg9[%swap3A_137, %swap3A_138] {strides = array<i32>} : memref<96x128xf32, #tpu.memory_space<vmem>>, vector<1x16xf32>,
        %swap3A_140 = vector.shape_cast %swap3A_139 : vector<1x16xf32> to vector<16xf32>
        %swap3A_141 = vector.shape_cast %broadcast_in_dim3A_136 : vector<16xf32> to vector<1x16xf32>
        tpu.vector_store %arg9[%swap3A_137, %swap3A_138], %swap3A_141 {strides = array<i32>} : memref<96x128xf32, #tpu.memory_space<vmem>>, vector<1x16xf32>,
      }
      %scan3A_42 = arith.constant 96 : i32
      %mul3A_43 = arith.constant 1000 : i32
      %mul3A_44 = arith.muli %arg1, %mul3A_43 : i32
      %add3A_45 = arith.constant 0 : i32
      %add3A_46 = arith.addi %mul3A_44, %add3A_45 : i32
      "tpu.region"() ({
        %run_scoped3A = tpu.sem_alloc : memref<!tpu.dma_semaphore, #tpu.memory_space<semaphore_mem>>
        %dma_start3A_87 = arith.constant 0 : i32
        %dma_start3A_88 = arith.constant 0 : i32
        %dma_start3A_89 = tpu.memref_slice %arg9[%dma_start3A_87, %dma_start3A_88] : memref<96x128xf32, #tpu.memory_space<vmem>> -> memref<96x128xf32, #tpu.memory_space<vmem>>
        %dma_start3A_90 = arith.constant 0 : i32
        %dma_start3A_91 = tpu.memref_slice %arg17[%add3A_46, %dma_start3A_90] : memref<10000x128xf32, #tpu.memory_space<vmem_shared>> -> memref<96x128xf32, #tpu.memory_space<vmem_shared>>
        %dma_start3A_92 = arith.constant 0 : i32
        %dma_start3A_93 = tpu.memref_slice %arg17[%add3A_46, %dma_start3A_92] : memref<10000x128xf32, #tpu.memory_space<vmem_shared>> -> memref<96x128xf32, #tpu.memory_space<vmem_shared>>
        %dma_start3A_94 = arith.constant 0 : i32
        %dma_start3A_95 = arith.constant 0 : i32
        %dma_start3A_96 = tpu.memref_slice %arg9[%dma_start3A_94, %dma_start3A_95] : memref<96x128xf32, #tpu.memory_space<vmem>> -> memref<96x128xf32, #tpu.memory_space<vmem>>
        tpu.enqueue_dma source(%dma_start3A_96 : memref<96x128xf32, #tpu.memory_space<vmem>>) target(%dma_start3A_93 : memref<96x128xf32, #tpu.memory_space<vmem_shared>>) target_semaphore(%run_scoped3A : memref<!tpu.dma_semaphore, #tpu.memory_space<semaphore_mem>>)
        %dma_wait3A_97 = arith.constant 0 : i32
        %dma_wait3A_98 = arith.constant 0 : i32
        %dma_wait3A_99 = tpu.memref_slice %arg9[%dma_wait3A_97, %dma_wait3A_98] : memref<96x128xf32, #tpu.memory_space<vmem>> -> memref<96x128xf32, #tpu.memory_space<vmem>>
        %dma_wait3A_100 = arith.constant 0 : i32
        %dma_wait3A_101 = tpu.memref_slice %arg17[%add3A_46, %dma_wait3A_100] : memref<10000x128xf32, #tpu.memory_space<vmem_shared>> -> memref<96x128xf32, #tpu.memory_space<vmem_shared>>
        %dma_wait3A_102 = arith.constant 0 : i32
        %dma_wait3A_103 = tpu.memref_slice %arg17[%add3A_46, %dma_wait3A_102] : memref<10000x128xf32, #tpu.memory_space<vmem_shared>> -> memref<96x128xf32, #tpu.memory_space<vmem_shared>>
        %dma_wait3A_104 = arith.constant 0 : i32
        %dma_wait3A_105 = arith.constant 0 : i32
        %dma_wait3A_106 = tpu.memref_slice %arg9[%dma_wait3A_104, %dma_wait3A_105] : memref<96x128xf32, #tpu.memory_space<vmem>> -> memref<96x128xf32, #tpu.memory_space<vmem>>
        tpu.wait_dma2 semaphore(%run_scoped3A : memref<!tpu.dma_semaphore, #tpu.memory_space<semaphore_mem>>) src(%dma_wait3A_106 : memref<96x128xf32, #tpu.memory_space<vmem>>) dst(%dma_wait3A_103 : memref<96x128xf32, #tpu.memory_space<vmem_shared>>)
        tpu.yield
      }) : () -> ()
      %mul3A_47 = arith.constant 1000 : i32
      %mul3A_48 = arith.muli %arg1, %mul3A_47 : i32
      %add3A_49 = arith.constant 96 : i32
      %add3A_50 = arith.addi %mul3A_48, %add3A_49 : i32
      "tpu.region"() ({
        %run_scoped3A = tpu.sem_alloc : memref<!tpu.dma_semaphore, #tpu.memory_space<semaphore_mem>>
        %dma_start3A_87 = arith.constant 0 : i32
        %dma_start3A_88 = arith.constant 0 : i32
        %dma_start3A_89 = tpu.memref_slice %arg9[%dma_start3A_87, %dma_start3A_88] : memref<96x128xf32, #tpu.memory_space<vmem>> -> memref<96x128xf32, #tpu.memory_space<vmem>>
        %dma_start3A_90 = arith.constant 0 : i32
        %dma_start3A_91 = tpu.memref_slice %arg17[%add3A_50, %dma_start3A_90] : memref<10000x128xf32, #tpu.memory_space<vmem_shared>> -> memref<96x128xf32, #tpu.memory_space<vmem_shared>>
        %dma_start3A_92 = arith.constant 0 : i32
        %dma_start3A_93 = tpu.memref_slice %arg17[%add3A_50, %dma_start3A_92] : memref<10000x128xf32, #tpu.memory_space<vmem_shared>> -> memref<96x128xf32, #tpu.memory_space<vmem_shared>>
        %dma_start3A_94 = arith.constant 0 : i32
        %dma_start3A_95 = arith.constant 0 : i32
        %dma_start3A_96 = tpu.memref_slice %arg9[%dma_start3A_94, %dma_start3A_95] : memref<96x128xf32, #tpu.memory_space<vmem>> -> memref<96x128xf32, #tpu.memory_space<vmem>>
        tpu.enqueue_dma source(%dma_start3A_96 : memref<96x128xf32, #tpu.memory_space<vmem>>) target(%dma_start3A_93 : memref<96x128xf32, #tpu.memory_space<vmem_shared>>) target_semaphore(%run_scoped3A : memref<!tpu.dma_semaphore, #tpu.memory_space<semaphore_mem>>)
        %dma_wait3A_97 = arith.constant 0 : i32
        %dma_wait3A_98 = arith.constant 0 : i32
        %dma_wait3A_99 = tpu.memref_slice %arg9[%dma_wait3A_97, %dma_wait3A_98] : memref<96x128xf32, #tpu.memory_space<vmem>> -> memref<96x128xf32, #tpu.memory_space<vmem>>
        %dma_wait3A_100 = arith.constant 0 : i32
        %dma_wait3A_101 = tpu.memref_slice %arg17[%add3A_50, %dma_wait3A_100] : memref<10000x128xf32, #tpu.memory_space<vmem_shared>> -> memref<96x128xf32, #tpu.memory_space<vmem_shared>>
        %dma_wait3A_102 = arith.constant 0 : i32
        %dma_wait3A_103 = tpu.memref_slice %arg17[%add3A_50, %dma_wait3A_102] : memref<10000x128xf32, #tpu.memory_space<vmem_shared>> -> memref<96x128xf32, #tpu.memory_space<vmem_shared>>
        %dma_wait3A_104 = arith.constant 0 : i32
        %dma_wait3A_105 = arith.constant 0 : i32
        %dma_wait3A_106 = tpu.memref_slice %arg9[%dma_wait3A_104, %dma_wait3A_105] : memref<96x128xf32, #tpu.memory_space<vmem>> -> memref<96x128xf32, #tpu.memory_space<vmem>>
        tpu.wait_dma2 semaphore(%run_scoped3A : memref<!tpu.dma_semaphore, #tpu.memory_space<semaphore_mem>>) src(%dma_wait3A_106 : memref<96x128xf32, #tpu.memory_space<vmem>>) dst(%dma_wait3A_103 : memref<96x128xf32, #tpu.memory_space<vmem_shared>>)
        tpu.yield
      }) : () -> ()
      %mul3A_51 = arith.constant 1000 : i32
      %mul3A_52 = arith.muli %arg1, %mul3A_51 : i32
      %add3A_53 = arith.constant 192 : i32
      %add3A_54 = arith.addi %mul3A_52, %add3A_53 : i32
      "tpu.region"() ({
        %run_scoped3A = tpu.sem_alloc : memref<!tpu.dma_semaphore, #tpu.memory_space<semaphore_mem>>
        %dma_start3A_87 = arith.constant 0 : i32
        %dma_start3A_88 = arith.constant 0 : i32
        %dma_start3A_89 = tpu.memref_slice %arg9[%dma_start3A_87, %dma_start3A_88] : memref<96x128xf32, #tpu.memory_space<vmem>> -> memref<96x128xf32, #tpu.memory_space<vmem>>
        %dma_start3A_90 = arith.constant 0 : i32
        %dma_start3A_91 = tpu.memref_slice %arg17[%add3A_54, %dma_start3A_90] : memref<10000x128xf32, #tpu.memory_space<vmem_shared>> -> memref<96x128xf32, #tpu.memory_space<vmem_shared>>
        %dma_start3A_92 = arith.constant 0 : i32
        %dma_start3A_93 = tpu.memref_slice %arg17[%add3A_54, %dma_start3A_92] : memref<10000x128xf32, #tpu.memory_space<vmem_shared>> -> memref<96x128xf32, #tpu.memory_space<vmem_shared>>
        %dma_start3A_94 = arith.constant 0 : i32
        %dma_start3A_95 = arith.constant 0 : i32
        %dma_start3A_96 = tpu.memref_slice %arg9[%dma_start3A_94, %dma_start3A_95] : memref<96x128xf32, #tpu.memory_space<vmem>> -> memref<96x128xf32, #tpu.memory_space<vmem>>
        tpu.enqueue_dma source(%dma_start3A_96 : memref<96x128xf32, #tpu.memory_space<vmem>>) target(%dma_start3A_93 : memref<96x128xf32, #tpu.memory_space<vmem_shared>>) target_semaphore(%run_scoped3A : memref<!tpu.dma_semaphore, #tpu.memory_space<semaphore_mem>>)
        %dma_wait3A_97 = arith.constant 0 : i32
        %dma_wait3A_98 = arith.constant 0 : i32
        %dma_wait3A_99 = tpu.memref_slice %arg9[%dma_wait3A_97, %dma_wait3A_98] : memref<96x128xf32, #tpu.memory_space<vmem>> -> memref<96x128xf32, #tpu.memory_space<vmem>>
        %dma_wait3A_100 = arith.constant 0 : i32
        %dma_wait3A_101 = tpu.memref_slice %arg17[%add3A_54, %dma_wait3A_100] : memref<10000x128xf32, #tpu.memory_space<vmem_shared>> -> memref<96x128xf32, #tpu.memory_space<vmem_shared>>
        %dma_wait3A_102 = arith.constant 0 : i32
        %dma_wait3A_103 = tpu.memref_slice %arg17[%add3A_54, %dma_wait3A_102] : memref<10000x128xf32, #tpu.memory_space<vmem_shared>> -> memref<96x128xf32, #tpu.memory_space<vmem_shared>>
        %dma_wait3A_104 = arith.constant 0 : i32
        %dma_wait3A_105 = arith.constant 0 : i32
        %dma_wait3A_106 = tpu.memref_slice %arg9[%dma_wait3A_104, %dma_wait3A_105] : memref<96x128xf32, #tpu.memory_space<vmem>> -> memref<96x128xf32, #tpu.memory_space<vmem>>
        tpu.wait_dma2 semaphore(%run_scoped3A : memref<!tpu.dma_semaphore, #tpu.memory_space<semaphore_mem>>) src(%dma_wait3A_106 : memref<96x128xf32, #tpu.memory_space<vmem>>) dst(%dma_wait3A_103 : memref<96x128xf32, #tpu.memory_space<vmem_shared>>)
        tpu.yield
      }) : () -> ()
      %mul3A_55 = arith.constant 1000 : i32
      %mul3A_56 = arith.muli %arg1, %mul3A_55 : i32
      %add3A_57 = arith.constant 288 : i32
      %add3A_58 = arith.addi %mul3A_56, %add3A_57 : i32
      "tpu.region"() ({
        %run_scoped3A = tpu.sem_alloc : memref<!tpu.dma_semaphore, #tpu.memory_space<semaphore_mem>>
        %dma_start3A_87 = arith.constant 0 : i32
        %dma_start3A_88 = arith.constant 0 : i32
        %dma_start3A_89 = tpu.memref_slice %arg9[%dma_start3A_87, %dma_start3A_88] : memref<96x128xf32, #tpu.memory_space<vmem>> -> memref<96x128xf32, #tpu.memory_space<vmem>>
        %dma_start3A_90 = arith.constant 0 : i32
        %dma_start3A_91 = tpu.memref_slice %arg17[%add3A_58, %dma_start3A_90] : memref<10000x128xf32, #tpu.memory_space<vmem_shared>> -> memref<96x128xf32, #tpu.memory_space<vmem_shared>>
        %dma_start3A_92 = arith.constant 0 : i32
        %dma_start3A_93 = tpu.memref_slice %arg17[%add3A_58, %dma_start3A_92] : memref<10000x128xf32, #tpu.memory_space<vmem_shared>> -> memref<96x128xf32, #tpu.memory_space<vmem_shared>>
        %dma_start3A_94 = arith.constant 0 : i32
        %dma_start3A_95 = arith.constant 0 : i32
        %dma_start3A_96 = tpu.memref_slice %arg9[%dma_start3A_94, %dma_start3A_95] : memref<96x128xf32, #tpu.memory_space<vmem>> -> memref<96x128xf32, #tpu.memory_space<vmem>>
        tpu.enqueue_dma source(%dma_start3A_96 : memref<96x128xf32, #tpu.memory_space<vmem>>) target(%dma_start3A_93 : memref<96x128xf32, #tpu.memory_space<vmem_shared>>) target_semaphore(%run_scoped3A : memref<!tpu.dma_semaphore, #tpu.memory_space<semaphore_mem>>)
        %dma_wait3A_97 = arith.constant 0 : i32
        %dma_wait3A_98 = arith.constant 0 : i32
        %dma_wait3A_99 = tpu.memref_slice %arg9[%dma_wait3A_97, %dma_wait3A_98] : memref<96x128xf32, #tpu.memory_space<vmem>> -> memref<96x128xf32, #tpu.memory_space<vmem>>
        %dma_wait3A_100 = arith.constant 0 : i32
        %dma_wait3A_101 = tpu.memref_slice %arg17[%add3A_58, %dma_wait3A_100] : memref<10000x128xf32, #tpu.memory_space<vmem_shared>> -> memref<96x128xf32, #tpu.memory_space<vmem_shared>>
        %dma_wait3A_102 = arith.constant 0 : i32
        %dma_wait3A_103 = tpu.memref_slice %arg17[%add3A_58, %dma_wait3A_102] : memref<10000x128xf32, #tpu.memory_space<vmem_shared>> -> memref<96x128xf32, #tpu.memory_space<vmem_shared>>
        %dma_wait3A_104 = arith.constant 0 : i32
        %dma_wait3A_105 = arith.constant 0 : i32
        %dma_wait3A_106 = tpu.memref_slice %arg9[%dma_wait3A_104, %dma_wait3A_105] : memref<96x128xf32, #tpu.memory_space<vmem>> -> memref<96x128xf32, #tpu.memory_space<vmem>>
        tpu.wait_dma2 semaphore(%run_scoped3A : memref<!tpu.dma_semaphore, #tpu.memory_space<semaphore_mem>>) src(%dma_wait3A_106 : memref<96x128xf32, #tpu.memory_space<vmem>>) dst(%dma_wait3A_103 : memref<96x128xf32, #tpu.memory_space<vmem_shared>>)
        tpu.yield
      }) : () -> ()
      %mul3A_59 = arith.constant 1000 : i32
      %mul3A_60 = arith.muli %arg1, %mul3A_59 : i32
      %add3A_61 = arith.constant 384 : i32
      %add3A_62 = arith.addi %mul3A_60, %add3A_61 : i32
      "tpu.region"() ({
        %run_scoped3A = tpu.sem_alloc : memref<!tpu.dma_semaphore, #tpu.memory_space<semaphore_mem>>
        %dma_start3A_87 = arith.constant 0 : i32
        %dma_start3A_88 = arith.constant 0 : i32
        %dma_start3A_89 = tpu.memref_slice %arg9[%dma_start3A_87, %dma_start3A_88] : memref<96x128xf32, #tpu.memory_space<vmem>> -> memref<96x128xf32, #tpu.memory_space<vmem>>
        %dma_start3A_90 = arith.constant 0 : i32
        %dma_start3A_91 = tpu.memref_slice %arg17[%add3A_62, %dma_start3A_90] : memref<10000x128xf32, #tpu.memory_space<vmem_shared>> -> memref<96x128xf32, #tpu.memory_space<vmem_shared>>
        %dma_start3A_92 = arith.constant 0 : i32
        %dma_start3A_93 = tpu.memref_slice %arg17[%add3A_62, %dma_start3A_92] : memref<10000x128xf32, #tpu.memory_space<vmem_shared>> -> memref<96x128xf32, #tpu.memory_space<vmem_shared>>
        %dma_start3A_94 = arith.constant 0 : i32
        %dma_start3A_95 = arith.constant 0 : i32
        %dma_start3A_96 = tpu.memref_slice %arg9[%dma_start3A_94, %dma_start3A_95] : memref<96x128xf32, #tpu.memory_space<vmem>> -> memref<96x128xf32, #tpu.memory_space<vmem>>
        tpu.enqueue_dma source(%dma_start3A_96 : memref<96x128xf32, #tpu.memory_space<vmem>>) target(%dma_start3A_93 : memref<96x128xf32, #tpu.memory_space<vmem_shared>>) target_semaphore(%run_scoped3A : memref<!tpu.dma_semaphore, #tpu.memory_space<semaphore_mem>>)
        %dma_wait3A_97 = arith.constant 0 : i32
        %dma_wait3A_98 = arith.constant 0 : i32
        %dma_wait3A_99 = tpu.memref_slice %arg9[%dma_wait3A_97, %dma_wait3A_98] : memref<96x128xf32, #tpu.memory_space<vmem>> -> memref<96x128xf32, #tpu.memory_space<vmem>>
        %dma_wait3A_100 = arith.constant 0 : i32
        %dma_wait3A_101 = tpu.memref_slice %arg17[%add3A_62, %dma_wait3A_100] : memref<10000x128xf32, #tpu.memory_space<vmem_shared>> -> memref<96x128xf32, #tpu.memory_space<vmem_shared>>
        %dma_wait3A_102 = arith.constant 0 : i32
        %dma_wait3A_103 = tpu.memref_slice %arg17[%add3A_62, %dma_wait3A_102] : memref<10000x128xf32, #tpu.memory_space<vmem_shared>> -> memref<96x128xf32, #tpu.memory_space<vmem_shared>>
        %dma_wait3A_104 = arith.constant 0 : i32
        %dma_wait3A_105 = arith.constant 0 : i32
        %dma_wait3A_106 = tpu.memref_slice %arg9[%dma_wait3A_104, %dma_wait3A_105] : memref<96x128xf32, #tpu.memory_space<vmem>> -> memref<96x128xf32, #tpu.memory_space<vmem>>
        tpu.wait_dma2 semaphore(%run_scoped3A : memref<!tpu.dma_semaphore, #tpu.memory_space<semaphore_mem>>) src(%dma_wait3A_106 : memref<96x128xf32, #tpu.memory_space<vmem>>) dst(%dma_wait3A_103 : memref<96x128xf32, #tpu.memory_space<vmem_shared>>)
        tpu.yield
      }) : () -> ()
      %mul3A_63 = arith.constant 1000 : i32
      %mul3A_64 = arith.muli %arg1, %mul3A_63 : i32
      %add3A_65 = arith.constant 480 : i32
      %add3A_66 = arith.addi %mul3A_64, %add3A_65 : i32
      "tpu.region"() ({
        %run_scoped3A = tpu.sem_alloc : memref<!tpu.dma_semaphore, #tpu.memory_space<semaphore_mem>>
        %dma_start3A_87 = arith.constant 0 : i32
        %dma_start3A_88 = arith.constant 0 : i32
        %dma_start3A_89 = tpu.memref_slice %arg9[%dma_start3A_87, %dma_start3A_88] : memref<96x128xf32, #tpu.memory_space<vmem>> -> memref<96x128xf32, #tpu.memory_space<vmem>>
        %dma_start3A_90 = arith.constant 0 : i32
        %dma_start3A_91 = tpu.memref_slice %arg17[%add3A_66, %dma_start3A_90] : memref<10000x128xf32, #tpu.memory_space<vmem_shared>> -> memref<96x128xf32, #tpu.memory_space<vmem_shared>>
        %dma_start3A_92 = arith.constant 0 : i32
        %dma_start3A_93 = tpu.memref_slice %arg17[%add3A_66, %dma_start3A_92] : memref<10000x128xf32, #tpu.memory_space<vmem_shared>> -> memref<96x128xf32, #tpu.memory_space<vmem_shared>>
        %dma_start3A_94 = arith.constant 0 : i32
        %dma_start3A_95 = arith.constant 0 : i32
        %dma_start3A_96 = tpu.memref_slice %arg9[%dma_start3A_94, %dma_start3A_95] : memref<96x128xf32, #tpu.memory_space<vmem>> -> memref<96x128xf32, #tpu.memory_space<vmem>>
        tpu.enqueue_dma source(%dma_start3A_96 : memref<96x128xf32, #tpu.memory_space<vmem>>) target(%dma_start3A_93 : memref<96x128xf32, #tpu.memory_space<vmem_shared>>) target_semaphore(%run_scoped3A : memref<!tpu.dma_semaphore, #tpu.memory_space<semaphore_mem>>)
        %dma_wait3A_97 = arith.constant 0 : i32
        %dma_wait3A_98 = arith.constant 0 : i32
        %dma_wait3A_99 = tpu.memref_slice %arg9[%dma_wait3A_97, %dma_wait3A_98] : memref<96x128xf32, #tpu.memory_space<vmem>> -> memref<96x128xf32, #tpu.memory_space<vmem>>
        %dma_wait3A_100 = arith.constant 0 : i32
        %dma_wait3A_101 = tpu.memref_slice %arg17[%add3A_66, %dma_wait3A_100] : memref<10000x128xf32, #tpu.memory_space<vmem_shared>> -> memref<96x128xf32, #tpu.memory_space<vmem_shared>>
        %dma_wait3A_102 = arith.constant 0 : i32
        %dma_wait3A_103 = tpu.memref_slice %arg17[%add3A_66, %dma_wait3A_102] : memref<10000x128xf32, #tpu.memory_space<vmem_shared>> -> memref<96x128xf32, #tpu.memory_space<vmem_shared>>
        %dma_wait3A_104 = arith.constant 0 : i32
        %dma_wait3A_105 = arith.constant 0 : i32
        %dma_wait3A_106 = tpu.memref_slice %arg9[%dma_wait3A_104, %dma_wait3A_105] : memref<96x128xf32, #tpu.memory_space<vmem>> -> memref<96x128xf32, #tpu.memory_space<vmem>>
        tpu.wait_dma2 semaphore(%run_scoped3A : memref<!tpu.dma_semaphore, #tpu.memory_space<semaphore_mem>>) src(%dma_wait3A_106 : memref<96x128xf32, #tpu.memory_space<vmem>>) dst(%dma_wait3A_103 : memref<96x128xf32, #tpu.memory_space<vmem_shared>>)
        tpu.yield
      }) : () -> ()
      %mul3A_67 = arith.constant 1000 : i32
      %mul3A_68 = arith.muli %arg1, %mul3A_67 : i32
      %add3A_69 = arith.constant 576 : i32
      %add3A_70 = arith.addi %mul3A_68, %add3A_69 : i32
      "tpu.region"() ({
        %run_scoped3A = tpu.sem_alloc : memref<!tpu.dma_semaphore, #tpu.memory_space<semaphore_mem>>
        %dma_start3A_87 = arith.constant 0 : i32
        %dma_start3A_88 = arith.constant 0 : i32
        %dma_start3A_89 = tpu.memref_slice %arg9[%dma_start3A_87, %dma_start3A_88] : memref<96x128xf32, #tpu.memory_space<vmem>> -> memref<96x128xf32, #tpu.memory_space<vmem>>
        %dma_start3A_90 = arith.constant 0 : i32
        %dma_start3A_91 = tpu.memref_slice %arg17[%add3A_70, %dma_start3A_90] : memref<10000x128xf32, #tpu.memory_space<vmem_shared>> -> memref<96x128xf32, #tpu.memory_space<vmem_shared>>
        %dma_start3A_92 = arith.constant 0 : i32
        %dma_start3A_93 = tpu.memref_slice %arg17[%add3A_70, %dma_start3A_92] : memref<10000x128xf32, #tpu.memory_space<vmem_shared>> -> memref<96x128xf32, #tpu.memory_space<vmem_shared>>
        %dma_start3A_94 = arith.constant 0 : i32
        %dma_start3A_95 = arith.constant 0 : i32
        %dma_start3A_96 = tpu.memref_slice %arg9[%dma_start3A_94, %dma_start3A_95] : memref<96x128xf32, #tpu.memory_space<vmem>> -> memref<96x128xf32, #tpu.memory_space<vmem>>
        tpu.enqueue_dma source(%dma_start3A_96 : memref<96x128xf32, #tpu.memory_space<vmem>>) target(%dma_start3A_93 : memref<96x128xf32, #tpu.memory_space<vmem_shared>>) target_semaphore(%run_scoped3A : memref<!tpu.dma_semaphore, #tpu.memory_space<semaphore_mem>>)
        %dma_wait3A_97 = arith.constant 0 : i32
        %dma_wait3A_98 = arith.constant 0 : i32
        %dma_wait3A_99 = tpu.memref_slice %arg9[%dma_wait3A_97, %dma_wait3A_98] : memref<96x128xf32, #tpu.memory_space<vmem>> -> memref<96x128xf32, #tpu.memory_space<vmem>>
        %dma_wait3A_100 = arith.constant 0 : i32
        %dma_wait3A_101 = tpu.memref_slice %arg17[%add3A_70, %dma_wait3A_100] : memref<10000x128xf32, #tpu.memory_space<vmem_shared>> -> memref<96x128xf32, #tpu.memory_space<vmem_shared>>
        %dma_wait3A_102 = arith.constant 0 : i32
        %dma_wait3A_103 = tpu.memref_slice %arg17[%add3A_70, %dma_wait3A_102] : memref<10000x128xf32, #tpu.memory_space<vmem_shared>> -> memref<96x128xf32, #tpu.memory_space<vmem_shared>>
        %dma_wait3A_104 = arith.constant 0 : i32
        %dma_wait3A_105 = arith.constant 0 : i32
        %dma_wait3A_106 = tpu.memref_slice %arg9[%dma_wait3A_104, %dma_wait3A_105] : memref<96x128xf32, #tpu.memory_space<vmem>> -> memref<96x128xf32, #tpu.memory_space<vmem>>
        tpu.wait_dma2 semaphore(%run_scoped3A : memref<!tpu.dma_semaphore, #tpu.memory_space<semaphore_mem>>) src(%dma_wait3A_106 : memref<96x128xf32, #tpu.memory_space<vmem>>) dst(%dma_wait3A_103 : memref<96x128xf32, #tpu.memory_space<vmem_shared>>)
        tpu.yield
      }) : () -> ()
      %mul3A_71 = arith.constant 1000 : i32
      %mul3A_72 = arith.muli %arg1, %mul3A_71 : i32
      %add3A_73 = arith.constant 672 : i32
      %add3A_74 = arith.addi %mul3A_72, %add3A_73 : i32
      "tpu.region"() ({
        %run_scoped3A = tpu.sem_alloc : memref<!tpu.dma_semaphore, #tpu.memory_space<semaphore_mem>>
        %dma_start3A_87 = arith.constant 0 : i32
        %dma_start3A_88 = arith.constant 0 : i32
        %dma_start3A_89 = tpu.memref_slice %arg9[%dma_start3A_87, %dma_start3A_88] : memref<96x128xf32, #tpu.memory_space<vmem>> -> memref<96x128xf32, #tpu.memory_space<vmem>>
        %dma_start3A_90 = arith.constant 0 : i32
        %dma_start3A_91 = tpu.memref_slice %arg17[%add3A_74, %dma_start3A_90] : memref<10000x128xf32, #tpu.memory_space<vmem_shared>> -> memref<96x128xf32, #tpu.memory_space<vmem_shared>>
        %dma_start3A_92 = arith.constant 0 : i32
        %dma_start3A_93 = tpu.memref_slice %arg17[%add3A_74, %dma_start3A_92] : memref<10000x128xf32, #tpu.memory_space<vmem_shared>> -> memref<96x128xf32, #tpu.memory_space<vmem_shared>>
        %dma_start3A_94 = arith.constant 0 : i32
        %dma_start3A_95 = arith.constant 0 : i32
        %dma_start3A_96 = tpu.memref_slice %arg9[%dma_start3A_94, %dma_start3A_95] : memref<96x128xf32, #tpu.memory_space<vmem>> -> memref<96x128xf32, #tpu.memory_space<vmem>>
        tpu.enqueue_dma source(%dma_start3A_96 : memref<96x128xf32, #tpu.memory_space<vmem>>) target(%dma_start3A_93 : memref<96x128xf32, #tpu.memory_space<vmem_shared>>) target_semaphore(%run_scoped3A : memref<!tpu.dma_semaphore, #tpu.memory_space<semaphore_mem>>)
        %dma_wait3A_97 = arith.constant 0 : i32
        %dma_wait3A_98 = arith.constant 0 : i32
        %dma_wait3A_99 = tpu.memref_slice %arg9[%dma_wait3A_97, %dma_wait3A_98] : memref<96x128xf32, #tpu.memory_space<vmem>> -> memref<96x128xf32, #tpu.memory_space<vmem>>
        %dma_wait3A_100 = arith.constant 0 : i32
        %dma_wait3A_101 = tpu.memref_slice %arg17[%add3A_74, %dma_wait3A_100] : memref<10000x128xf32, #tpu.memory_space<vmem_shared>> -> memref<96x128xf32, #tpu.memory_space<vmem_shared>>
        %dma_wait3A_102 = arith.constant 0 : i32
        %dma_wait3A_103 = tpu.memref_slice %arg17[%add3A_74, %dma_wait3A_102] : memref<10000x128xf32, #tpu.memory_space<vmem_shared>> -> memref<96x128xf32, #tpu.memory_space<vmem_shared>>
        %dma_wait3A_104 = arith.constant 0 : i32
        %dma_wait3A_105 = arith.constant 0 : i32
        %dma_wait3A_106 = tpu.memref_slice %arg9[%dma_wait3A_104, %dma_wait3A_105] : memref<96x128xf32, #tpu.memory_space<vmem>> -> memref<96x128xf32, #tpu.memory_space<vmem>>
        tpu.wait_dma2 semaphore(%run_scoped3A : memref<!tpu.dma_semaphore, #tpu.memory_space<semaphore_mem>>) src(%dma_wait3A_106 : memref<96x128xf32, #tpu.memory_space<vmem>>) dst(%dma_wait3A_103 : memref<96x128xf32, #tpu.memory_space<vmem_shared>>)
        tpu.yield
      }) : () -> ()
      %mul3A_75 = arith.constant 1000 : i32
      %mul3A_76 = arith.muli %arg1, %mul3A_75 : i32
      %add3A_77 = arith.constant 768 : i32
      %add3A_78 = arith.addi %mul3A_76, %add3A_77 : i32
      "tpu.region"() ({
        %run_scoped3A = tpu.sem_alloc : memref<!tpu.dma_semaphore, #tpu.memory_space<semaphore_mem>>
        %dma_start3A_87 = arith.constant 0 : i32
        %dma_start3A_88 = arith.constant 0 : i32
        %dma_start3A_89 = tpu.memref_slice %arg9[%dma_start3A_87, %dma_start3A_88] : memref<96x128xf32, #tpu.memory_space<vmem>> -> memref<96x128xf32, #tpu.memory_space<vmem>>
        %dma_start3A_90 = arith.constant 0 : i32
        %dma_start3A_91 = tpu.memref_slice %arg17[%add3A_78, %dma_start3A_90] : memref<10000x128xf32, #tpu.memory_space<vmem_shared>> -> memref<96x128xf32, #tpu.memory_space<vmem_shared>>
        %dma_start3A_92 = arith.constant 0 : i32
        %dma_start3A_93 = tpu.memref_slice %arg17[%add3A_78, %dma_start3A_92] : memref<10000x128xf32, #tpu.memory_space<vmem_shared>> -> memref<96x128xf32, #tpu.memory_space<vmem_shared>>
        %dma_start3A_94 = arith.constant 0 : i32
        %dma_start3A_95 = arith.constant 0 : i32
        %dma_start3A_96 = tpu.memref_slice %arg9[%dma_start3A_94, %dma_start3A_95] : memref<96x128xf32, #tpu.memory_space<vmem>> -> memref<96x128xf32, #tpu.memory_space<vmem>>
        tpu.enqueue_dma source(%dma_start3A_96 : memref<96x128xf32, #tpu.memory_space<vmem>>) target(%dma_start3A_93 : memref<96x128xf32, #tpu.memory_space<vmem_shared>>) target_semaphore(%run_scoped3A : memref<!tpu.dma_semaphore, #tpu.memory_space<semaphore_mem>>)
        %dma_wait3A_97 = arith.constant 0 : i32
        %dma_wait3A_98 = arith.constant 0 : i32
        %dma_wait3A_99 = tpu.memref_slice %arg9[%dma_wait3A_97, %dma_wait3A_98] : memref<96x128xf32, #tpu.memory_space<vmem>> -> memref<96x128xf32, #tpu.memory_space<vmem>>
        %dma_wait3A_100 = arith.constant 0 : i32
        %dma_wait3A_101 = tpu.memref_slice %arg17[%add3A_78, %dma_wait3A_100] : memref<10000x128xf32, #tpu.memory_space<vmem_shared>> -> memref<96x128xf32, #tpu.memory_space<vmem_shared>>
        %dma_wait3A_102 = arith.constant 0 : i32
        %dma_wait3A_103 = tpu.memref_slice %arg17[%add3A_78, %dma_wait3A_102] : memref<10000x128xf32, #tpu.memory_space<vmem_shared>> -> memref<96x128xf32, #tpu.memory_space<vmem_shared>>
        %dma_wait3A_104 = arith.constant 0 : i32
        %dma_wait3A_105 = arith.constant 0 : i32
        %dma_wait3A_106 = tpu.memref_slice %arg9[%dma_wait3A_104, %dma_wait3A_105] : memref<96x128xf32, #tpu.memory_space<vmem>> -> memref<96x128xf32, #tpu.memory_space<vmem>>
        tpu.wait_dma2 semaphore(%run_scoped3A : memref<!tpu.dma_semaphore, #tpu.memory_space<semaphore_mem>>) src(%dma_wait3A_106 : memref<96x128xf32, #tpu.memory_space<vmem>>) dst(%dma_wait3A_103 : memref<96x128xf32, #tpu.memory_space<vmem_shared>>)
        tpu.yield
      }) : () -> ()
      %mul3A_79 = arith.constant 1000 : i32
      %mul3A_80 = arith.muli %arg1, %mul3A_79 : i32
      %add3A_81 = arith.constant 864 : i32
      %add3A_82 = arith.addi %mul3A_80, %add3A_81 : i32
      "tpu.region"() ({
        %run_scoped3A = tpu.sem_alloc : memref<!tpu.dma_semaphore, #tpu.memory_space<semaphore_mem>>
        %dma_start3A_87 = arith.constant 0 : i32
        %dma_start3A_88 = arith.constant 0 : i32
        %dma_start3A_89 = tpu.memref_slice %arg9[%dma_start3A_87, %dma_start3A_88] : memref<96x128xf32, #tpu.memory_space<vmem>> -> memref<96x128xf32, #tpu.memory_space<vmem>>
        %dma_start3A_90 = arith.constant 0 : i32
        %dma_start3A_91 = tpu.memref_slice %arg17[%add3A_82, %dma_start3A_90] : memref<10000x128xf32, #tpu.memory_space<vmem_shared>> -> memref<96x128xf32, #tpu.memory_space<vmem_shared>>
        %dma_start3A_92 = arith.constant 0 : i32
        %dma_start3A_93 = tpu.memref_slice %arg17[%add3A_82, %dma_start3A_92] : memref<10000x128xf32, #tpu.memory_space<vmem_shared>> -> memref<96x128xf32, #tpu.memory_space<vmem_shared>>
        %dma_start3A_94 = arith.constant 0 : i32
        %dma_start3A_95 = arith.constant 0 : i32
        %dma_start3A_96 = tpu.memref_slice %arg9[%dma_start3A_94, %dma_start3A_95] : memref<96x128xf32, #tpu.memory_space<vmem>> -> memref<96x128xf32, #tpu.memory_space<vmem>>
        tpu.enqueue_dma source(%dma_start3A_96 : memref<96x128xf32, #tpu.memory_space<vmem>>) target(%dma_start3A_93 : memref<96x128xf32, #tpu.memory_space<vmem_shared>>) target_semaphore(%run_scoped3A : memref<!tpu.dma_semaphore, #tpu.memory_space<semaphore_mem>>)
        %dma_wait3A_97 = arith.constant 0 : i32
        %dma_wait3A_98 = arith.constant 0 : i32
        %dma_wait3A_99 = tpu.memref_slice %arg9[%dma_wait3A_97, %dma_wait3A_98] : memref<96x128xf32, #tpu.memory_space<vmem>> -> memref<96x128xf32, #tpu.memory_space<vmem>>
        %dma_wait3A_100 = arith.constant 0 : i32
        %dma_wait3A_101 = tpu.memref_slice %arg17[%add3A_82, %dma_wait3A_100] : memref<10000x128xf32, #tpu.memory_space<vmem_shared>> -> memref<96x128xf32, #tpu.memory_space<vmem_shared>>
        %dma_wait3A_102 = arith.constant 0 : i32
        %dma_wait3A_103 = tpu.memref_slice %arg17[%add3A_82, %dma_wait3A_102] : memref<10000x128xf32, #tpu.memory_space<vmem_shared>> -> memref<96x128xf32, #tpu.memory_space<vmem_shared>>
        %dma_wait3A_104 = arith.constant 0 : i32
        %dma_wait3A_105 = arith.constant 0 : i32
        %dma_wait3A_106 = tpu.memref_slice %arg9[%dma_wait3A_104, %dma_wait3A_105] : memref<96x128xf32, #tpu.memory_space<vmem>> -> memref<96x128xf32, #tpu.memory_space<vmem>>
        tpu.wait_dma2 semaphore(%run_scoped3A : memref<!tpu.dma_semaphore, #tpu.memory_space<semaphore_mem>>) src(%dma_wait3A_106 : memref<96x128xf32, #tpu.memory_space<vmem>>) dst(%dma_wait3A_103 : memref<96x128xf32, #tpu.memory_space<vmem_shared>>)
        tpu.yield
      }) : () -> ()
      %mul3A_83 = arith.constant 1000 : i32
      %mul3A_84 = arith.muli %arg1, %mul3A_83 : i32
      %add3A_85 = arith.constant 960 : i32
      %add3A_86 = arith.addi %mul3A_84, %add3A_85 : i32
      "tpu.region"() ({
        %run_scoped3A = tpu.sem_alloc : memref<!tpu.dma_semaphore, #tpu.memory_space<semaphore_mem>>
        %dma_start3A_87 = arith.constant 0 : i32
        %dma_start3A_88 = arith.constant 0 : i32
        %dma_start3A_89 = tpu.memref_slice %arg9[%dma_start3A_87, %dma_start3A_88] : memref<96x128xf32, #tpu.memory_space<vmem>> -> memref<40x128xf32, #tpu.memory_space<vmem>>
        %dma_start3A_90 = arith.constant 0 : i32
        %dma_start3A_91 = tpu.memref_slice %arg17[%add3A_86, %dma_start3A_90] : memref<10000x128xf32, #tpu.memory_space<vmem_shared>> -> memref<40x128xf32, #tpu.memory_space<vmem_shared>>
        %dma_start3A_92 = arith.constant 0 : i32
        %dma_start3A_93 = tpu.memref_slice %arg17[%add3A_86, %dma_start3A_92] : memref<10000x128xf32, #tpu.memory_space<vmem_shared>> -> memref<40x128xf32, #tpu.memory_space<vmem_shared>>
        %dma_start3A_94 = arith.constant 0 : i32
        %dma_start3A_95 = arith.constant 0 : i32
        %dma_start3A_96 = tpu.memref_slice %arg9[%dma_start3A_94, %dma_start3A_95] : memref<96x128xf32, #tpu.memory_space<vmem>> -> memref<40x128xf32, #tpu.memory_space<vmem>>
        tpu.enqueue_dma source(%dma_start3A_96 : memref<40x128xf32, #tpu.memory_space<vmem>>) target(%dma_start3A_93 : memref<40x128xf32, #tpu.memory_space<vmem_shared>>) target_semaphore(%run_scoped3A : memref<!tpu.dma_semaphore, #tpu.memory_space<semaphore_mem>>)
        %dma_wait3A_97 = arith.constant 0 : i32
        %dma_wait3A_98 = arith.constant 0 : i32
        %dma_wait3A_99 = tpu.memref_slice %arg9[%dma_wait3A_97, %dma_wait3A_98] : memref<96x128xf32, #tpu.memory_space<vmem>> -> memref<40x128xf32, #tpu.memory_space<vmem>>
        %dma_wait3A_100 = arith.constant 0 : i32
        %dma_wait3A_101 = tpu.memref_slice %arg17[%add3A_86, %dma_wait3A_100] : memref<10000x128xf32, #tpu.memory_space<vmem_shared>> -> memref<40x128xf32, #tpu.memory_space<vmem_shared>>
        %dma_wait3A_102 = arith.constant 0 : i32
        %dma_wait3A_103 = tpu.memref_slice %arg17[%add3A_86, %dma_wait3A_102] : memref<10000x128xf32, #tpu.memory_space<vmem_shared>> -> memref<40x128xf32, #tpu.memory_space<vmem_shared>>
        %dma_wait3A_104 = arith.constant 0 : i32
        %dma_wait3A_105 = arith.constant 0 : i32
        %dma_wait3A_106 = tpu.memref_slice %arg9[%dma_wait3A_104, %dma_wait3A_105] : memref<96x128xf32, #tpu.memory_space<vmem>> -> memref<40x128xf32, #tpu.memory_space<vmem>>
        tpu.wait_dma2 semaphore(%run_scoped3A : memref<!tpu.dma_semaphore, #tpu.memory_space<semaphore_mem>>) src(%dma_wait3A_106 : memref<40x128xf32, #tpu.memory_space<vmem>>) dst(%dma_wait3A_103 : memref<40x128xf32, #tpu.memory_space<vmem_shared>>)
        tpu.yield
      }) : () -> ()
    } else {
    }
    %barrier3A = arith.constant 0 : index
    tpu.barrier barrier_id(%barrier3A)
    "tpu.region"() ({
      %run_scoped3A = tpu.sem_alloc : memref<!tpu.dma_semaphore, #tpu.memory_space<semaphore_mem>>
      %dma_start3A_37 = tpu.memref_slice %arg4[%mul3A_2] : memref<160000xi32, #tpu.memory_space<hbm>> -> memref<96xi32, #tpu.memory_space<hbm>>
      %dma_start3A_38 = tpu.memref_slice %arg4[%mul3A_2] : memref<160000xi32, #tpu.memory_space<hbm>> -> memref<96xi32, #tpu.memory_space<hbm>>
      tpu.enqueue_dma source(%dma_start3A_38 : memref<96xi32, #tpu.memory_space<hbm>>) target(%arg7 : memref<96xi32, #tpu.memory_space<vmem>>) target_semaphore(%run_scoped3A : memref<!tpu.dma_semaphore, #tpu.memory_space<semaphore_mem>>)
      %dma_wait3A_39 = tpu.memref_slice %arg4[%mul3A_2] : memref<160000xi32, #tpu.memory_space<hbm>> -> memref<96xi32, #tpu.memory_space<hbm>>
      %dma_wait3A_40 = tpu.memref_slice %arg4[%mul3A_2] : memref<160000xi32, #tpu.memory_space<hbm>> -> memref<96xi32, #tpu.memory_space<hbm>>
      tpu.wait_dma2 semaphore(%run_scoped3A : memref<!tpu.dma_semaphore, #tpu.memory_space<semaphore_mem>>) src(%dma_wait3A_40 : memref<96xi32, #tpu.memory_space<hbm>>) dst(%arg7 : memref<96xi32, #tpu.memory_space<vmem>>)
      tpu.yield
    }) : () -> ()
    "tpu.region"() ({
      %run_scoped3A = tpu.sem_alloc : memref<!tpu.dma_semaphore, #tpu.memory_space<semaphore_mem>>
      %dma_start3A_37 = tpu.memref_slice %arg5[%mul3A_2] : memref<160000xi32, #tpu.memory_space<hbm>> -> memref<96xi32, #tpu.memory_space<hbm>>
      %dma_start3A_38 = tpu.memref_slice %arg5[%mul3A_2] : memref<160000xi32, #tpu.memory_space<hbm>> -> memref<96xi32, #tpu.memory_space<hbm>>
      tpu.enqueue_dma source(%dma_start3A_38 : memref<96xi32, #tpu.memory_space<hbm>>) target(%arg8 : memref<96xi32, #tpu.memory_space<vmem>>) target_semaphore(%run_scoped3A : memref<!tpu.dma_semaphore, #tpu.memory_space<semaphore_mem>>)
      %dma_wait3A_39 = tpu.memref_slice %arg5[%mul3A_2] : memref<160000xi32, #tpu.memory_space<hbm>> -> memref<96xi32, #tpu.memory_space<hbm>>
      %dma_wait3A_40 = tpu.memref_slice %arg5[%mul3A_2] : memref<160000xi32, #tpu.memory_space<hbm>> -> memref<96xi32, #tpu.memory_space<hbm>>
      tpu.wait_dma2 semaphore(%run_scoped3A : memref<!tpu.dma_semaphore, #tpu.memory_space<semaphore_mem>>) src(%dma_wait3A_40 : memref<96xi32, #tpu.memory_space<hbm>>) dst(%arg8 : memref<96xi32, #tpu.memory_space<vmem>>)
      tpu.yield
    }) : () -> ()
    %dma_start3A = arith.constant 0 : i32
    %dma_start3A_5 = arith.constant 0 : i32
    %dma_start3A_6 = tpu.memref_slice %arg2[%dma_start3A, %dma_start3A_5] : memref<10000x128xf32, #tpu.memory_space<hbm>> -> memref<10000x128xf32, #tpu.memory_space<hbm>>
    tpu.enqueue_indirect_dma source(%dma_start3A_6 : memref<10000x128xf32, #tpu.memory_space<hbm>>) target(%arg9 : memref<96x128xf32, #tpu.memory_space<vmem>>) offsets(%arg7 : memref<96xi32, #tpu.memory_space<vmem>>) semaphore(%arg18 : memref<!tpu.dma_semaphore, #tpu.memory_space<semaphore_mem>>)
    %dma_start3A_7 = arith.constant 0 : i32
    %dma_start3A_8 = tpu.memref_slice %arg3[%mul3A_2, %dma_start3A_7] : memref<160000x128xf32, #tpu.memory_space<hbm>> -> memref<96x128xf32, #tpu.memory_space<hbm>>
    %dma_start3A_9 = arith.constant 0 : i32
    %dma_start3A_10 = tpu.memref_slice %arg3[%mul3A_2, %dma_start3A_9] : memref<160000x128xf32, #tpu.memory_space<hbm>> -> memref<96x128xf32, #tpu.memory_space<hbm>>
    tpu.enqueue_dma source(%dma_start3A_10 : memref<96x128xf32, #tpu.memory_space<hbm>>) target(%arg10 : memref<96x128xf32, #tpu.memory_space<vmem>>) target_semaphore(%arg19 : memref<!tpu.dma_semaphore, #tpu.memory_space<semaphore_mem>>)
    %scan3A = arith.constant 0 : i32
    %scan3A_11 = arith.constant 0 : i32
    %scan3A_12 = arith.constant 26 : i32
    %scan3A_13 = arith.addi %scan3A_11, %scan3A_12 : i32
    %scan3A_14 = arith.constant 1 : i32
    scf.for %scan3A_37 = %scan3A_11 to %scan3A_13 step %scan3A_14  : i32 {
      %mul3A_38 = arith.constant 2 : i32
      %mul3A_39 = arith.muli %mul3A_38, %scan3A_37 : i32
      %mul3A_40 = arith.constant 96 : i32
      %mul3A_41 = arith.muli %mul3A_39, %mul3A_40 : i32
      %add3A_42 = arith.addi %mul3A_2, %mul3A_41 : i32
      %dma_wait3A_43 = arith.constant 0 : i32
      %dma_wait3A_44 = arith.constant 0 : i32
      %dma_wait3A_45 = tpu.memref_slice %arg2[%dma_wait3A_43, %dma_wait3A_44] : memref<10000x128xf32, #tpu.memory_space<hbm>> -> memref<10000x128xf32, #tpu.memory_space<hbm>>
      tpu.wait_indirect_dma semaphore(%arg18 : memref<!tpu.dma_semaphore, #tpu.memory_space<semaphore_mem>>) src(%dma_wait3A_45 : memref<10000x128xf32, #tpu.memory_space<hbm>>) dst(%arg9 : memref<96x128xf32, #tpu.memory_space<vmem>>)
      %dma_wait3A_46 = arith.constant 0 : i32
      %dma_wait3A_47 = arith.constant 0 : i32
      %dma_wait3A_48 = tpu.memref_slice %arg3[%dma_wait3A_46, %dma_wait3A_47] : memref<160000x128xf32, #tpu.memory_space<hbm>> -> memref<96x128xf32, #tpu.memory_space<hbm>>
      %dma_wait3A_49 = arith.constant 0 : i32
      %dma_wait3A_50 = arith.constant 0 : i32
      %dma_wait3A_51 = tpu.memref_slice %arg3[%dma_wait3A_49, %dma_wait3A_50] : memref<160000x128xf32, #tpu.memory_space<hbm>> -> memref<96x128xf32, #tpu.memory_space<hbm>>
      tpu.wait_dma2 semaphore(%arg19 : memref<!tpu.dma_semaphore, #tpu.memory_space<semaphore_mem>>) src(%dma_wait3A_51 : memref<96x128xf32, #tpu.memory_space<hbm>>) dst(%arg10 : memref<96x128xf32, #tpu.memory_space<vmem>>)
      %add3A_52 = arith.constant 96 : i32
      %add3A_53 = arith.addi %add3A_42, %add3A_52 : i32
      "tpu.region"() ({
        %run_scoped3A = tpu.sem_alloc : memref<!tpu.dma_semaphore, #tpu.memory_space<semaphore_mem>>
        %dma_start3A_97 = tpu.memref_slice %arg4[%add3A_53] : memref<160000xi32, #tpu.memory_space<hbm>> -> memref<96xi32, #tpu.memory_space<hbm>>
        %dma_start3A_98 = tpu.memref_slice %arg4[%add3A_53] : memref<160000xi32, #tpu.memory_space<hbm>> -> memref<96xi32, #tpu.memory_space<hbm>>
        tpu.enqueue_dma source(%dma_start3A_98 : memref<96xi32, #tpu.memory_space<hbm>>) target(%arg11 : memref<96xi32, #tpu.memory_space<vmem>>) target_semaphore(%run_scoped3A : memref<!tpu.dma_semaphore, #tpu.memory_space<semaphore_mem>>)
        %dma_wait3A_99 = tpu.memref_slice %arg4[%add3A_53] : memref<160000xi32, #tpu.memory_space<hbm>> -> memref<96xi32, #tpu.memory_space<hbm>>
        %dma_wait3A_100 = tpu.memref_slice %arg4[%add3A_53] : memref<160000xi32, #tpu.memory_space<hbm>> -> memref<96xi32, #tpu.memory_space<hbm>>
        tpu.wait_dma2 semaphore(%run_scoped3A : memref<!tpu.dma_semaphore, #tpu.memory_space<semaphore_mem>>) src(%dma_wait3A_100 : memref<96xi32, #tpu.memory_space<hbm>>) dst(%arg11 : memref<96xi32, #tpu.memory_space<vmem>>)
        tpu.yield
      }) : () -> ()
      "tpu.region"() ({
        %run_scoped3A = tpu.sem_alloc : memref<!tpu.dma_semaphore, #tpu.memory_space<semaphore_mem>>
        %dma_start3A_97 = tpu.memref_slice %arg5[%add3A_53] : memref<160000xi32, #tpu.memory_space<hbm>> -> memref<96xi32, #tpu.memory_space<hbm>>
        %dma_start3A_98 = tpu.memref_slice %arg5[%add3A_53] : memref<160000xi32, #tpu.memory_space<hbm>> -> memref<96xi32, #tpu.memory_space<hbm>>
        tpu.enqueue_dma source(%dma_start3A_98 : memref<96xi32, #tpu.memory_space<hbm>>) target(%arg12 : memref<96xi32, #tpu.memory_space<vmem>>) target_semaphore(%run_scoped3A : memref<!tpu.dma_semaphore, #tpu.memory_space<semaphore_mem>>)
        %dma_wait3A_99 = tpu.memref_slice %arg5[%add3A_53] : memref<160000xi32, #tpu.memory_space<hbm>> -> memref<96xi32, #tpu.memory_space<hbm>>
        %dma_wait3A_100 = tpu.memref_slice %arg5[%add3A_53] : memref<160000xi32, #tpu.memory_space<hbm>> -> memref<96xi32, #tpu.memory_space<hbm>>
        tpu.wait_dma2 semaphore(%run_scoped3A : memref<!tpu.dma_semaphore, #tpu.memory_space<semaphore_mem>>) src(%dma_wait3A_100 : memref<96xi32, #tpu.memory_space<hbm>>) dst(%arg12 : memref<96xi32, #tpu.memory_space<vmem>>)
        tpu.yield
      }) : () -> ()
      %dma_start3A_54 = arith.constant 0 : i32
      %dma_start3A_55 = arith.constant 0 : i32
      %dma_start3A_56 = tpu.memref_slice %arg2[%dma_start3A_54, %dma_start3A_55] : memref<10000x128xf32, #tpu.memory_space<hbm>> -> memref<10000x128xf32, #tpu.memory_space<hbm>>
      tpu.enqueue_indirect_dma source(%dma_start3A_56 : memref<10000x128xf32, #tpu.memory_space<hbm>>) target(%arg13 : memref<96x128xf32, #tpu.memory_space<vmem>>) offsets(%arg11 : memref<96xi32, #tpu.memory_space<vmem>>) semaphore(%arg21 : memref<!tpu.dma_semaphore, #tpu.memory_space<semaphore_mem>>)
      %dma_start3A_57 = arith.constant 0 : i32
      %dma_start3A_58 = tpu.memref_slice %arg3[%add3A_53, %dma_start3A_57] : memref<160000x128xf32, #tpu.memory_space<hbm>> -> memref<96x128xf32, #tpu.memory_space<hbm>>
      %dma_start3A_59 = arith.constant 0 : i32
      %dma_start3A_60 = tpu.memref_slice %arg3[%add3A_53, %dma_start3A_59] : memref<160000x128xf32, #tpu.memory_space<hbm>> -> memref<96x128xf32, #tpu.memory_space<hbm>>
      tpu.enqueue_dma source(%dma_start3A_60 : memref<96x128xf32, #tpu.memory_space<hbm>>) target(%arg14 : memref<96x128xf32, #tpu.memory_space<vmem>>) target_semaphore(%arg22 : memref<!tpu.dma_semaphore, #tpu.memory_space<semaphore_mem>>)
      %parallel_loop3A_61 = arith.constant 0 : i32
      %parallel_loop3A_62 = arith.constant 96 : i32
      %parallel_loop3A_63 = arith.constant 1 : i32
      scf.for %parallel_loop3A_97 = %parallel_loop3A_61 to %parallel_loop3A_62 step %parallel_loop3A_63  : i32 {
        %parallel_loop3A_98 = arith.index_cast %parallel_loop3A_97 : i32 to index
        %parallel_loop3A_99 = arith.constant 0 : index
        %parallel_loop3A_100 = tpu.vector_load %arg9[%parallel_loop3A_98, %parallel_loop3A_99] {strides = array<i32>} : memref<96x128xf32, #tpu.memory_space<vmem>>, vector<1x16xf32>,
        %parallel_loop3A_101 = vector.shape_cast %parallel_loop3A_100 : vector<1x16xf32> to vector<16xf32>
        %parallel_loop3A_102 = arith.index_cast %parallel_loop3A_97 : i32 to index
        %parallel_loop3A_103 = arith.constant 0 : index
        %parallel_loop3A_104 = tpu.vector_load %arg10[%parallel_loop3A_102, %parallel_loop3A_103] {strides = array<i32>} : memref<96x128xf32, #tpu.memory_space<vmem>>, vector<1x16xf32>,
        %parallel_loop3A_105 = vector.shape_cast %parallel_loop3A_104 : vector<1x16xf32> to vector<16xf32>
        %parallel_loop3A_106 = arith.mulf %parallel_loop3A_101, %parallel_loop3A_105 : vector<16xf32>
        %parallel_loop3A_107 = arith.index_cast %parallel_loop3A_97 : i32 to index
        %parallel_loop3A_108 = arith.constant 0 : index
        %parallel_loop3A_109 = tpu.vector_load %arg9[%parallel_loop3A_107, %parallel_loop3A_108] {strides = array<i32>} : memref<96x128xf32, #tpu.memory_space<vmem>>, vector<1x16xf32>,
        %parallel_loop3A_110 = vector.shape_cast %parallel_loop3A_109 : vector<1x16xf32> to vector<16xf32>
        %parallel_loop3A_111 = vector.shape_cast %parallel_loop3A_106 : vector<16xf32> to vector<1x16xf32>
        tpu.vector_store %arg9[%parallel_loop3A_107, %parallel_loop3A_108], %parallel_loop3A_111 {strides = array<i32>} : memref<96x128xf32, #tpu.memory_space<vmem>>, vector<1x16xf32>,
        %parallel_loop3A_112 = arith.index_cast %parallel_loop3A_97 : i32 to index
        %parallel_loop3A_113 = arith.constant 16 : index
        %parallel_loop3A_114 = tpu.vector_load %arg9[%parallel_loop3A_112, %parallel_loop3A_113] {strides = array<i32>} : memref<96x128xf32, #tpu.memory_space<vmem>>, vector<1x16xf32>,
        %parallel_loop3A_115 = vector.shape_cast %parallel_loop3A_114 : vector<1x16xf32> to vector<16xf32>
        %parallel_loop3A_116 = arith.index_cast %parallel_loop3A_97 : i32 to index
        %parallel_loop3A_117 = arith.constant 16 : index
        %parallel_loop3A_118 = tpu.vector_load %arg10[%parallel_loop3A_116, %parallel_loop3A_117] {strides = array<i32>} : memref<96x128xf32, #tpu.memory_space<vmem>>, vector<1x16xf32>,
        %parallel_loop3A_119 = vector.shape_cast %parallel_loop3A_118 : vector<1x16xf32> to vector<16xf32>
        %parallel_loop3A_120 = arith.mulf %parallel_loop3A_115, %parallel_loop3A_119 : vector<16xf32>
        %parallel_loop3A_121 = arith.index_cast %parallel_loop3A_97 : i32 to index
        %parallel_loop3A_122 = arith.constant 16 : index
        %parallel_loop3A_123 = tpu.vector_load %arg9[%parallel_loop3A_121, %parallel_loop3A_122] {strides = array<i32>} : memref<96x128xf32, #tpu.memory_space<vmem>>, vector<1x16xf32>,
        %parallel_loop3A_124 = vector.shape_cast %parallel_loop3A_123 : vector<1x16xf32> to vector<16xf32>
        %parallel_loop3A_125 = vector.shape_cast %parallel_loop3A_120 : vector<16xf32> to vector<1x16xf32>
        tpu.vector_store %arg9[%parallel_loop3A_121, %parallel_loop3A_122], %parallel_loop3A_125 {strides = array<i32>} : memref<96x128xf32, #tpu.memory_space<vmem>>, vector<1x16xf32>,
        %parallel_loop3A_126 = arith.index_cast %parallel_loop3A_97 : i32 to index
        %parallel_loop3A_127 = arith.constant 32 : index
        %parallel_loop3A_128 = tpu.vector_load %arg9[%parallel_loop3A_126, %parallel_loop3A_127] {strides = array<i32>} : memref<96x128xf32, #tpu.memory_space<vmem>>, vector<1x16xf32>,
        %parallel_loop3A_129 = vector.shape_cast %parallel_loop3A_128 : vector<1x16xf32> to vector<16xf32>
        %parallel_loop3A_130 = arith.index_cast %parallel_loop3A_97 : i32 to index
        %parallel_loop3A_131 = arith.constant 32 : index
        %parallel_loop3A_132 = tpu.vector_load %arg10[%parallel_loop3A_130, %parallel_loop3A_131] {strides = array<i32>} : memref<96x128xf32, #tpu.memory_space<vmem>>, vector<1x16xf32>,
        %parallel_loop3A_133 = vector.shape_cast %parallel_loop3A_132 : vector<1x16xf32> to vector<16xf32>
        %parallel_loop3A_134 = arith.mulf %parallel_loop3A_129, %parallel_loop3A_133 : vector<16xf32>
        %parallel_loop3A_135 = arith.index_cast %parallel_loop3A_97 : i32 to index
        %parallel_loop3A_136 = arith.constant 32 : index
        %parallel_loop3A_137 = tpu.vector_load %arg9[%parallel_loop3A_135, %parallel_loop3A_136] {strides = array<i32>} : memref<96x128xf32, #tpu.memory_space<vmem>>, vector<1x16xf32>,
        %parallel_loop3A_138 = vector.shape_cast %parallel_loop3A_137 : vector<1x16xf32> to vector<16xf32>
        %parallel_loop3A_139 = vector.shape_cast %parallel_loop3A_134 : vector<16xf32> to vector<1x16xf32>
        tpu.vector_store %arg9[%parallel_loop3A_135, %parallel_loop3A_136], %parallel_loop3A_139 {strides = array<i32>} : memref<96x128xf32, #tpu.memory_space<vmem>>, vector<1x16xf32>,
        %parallel_loop3A_140 = arith.index_cast %parallel_loop3A_97 : i32 to index
        %parallel_loop3A_141 = arith.constant 48 : index
        %parallel_loop3A_142 = tpu.vector_load %arg9[%parallel_loop3A_140, %parallel_loop3A_141] {strides = array<i32>} : memref<96x128xf32, #tpu.memory_space<vmem>>, vector<1x16xf32>,
        %parallel_loop3A_143 = vector.shape_cast %parallel_loop3A_142 : vector<1x16xf32> to vector<16xf32>
        %parallel_loop3A_144 = arith.index_cast %parallel_loop3A_97 : i32 to index
        %parallel_loop3A_145 = arith.constant 48 : index
        %parallel_loop3A_146 = tpu.vector_load %arg10[%parallel_loop3A_144, %parallel_loop3A_145] {strides = array<i32>} : memref<96x128xf32, #tpu.memory_space<vmem>>, vector<1x16xf32>,
        %parallel_loop3A_147 = vector.shape_cast %parallel_loop3A_146 : vector<1x16xf32> to vector<16xf32>
        %parallel_loop3A_148 = arith.mulf %parallel_loop3A_143, %parallel_loop3A_147 : vector<16xf32>
        %parallel_loop3A_149 = arith.index_cast %parallel_loop3A_97 : i32 to index
        %parallel_loop3A_150 = arith.constant 48 : index
        %parallel_loop3A_151 = tpu.vector_load %arg9[%parallel_loop3A_149, %parallel_loop3A_150] {strides = array<i32>} : memref<96x128xf32, #tpu.memory_space<vmem>>, vector<1x16xf32>,
        %parallel_loop3A_152 = vector.shape_cast %parallel_loop3A_151 : vector<1x16xf32> to vector<16xf32>
        %parallel_loop3A_153 = vector.shape_cast %parallel_loop3A_148 : vector<16xf32> to vector<1x16xf32>
        tpu.vector_store %arg9[%parallel_loop3A_149, %parallel_loop3A_150], %parallel_loop3A_153 {strides = array<i32>} : memref<96x128xf32, #tpu.memory_space<vmem>>, vector<1x16xf32>,
        %parallel_loop3A_154 = arith.index_cast %parallel_loop3A_97 : i32 to index
        %parallel_loop3A_155 = arith.constant 64 : index
        %parallel_loop3A_156 = tpu.vector_load %arg9[%parallel_loop3A_154, %parallel_loop3A_155] {strides = array<i32>} : memref<96x128xf32, #tpu.memory_space<vmem>>, vector<1x16xf32>,
        %parallel_loop3A_157 = vector.shape_cast %parallel_loop3A_156 : vector<1x16xf32> to vector<16xf32>
        %parallel_loop3A_158 = arith.index_cast %parallel_loop3A_97 : i32 to index
        %parallel_loop3A_159 = arith.constant 64 : index
        %parallel_loop3A_160 = tpu.vector_load %arg10[%parallel_loop3A_158, %parallel_loop3A_159] {strides = array<i32>} : memref<96x128xf32, #tpu.memory_space<vmem>>, vector<1x16xf32>,
        %parallel_loop3A_161 = vector.shape_cast %parallel_loop3A_160 : vector<1x16xf32> to vector<16xf32>
        %parallel_loop3A_162 = arith.mulf %parallel_loop3A_157, %parallel_loop3A_161 : vector<16xf32>
        %parallel_loop3A_163 = arith.index_cast %parallel_loop3A_97 : i32 to index
        %parallel_loop3A_164 = arith.constant 64 : index
        %parallel_loop3A_165 = tpu.vector_load %arg9[%parallel_loop3A_163, %parallel_loop3A_164] {strides = array<i32>} : memref<96x128xf32, #tpu.memory_space<vmem>>, vector<1x16xf32>,
        %parallel_loop3A_166 = vector.shape_cast %parallel_loop3A_165 : vector<1x16xf32> to vector<16xf32>
        %parallel_loop3A_167 = vector.shape_cast %parallel_loop3A_162 : vector<16xf32> to vector<1x16xf32>
        tpu.vector_store %arg9[%parallel_loop3A_163, %parallel_loop3A_164], %parallel_loop3A_167 {strides = array<i32>} : memref<96x128xf32, #tpu.memory_space<vmem>>, vector<1x16xf32>,
        %parallel_loop3A_168 = arith.index_cast %parallel_loop3A_97 : i32 to index
        %parallel_loop3A_169 = arith.constant 80 : index
        %parallel_loop3A_170 = tpu.vector_load %arg9[%parallel_loop3A_168, %parallel_loop3A_169] {strides = array<i32>} : memref<96x128xf32, #tpu.memory_space<vmem>>, vector<1x16xf32>,
        %parallel_loop3A_171 = vector.shape_cast %parallel_loop3A_170 : vector<1x16xf32> to vector<16xf32>
        %parallel_loop3A_172 = arith.index_cast %parallel_loop3A_97 : i32 to index
        %parallel_loop3A_173 = arith.constant 80 : index
        %parallel_loop3A_174 = tpu.vector_load %arg10[%parallel_loop3A_172, %parallel_loop3A_173] {strides = array<i32>} : memref<96x128xf32, #tpu.memory_space<vmem>>, vector<1x16xf32>,
        %parallel_loop3A_175 = vector.shape_cast %parallel_loop3A_174 : vector<1x16xf32> to vector<16xf32>
        %parallel_loop3A_176 = arith.mulf %parallel_loop3A_171, %parallel_loop3A_175 : vector<16xf32>
        %parallel_loop3A_177 = arith.index_cast %parallel_loop3A_97 : i32 to index
        %parallel_loop3A_178 = arith.constant 80 : index
        %parallel_loop3A_179 = tpu.vector_load %arg9[%parallel_loop3A_177, %parallel_loop3A_178] {strides = array<i32>} : memref<96x128xf32, #tpu.memory_space<vmem>>, vector<1x16xf32>,
        %parallel_loop3A_180 = vector.shape_cast %parallel_loop3A_179 : vector<1x16xf32> to vector<16xf32>
        %parallel_loop3A_181 = vector.shape_cast %parallel_loop3A_176 : vector<16xf32> to vector<1x16xf32>
        tpu.vector_store %arg9[%parallel_loop3A_177, %parallel_loop3A_178], %parallel_loop3A_181 {strides = array<i32>} : memref<96x128xf32, #tpu.memory_space<vmem>>, vector<1x16xf32>,
        %parallel_loop3A_182 = arith.index_cast %parallel_loop3A_97 : i32 to index
        %parallel_loop3A_183 = arith.constant 96 : index
        %parallel_loop3A_184 = tpu.vector_load %arg9[%parallel_loop3A_182, %parallel_loop3A_183] {strides = array<i32>} : memref<96x128xf32, #tpu.memory_space<vmem>>, vector<1x16xf32>,
        %parallel_loop3A_185 = vector.shape_cast %parallel_loop3A_184 : vector<1x16xf32> to vector<16xf32>
        %parallel_loop3A_186 = arith.index_cast %parallel_loop3A_97 : i32 to index
        %parallel_loop3A_187 = arith.constant 96 : index
        %parallel_loop3A_188 = tpu.vector_load %arg10[%parallel_loop3A_186, %parallel_loop3A_187] {strides = array<i32>} : memref<96x128xf32, #tpu.memory_space<vmem>>, vector<1x16xf32>,
        %parallel_loop3A_189 = vector.shape_cast %parallel_loop3A_188 : vector<1x16xf32> to vector<16xf32>
        %parallel_loop3A_190 = arith.mulf %parallel_loop3A_185, %parallel_loop3A_189 : vector<16xf32>
        %parallel_loop3A_191 = arith.index_cast %parallel_loop3A_97 : i32 to index
        %parallel_loop3A_192 = arith.constant 96 : index
        %parallel_loop3A_193 = tpu.vector_load %arg9[%parallel_loop3A_191, %parallel_loop3A_192] {strides = array<i32>} : memref<96x128xf32, #tpu.memory_space<vmem>>, vector<1x16xf32>,
        %parallel_loop3A_194 = vector.shape_cast %parallel_loop3A_193 : vector<1x16xf32> to vector<16xf32>
        %parallel_loop3A_195 = vector.shape_cast %parallel_loop3A_190 : vector<16xf32> to vector<1x16xf32>
        tpu.vector_store %arg9[%parallel_loop3A_191, %parallel_loop3A_192], %parallel_loop3A_195 {strides = array<i32>} : memref<96x128xf32, #tpu.memory_space<vmem>>, vector<1x16xf32>,
        %parallel_loop3A_196 = arith.index_cast %parallel_loop3A_97 : i32 to index
        %parallel_loop3A_197 = arith.constant 112 : index
        %parallel_loop3A_198 = tpu.vector_load %arg9[%parallel_loop3A_196, %parallel_loop3A_197] {strides = array<i32>} : memref<96x128xf32, #tpu.memory_space<vmem>>, vector<1x16xf32>,
        %parallel_loop3A_199 = vector.shape_cast %parallel_loop3A_198 : vector<1x16xf32> to vector<16xf32>
        %parallel_loop3A_200 = arith.index_cast %parallel_loop3A_97 : i32 to index
        %parallel_loop3A_201 = arith.constant 112 : index
        %parallel_loop3A_202 = tpu.vector_load %arg10[%parallel_loop3A_200, %parallel_loop3A_201] {strides = array<i32>} : memref<96x128xf32, #tpu.memory_space<vmem>>, vector<1x16xf32>,
        %parallel_loop3A_203 = vector.shape_cast %parallel_loop3A_202 : vector<1x16xf32> to vector<16xf32>
        %parallel_loop3A_204 = arith.mulf %parallel_loop3A_199, %parallel_loop3A_203 : vector<16xf32>
        %parallel_loop3A_205 = arith.index_cast %parallel_loop3A_97 : i32 to index
        %parallel_loop3A_206 = arith.constant 112 : index
        %parallel_loop3A_207 = tpu.vector_load %arg9[%parallel_loop3A_205, %parallel_loop3A_206] {strides = array<i32>} : memref<96x128xf32, #tpu.memory_space<vmem>>, vector<1x16xf32>,
        %parallel_loop3A_208 = vector.shape_cast %parallel_loop3A_207 : vector<1x16xf32> to vector<16xf32>
        %parallel_loop3A_209 = vector.shape_cast %parallel_loop3A_204 : vector<16xf32> to vector<1x16xf32>
        tpu.vector_store %arg9[%parallel_loop3A_205, %parallel_loop3A_206], %parallel_loop3A_209 {strides = array<i32>} : memref<96x128xf32, #tpu.memory_space<vmem>>, vector<1x16xf32>,
      } {sc.loop_unroll_factor = 2 : i64, sc.parallel_access}
      %dma_start3A_64 = arith.constant 0 : i32
      %dma_start3A_65 = arith.constant 0 : i32
      %dma_start3A_66 = tpu.memref_slice %arg17[%dma_start3A_64, %dma_start3A_65] : memref<10000x128xf32, #tpu.memory_space<vmem_shared>> -> memref<10000x128xf32, #tpu.memory_space<vmem_shared>>
      tpu.enqueue_indirect_dma source(%arg9 : memref<96x128xf32, #tpu.memory_space<vmem>>) target(%dma_start3A_66 : memref<10000x128xf32, #tpu.memory_space<vmem_shared>>) offsets(%arg8 : memref<96xi32, #tpu.memory_space<vmem>>) semaphore(%arg20 : memref<!tpu.dma_semaphore, #tpu.memory_space<semaphore_mem>>) {add = true}
      %dma_wait3A_67 = arith.constant 0 : i32
      %dma_wait3A_68 = arith.constant 0 : i32
      %dma_wait3A_69 = tpu.memref_slice %arg2[%dma_wait3A_67, %dma_wait3A_68] : memref<10000x128xf32, #tpu.memory_space<hbm>> -> memref<10000x128xf32, #tpu.memory_space<hbm>>
      tpu.wait_indirect_dma semaphore(%arg21 : memref<!tpu.dma_semaphore, #tpu.memory_space<semaphore_mem>>) src(%dma_wait3A_69 : memref<10000x128xf32, #tpu.memory_space<hbm>>) dst(%arg13 : memref<96x128xf32, #tpu.memory_space<vmem>>)
      %dma_wait3A_70 = arith.constant 0 : i32
      %dma_wait3A_71 = arith.constant 0 : i32
      %dma_wait3A_72 = tpu.memref_slice %arg3[%dma_wait3A_70, %dma_wait3A_71] : memref<160000x128xf32, #tpu.memory_space<hbm>> -> memref<96x128xf32, #tpu.memory_space<hbm>>
      %dma_wait3A_73 = arith.constant 0 : i32
      %dma_wait3A_74 = arith.constant 0 : i32
      %dma_wait3A_75 = tpu.memref_slice %arg3[%dma_wait3A_73, %dma_wait3A_74] : memref<160000x128xf32, #tpu.memory_space<hbm>> -> memref<96x128xf32, #tpu.memory_space<hbm>>
      tpu.wait_dma2 semaphore(%arg22 : memref<!tpu.dma_semaphore, #tpu.memory_space<semaphore_mem>>) src(%dma_wait3A_75 : memref<96x128xf32, #tpu.memory_space<hbm>>) dst(%arg14 : memref<96x128xf32, #tpu.memory_space<vmem>>)
      %dma_wait3A_76 = arith.constant 0 : i32
      %dma_wait3A_77 = arith.constant 0 : i32
      %dma_wait3A_78 = tpu.memref_slice %arg17[%dma_wait3A_76, %dma_wait3A_77] : memref<10000x128xf32, #tpu.memory_space<vmem_shared>> -> memref<10000x128xf32, #tpu.memory_space<vmem_shared>>
      tpu.wait_indirect_dma semaphore(%arg20 : memref<!tpu.dma_semaphore, #tpu.memory_space<semaphore_mem>>) src(%arg9 : memref<96x128xf32, #tpu.memory_space<vmem>>) dst(%dma_wait3A_78 : memref<10000x128xf32, #tpu.memory_space<vmem_shared>>)
      %mul3A_79 = arith.constant 2 : i32
      %mul3A_80 = arith.muli %mul3A_79, %scan3A_37 : i32
      %add3A_81 = arith.constant 2 : i32
      %add3A_82 = arith.addi %mul3A_80, %add3A_81 : i32
      %lt3A_83 = arith.constant 52 : i32
      %lt3A_84 = arith.cmpi slt, %add3A_82, %lt3A_83 : i32
      %convert_element_type3A_85 = arith.extui %lt3A_84 : i1 to i32
      %cond3A_86 = arith.constant 0 : i32
      %cond3A_87 = arith.cmpi ne, %convert_element_type3A_85, %cond3A_86 : i32
      scf.if %cond3A_87 {
        %add3A_97 = arith.constant 192 : i32
        %add3A_98 = arith.addi %add3A_42, %add3A_97 : i32
        "tpu.region"() ({
          %run_scoped3A = tpu.sem_alloc : memref<!tpu.dma_semaphore, #tpu.memory_space<semaphore_mem>>
          %dma_start3A_106 = tpu.memref_slice %arg4[%add3A_98] : memref<160000xi32, #tpu.memory_space<hbm>> -> memref<96xi32, #tpu.memory_space<hbm>>
          %dma_start3A_107 = tpu.memref_slice %arg4[%add3A_98] : memref<160000xi32, #tpu.memory_space<hbm>> -> memref<96xi32, #tpu.memory_space<hbm>>
          tpu.enqueue_dma source(%dma_start3A_107 : memref<96xi32, #tpu.memory_space<hbm>>) target(%arg7 : memref<96xi32, #tpu.memory_space<vmem>>) target_semaphore(%run_scoped3A : memref<!tpu.dma_semaphore, #tpu.memory_space<semaphore_mem>>)
          %dma_wait3A_108 = tpu.memref_slice %arg4[%add3A_98] : memref<160000xi32, #tpu.memory_space<hbm>> -> memref<96xi32, #tpu.memory_space<hbm>>
          %dma_wait3A_109 = tpu.memref_slice %arg4[%add3A_98] : memref<160000xi32, #tpu.memory_space<hbm>> -> memref<96xi32, #tpu.memory_space<hbm>>
          tpu.wait_dma2 semaphore(%run_scoped3A : memref<!tpu.dma_semaphore, #tpu.memory_space<semaphore_mem>>) src(%dma_wait3A_109 : memref<96xi32, #tpu.memory_space<hbm>>) dst(%arg7 : memref<96xi32, #tpu.memory_space<vmem>>)
          tpu.yield
        }) : () -> ()
        "tpu.region"() ({
          %run_scoped3A = tpu.sem_alloc : memref<!tpu.dma_semaphore, #tpu.memory_space<semaphore_mem>>
          %dma_start3A_106 = tpu.memref_slice %arg5[%add3A_98] : memref<160000xi32, #tpu.memory_space<hbm>> -> memref<96xi32, #tpu.memory_space<hbm>>
          %dma_start3A_107 = tpu.memref_slice %arg5[%add3A_98] : memref<160000xi32, #tpu.memory_space<hbm>> -> memref<96xi32, #tpu.memory_space<hbm>>
          tpu.enqueue_dma source(%dma_start3A_107 : memref<96xi32, #tpu.memory_space<hbm>>) target(%arg8 : memref<96xi32, #tpu.memory_space<vmem>>) target_semaphore(%run_scoped3A : memref<!tpu.dma_semaphore, #tpu.memory_space<semaphore_mem>>)
          %dma_wait3A_108 = tpu.memref_slice %arg5[%add3A_98] : memref<160000xi32, #tpu.memory_space<hbm>> -> memref<96xi32, #tpu.memory_space<hbm>>
          %dma_wait3A_109 = tpu.memref_slice %arg5[%add3A_98] : memref<160000xi32, #tpu.memory_space<hbm>> -> memref<96xi32, #tpu.memory_space<hbm>>
          tpu.wait_dma2 semaphore(%run_scoped3A : memref<!tpu.dma_semaphore, #tpu.memory_space<semaphore_mem>>) src(%dma_wait3A_109 : memref<96xi32, #tpu.memory_space<hbm>>) dst(%arg8 : memref<96xi32, #tpu.memory_space<vmem>>)
          tpu.yield
        }) : () -> ()
        %dma_start3A_99 = arith.constant 0 : i32
        %dma_start3A_100 = arith.constant 0 : i32
        %dma_start3A_101 = tpu.memref_slice %arg2[%dma_start3A_99, %dma_start3A_100] : memref<10000x128xf32, #tpu.memory_space<hbm>> -> memref<10000x128xf32, #tpu.memory_space<hbm>>
        tpu.enqueue_indirect_dma source(%dma_start3A_101 : memref<10000x128xf32, #tpu.memory_space<hbm>>) target(%arg9 : memref<96x128xf32, #tpu.memory_space<vmem>>) offsets(%arg7 : memref<96xi32, #tpu.memory_space<vmem>>) semaphore(%arg18 : memref<!tpu.dma_semaphore, #tpu.memory_space<semaphore_mem>>)
        %dma_start3A_102 = arith.constant 0 : i32
        %dma_start3A_103 = tpu.memref_slice %arg3[%add3A_98, %dma_start3A_102] : memref<160000x128xf32, #tpu.memory_space<hbm>> -> memref<96x128xf32, #tpu.memory_space<hbm>>
        %dma_start3A_104 = arith.constant 0 : i32
        %dma_start3A_105 = tpu.memref_slice %arg3[%add3A_98, %dma_start3A_104] : memref<160000x128xf32, #tpu.memory_space<hbm>> -> memref<96x128xf32, #tpu.memory_space<hbm>>
        tpu.enqueue_dma source(%dma_start3A_105 : memref<96x128xf32, #tpu.memory_space<hbm>>) target(%arg10 : memref<96x128xf32, #tpu.memory_space<vmem>>) target_semaphore(%arg19 : memref<!tpu.dma_semaphore, #tpu.memory_space<semaphore_mem>>)
      } else {
      }
      %parallel_loop3A_88 = arith.constant 0 : i32
      %parallel_loop3A_89 = arith.constant 96 : i32
      %parallel_loop3A_90 = arith.constant 1 : i32
      scf.for %parallel_loop3A_97 = %parallel_loop3A_88 to %parallel_loop3A_89 step %parallel_loop3A_90  : i32 {
        %parallel_loop3A_98 = arith.index_cast %parallel_loop3A_97 : i32 to index
        %parallel_loop3A_99 = arith.constant 0 : index
        %parallel_loop3A_100 = tpu.vector_load %arg13[%parallel_loop3A_98, %parallel_loop3A_99] {strides = array<i32>} : memref<96x128xf32, #tpu.memory_space<vmem>>, vector<1x16xf32>,
        %parallel_loop3A_101 = vector.shape_cast %parallel_loop3A_100 : vector<1x16xf32> to vector<16xf32>
        %parallel_loop3A_102 = arith.index_cast %parallel_loop3A_97 : i32 to index
        %parallel_loop3A_103 = arith.constant 0 : index
        %parallel_loop3A_104 = tpu.vector_load %arg14[%parallel_loop3A_102, %parallel_loop3A_103] {strides = array<i32>} : memref<96x128xf32, #tpu.memory_space<vmem>>, vector<1x16xf32>,
        %parallel_loop3A_105 = vector.shape_cast %parallel_loop3A_104 : vector<1x16xf32> to vector<16xf32>
        %parallel_loop3A_106 = arith.mulf %parallel_loop3A_101, %parallel_loop3A_105 : vector<16xf32>
        %parallel_loop3A_107 = arith.index_cast %parallel_loop3A_97 : i32 to index
        %parallel_loop3A_108 = arith.constant 0 : index
        %parallel_loop3A_109 = tpu.vector_load %arg13[%parallel_loop3A_107, %parallel_loop3A_108] {strides = array<i32>} : memref<96x128xf32, #tpu.memory_space<vmem>>, vector<1x16xf32>,
        %parallel_loop3A_110 = vector.shape_cast %parallel_loop3A_109 : vector<1x16xf32> to vector<16xf32>
        %parallel_loop3A_111 = vector.shape_cast %parallel_loop3A_106 : vector<16xf32> to vector<1x16xf32>
        tpu.vector_store %arg13[%parallel_loop3A_107, %parallel_loop3A_108], %parallel_loop3A_111 {strides = array<i32>} : memref<96x128xf32, #tpu.memory_space<vmem>>, vector<1x16xf32>,
        %parallel_loop3A_112 = arith.index_cast %parallel_loop3A_97 : i32 to index
        %parallel_loop3A_113 = arith.constant 16 : index
        %parallel_loop3A_114 = tpu.vector_load %arg13[%parallel_loop3A_112, %parallel_loop3A_113] {strides = array<i32>} : memref<96x128xf32, #tpu.memory_space<vmem>>, vector<1x16xf32>,
        %parallel_loop3A_115 = vector.shape_cast %parallel_loop3A_114 : vector<1x16xf32> to vector<16xf32>
        %parallel_loop3A_116 = arith.index_cast %parallel_loop3A_97 : i32 to index
        %parallel_loop3A_117 = arith.constant 16 : index
        %parallel_loop3A_118 = tpu.vector_load %arg14[%parallel_loop3A_116, %parallel_loop3A_117] {strides = array<i32>} : memref<96x128xf32, #tpu.memory_space<vmem>>, vector<1x16xf32>,
        %parallel_loop3A_119 = vector.shape_cast %parallel_loop3A_118 : vector<1x16xf32> to vector<16xf32>
        %parallel_loop3A_120 = arith.mulf %parallel_loop3A_115, %parallel_loop3A_119 : vector<16xf32>
        %parallel_loop3A_121 = arith.index_cast %parallel_loop3A_97 : i32 to index
        %parallel_loop3A_122 = arith.constant 16 : index
        %parallel_loop3A_123 = tpu.vector_load %arg13[%parallel_loop3A_121, %parallel_loop3A_122] {strides = array<i32>} : memref<96x128xf32, #tpu.memory_space<vmem>>, vector<1x16xf32>,
        %parallel_loop3A_124 = vector.shape_cast %parallel_loop3A_123 : vector<1x16xf32> to vector<16xf32>
        %parallel_loop3A_125 = vector.shape_cast %parallel_loop3A_120 : vector<16xf32> to vector<1x16xf32>
        tpu.vector_store %arg13[%parallel_loop3A_121, %parallel_loop3A_122], %parallel_loop3A_125 {strides = array<i32>} : memref<96x128xf32, #tpu.memory_space<vmem>>, vector<1x16xf32>,
        %parallel_loop3A_126 = arith.index_cast %parallel_loop3A_97 : i32 to index
        %parallel_loop3A_127 = arith.constant 32 : index
        %parallel_loop3A_128 = tpu.vector_load %arg13[%parallel_loop3A_126, %parallel_loop3A_127] {strides = array<i32>} : memref<96x128xf32, #tpu.memory_space<vmem>>, vector<1x16xf32>,
        %parallel_loop3A_129 = vector.shape_cast %parallel_loop3A_128 : vector<1x16xf32> to vector<16xf32>
        %parallel_loop3A_130 = arith.index_cast %parallel_loop3A_97 : i32 to index
        %parallel_loop3A_131 = arith.constant 32 : index
        %parallel_loop3A_132 = tpu.vector_load %arg14[%parallel_loop3A_130, %parallel_loop3A_131] {strides = array<i32>} : memref<96x128xf32, #tpu.memory_space<vmem>>, vector<1x16xf32>,
        %parallel_loop3A_133 = vector.shape_cast %parallel_loop3A_132 : vector<1x16xf32> to vector<16xf32>
        %parallel_loop3A_134 = arith.mulf %parallel_loop3A_129, %parallel_loop3A_133 : vector<16xf32>
        %parallel_loop3A_135 = arith.index_cast %parallel_loop3A_97 : i32 to index
        %parallel_loop3A_136 = arith.constant 32 : index
        %parallel_loop3A_137 = tpu.vector_load %arg13[%parallel_loop3A_135, %parallel_loop3A_136] {strides = array<i32>} : memref<96x128xf32, #tpu.memory_space<vmem>>, vector<1x16xf32>,
        %parallel_loop3A_138 = vector.shape_cast %parallel_loop3A_137 : vector<1x16xf32> to vector<16xf32>
        %parallel_loop3A_139 = vector.shape_cast %parallel_loop3A_134 : vector<16xf32> to vector<1x16xf32>
        tpu.vector_store %arg13[%parallel_loop3A_135, %parallel_loop3A_136], %parallel_loop3A_139 {strides = array<i32>} : memref<96x128xf32, #tpu.memory_space<vmem>>, vector<1x16xf32>,
        %parallel_loop3A_140 = arith.index_cast %parallel_loop3A_97 : i32 to index
        %parallel_loop3A_141 = arith.constant 48 : index
        %parallel_loop3A_142 = tpu.vector_load %arg13[%parallel_loop3A_140, %parallel_loop3A_141] {strides = array<i32>} : memref<96x128xf32, #tpu.memory_space<vmem>>, vector<1x16xf32>,
        %parallel_loop3A_143 = vector.shape_cast %parallel_loop3A_142 : vector<1x16xf32> to vector<16xf32>
        %parallel_loop3A_144 = arith.index_cast %parallel_loop3A_97 : i32 to index
        %parallel_loop3A_145 = arith.constant 48 : index
        %parallel_loop3A_146 = tpu.vector_load %arg14[%parallel_loop3A_144, %parallel_loop3A_145] {strides = array<i32>} : memref<96x128xf32, #tpu.memory_space<vmem>>, vector<1x16xf32>,
        %parallel_loop3A_147 = vector.shape_cast %parallel_loop3A_146 : vector<1x16xf32> to vector<16xf32>
        %parallel_loop3A_148 = arith.mulf %parallel_loop3A_143, %parallel_loop3A_147 : vector<16xf32>
        %parallel_loop3A_149 = arith.index_cast %parallel_loop3A_97 : i32 to index
        %parallel_loop3A_150 = arith.constant 48 : index
        %parallel_loop3A_151 = tpu.vector_load %arg13[%parallel_loop3A_149, %parallel_loop3A_150] {strides = array<i32>} : memref<96x128xf32, #tpu.memory_space<vmem>>, vector<1x16xf32>,
        %parallel_loop3A_152 = vector.shape_cast %parallel_loop3A_151 : vector<1x16xf32> to vector<16xf32>
        %parallel_loop3A_153 = vector.shape_cast %parallel_loop3A_148 : vector<16xf32> to vector<1x16xf32>
        tpu.vector_store %arg13[%parallel_loop3A_149, %parallel_loop3A_150], %parallel_loop3A_153 {strides = array<i32>} : memref<96x128xf32, #tpu.memory_space<vmem>>, vector<1x16xf32>,
        %parallel_loop3A_154 = arith.index_cast %parallel_loop3A_97 : i32 to index
        %parallel_loop3A_155 = arith.constant 64 : index
        %parallel_loop3A_156 = tpu.vector_load %arg13[%parallel_loop3A_154, %parallel_loop3A_155] {strides = array<i32>} : memref<96x128xf32, #tpu.memory_space<vmem>>, vector<1x16xf32>,
        %parallel_loop3A_157 = vector.shape_cast %parallel_loop3A_156 : vector<1x16xf32> to vector<16xf32>
        %parallel_loop3A_158 = arith.index_cast %parallel_loop3A_97 : i32 to index
        %parallel_loop3A_159 = arith.constant 64 : index
        %parallel_loop3A_160 = tpu.vector_load %arg14[%parallel_loop3A_158, %parallel_loop3A_159] {strides = array<i32>} : memref<96x128xf32, #tpu.memory_space<vmem>>, vector<1x16xf32>,
        %parallel_loop3A_161 = vector.shape_cast %parallel_loop3A_160 : vector<1x16xf32> to vector<16xf32>
        %parallel_loop3A_162 = arith.mulf %parallel_loop3A_157, %parallel_loop3A_161 : vector<16xf32>
        %parallel_loop3A_163 = arith.index_cast %parallel_loop3A_97 : i32 to index
        %parallel_loop3A_164 = arith.constant 64 : index
        %parallel_loop3A_165 = tpu.vector_load %arg13[%parallel_loop3A_163, %parallel_loop3A_164] {strides = array<i32>} : memref<96x128xf32, #tpu.memory_space<vmem>>, vector<1x16xf32>,
        %parallel_loop3A_166 = vector.shape_cast %parallel_loop3A_165 : vector<1x16xf32> to vector<16xf32>
        %parallel_loop3A_167 = vector.shape_cast %parallel_loop3A_162 : vector<16xf32> to vector<1x16xf32>
        tpu.vector_store %arg13[%parallel_loop3A_163, %parallel_loop3A_164], %parallel_loop3A_167 {strides = array<i32>} : memref<96x128xf32, #tpu.memory_space<vmem>>, vector<1x16xf32>,
        %parallel_loop3A_168 = arith.index_cast %parallel_loop3A_97 : i32 to index
        %parallel_loop3A_169 = arith.constant 80 : index
        %parallel_loop3A_170 = tpu.vector_load %arg13[%parallel_loop3A_168, %parallel_loop3A_169] {strides = array<i32>} : memref<96x128xf32, #tpu.memory_space<vmem>>, vector<1x16xf32>,
        %parallel_loop3A_171 = vector.shape_cast %parallel_loop3A_170 : vector<1x16xf32> to vector<16xf32>
        %parallel_loop3A_172 = arith.index_cast %parallel_loop3A_97 : i32 to index
        %parallel_loop3A_173 = arith.constant 80 : index
        %parallel_loop3A_174 = tpu.vector_load %arg14[%parallel_loop3A_172, %parallel_loop3A_173] {strides = array<i32>} : memref<96x128xf32, #tpu.memory_space<vmem>>, vector<1x16xf32>,
        %parallel_loop3A_175 = vector.shape_cast %parallel_loop3A_174 : vector<1x16xf32> to vector<16xf32>
        %parallel_loop3A_176 = arith.mulf %parallel_loop3A_171, %parallel_loop3A_175 : vector<16xf32>
        %parallel_loop3A_177 = arith.index_cast %parallel_loop3A_97 : i32 to index
        %parallel_loop3A_178 = arith.constant 80 : index
        %parallel_loop3A_179 = tpu.vector_load %arg13[%parallel_loop3A_177, %parallel_loop3A_178] {strides = array<i32>} : memref<96x128xf32, #tpu.memory_space<vmem>>, vector<1x16xf32>,
        %parallel_loop3A_180 = vector.shape_cast %parallel_loop3A_179 : vector<1x16xf32> to vector<16xf32>
        %parallel_loop3A_181 = vector.shape_cast %parallel_loop3A_176 : vector<16xf32> to vector<1x16xf32>
        tpu.vector_store %arg13[%parallel_loop3A_177, %parallel_loop3A_178], %parallel_loop3A_181 {strides = array<i32>} : memref<96x128xf32, #tpu.memory_space<vmem>>, vector<1x16xf32>,
        %parallel_loop3A_182 = arith.index_cast %parallel_loop3A_97 : i32 to index
        %parallel_loop3A_183 = arith.constant 96 : index
        %parallel_loop3A_184 = tpu.vector_load %arg13[%parallel_loop3A_182, %parallel_loop3A_183] {strides = array<i32>} : memref<96x128xf32, #tpu.memory_space<vmem>>, vector<1x16xf32>,
        %parallel_loop3A_185 = vector.shape_cast %parallel_loop3A_184 : vector<1x16xf32> to vector<16xf32>
        %parallel_loop3A_186 = arith.index_cast %parallel_loop3A_97 : i32 to index
        %parallel_loop3A_187 = arith.constant 96 : index
        %parallel_loop3A_188 = tpu.vector_load %arg14[%parallel_loop3A_186, %parallel_loop3A_187] {strides = array<i32>} : memref<96x128xf32, #tpu.memory_space<vmem>>, vector<1x16xf32>,
        %parallel_loop3A_189 = vector.shape_cast %parallel_loop3A_188 : vector<1x16xf32> to vector<16xf32>
        %parallel_loop3A_190 = arith.mulf %parallel_loop3A_185, %parallel_loop3A_189 : vector<16xf32>
        %parallel_loop3A_191 = arith.index_cast %parallel_loop3A_97 : i32 to index
        %parallel_loop3A_192 = arith.constant 96 : index
        %parallel_loop3A_193 = tpu.vector_load %arg13[%parallel_loop3A_191, %parallel_loop3A_192] {strides = array<i32>} : memref<96x128xf32, #tpu.memory_space<vmem>>, vector<1x16xf32>,
        %parallel_loop3A_194 = vector.shape_cast %parallel_loop3A_193 : vector<1x16xf32> to vector<16xf32>
        %parallel_loop3A_195 = vector.shape_cast %parallel_loop3A_190 : vector<16xf32> to vector<1x16xf32>
        tpu.vector_store %arg13[%parallel_loop3A_191, %parallel_loop3A_192], %parallel_loop3A_195 {strides = array<i32>} : memref<96x128xf32, #tpu.memory_space<vmem>>, vector<1x16xf32>,
        %parallel_loop3A_196 = arith.index_cast %parallel_loop3A_97 : i32 to index
        %parallel_loop3A_197 = arith.constant 112 : index
        %parallel_loop3A_198 = tpu.vector_load %arg13[%parallel_loop3A_196, %parallel_loop3A_197] {strides = array<i32>} : memref<96x128xf32, #tpu.memory_space<vmem>>, vector<1x16xf32>,
        %parallel_loop3A_199 = vector.shape_cast %parallel_loop3A_198 : vector<1x16xf32> to vector<16xf32>
        %parallel_loop3A_200 = arith.index_cast %parallel_loop3A_97 : i32 to index
        %parallel_loop3A_201 = arith.constant 112 : index
        %parallel_loop3A_202 = tpu.vector_load %arg14[%parallel_loop3A_200, %parallel_loop3A_201] {strides = array<i32>} : memref<96x128xf32, #tpu.memory_space<vmem>>, vector<1x16xf32>,
        %parallel_loop3A_203 = vector.shape_cast %parallel_loop3A_202 : vector<1x16xf32> to vector<16xf32>
        %parallel_loop3A_204 = arith.mulf %parallel_loop3A_199, %parallel_loop3A_203 : vector<16xf32>
        %parallel_loop3A_205 = arith.index_cast %parallel_loop3A_97 : i32 to index
        %parallel_loop3A_206 = arith.constant 112 : index
        %parallel_loop3A_207 = tpu.vector_load %arg13[%parallel_loop3A_205, %parallel_loop3A_206] {strides = array<i32>} : memref<96x128xf32, #tpu.memory_space<vmem>>, vector<1x16xf32>,
        %parallel_loop3A_208 = vector.shape_cast %parallel_loop3A_207 : vector<1x16xf32> to vector<16xf32>
        %parallel_loop3A_209 = vector.shape_cast %parallel_loop3A_204 : vector<16xf32> to vector<1x16xf32>
        tpu.vector_store %arg13[%parallel_loop3A_205, %parallel_loop3A_206], %parallel_loop3A_209 {strides = array<i32>} : memref<96x128xf32, #tpu.memory_space<vmem>>, vector<1x16xf32>,
      } {sc.loop_unroll_factor = 2 : i64, sc.parallel_access}
      %dma_start3A_91 = arith.constant 0 : i32
      %dma_start3A_92 = arith.constant 0 : i32
      %dma_start3A_93 = tpu.memref_slice %arg17[%dma_start3A_91, %dma_start3A_92] : memref<10000x128xf32, #tpu.memory_space<vmem_shared>> -> memref<10000x128xf32, #tpu.memory_space<vmem_shared>>
      tpu.enqueue_indirect_dma source(%arg13 : memref<96x128xf32, #tpu.memory_space<vmem>>) target(%dma_start3A_93 : memref<10000x128xf32, #tpu.memory_space<vmem_shared>>) offsets(%arg12 : memref<96xi32, #tpu.memory_space<vmem>>) semaphore(%arg23 : memref<!tpu.dma_semaphore, #tpu.memory_space<semaphore_mem>>) {add = true}
      %dma_wait3A_94 = arith.constant 0 : i32
      %dma_wait3A_95 = arith.constant 0 : i32
      %dma_wait3A_96 = tpu.memref_slice %arg17[%dma_wait3A_94, %dma_wait3A_95] : memref<10000x128xf32, #tpu.memory_space<vmem_shared>> -> memref<10000x128xf32, #tpu.memory_space<vmem_shared>>
      tpu.wait_indirect_dma semaphore(%arg23 : memref<!tpu.dma_semaphore, #tpu.memory_space<semaphore_mem>>) src(%arg13 : memref<96x128xf32, #tpu.memory_space<vmem>>) dst(%dma_wait3A_96 : memref<10000x128xf32, #tpu.memory_space<vmem_shared>>)
    }
    %scan3A_15 = arith.constant 26 : i32
    %add3A_16 = arith.constant 4992 : i32
    %add3A_17 = arith.addi %mul3A_2, %add3A_16 : i32
    "tpu.region"() ({
      %run_scoped3A = tpu.sem_alloc : memref<!tpu.dma_semaphore, #tpu.memory_space<semaphore_mem>>
      %dma_start3A_37 = tpu.memref_slice %arg4[%add3A_17] : memref<160000xi32, #tpu.memory_space<hbm>> -> memref<8xi32, #tpu.memory_space<hbm>>
      %dma_start3A_38 = tpu.memref_slice %arg4[%add3A_17] : memref<160000xi32, #tpu.memory_space<hbm>> -> memref<8xi32, #tpu.memory_space<hbm>>
      tpu.enqueue_dma source(%dma_start3A_38 : memref<8xi32, #tpu.memory_space<hbm>>) target(%arg15 : memref<8xi32, #tpu.memory_space<vmem>>) target_semaphore(%run_scoped3A : memref<!tpu.dma_semaphore, #tpu.memory_space<semaphore_mem>>)
      %dma_wait3A_39 = tpu.memref_slice %arg4[%add3A_17] : memref<160000xi32, #tpu.memory_space<hbm>> -> memref<8xi32, #tpu.memory_space<hbm>>
      %dma_wait3A_40 = tpu.memref_slice %arg4[%add3A_17] : memref<160000xi32, #tpu.memory_space<hbm>> -> memref<8xi32, #tpu.memory_space<hbm>>
      tpu.wait_dma2 semaphore(%run_scoped3A : memref<!tpu.dma_semaphore, #tpu.memory_space<semaphore_mem>>) src(%dma_wait3A_40 : memref<8xi32, #tpu.memory_space<hbm>>) dst(%arg15 : memref<8xi32, #tpu.memory_space<vmem>>)
      tpu.yield
    }) : () -> ()
    "tpu.region"() ({
      %run_scoped3A = tpu.sem_alloc : memref<!tpu.dma_semaphore, #tpu.memory_space<semaphore_mem>>
      %dma_start3A_37 = tpu.memref_slice %arg5[%add3A_17] : memref<160000xi32, #tpu.memory_space<hbm>> -> memref<8xi32, #tpu.memory_space<hbm>>
      %dma_start3A_38 = tpu.memref_slice %arg5[%add3A_17] : memref<160000xi32, #tpu.memory_space<hbm>> -> memref<8xi32, #tpu.memory_space<hbm>>
      tpu.enqueue_dma source(%dma_start3A_38 : memref<8xi32, #tpu.memory_space<hbm>>) target(%arg16 : memref<8xi32, #tpu.memory_space<vmem>>) target_semaphore(%run_scoped3A : memref<!tpu.dma_semaphore, #tpu.memory_space<semaphore_mem>>)
      %dma_wait3A_39 = tpu.memref_slice %arg5[%add3A_17] : memref<160000xi32, #tpu.memory_space<hbm>> -> memref<8xi32, #tpu.memory_space<hbm>>
      %dma_wait3A_40 = tpu.memref_slice %arg5[%add3A_17] : memref<160000xi32, #tpu.memory_space<hbm>> -> memref<8xi32, #tpu.memory_space<hbm>>
      tpu.wait_dma2 semaphore(%run_scoped3A : memref<!tpu.dma_semaphore, #tpu.memory_space<semaphore_mem>>) src(%dma_wait3A_40 : memref<8xi32, #tpu.memory_space<hbm>>) dst(%arg16 : memref<8xi32, #tpu.memory_space<vmem>>)
      tpu.yield
    }) : () -> ()
    %dma_start3A_18 = arith.constant 0 : i32
    %dma_start3A_19 = arith.constant 0 : i32
    %dma_start3A_20 = tpu.memref_slice %arg9[%dma_start3A_18, %dma_start3A_19] : memref<96x128xf32, #tpu.memory_space<vmem>> -> memref<8x128xf32, #tpu.memory_space<vmem>>
    %dma_start3A_21 = arith.constant 0 : i32
    %dma_start3A_22 = arith.constant 0 : i32
    %dma_start3A_23 = tpu.memref_slice %arg2[%dma_start3A_21, %dma_start3A_22] : memref<10000x128xf32, #tpu.memory_space<hbm>> -> memref<10000x128xf32, #tpu.memory_space<hbm>>
    tpu.enqueue_indirect_dma source(%dma_start3A_23 : memref<10000x128xf32, #tpu.memory_space<hbm>>) target(%dma_start3A_20 : memref<8x128xf32, #tpu.memory_space<vmem>>) offsets(%arg15 : memref<8xi32, #tpu.memory_space<vmem>>) semaphore(%arg18 : memref<!tpu.dma_semaphore, #tpu.memory_space<semaphore_mem>>)
    %dma_wait3A = arith.constant 0 : i32
    %dma_wait3A_24 = arith.constant 0 : i32
    %dma_wait3A_25 = tpu.memref_slice %arg9[%dma_wait3A, %dma_wait3A_24] : memref<96x128xf32, #tpu.memory_space<vmem>> -> memref<8x128xf32, #tpu.memory_space<vmem>>
    %dma_wait3A_26 = arith.constant 0 : i32
    %dma_wait3A_27 = arith.constant 0 : i32
    %dma_wait3A_28 = tpu.memref_slice %arg2[%dma_wait3A_26, %dma_wait3A_27] : memref<10000x128xf32, #tpu.memory_space<hbm>> -> memref<10000x128xf32, #tpu.memory_space<hbm>>
    tpu.wait_indirect_dma semaphore(%arg18 : memref<!tpu.dma_semaphore, #tpu.memory_space<semaphore_mem>>) src(%dma_wait3A_28 : memref<10000x128xf32, #tpu.memory_space<hbm>>) dst(%dma_wait3A_25 : memref<8x128xf32, #tpu.memory_space<vmem>>)
    "tpu.region"() ({
      %run_scoped3A = tpu.sem_alloc : memref<!tpu.dma_semaphore, #tpu.memory_space<semaphore_mem>>
      %dma_start3A_37 = arith.constant 0 : i32
      %dma_start3A_38 = arith.constant 0 : i32
      %dma_start3A_39 = tpu.memref_slice %arg10[%dma_start3A_37, %dma_start3A_38] : memref<96x128xf32, #tpu.memory_space<vmem>> -> memref<8x128xf32, #tpu.memory_space<vmem>>
      %dma_start3A_40 = arith.constant 0 : i32
      %dma_start3A_41 = tpu.memref_slice %arg3[%add3A_17, %dma_start3A_40] : memref<160000x128xf32, #tpu.memory_space<hbm>> -> memref<8x128xf32, #tpu.memory_space<hbm>>
      %dma_start3A_42 = arith.constant 0 : i32
      %dma_start3A_43 = arith.constant 0 : i32
      %dma_start3A_44 = tpu.memref_slice %arg10[%dma_start3A_42, %dma_start3A_43] : memref<96x128xf32, #tpu.memory_space<vmem>> -> memref<8x128xf32, #tpu.memory_space<vmem>>
      %dma_start3A_45 = arith.constant 0 : i32
      %dma_start3A_46 = tpu.memref_slice %arg3[%add3A_17, %dma_start3A_45] : memref<160000x128xf32, #tpu.memory_space<hbm>> -> memref<8x128xf32, #tpu.memory_space<hbm>>
      tpu.enqueue_dma source(%dma_start3A_46 : memref<8x128xf32, #tpu.memory_space<hbm>>) target(%dma_start3A_44 : memref<8x128xf32, #tpu.memory_space<vmem>>) target_semaphore(%run_scoped3A : memref<!tpu.dma_semaphore, #tpu.memory_space<semaphore_mem>>)
      %dma_wait3A_47 = arith.constant 0 : i32
      %dma_wait3A_48 = arith.constant 0 : i32
      %dma_wait3A_49 = tpu.memref_slice %arg10[%dma_wait3A_47, %dma_wait3A_48] : memref<96x128xf32, #tpu.memory_space<vmem>> -> memref<8x128xf32, #tpu.memory_space<vmem>>
      %dma_wait3A_50 = arith.constant 0 : i32
      %dma_wait3A_51 = tpu.memref_slice %arg3[%add3A_17, %dma_wait3A_50] : memref<160000x128xf32, #tpu.memory_space<hbm>> -> memref<8x128xf32, #tpu.memory_space<hbm>>
      %dma_wait3A_52 = arith.constant 0 : i32
      %dma_wait3A_53 = arith.constant 0 : i32
      %dma_wait3A_54 = tpu.memref_slice %arg10[%dma_wait3A_52, %dma_wait3A_53] : memref<96x128xf32, #tpu.memory_space<vmem>> -> memref<8x128xf32, #tpu.memory_space<vmem>>
      %dma_wait3A_55 = arith.constant 0 : i32
      %dma_wait3A_56 = tpu.memref_slice %arg3[%add3A_17, %dma_wait3A_55] : memref<160000x128xf32, #tpu.memory_space<hbm>> -> memref<8x128xf32, #tpu.memory_space<hbm>>
      tpu.wait_dma2 semaphore(%run_scoped3A : memref<!tpu.dma_semaphore, #tpu.memory_space<semaphore_mem>>) src(%dma_wait3A_56 : memref<8x128xf32, #tpu.memory_space<hbm>>) dst(%dma_wait3A_54 : memref<8x128xf32, #tpu.memory_space<vmem>>)
      tpu.yield
    }) : () -> ()
    %parallel_loop3A = arith.constant 0 : i32
    %parallel_loop3A_29 = arith.constant 8 : i32
    %parallel_loop3A_30 = arith.constant 1 : i32
    scf.for %parallel_loop3A_37 = %parallel_loop3A to %parallel_loop3A_29 step %parallel_loop3A_30  : i32 {
      %parallel_loop3A_38 = arith.index_cast %parallel_loop3A_37 : i32 to index
      %parallel_loop3A_39 = arith.constant 0 : index
      %parallel_loop3A_40 = tpu.vector_load %arg9[%parallel_loop3A_38, %parallel_loop3A_39] {strides = array<i32>} : memref<96x128xf32, #tpu.memory_space<vmem>>, vector<1x16xf32>,
      %parallel_loop3A_41 = vector.shape_cast %parallel_loop3A_40 : vector<1x16xf32> to vector<16xf32>
      %parallel_loop3A_42 = arith.index_cast %parallel_loop3A_37 : i32 to index
      %parallel_loop3A_43 = arith.constant 0 : index
      %parallel_loop3A_44 = tpu.vector_load %arg10[%parallel_loop3A_42, %parallel_loop3A_43] {strides = array<i32>} : memref<96x128xf32, #tpu.memory_space<vmem>>, vector<1x16xf32>,
      %parallel_loop3A_45 = vector.shape_cast %parallel_loop3A_44 : vector<1x16xf32> to vector<16xf32>
      %parallel_loop3A_46 = arith.mulf %parallel_loop3A_41, %parallel_loop3A_45 : vector<16xf32>
      %parallel_loop3A_47 = arith.index_cast %parallel_loop3A_37 : i32 to index
      %parallel_loop3A_48 = arith.constant 0 : index
      %parallel_loop3A_49 = tpu.vector_load %arg9[%parallel_loop3A_47, %parallel_loop3A_48] {strides = array<i32>} : memref<96x128xf32, #tpu.memory_space<vmem>>, vector<1x16xf32>,
      %parallel_loop3A_50 = vector.shape_cast %parallel_loop3A_49 : vector<1x16xf32> to vector<16xf32>
      %parallel_loop3A_51 = vector.shape_cast %parallel_loop3A_46 : vector<16xf32> to vector<1x16xf32>
      tpu.vector_store %arg9[%parallel_loop3A_47, %parallel_loop3A_48], %parallel_loop3A_51 {strides = array<i32>} : memref<96x128xf32, #tpu.memory_space<vmem>>, vector<1x16xf32>,
      %parallel_loop3A_52 = arith.index_cast %parallel_loop3A_37 : i32 to index
      %parallel_loop3A_53 = arith.constant 16 : index
      %parallel_loop3A_54 = tpu.vector_load %arg9[%parallel_loop3A_52, %parallel_loop3A_53] {strides = array<i32>} : memref<96x128xf32, #tpu.memory_space<vmem>>, vector<1x16xf32>,
      %parallel_loop3A_55 = vector.shape_cast %parallel_loop3A_54 : vector<1x16xf32> to vector<16xf32>
      %parallel_loop3A_56 = arith.index_cast %parallel_loop3A_37 : i32 to index
      %parallel_loop3A_57 = arith.constant 16 : index
      %parallel_loop3A_58 = tpu.vector_load %arg10[%parallel_loop3A_56, %parallel_loop3A_57] {strides = array<i32>} : memref<96x128xf32, #tpu.memory_space<vmem>>, vector<1x16xf32>,
      %parallel_loop3A_59 = vector.shape_cast %parallel_loop3A_58 : vector<1x16xf32> to vector<16xf32>
      %parallel_loop3A_60 = arith.mulf %parallel_loop3A_55, %parallel_loop3A_59 : vector<16xf32>
      %parallel_loop3A_61 = arith.index_cast %parallel_loop3A_37 : i32 to index
      %parallel_loop3A_62 = arith.constant 16 : index
      %parallel_loop3A_63 = tpu.vector_load %arg9[%parallel_loop3A_61, %parallel_loop3A_62] {strides = array<i32>} : memref<96x128xf32, #tpu.memory_space<vmem>>, vector<1x16xf32>,
      %parallel_loop3A_64 = vector.shape_cast %parallel_loop3A_63 : vector<1x16xf32> to vector<16xf32>
      %parallel_loop3A_65 = vector.shape_cast %parallel_loop3A_60 : vector<16xf32> to vector<1x16xf32>
      tpu.vector_store %arg9[%parallel_loop3A_61, %parallel_loop3A_62], %parallel_loop3A_65 {strides = array<i32>} : memref<96x128xf32, #tpu.memory_space<vmem>>, vector<1x16xf32>,
      %parallel_loop3A_66 = arith.index_cast %parallel_loop3A_37 : i32 to index
      %parallel_loop3A_67 = arith.constant 32 : index
      %parallel_loop3A_68 = tpu.vector_load %arg9[%parallel_loop3A_66, %parallel_loop3A_67] {strides = array<i32>} : memref<96x128xf32, #tpu.memory_space<vmem>>, vector<1x16xf32>,
      %parallel_loop3A_69 = vector.shape_cast %parallel_loop3A_68 : vector<1x16xf32> to vector<16xf32>
      %parallel_loop3A_70 = arith.index_cast %parallel_loop3A_37 : i32 to index
      %parallel_loop3A_71 = arith.constant 32 : index
      %parallel_loop3A_72 = tpu.vector_load %arg10[%parallel_loop3A_70, %parallel_loop3A_71] {strides = array<i32>} : memref<96x128xf32, #tpu.memory_space<vmem>>, vector<1x16xf32>,
      %parallel_loop3A_73 = vector.shape_cast %parallel_loop3A_72 : vector<1x16xf32> to vector<16xf32>
      %parallel_loop3A_74 = arith.mulf %parallel_loop3A_69, %parallel_loop3A_73 : vector<16xf32>
      %parallel_loop3A_75 = arith.index_cast %parallel_loop3A_37 : i32 to index
      %parallel_loop3A_76 = arith.constant 32 : index
      %parallel_loop3A_77 = tpu.vector_load %arg9[%parallel_loop3A_75, %parallel_loop3A_76] {strides = array<i32>} : memref<96x128xf32, #tpu.memory_space<vmem>>, vector<1x16xf32>,
      %parallel_loop3A_78 = vector.shape_cast %parallel_loop3A_77 : vector<1x16xf32> to vector<16xf32>
      %parallel_loop3A_79 = vector.shape_cast %parallel_loop3A_74 : vector<16xf32> to vector<1x16xf32>
      tpu.vector_store %arg9[%parallel_loop3A_75, %parallel_loop3A_76], %parallel_loop3A_79 {strides = array<i32>} : memref<96x128xf32, #tpu.memory_space<vmem>>, vector<1x16xf32>,
      %parallel_loop3A_80 = arith.index_cast %parallel_loop3A_37 : i32 to index
      %parallel_loop3A_81 = arith.constant 48 : index
      %parallel_loop3A_82 = tpu.vector_load %arg9[%parallel_loop3A_80, %parallel_loop3A_81] {strides = array<i32>} : memref<96x128xf32, #tpu.memory_space<vmem>>, vector<1x16xf32>,
      %parallel_loop3A_83 = vector.shape_cast %parallel_loop3A_82 : vector<1x16xf32> to vector<16xf32>
      %parallel_loop3A_84 = arith.index_cast %parallel_loop3A_37 : i32 to index
      %parallel_loop3A_85 = arith.constant 48 : index
      %parallel_loop3A_86 = tpu.vector_load %arg10[%parallel_loop3A_84, %parallel_loop3A_85] {strides = array<i32>} : memref<96x128xf32, #tpu.memory_space<vmem>>, vector<1x16xf32>,
      %parallel_loop3A_87 = vector.shape_cast %parallel_loop3A_86 : vector<1x16xf32> to vector<16xf32>
      %parallel_loop3A_88 = arith.mulf %parallel_loop3A_83, %parallel_loop3A_87 : vector<16xf32>
      %parallel_loop3A_89 = arith.index_cast %parallel_loop3A_37 : i32 to index
      %parallel_loop3A_90 = arith.constant 48 : index
      %parallel_loop3A_91 = tpu.vector_load %arg9[%parallel_loop3A_89, %parallel_loop3A_90] {strides = array<i32>} : memref<96x128xf32, #tpu.memory_space<vmem>>, vector<1x16xf32>,
      %parallel_loop3A_92 = vector.shape_cast %parallel_loop3A_91 : vector<1x16xf32> to vector<16xf32>
      %parallel_loop3A_93 = vector.shape_cast %parallel_loop3A_88 : vector<16xf32> to vector<1x16xf32>
      tpu.vector_store %arg9[%parallel_loop3A_89, %parallel_loop3A_90], %parallel_loop3A_93 {strides = array<i32>} : memref<96x128xf32, #tpu.memory_space<vmem>>, vector<1x16xf32>,
      %parallel_loop3A_94 = arith.index_cast %parallel_loop3A_37 : i32 to index
      %parallel_loop3A_95 = arith.constant 64 : index
      %parallel_loop3A_96 = tpu.vector_load %arg9[%parallel_loop3A_94, %parallel_loop3A_95] {strides = array<i32>} : memref<96x128xf32, #tpu.memory_space<vmem>>, vector<1x16xf32>,
      %parallel_loop3A_97 = vector.shape_cast %parallel_loop3A_96 : vector<1x16xf32> to vector<16xf32>
      %parallel_loop3A_98 = arith.index_cast %parallel_loop3A_37 : i32 to index
      %parallel_loop3A_99 = arith.constant 64 : index
      %parallel_loop3A_100 = tpu.vector_load %arg10[%parallel_loop3A_98, %parallel_loop3A_99] {strides = array<i32>} : memref<96x128xf32, #tpu.memory_space<vmem>>, vector<1x16xf32>,
      %parallel_loop3A_101 = vector.shape_cast %parallel_loop3A_100 : vector<1x16xf32> to vector<16xf32>
      %parallel_loop3A_102 = arith.mulf %parallel_loop3A_97, %parallel_loop3A_101 : vector<16xf32>
      %parallel_loop3A_103 = arith.index_cast %parallel_loop3A_37 : i32 to index
      %parallel_loop3A_104 = arith.constant 64 : index
      %parallel_loop3A_105 = tpu.vector_load %arg9[%parallel_loop3A_103, %parallel_loop3A_104] {strides = array<i32>} : memref<96x128xf32, #tpu.memory_space<vmem>>, vector<1x16xf32>,
      %parallel_loop3A_106 = vector.shape_cast %parallel_loop3A_105 : vector<1x16xf32> to vector<16xf32>
      %parallel_loop3A_107 = vector.shape_cast %parallel_loop3A_102 : vector<16xf32> to vector<1x16xf32>
      tpu.vector_store %arg9[%parallel_loop3A_103, %parallel_loop3A_104], %parallel_loop3A_107 {strides = array<i32>} : memref<96x128xf32, #tpu.memory_space<vmem>>, vector<1x16xf32>,
      %parallel_loop3A_108 = arith.index_cast %parallel_loop3A_37 : i32 to index
      %parallel_loop3A_109 = arith.constant 80 : index
      %parallel_loop3A_110 = tpu.vector_load %arg9[%parallel_loop3A_108, %parallel_loop3A_109] {strides = array<i32>} : memref<96x128xf32, #tpu.memory_space<vmem>>, vector<1x16xf32>,
      %parallel_loop3A_111 = vector.shape_cast %parallel_loop3A_110 : vector<1x16xf32> to vector<16xf32>
      %parallel_loop3A_112 = arith.index_cast %parallel_loop3A_37 : i32 to index
      %parallel_loop3A_113 = arith.constant 80 : index
      %parallel_loop3A_114 = tpu.vector_load %arg10[%parallel_loop3A_112, %parallel_loop3A_113] {strides = array<i32>} : memref<96x128xf32, #tpu.memory_space<vmem>>, vector<1x16xf32>,
      %parallel_loop3A_115 = vector.shape_cast %parallel_loop3A_114 : vector<1x16xf32> to vector<16xf32>
      %parallel_loop3A_116 = arith.mulf %parallel_loop3A_111, %parallel_loop3A_115 : vector<16xf32>
      %parallel_loop3A_117 = arith.index_cast %parallel_loop3A_37 : i32 to index
      %parallel_loop3A_118 = arith.constant 80 : index
      %parallel_loop3A_119 = tpu.vector_load %arg9[%parallel_loop3A_117, %parallel_loop3A_118] {strides = array<i32>} : memref<96x128xf32, #tpu.memory_space<vmem>>, vector<1x16xf32>,
      %parallel_loop3A_120 = vector.shape_cast %parallel_loop3A_119 : vector<1x16xf32> to vector<16xf32>
      %parallel_loop3A_121 = vector.shape_cast %parallel_loop3A_116 : vector<16xf32> to vector<1x16xf32>
      tpu.vector_store %arg9[%parallel_loop3A_117, %parallel_loop3A_118], %parallel_loop3A_121 {strides = array<i32>} : memref<96x128xf32, #tpu.memory_space<vmem>>, vector<1x16xf32>,
      %parallel_loop3A_122 = arith.index_cast %parallel_loop3A_37 : i32 to index
      %parallel_loop3A_123 = arith.constant 96 : index
      %parallel_loop3A_124 = tpu.vector_load %arg9[%parallel_loop3A_122, %parallel_loop3A_123] {strides = array<i32>} : memref<96x128xf32, #tpu.memory_space<vmem>>, vector<1x16xf32>,
      %parallel_loop3A_125 = vector.shape_cast %parallel_loop3A_124 : vector<1x16xf32> to vector<16xf32>
      %parallel_loop3A_126 = arith.index_cast %parallel_loop3A_37 : i32 to index
      %parallel_loop3A_127 = arith.constant 96 : index
      %parallel_loop3A_128 = tpu.vector_load %arg10[%parallel_loop3A_126, %parallel_loop3A_127] {strides = array<i32>} : memref<96x128xf32, #tpu.memory_space<vmem>>, vector<1x16xf32>,
      %parallel_loop3A_129 = vector.shape_cast %parallel_loop3A_128 : vector<1x16xf32> to vector<16xf32>
      %parallel_loop3A_130 = arith.mulf %parallel_loop3A_125, %parallel_loop3A_129 : vector<16xf32>
      %parallel_loop3A_131 = arith.index_cast %parallel_loop3A_37 : i32 to index
      %parallel_loop3A_132 = arith.constant 96 : index
      %parallel_loop3A_133 = tpu.vector_load %arg9[%parallel_loop3A_131, %parallel_loop3A_132] {strides = array<i32>} : memref<96x128xf32, #tpu.memory_space<vmem>>, vector<1x16xf32>,
      %parallel_loop3A_134 = vector.shape_cast %parallel_loop3A_133 : vector<1x16xf32> to vector<16xf32>
      %parallel_loop3A_135 = vector.shape_cast %parallel_loop3A_130 : vector<16xf32> to vector<1x16xf32>
      tpu.vector_store %arg9[%parallel_loop3A_131, %parallel_loop3A_132], %parallel_loop3A_135 {strides = array<i32>} : memref<96x128xf32, #tpu.memory_space<vmem>>, vector<1x16xf32>,
      %parallel_loop3A_136 = arith.index_cast %parallel_loop3A_37 : i32 to index
      %parallel_loop3A_137 = arith.constant 112 : index
      %parallel_loop3A_138 = tpu.vector_load %arg9[%parallel_loop3A_136, %parallel_loop3A_137] {strides = array<i32>} : memref<96x128xf32, #tpu.memory_space<vmem>>, vector<1x16xf32>,
      %parallel_loop3A_139 = vector.shape_cast %parallel_loop3A_138 : vector<1x16xf32> to vector<16xf32>
      %parallel_loop3A_140 = arith.index_cast %parallel_loop3A_37 : i32 to index
      %parallel_loop3A_141 = arith.constant 112 : index
      %parallel_loop3A_142 = tpu.vector_load %arg10[%parallel_loop3A_140, %parallel_loop3A_141] {strides = array<i32>} : memref<96x128xf32, #tpu.memory_space<vmem>>, vector<1x16xf32>,
      %parallel_loop3A_143 = vector.shape_cast %parallel_loop3A_142 : vector<1x16xf32> to vector<16xf32>
      %parallel_loop3A_144 = arith.mulf %parallel_loop3A_139, %parallel_loop3A_143 : vector<16xf32>
      %parallel_loop3A_145 = arith.index_cast %parallel_loop3A_37 : i32 to index
      %parallel_loop3A_146 = arith.constant 112 : index
      %parallel_loop3A_147 = tpu.vector_load %arg9[%parallel_loop3A_145, %parallel_loop3A_146] {strides = array<i32>} : memref<96x128xf32, #tpu.memory_space<vmem>>, vector<1x16xf32>,
      %parallel_loop3A_148 = vector.shape_cast %parallel_loop3A_147 : vector<1x16xf32> to vector<16xf32>
      %parallel_loop3A_149 = vector.shape_cast %parallel_loop3A_144 : vector<16xf32> to vector<1x16xf32>
      tpu.vector_store %arg9[%parallel_loop3A_145, %parallel_loop3A_146], %parallel_loop3A_149 {strides = array<i32>} : memref<96x128xf32, #tpu.memory_space<vmem>>, vector<1x16xf32>,
    } {sc.loop_unroll_factor = 2 : i64, sc.parallel_access}
    "tpu.region"() ({
      %run_scoped3A = tpu.sem_alloc : memref<!tpu.dma_semaphore, #tpu.memory_space<semaphore_mem>>
      %dma_start3A_37 = arith.constant 0 : i32
      %dma_start3A_38 = arith.constant 0 : i32
      %dma_start3A_39 = tpu.memref_slice %arg9[%dma_start3A_37, %dma_start3A_38] : memref<96x128xf32, #tpu.memory_space<vmem>> -> memref<8x128xf32, #tpu.memory_space<vmem>>
      %dma_start3A_40 = arith.constant 0 : i32
      %dma_start3A_41 = arith.constant 0 : i32
      %dma_start3A_42 = tpu.memref_slice %arg17[%dma_start3A_40, %dma_start3A_41] : memref<10000x128xf32, #tpu.memory_space<vmem_shared>> -> memref<10000x128xf32, #tpu.memory_space<vmem_shared>>
      tpu.enqueue_indirect_dma source(%dma_start3A_39 : memref<8x128xf32, #tpu.memory_space<vmem>>) target(%dma_start3A_42 : memref<10000x128xf32, #tpu.memory_space<vmem_shared>>) offsets(%arg16 : memref<8xi32, #tpu.memory_space<vmem>>) semaphore(%run_scoped3A : memref<!tpu.dma_semaphore, #tpu.memory_space<semaphore_mem>>) {add = true}
      %dma_wait3A_43 = arith.constant 0 : i32
      %dma_wait3A_44 = arith.constant 0 : i32
      %dma_wait3A_45 = tpu.memref_slice %arg9[%dma_wait3A_43, %dma_wait3A_44] : memref<96x128xf32, #tpu.memory_space<vmem>> -> memref<8x128xf32, #tpu.memory_space<vmem>>
      %dma_wait3A_46 = arith.constant 0 : i32
      %dma_wait3A_47 = arith.constant 0 : i32
      %dma_wait3A_48 = tpu.memref_slice %arg17[%dma_wait3A_46, %dma_wait3A_47] : memref<10000x128xf32, #tpu.memory_space<vmem_shared>> -> memref<10000x128xf32, #tpu.memory_space<vmem_shared>>
      tpu.wait_indirect_dma semaphore(%run_scoped3A : memref<!tpu.dma_semaphore, #tpu.memory_space<semaphore_mem>>) src(%dma_wait3A_45 : memref<8x128xf32, #tpu.memory_space<vmem>>) dst(%dma_wait3A_48 : memref<10000x128xf32, #tpu.memory_space<vmem_shared>>)
      tpu.yield
    }) : () -> ()
    %barrier3A_31 = arith.constant 0 : index
    tpu.barrier barrier_id(%barrier3A_31)
    %lt3A_32 = arith.constant 10 : i32
    %lt3A_33 = arith.cmpi slt, %arg1, %lt3A_32 : i32
    %convert_element_type3A_34 = arith.extui %lt3A_33 : i1 to i32
    %cond3A_35 = arith.constant 0 : i32
    %cond3A_36 = arith.cmpi ne, %convert_element_type3A_34, %cond3A_35 : i32
    scf.if %cond3A_36 {
      %mul3A_37 = arith.constant 1000 : i32
      %mul3A_38 = arith.muli %arg1, %mul3A_37 : i32
      %mul3A_39 = arith.constant 1000 : i32
      %mul3A_40 = arith.muli %arg1, %mul3A_39 : i32
      "tpu.region"() ({
        %run_scoped3A = tpu.sem_alloc : memref<!tpu.dma_semaphore, #tpu.memory_space<semaphore_mem>>
        %dma_start3A_41 = arith.constant 0 : i32
        %dma_start3A_42 = tpu.memref_slice %arg6[%arg0, %mul3A_40, %dma_start3A_41] : memref<2x10000x128xf32, #tpu.memory_space<hbm>> -> memref<1x1000x128xf32, #tpu.memory_space<hbm>>
        %dma_start3A_43 = tpu.memref_squeeze %dma_start3A_42 : memref<1x1000x128xf32, #tpu.memory_space<hbm>> -> memref<1000x128xf32, #tpu.memory_space<hbm>>
        %dma_start3A_44 = arith.constant 0 : i32
        %dma_start3A_45 = tpu.memref_slice %arg17[%mul3A_38, %dma_start3A_44] : memref<10000x128xf32, #tpu.memory_space<vmem_shared>> -> memref<1000x128xf32, #tpu.memory_space<vmem_shared>>
        tpu.enqueue_dma source(%dma_start3A_45 : memref<1000x128xf32, #tpu.memory_space<vmem_shared>>) target(%dma_start3A_43 : memref<1000x128xf32, #tpu.memory_space<hbm>>) target_semaphore(%run_scoped3A : memref<!tpu.dma_semaphore, #tpu.memory_space<semaphore_mem>>)
        %dma_wait3A_46 = arith.constant 0 : i32
        %dma_wait3A_47 = tpu.memref_slice %arg6[%arg0, %mul3A_40, %dma_wait3A_46] : memref<2x10000x128xf32, #tpu.memory_space<hbm>> -> memref<1x1000x128xf32, #tpu.memory_space<hbm>>
        %dma_wait3A_48 = tpu.memref_squeeze %dma_wait3A_47 : memref<1x1000x128xf32, #tpu.memory_space<hbm>> -> memref<1000x128xf32, #tpu.memory_space<hbm>>
        %dma_wait3A_49 = arith.constant 0 : i32
        %dma_wait3A_50 = tpu.memref_slice %arg17[%mul3A_38, %dma_wait3A_49] : memref<10000x128xf32, #tpu.memory_space<vmem_shared>> -> memref<1000x128xf32, #tpu.memory_space<vmem_shared>>
        tpu.wait_dma2 semaphore(%run_scoped3A : memref<!tpu.dma_semaphore, #tpu.memory_space<semaphore_mem>>) src(%dma_wait3A_50 : memref<1000x128xf32, #tpu.memory_space<vmem_shared>>) dst(%dma_wait3A_48 : memref<1000x128xf32, #tpu.memory_space<hbm>>)
        tpu.yield
      }) : () -> ()
    } else {
    }
    return
  }
}

module attributes {stable_mosaic.version = 14 : i64} {
  func.func @_node_body(%arg0: i32, %arg1: memref<1000x128xf32, #tpu.memory_space<vmem>>, %arg2: memref<128x128xf32, #tpu.memory_space<vmem>>, %arg3: memref<1x128xf32, #tpu.memory_space<vmem>>, %arg4: memref<1000x128xf32, #tpu.memory_space<vmem>>) attributes {dimension_semantics = [#tpu.dimension_semantics<arbitrary>], iteration_bounds = array<i64: 10>, scalar_prefetch = 0 : i64, scratch_operands = 0 : i64, tpu.core_type = #tpu.core_type<tc>, window_params = [{transform_indices = @transform_0, window_bounds = array<i64: 1000, 128>}, {pipeline_mode = #tpu.pipeline_mode<synchronous>, transform_indices = @transform_1, window_bounds = array<i64: 128, 128>}, {pipeline_mode = #tpu.pipeline_mode<synchronous>, transform_indices = @transform_2, window_bounds = array<i64: 1, 128>}, {transform_indices = @transform_3, window_bounds = array<i64: 1000, 128>}]} {
    %get3A = arith.constant 0 : index
    %get3A_0 = arith.constant 0 : index
    %get3A_1 = vector.load %arg1[%get3A, %get3A_0] : memref<1000x128xf32, #tpu.memory_space<vmem>>, vector<1000x128xf32>
    %get3A_2 = arith.constant 0 : index
    %get3A_3 = arith.constant 0 : index
    %get3A_4 = vector.load %arg2[%get3A_2, %get3A_3] : memref<128x128xf32, #tpu.memory_space<vmem>>, vector<128x128xf32>
    %dot_general3A = arith.constant dense<0.000000e+00> : vector<1000x128xf32>
    %dot_general3A_5 = tpu.matmul %get3A_1, %get3A_4, %dot_general3A {dimension_numbers = #tpu.dot_dimension_numbers<[1], [0], [0], [1], [0, 0, 1, 1], [], []>, transpose_lhs_hint = false} : vector<1000x128xf32>, vector<128x128xf32>, vector<1000x128xf32> -> vector<1000x128xf32>
    %get3A_6 = arith.constant 0 : index
    %get3A_7 = arith.constant 0 : index
    %get3A_8 = vector.load %arg3[%get3A_6, %get3A_7] : memref<1x128xf32, #tpu.memory_space<vmem>>, vector<1x128xf32>
    %add3A = vector.broadcast %get3A_8 : vector<1x128xf32> to vector<1000x128xf32>
    %add3A_9 = arith.addf %dot_general3A_5, %add3A : vector<1000x128xf32>
    %swap3A = arith.constant 0 : index
    %swap3A_10 = arith.constant 0 : index
    %swap3A_11 = vector.load %arg4[%swap3A, %swap3A_10] : memref<1000x128xf32, #tpu.memory_space<vmem>>, vector<1000x128xf32>
    tpu.vector_store %arg4[%swap3A, %swap3A_10], %add3A_9 {strides = array<i32>} : memref<1000x128xf32, #tpu.memory_space<vmem>>, vector<1000x128xf32>,
    return
  }
  func.func @transform_0(%arg0: i32) -> (i32, i32) {
    %c0_i32 = arith.constant 0 : i32
    %c0_i32_0 = arith.constant 0 : i32
    return %arg0, %c0_i32 : i32, i32
  }
  func.func @transform_1(%arg0: i32) -> (i32, i32) {
    %c0_i32 = arith.constant 0 : i32
    %c0_i32_0 = arith.constant 0 : i32
    %c0_i32_1 = arith.constant 0 : i32
    return %c0_i32, %c0_i32_0 : i32, i32
  }
  func.func @transform_2(%arg0: i32) -> (i32, i32) {
    %c0_i32 = arith.constant 0 : i32
    %c0_i32_0 = arith.constant 0 : i32
    %c0_i32_1 = arith.constant 0 : i32
    return %c0_i32, %c0_i32_0 : i32, i32
  }
  func.func @transform_3(%arg0: i32) -> (i32, i32) {
    %c0_i32 = arith.constant 0 : i32
    %c0_i32_0 = arith.constant 0 : i32
    return %arg0, %c0_i32 : i32, i32
  }
}

module attributes {stable_mosaic.version = 14 : i64} {
  func.func @_edge_body(%arg0: i32, %arg1: memref<4000x16xf32, #tpu.memory_space<vmem>>, %arg2: memref<16x128xf32, #tpu.memory_space<vmem>>, %arg3: memref<1x128xf32, #tpu.memory_space<vmem>>, %arg4: memref<128x128xf32, #tpu.memory_space<vmem>>, %arg5: memref<1x128xf32, #tpu.memory_space<vmem>>, %arg6: memref<4000x128xf32, #tpu.memory_space<vmem>>) attributes {dimension_semantics = [#tpu.dimension_semantics<arbitrary>], iteration_bounds = array<i64: 40>, scalar_prefetch = 0 : i64, scratch_operands = 0 : i64, tpu.core_type = #tpu.core_type<tc>, window_params = [{transform_indices = @transform_0, window_bounds = array<i64: 4000, 16>}, {pipeline_mode = #tpu.pipeline_mode<synchronous>, transform_indices = @transform_1, window_bounds = array<i64: 16, 128>}, {pipeline_mode = #tpu.pipeline_mode<synchronous>, transform_indices = @transform_2, window_bounds = array<i64: 1, 128>}, {pipeline_mode = #tpu.pipeline_mode<synchronous>, transform_indices = @transform_3, window_bounds = array<i64: 128, 128>}, {pipeline_mode = #tpu.pipeline_mode<synchronous>, transform_indices = @transform_4, window_bounds = array<i64: 1, 128>}, {transform_indices = @transform_5, window_bounds = array<i64: 4000, 128>}]} {
    %get3A = arith.constant 0 : index
    %get3A_0 = arith.constant 0 : index
    %get3A_1 = vector.load %arg1[%get3A, %get3A_0] : memref<4000x16xf32, #tpu.memory_space<vmem>>, vector<4000x16xf32>
    %get3A_2 = arith.constant 0 : index
    %get3A_3 = arith.constant 0 : index
    %get3A_4 = vector.load %arg2[%get3A_2, %get3A_3] : memref<16x128xf32, #tpu.memory_space<vmem>>, vector<16x128xf32>
    %dot_general3A = arith.constant dense<0.000000e+00> : vector<4000x128xf32>
    %dot_general3A_5 = tpu.matmul %get3A_1, %get3A_4, %dot_general3A {dimension_numbers = #tpu.dot_dimension_numbers<[1], [0], [0], [1], [0, 0, 1, 1], [], []>, transpose_lhs_hint = false} : vector<4000x16xf32>, vector<16x128xf32>, vector<4000x128xf32> -> vector<4000x128xf32>
    %get3A_6 = arith.constant 0 : index
    %get3A_7 = arith.constant 0 : index
    %get3A_8 = vector.load %arg3[%get3A_6, %get3A_7] : memref<1x128xf32, #tpu.memory_space<vmem>>, vector<1x128xf32>
    %add3A = vector.broadcast %get3A_8 : vector<1x128xf32> to vector<4000x128xf32>
    %add3A_9 = arith.addf %dot_general3A_5, %add3A : vector<4000x128xf32>
    %custom_jvp_call3A = arith.constant 0.000000e+00 : f32
    %max3A = vector.broadcast %custom_jvp_call3A : f32 to vector<4000x128xf32>
    %max3A_10 = arith.maximumf %add3A_9, %max3A : vector<4000x128xf32>
    %sub3A = vector.broadcast %custom_jvp_call3A : f32 to vector<4000x128xf32>
    %sub3A_11 = arith.subf %add3A_9, %sub3A : vector<4000x128xf32>
    %ne3A = arith.cmpf one, %sub3A_11, %sub3A_11 : vector<4000x128xf32>
    %add3A_12 = vector.broadcast %custom_jvp_call3A : f32 to vector<4000x128xf32>
    %add3A_13 = arith.addf %add3A_9, %add3A_12 : vector<4000x128xf32>
    %abs3A = math.absf %sub3A_11 : vector<4000x128xf32>
    %neg3A = arith.constant 0.000000e+00 : f32
    %neg3A_14 = vector.broadcast %neg3A : f32 to vector<4000x128xf32>
    %neg3A_15 = arith.subf %neg3A_14, %abs3A : vector<4000x128xf32>
    %exp3A = math.exp %neg3A_15 : vector<4000x128xf32>
    %log1p3A = math.log1p %exp3A : vector<4000x128xf32>
    %add3A_16 = arith.addf %max3A_10, %log1p3A : vector<4000x128xf32>
    %select_n3A = arith.select %ne3A, %add3A_13, %add3A_16 : vector<4000x128xi1>, vector<4000x128xf32>
    %sub3A_17 = arith.constant 0.693147182 : f32
    %sub3A_18 = vector.broadcast %sub3A_17 : f32 to vector<4000x128xf32>
    %sub3A_19 = arith.subf %select_n3A, %sub3A_18 : vector<4000x128xf32>
    %get3A_20 = arith.constant 0 : index
    %get3A_21 = arith.constant 0 : index
    %get3A_22 = vector.load %arg4[%get3A_20, %get3A_21] : memref<128x128xf32, #tpu.memory_space<vmem>>, vector<128x128xf32>
    %dot_general3A_23 = arith.constant dense<0.000000e+00> : vector<4000x128xf32>
    %dot_general3A_24 = tpu.matmul %sub3A_19, %get3A_22, %dot_general3A_23 {dimension_numbers = #tpu.dot_dimension_numbers<[1], [0], [0], [1], [0, 0, 1, 1], [], []>, transpose_lhs_hint = false} : vector<4000x128xf32>, vector<128x128xf32>, vector<4000x128xf32> -> vector<4000x128xf32>
    %get3A_25 = arith.constant 0 : index
    %get3A_26 = arith.constant 0 : index
    %get3A_27 = vector.load %arg5[%get3A_25, %get3A_26] : memref<1x128xf32, #tpu.memory_space<vmem>>, vector<1x128xf32>
    %add3A_28 = vector.broadcast %get3A_27 : vector<1x128xf32> to vector<4000x128xf32>
    %add3A_29 = arith.addf %dot_general3A_24, %add3A_28 : vector<4000x128xf32>
    %custom_jvp_call3A_30 = arith.constant 0.000000e+00 : f32
    %max3A_31 = vector.broadcast %custom_jvp_call3A_30 : f32 to vector<4000x128xf32>
    %max3A_32 = arith.maximumf %add3A_29, %max3A_31 : vector<4000x128xf32>
    %sub3A_33 = vector.broadcast %custom_jvp_call3A_30 : f32 to vector<4000x128xf32>
    %sub3A_34 = arith.subf %add3A_29, %sub3A_33 : vector<4000x128xf32>
    %ne3A_35 = arith.cmpf one, %sub3A_34, %sub3A_34 : vector<4000x128xf32>
    %add3A_36 = vector.broadcast %custom_jvp_call3A_30 : f32 to vector<4000x128xf32>
    %add3A_37 = arith.addf %add3A_29, %add3A_36 : vector<4000x128xf32>
    %abs3A_38 = math.absf %sub3A_34 : vector<4000x128xf32>
    %neg3A_39 = arith.constant 0.000000e+00 : f32
    %neg3A_40 = vector.broadcast %neg3A_39 : f32 to vector<4000x128xf32>
    %neg3A_41 = arith.subf %neg3A_40, %abs3A_38 : vector<4000x128xf32>
    %exp3A_42 = math.exp %neg3A_41 : vector<4000x128xf32>
    %log1p3A_43 = math.log1p %exp3A_42 : vector<4000x128xf32>
    %add3A_44 = arith.addf %max3A_32, %log1p3A_43 : vector<4000x128xf32>
    %select_n3A_45 = arith.select %ne3A_35, %add3A_37, %add3A_44 : vector<4000x128xi1>, vector<4000x128xf32>
    %sub3A_46 = arith.constant 0.693147182 : f32
    %sub3A_47 = vector.broadcast %sub3A_46 : f32 to vector<4000x128xf32>
    %sub3A_48 = arith.subf %select_n3A_45, %sub3A_47 : vector<4000x128xf32>
    %swap3A = arith.constant 0 : index
    %swap3A_49 = arith.constant 0 : index
    %swap3A_50 = vector.load %arg6[%swap3A, %swap3A_49] : memref<4000x128xf32, #tpu.memory_space<vmem>>, vector<4000x128xf32>
    tpu.vector_store %arg6[%swap3A, %swap3A_49], %sub3A_48 {strides = array<i32>} : memref<4000x128xf32, #tpu.memory_space<vmem>>, vector<4000x128xf32>,
    return
  }
  func.func @transform_0(%arg0: i32) -> (i32, i32) {
    %c0_i32 = arith.constant 0 : i32
    %c0_i32_0 = arith.constant 0 : i32
    return %arg0, %c0_i32 : i32, i32
  }
  func.func @transform_1(%arg0: i32) -> (i32, i32) {
    %c0_i32 = arith.constant 0 : i32
    %c0_i32_0 = arith.constant 0 : i32
    %c0_i32_1 = arith.constant 0 : i32
    return %c0_i32, %c0_i32_0 : i32, i32
  }
  func.func @transform_2(%arg0: i32) -> (i32, i32) {
    %c0_i32 = arith.constant 0 : i32
    %c0_i32_0 = arith.constant 0 : i32
    %c0_i32_1 = arith.constant 0 : i32
    return %c0_i32, %c0_i32_0 : i32, i32
  }
  func.func @transform_3(%arg0: i32) -> (i32, i32) {
    %c0_i32 = arith.constant 0 : i32
    %c0_i32_0 = arith.constant 0 : i32
    %c0_i32_1 = arith.constant 0 : i32
    return %c0_i32, %c0_i32_0 : i32, i32
  }
  func.func @transform_4(%arg0: i32) -> (i32, i32) {
    %c0_i32 = arith.constant 0 : i32
    %c0_i32_0 = arith.constant 0 : i32
    %c0_i32_1 = arith.constant 0 : i32
    return %c0_i32, %c0_i32_0 : i32, i32
  }
  func.func @transform_5(%arg0: i32) -> (i32, i32) {
    %c0_i32 = arith.constant 0 : i32
    %c0_i32_0 = arith.constant 0 : i32
    return %arg0, %c0_i32 : i32, i32
  }
}

module attributes {stable_mosaic.version = 14 : i64} {
  func.func @_out_body(%arg0: i32, %arg1: memref<2x1000x128xf32, #tpu.memory_space<vmem>>, %arg2: memref<2x1000x128xf32, #tpu.memory_space<vmem>>, %arg3: memref<128x128xf32, #tpu.memory_space<vmem>>, %arg4: memref<1x128xf32, #tpu.memory_space<vmem>>, %arg5: memref<128x128xf32, #tpu.memory_space<vmem>>, %arg6: memref<1x128xf32, #tpu.memory_space<vmem>>, %arg7: memref<1000x128xf32, #tpu.memory_space<vmem>>) attributes {dimension_semantics = [#tpu.dimension_semantics<arbitrary>], iteration_bounds = array<i64: 10>, scalar_prefetch = 0 : i64, scratch_operands = 0 : i64, tpu.core_type = #tpu.core_type<tc>, window_params = [{transform_indices = @transform_0, window_bounds = array<i64: 2, 1000, 128>}, {transform_indices = @transform_1, window_bounds = array<i64: 2, 1000, 128>}, {pipeline_mode = #tpu.pipeline_mode<synchronous>, transform_indices = @transform_2, window_bounds = array<i64: 128, 128>}, {pipeline_mode = #tpu.pipeline_mode<synchronous>, transform_indices = @transform_3, window_bounds = array<i64: 1, 128>}, {pipeline_mode = #tpu.pipeline_mode<synchronous>, transform_indices = @transform_4, window_bounds = array<i64: 128, 128>}, {pipeline_mode = #tpu.pipeline_mode<synchronous>, transform_indices = @transform_5, window_bounds = array<i64: 1, 128>}, {transform_indices = @transform_6, window_bounds = array<i64: 1000, 128>}]} {
    %get3A = arith.constant 0 : index
    %get3A_0 = arith.constant 0 : index
    %get3A_1 = arith.constant 0 : index
    %get3A_2 = vector.load %arg1[%get3A, %get3A_0, %get3A_1] : memref<2x1000x128xf32, #tpu.memory_space<vmem>>, vector<1x1000x128xf32>
    %get3A_3 = vector.shape_cast %get3A_2 : vector<1x1000x128xf32> to vector<1000x128xf32>
    %get3A_4 = arith.constant 1 : index
    %get3A_5 = arith.constant 0 : index
    %get3A_6 = arith.constant 0 : index
    %get3A_7 = vector.load %arg1[%get3A_4, %get3A_5, %get3A_6] : memref<2x1000x128xf32, #tpu.memory_space<vmem>>, vector<1x1000x128xf32>
    %get3A_8 = vector.shape_cast %get3A_7 : vector<1x1000x128xf32> to vector<1000x128xf32>
    %add3A = arith.addf %get3A_3, %get3A_8 : vector<1000x128xf32>
    %get3A_9 = arith.constant 0 : index
    %get3A_10 = arith.constant 0 : index
    %get3A_11 = arith.constant 0 : index
    %get3A_12 = vector.load %arg2[%get3A_9, %get3A_10, %get3A_11] : memref<2x1000x128xf32, #tpu.memory_space<vmem>>, vector<1x1000x128xf32>
    %get3A_13 = vector.shape_cast %get3A_12 : vector<1x1000x128xf32> to vector<1000x128xf32>
    %add3A_14 = arith.addf %add3A, %get3A_13 : vector<1000x128xf32>
    %get3A_15 = arith.constant 1 : index
    %get3A_16 = arith.constant 0 : index
    %get3A_17 = arith.constant 0 : index
    %get3A_18 = vector.load %arg2[%get3A_15, %get3A_16, %get3A_17] : memref<2x1000x128xf32, #tpu.memory_space<vmem>>, vector<1x1000x128xf32>
    %get3A_19 = vector.shape_cast %get3A_18 : vector<1x1000x128xf32> to vector<1000x128xf32>
    %add3A_20 = arith.addf %add3A_14, %get3A_19 : vector<1000x128xf32>
    %get3A_21 = arith.constant 0 : index
    %get3A_22 = arith.constant 0 : index
    %get3A_23 = vector.load %arg3[%get3A_21, %get3A_22] : memref<128x128xf32, #tpu.memory_space<vmem>>, vector<128x128xf32>
    %dot_general3A = arith.constant dense<0.000000e+00> : vector<1000x128xf32>
    %dot_general3A_24 = tpu.matmul %add3A_20, %get3A_23, %dot_general3A {dimension_numbers = #tpu.dot_dimension_numbers<[1], [0], [0], [1], [0, 0, 1, 1], [], []>, transpose_lhs_hint = false} : vector<1000x128xf32>, vector<128x128xf32>, vector<1000x128xf32> -> vector<1000x128xf32>
    %get3A_25 = arith.constant 0 : index
    %get3A_26 = arith.constant 0 : index
    %get3A_27 = vector.load %arg4[%get3A_25, %get3A_26] : memref<1x128xf32, #tpu.memory_space<vmem>>, vector<1x128xf32>
    %add3A_28 = vector.broadcast %get3A_27 : vector<1x128xf32> to vector<1000x128xf32>
    %add3A_29 = arith.addf %dot_general3A_24, %add3A_28 : vector<1000x128xf32>
    %custom_jvp_call3A = arith.constant 0.000000e+00 : f32
    %max3A = vector.broadcast %custom_jvp_call3A : f32 to vector<1000x128xf32>
    %max3A_30 = arith.maximumf %add3A_29, %max3A : vector<1000x128xf32>
    %sub3A = vector.broadcast %custom_jvp_call3A : f32 to vector<1000x128xf32>
    %sub3A_31 = arith.subf %add3A_29, %sub3A : vector<1000x128xf32>
    %ne3A = arith.cmpf one, %sub3A_31, %sub3A_31 : vector<1000x128xf32>
    %add3A_32 = vector.broadcast %custom_jvp_call3A : f32 to vector<1000x128xf32>
    %add3A_33 = arith.addf %add3A_29, %add3A_32 : vector<1000x128xf32>
    %abs3A = math.absf %sub3A_31 : vector<1000x128xf32>
    %neg3A = arith.constant 0.000000e+00 : f32
    %neg3A_34 = vector.broadcast %neg3A : f32 to vector<1000x128xf32>
    %neg3A_35 = arith.subf %neg3A_34, %abs3A : vector<1000x128xf32>
    %exp3A = math.exp %neg3A_35 : vector<1000x128xf32>
    %log1p3A = math.log1p %exp3A : vector<1000x128xf32>
    %add3A_36 = arith.addf %max3A_30, %log1p3A : vector<1000x128xf32>
    %select_n3A = arith.select %ne3A, %add3A_33, %add3A_36 : vector<1000x128xi1>, vector<1000x128xf32>
    %sub3A_37 = arith.constant 0.693147182 : f32
    %sub3A_38 = vector.broadcast %sub3A_37 : f32 to vector<1000x128xf32>
    %sub3A_39 = arith.subf %select_n3A, %sub3A_38 : vector<1000x128xf32>
    %get3A_40 = arith.constant 0 : index
    %get3A_41 = arith.constant 0 : index
    %get3A_42 = vector.load %arg5[%get3A_40, %get3A_41] : memref<128x128xf32, #tpu.memory_space<vmem>>, vector<128x128xf32>
    %dot_general3A_43 = arith.constant dense<0.000000e+00> : vector<1000x128xf32>
    %dot_general3A_44 = tpu.matmul %sub3A_39, %get3A_42, %dot_general3A_43 {dimension_numbers = #tpu.dot_dimension_numbers<[1], [0], [0], [1], [0, 0, 1, 1], [], []>, transpose_lhs_hint = false} : vector<1000x128xf32>, vector<128x128xf32>, vector<1000x128xf32> -> vector<1000x128xf32>
    %get3A_45 = arith.constant 0 : index
    %get3A_46 = arith.constant 0 : index
    %get3A_47 = vector.load %arg6[%get3A_45, %get3A_46] : memref<1x128xf32, #tpu.memory_space<vmem>>, vector<1x128xf32>
    %add3A_48 = vector.broadcast %get3A_47 : vector<1x128xf32> to vector<1000x128xf32>
    %add3A_49 = arith.addf %dot_general3A_44, %add3A_48 : vector<1000x128xf32>
    %swap3A = arith.constant 0 : index
    %swap3A_50 = arith.constant 0 : index
    %swap3A_51 = vector.load %arg7[%swap3A, %swap3A_50] : memref<1000x128xf32, #tpu.memory_space<vmem>>, vector<1000x128xf32>
    tpu.vector_store %arg7[%swap3A, %swap3A_50], %add3A_49 {strides = array<i32>} : memref<1000x128xf32, #tpu.memory_space<vmem>>, vector<1000x128xf32>,
    return
  }
  func.func @transform_0(%arg0: i32) -> (i32, i32, i32) {
    %c0_i32 = arith.constant 0 : i32
    %c0_i32_0 = arith.constant 0 : i32
    %c0_i32_1 = arith.constant 0 : i32
    return %c0_i32, %arg0, %c0_i32_0 : i32, i32, i32
  }
  func.func @transform_1(%arg0: i32) -> (i32, i32, i32) {
    %c0_i32 = arith.constant 0 : i32
    %c0_i32_0 = arith.constant 0 : i32
    %c0_i32_1 = arith.constant 0 : i32
    return %c0_i32, %arg0, %c0_i32_0 : i32, i32, i32
  }
  func.func @transform_2(%arg0: i32) -> (i32, i32) {
    %c0_i32 = arith.constant 0 : i32
    %c0_i32_0 = arith.constant 0 : i32
    %c0_i32_1 = arith.constant 0 : i32
    return %c0_i32, %c0_i32_0 : i32, i32
  }
  func.func @transform_3(%arg0: i32) -> (i32, i32) {
    %c0_i32 = arith.constant 0 : i32
    %c0_i32_0 = arith.constant 0 : i32
    %c0_i32_1 = arith.constant 0 : i32
    return %c0_i32, %c0_i32_0 : i32, i32
  }
  func.func @transform_4(%arg0: i32) -> (i32, i32) {
    %c0_i32 = arith.constant 0 : i32
    %c0_i32_0 = arith.constant 0 : i32
    %c0_i32_1 = arith.constant 0 : i32
    return %c0_i32, %c0_i32_0 : i32, i32
  }
  func.func @transform_5(%arg0: i32) -> (i32, i32) {
    %c0_i32 = arith.constant 0 : i32
    %c0_i32_0 = arith.constant 0 : i32
    %c0_i32_1 = arith.constant 0 : i32
    return %c0_i32, %c0_i32_0 : i32, i32
  }
  func.func @transform_6(%arg0: i32) -> (i32, i32) {
    %c0_i32 = arith.constant 0 : i32
    %c0_i32_0 = arith.constant 0 : i32
    return %arg0, %c0_i32 : i32, i32
  }
}

</mosaic_0001>

<sc_bundles>
// kernel: kernel.11.cloned.1.call-start
scs
__scs_entry_jumppad:
0x0: {  	(pc) =	sbr.rel $0x88, $3  }
0x1: {  	(tag) =	ssettag $0x0;
	lr =	simm.s32 $0x1  }
0x2: {  	[smem:$0x3F94] =	sst lr;
	_ =	strace $0xD0000000  }
0x3: {  	_ = 	snop  }
0x4: {  	_ = 	snop  }
0x5: {  	_ = 	snop  }
0x6: {  	_ = 	snop  }
0x7: {  	_ = 	snop  }
__scs_overlays_trampoline_lowered:
0x8: {  	[smem:$0x3FA3] =	sst s0  }
0x9: {  	[smem:$0x3FA4] =	sst s1  }
0xa: {  	[smem:$0x3FA5] =	sst s2  }
0xb: {  	[smem:$0x3FA6] =	sst s3  }
0xc: {  	[smem:$0x3FA7] =	sst s4  }
0xd: {  	[smem:$0x3FA8] =	sst s5  }
0xe: {  	[smem:$0x3FA9] =	sst s6  }
0xf: {  	[smem:$0x3FAA] =	sst s7  }
0x10: {  	[smem:$0x3FAB] =	sst s8  }
0x11: {  	[smem:$0x3FAC] =	sst s9;
	s0 =	simm.s32 @!p0 $0x0  }
0x12: {  	s1 =	sld [smem:$0x3F92];
	s0 =	simm.s32 @p0 $0x1  }
0x13: {  	[smem:$0x3FAD] =	sst s0;
	s0 =	simm.s32 @!p1 $0x0  }
0x14: {  	s2 =	sld [smem:$0x3F91];
	s0 =	simm.s32 @p1 $0x1  }
0x15: {  	[smem:$0x3FAE] =	sst s0;
	s0 =	simm.s32 @!p2 $0x0  }
0x16: {  	s3 =	sld [smem:$0x3FDB];
	s0 =	simm.s32 @p2 $0x1  }
0x17: {  	s4 =	simm.s32 $0x1BF5;
	[smem:$0x3FB0] =	sst s0  }
0x18: {  	s0 =	sld [smem:$0x3F93];
	_ =	swait.ge [sflag:s4], $0x0  }
0x19: {  	s7 =	sld [smem:$0x3F94]  }
0x1a: {  	s8 =	sadd.s32 $0xFFFFE003, lr  }
0x1b: {  	s9 =	sadd.s32 $0xFFFFFEF7, lr;
	s5 =	simm.s32 $0xFFFFFFFF;
	p2 =	slt.u32 s8, $0xFFFFF086  }
0x1c: {  	p1 =	slt.u32 s9, $0xF7A;
	s5 =	simm.s32 @!p2 $0x0  }
0x1d: {  	s5 =	simm.s32 @p1 $0x1;
	p0 =	seq.s32 s7, s2  }
0x1e: {  	s7 =	smul.u32 @!p0 $0xF7A, s2;
	p2 =	seq.s32 @!p0 s5, $0x0  }
0x1f: {  	s9 =	smul.u32 $0xF7A, s1;
	s8 =	simm.s32 @!p0 $0x1BF5;
	p2 =	por !p2, p0  }
0x20: {  	[sflag:s8] =	ssyncset.s32 @!p0 $0xFFFFF086;
	s6 =	sadd.s32 @!p0 s3, s7;
	s7 =	simm.s32 @!p0 $0x108  }
0x21: {  	s3 =	sadd.s32 s3, s9;
	s6 =	sadd.s32 @!p0 $0x88, s6;
	s7 =	simm.s32 @p2 $0x1082  }
0x22: {  	[simem:s7], [sflag:s8] =	dma.local @!p0 [hbm:s6], $0xF7A  }
0x23: {  	s9 =	sor.u32 $0xD0000000, s2;
	s6 =	simm.s32 $0x108;
	_ =	swait.ge @!p0 [sflag:s8], $0x0  }
0x24: {  	s3 =	sadd.s32 $0x88, s3;
	s6 =	simm.s32 @!p1 $0x1082;
	[sflag:s4] =	ssyncset.s32 $0xFFFFF086  }
0x25: {  	[simem:s6], [sflag:s4] =	dma.local [hbm:s3], $0xF7A  }
0x26: {  	[smem:$0x3F94] =	sst s1;
	(tag) =	ssettag s2;
	_ =	strace s9  }
0x27: {  	s1 =	sld [smem:$0x3FA4]  }
0x28: {  	s2 =	sld [smem:$0x3FA5]  }
0x29: {  	s4 =	sld [smem:$0x3FA7]  }
0x2a: {  	p0 =	seq.s32 s5, $0x0;
	s5 =	sld [smem:$0x3FA8]  }
0x2b: {  	s6 =	sld [smem:$0x3FA9]  }
0x2c: {  	s7 =	sld [smem:$0x3FAA]  }
0x2d: {  	s3 =	simm.s32 $0x108;
	s8 =	sld [smem:$0x3FAB]  }
0x2e: {  	s3 =	simm.s32 @!p0 $0x1082;
	s9 =	sld [smem:$0x3FAC]  }
0x2f: {  	lr =	sadd.s32 s0, s3;
	s0 =	sld [smem:$0x3FA3]  }
0x30: {  	s3 =	sld [smem:$0x3FA6]  }
0x31: {  	[smem:$0x3FAF] =	sst s10  }
0x32: {  	s10 =	sld [smem:$0x3FAD];
	_ =	sdelay $0x3  }
0x33: {  	p0 =	seq.s32 s10, $0x1;
	s10 =	sld [smem:$0x3FAF];
	_ =	sdelay $0x3  }
0x34: {  	[smem:$0x3FAF] =	sst s10  }
0x35: {  	s10 =	sld [smem:$0x3FAE];
	_ =	sdelay $0x3  }
0x36: {  	p1 =	seq.s32 s10, $0x1;
	s10 =	sld [smem:$0x3FAF];
	_ =	sdelay $0x3  }
0x37: {  	[smem:$0x3FAF] =	sst s10  }
0x38: {  	s10 =	sld [smem:$0x3FB0]  }
0x39: {  	_ = 	snop;
	(pc) =	sbr.ind lr, $3  }
0x3a: {  	_ = 	snop  }
0x3b: {  	_ = 	snop  }
0x3c: {  	p2 =	seq.s32 s10, $0x1;
	s10 =	sld [smem:$0x3FAF]  }
0x3d: {  	_ =	shalt  }
0x3e: {  	_ =	shalt  }
0x3f: {  	_ =	shalt  }
0x40: {  	_ =	shalt  }
0x41: {  	_ =	shalt  }
0x42: {  	_ =	shalt  }
0x43: {  	_ =	shalt  }
0x44: {  	_ =	shalt  }
0x45: {  	_ =	shalt  }
0x46: {  	_ =	shalt  }
0x47: {  	_ =	shalt  }
0x48: {  	_ =	shalt  }
0x49: {  	_ =	shalt  }
0x4a: {  	_ =	shalt  }
0x4b: {  	_ =	shalt  }
0x4c: {  	_ =	shalt  }
0x4d: {  	_ =	shalt  }
0x4e: {  	_ =	shalt  }
0x4f: {  	_ =	shalt  }
0x50: {  	_ =	shalt  }
0x51: {  	_ =	shalt  }
0x52: {  	_ =	shalt  }
0x53: {  	_ =	shalt  }
0x54: {  	_ =	shalt  }
0x55: {  	_ =	shalt  }
0x56: {  	_ =	shalt  }
0x57: {  	_ =	shalt  }
0x58: {  	_ =	shalt  }
0x59: {  	_ =	shalt  }
0x5a: {  	_ =	shalt  }
0x5b: {  	_ =	shalt  }
0x5c: {  	_ =	shalt  }
0x5d: {  	_ =	shalt  }
0x5e: {  	_ =	shalt  }
0x5f: {  	_ =	shalt  }
0x60: {  	_ =	shalt  }
0x61: {  	_ =	shalt  }
0x62: {  	_ =	shalt  }
0x63: {  	_ =	shalt  }
0x64: {  	_ =	shalt  }
0x65: {  	_ =	shalt  }
0x66: {  	_ =	shalt  }
0x67: {  	_ =	shalt  }
0x68: {  	_ =	shalt  }
0x69: {  	_ =	shalt  }
0x6a: {  	_ =	shalt  }
0x6b: {  	_ =	shalt  }
0x6c: {  	_ =	shalt  }
0x6d: {  	_ =	shalt  }
0x6e: {  	_ =	shalt  }
0x6f: {  	_ =	shalt  }
0x70: {  	_ =	shalt  }
0x71: {  	_ =	shalt  }
0x72: {  	_ =	shalt  }
0x73: {  	_ =	shalt  }
0x74: {  	_ =	shalt  }
0x75: {  	_ =	shalt  }
0x76: {  	_ =	shalt  }
0x77: {  	_ =	shalt  }
0x78: {  	_ =	shalt  }
0x79: {  	_ =	shalt  }
0x7a: {  	_ =	shalt  }
0x7b: {  	_ =	shalt  }
0x7c: {  	_ =	shalt  }
0x7d: {  	_ =	shalt  }
0x7e: {  	_ =	shalt  }
0x7f: {  	_ =	shalt  }
0x80: {  	_ =	shalt  }
0x81: {  	_ =	shalt  }
0x82: {  	_ =	shalt  }
0x83: {  	_ =	shalt  }
0x84: {  	_ =	shalt  }
0x85: {  	_ =	shalt  }
0x86: {  	_ =	shalt  }
0x87: {  	_ =	shalt  }
.Lfunc_end0:
.L_simem_size_0:
called_computation.1_lowered:
.L_overlay_start_0:
0x88: {  	s2 =	sld [smem:$0x3FD9]  }
0x89: {  	s3 =	sld [smem:$0x3FFE];
	_ =	sdelay $0x1  }
0x8a: {  	s1 =	srdreg.scid  }
0x8b: {  	s0 =	sand.u32 $0x1, s1  }
0x8c: {  	s17 =	sshll.u32 s0, $0xA;
	s2 =	sadd.s32 s3, s2  }
0x8d: {  	s2 =	sadd.s32 s2, s17  }
0x8e: {  	[smem:$0x3FBB] =	sst s2  }
0x8f: {  	_ = 	snop  }
0x90: {  	s2 =	sld [smem:$0x3FD0];
	(tm) =	ssettm $0x1  }
0x91: {  	s18 =	sld [smem:$0x3FFB];
	_ =	sdelay $0x3  }
0x92: {  	_ =	strace s18  }
0x93: {  	s3 =	sld [smem:$0x3FFC];
	_ =	sdelay $0x3  }
0x94: {  	_ =	strace s3  }
0x95: {  	s3 =	sld [smem:$0x3FFD];
	_ =	sdelay $0x3  }
0x96: {  	_ =	strace s3  }
0x97: {  	_ =	strace $0x8FFFFFFF  }
0x98: {  	s19 =	sld [smem:$0x3FDB];
	_ =	sdelay $0x1  }
0x99: {  	s4 =	simm.s32 $_scs_section_size  }
0x9a: {  	s5 =	simm.s32 $_size__tile_overlayer_lowered;
	s6 =	simm.s32 $_tile_overlayer_lowered  }
0x9b: {  	s22 =	simm.s32 $0x1BFF;
	s21 =	sshll.u32 s6, $0x1;
	s3 =	sadd.s32 s4, s19  }
0x9c: {  	s7 =	simm.s32 $0x0;
	s20 =	sshll.u32 s5, $0x1;
	s5 =	sadd.s32 s21, s3  }
0x9d: {  	[timem:s7], [sflag:s22] =	dma.local [hbm:s5], s20  }
0x9e: {  	_ =	swait.ge [sflag:s22], s20  }
0x9f: {  	s4 =	ssub.s32 $0x0, s20;
	[sflag:s22] =	ssyncset.done $0x0  }
0xa0: {  	[sflag:s22] =	ssyncadd.s32 s4;
	_ =	sdelay $0x1  }
0xa1: {  	s23 =	simm.s32 $0x1B8B  }
0xa2: {  	_ =	swait.ge [sflag:s23], $0x1  }
0xa3: {  	[sflag:s23] =	ssyncset.done $0x0  }
0xa4: {  	s25 =	simm.s32 $0x1B8E;
	s24 =	sld [smem:$0x3FFE];
	[sflag:s23] =	ssyncadd.s32 $0xFFFFFFFF  }
0xa5: {  	s26 =	simm.s32 $execute0_lowered;
	[smem:$0x3FD2] =	sst s25  }
0xa6: {  	s5 =	sshll.u32 s26, $0x1;
	_ =	strace $0x80000046;
	[dreg:$0x1] =	wrdreg $0xFFFFFFFF  }
0xa7: {  	s28 =	simm.s32 $_size_execute0_lowered;
	s3 =	sadd.s32 s3, s5;
	[dreg:$0x0] =	wrdreg $0x0  }
0xa8: {  	s5 =	sshll.u32 s28, $0x1;
	[dreg:$0x2] =	wrdreg s3  }
0xa9: {  	[dreg:$0x3] =	wrdreg s5  }
0xaa: {  	[dreg:$0x4] =	wrdreg $0xC0  }
0xab: {  	_ =	task [dreg:s7], $0x5FFFF  }
0xac: {  	[dreg:$0x1] =	wrdreg $0xFFFFFFFF  }
0xad: {  	[dreg:$0x0] =	wrdreg $0x60  }
0xae: {  	[dreg:$0x2] =	wrdreg s2  }
0xaf: {  	[dreg:$0x3] =	wrdreg s24  }
0xb0: {  	[dreg:$0x4] =	wrdreg $0xC3000  }
0xb1: {  	[dreg:$0x5] =	wrdreg $0xA  }
0xb2: {  	_ =	task.clear_ibuf [dreg:s7], $0x6FFFF;
	_ =	strace $0x90000046  }
0xb3: {  	s29 =	simm.s32 $0xA;
	_ =	strace $0x80000048  }
0xb4: {  	_ =	swait.ge [sflag:s29], $0x1  }
0xb5: {  	[sflag:s29] =	ssyncadd.s32 $0xFFFFFFFF  }
0xb6: {  	_ =	strace $0x90000048  }
0xb7: {  	_ =	sfence  }
0xb8: {  	s30 =	sld [smem:$0x0];
	_ =	sdelay $0x2  }
0xb9: {  	s31 =	sshll.u32 s1, $0xD;
	s1 =	sshrl.u32 s1, $0x2  }
0xba: {  	s3 =	sand.u32 $0x4000, s31;
	s1 =	sadd.s32 s1, s30  }
0xbb: {  	s0 =	sor.u32 s3, s0;
	s1 =	sshll.u32 s1, $0x11  }
0xbc: {  	s0 =	sor.u32 s1, s0  }
0xbd: {  	s0 =	sadd.s32 $0x8F2B, s0  }
0xbe: {  	[sflag:s0] =	ssyncadd.remote.s32 $0x1  }
0xbf: {  	_ =	sfence.sel $0xFFFF  }
0xc0: {  	[dreg:$0x0] =	wrdreg $0xFFFFFFFF;
	(pc) =	sbr.abs _section_cstart, $3  }
0xc1: {  	[dreg:$0x1] =	wrdreg $0xFFFFFFFF  }
0xc2: {  	_ =	task.clear_ibuf [dreg:s7], $0x2FFFF;
	_ =	strace $0x9FFFFFFF  }
0xc3: {  	(tm) =	ssettm $0x7FFFFFFF  }
tec
execute0_lowered:
.L_overlay_start_1:
0x0: {  	(tag) =	ssettag $0x1  }
0x1: {  	s0 =	rddreg [dreg:$0x0]  }
0x2: {  	s1 =	rddreg [dreg:$0x1]  }
0x3: {  	s2 =	srdreg.scid;
	s3 =	rddreg [dreg:$0x2]  }
0x4: {  	s11 =	stileid.u32;
	s4 =	simm.s32 $0x0;
	s29 =	simm.s32 $0x100  }
0x5: {  	s30 =	simm.s32 $0x7;
	s31 =	simm.s32 $0x80;
	s28 =	simm.s32 $0x3  }
0x6: {  	s2 =	sand.u32 $0x1, s2;
	s6 =	smul.u32 $0x1F400, s11;
	[smem:$0x7FF] =	sst s4  }
0x7: {  	s9 =	smul.u32 $0x7D000, s11;
	s7 =	sadd.s32 $0x2C6C00, s1;
	p0 =	sgt.u32 s11, $0x9  }
0x8: {  	s5 =	smul.u32 $0x138800, s2;
	_ =	strace $0x80000047;
	s24 =	ssub.s32 $0x2, s2  }
0x9: {  	s2 =	sshll.u32 s2, $0x4;
	s9 =	sshrl.u32 s9, $0x2;
	s10 =	sshrl.u32 s24, $0x1  }
0xa: {  	s2 =	sor.u32 s11, s2;
	s11 =	simm.s32 $0x1;
	s12 =	sadd.s32 s9, s3  }
0xb: {  	s6 =	sadd.s32 s6, s5;
	s25 =	sadd.s32 $0x3000, s12;
	[dreg:$0x4] =	wrdreg s12  }
0xc: {  	s5 =	sadd.s32 $0x2CBC00, s1;
	s26 =	sadd.s32 $0x6000, s12;
	[dreg:$0x5] =	wrdreg s25  }
0xd: {  	s9 =	smul.u32 $0x1388, s2;
	s13 =	sadd.s32 $0x9000, s12;
	[dreg:$0x6] =	wrdreg s26  }
0xe: {  	s2 =	smul.u32 $0x13880, s2;
	s14 =	sadd.s32 $0xC000, s12;
	[dreg:$0x7] =	wrdreg s13  }
0xf: {  	s8 =	sshrl.u32 s6, $0x3;
	s15 =	sadd.s32 $0xF000, s12;
	[dreg:$0x8] =	wrdreg s14  }
0x10: {  	s6 =	sadd.s32 $0x2C1C00, s1;
	s16 =	sadd.s32 $0x12000, s12;
	[dreg:$0x9] =	wrdreg s15  }
0x11: {  	s17 =	sadd.s32 $0x15000, s12;
	s18 =	sadd.s32 $0x18000, s12;
	[dreg:$0xa] =	wrdreg s16  }
0x12: {  	s1 =	sadd.s32 s8, s1;
	s8 =	ssub.s32 s24, s10;
	[dreg:$0xb] =	wrdreg s17  }
0x13: {  	[dreg:$0xc] =	wrdreg s18;
	s19 =	sshrl.u32 s9, $0x3;
	s20 =	sadd.s32 $0x1380, s9  }
0x14: {  	s2 =	sadd.s32 s5, s2;
	s25 =	sadd.s32 $0x1B000, s12;
	s26 =	sadd.s32 $0x1E000, s12  }
0x15: {  	s12 =	simm.s32 $0x2;
	s14 =	simm.s32 $0x6180;
	[dreg:$0xf] =	wrdreg s2  }
0x16: {  	s15 =	simm.s32 $0x6200;
	s16 =	simm.s32 $0x9200;
	[dreg:$0x15] =	wrdreg s25  }
0x17: {  	s17 =	simm.s32 $0x4;
	s13 =	sadd.s32 s6, s19;
	[dreg:$0x16] =	wrdreg s26  }
0x18: {  	s18 =	simm.s32 $0x0;
	s10 =	sadd.s32 s7, s19;
	[dreg:$0xd] =	wrdreg s13  }
0x19: {  	s21 =	sshrl.u32 s20, $0x3;
	s1 =	sadd.s32 $0x50C00, s1;
	[dreg:$0xe] =	wrdreg s10  }
0x1a: {  	s24 =	smax.u32 s8, $0x1;
	s26 =	simm.s32 $0x5;
	[dreg:$0x13] =	wrdreg s1  }
0x1b: {  	s10 =	sshll.u32 s20, $0x4;
	s22 =	sadd.s32 s6, s21;
	[dreg:$0x14] =	wrdreg s24  }
0x1c: {  	s2 =	sadd.s32 s7, s21;
	s1 =	simm.s32 $0x60;
	[dreg:$0x10] =	wrdreg s22  }
0x1d: {  	s24 =	simm.s32 $0x3100;
	[dreg:$0x11] =	wrdreg s2;
	s23 =	sadd.s32 s5, s10  }
0x1e: {  	v0 =	vimm.f32 $0.0e+00;
	s13 =	simm.s32 $0x6100;
	s2 =	simm.s32 $0x6;
	[dreg:$0x12] =	wrdreg s23  }
.LBB2_1:
.Ltmp0:
0x1f: {  	(pc) =	sbr.rel @p0 .LBB2_5-.Ltmp0, $1  }
0x20: {  	_ =	sdelay $0x3  }
0x21: {  	s8 =	sshra.s32 s4, $0x2;
	s10 =	sadd.s32 $0x200, s4  }
.LBB2_3:
0x22: {  	p1 =	sne.s32 s10, $0xBE00;
	[tilespmem:s8+$0x170] =	vst v0  }
0x23: {  	[tilespmem:s8+$0x100] =	vst v0  }
0x24: {  	[tilespmem:s8+$0x110] =	vst v0  }
.Ltmp1:
0x25: {  	[tilespmem:s8+$0x120] =	vst v0;
	(pc) =	sbr.rel @p1 .LBB2_3-.Ltmp1, $4  }
0x26: {  	[tilespmem:s8+$0x130] =	vst v0  }
0x27: {  	[tilespmem:s8+$0x140] =	vst v0  }
0x28: {  	[tilespmem:s8+$0x150] =	vst v0  }
0x29: {  	[tilespmem:s8+$0x160] =	vst v0;
	s8 =	sshra.s32 s10, $0x2;
	s10 =	sadd.s32 $0x200, s10  }
0x2a: {  	[tilespmem:s8+$0x170] =	vst v0  }
0x2b: {  	[tilespmem:s8+$0x100] =	vst v0  }
0x2c: {  	[tilespmem:s8+$0x110] =	vst v0  }
0x2d: {  	[tilespmem:s8+$0x120] =	vst v0  }
0x2e: {  	[tilespmem:s8+$0x130] =	vst v0  }
0x2f: {  	[tilespmem:s8+$0x140] =	vst v0  }
0x30: {  	[tilespmem:s8+$0x150] =	vst v0  }
0x31: {  	[tilespmem:s8+$0x160] =	vst v0;
	s21 =	rddreg [dreg:$0x4]  }
0x32: {  	[spmem:s21] =	stream.linear.scatter [tilespmem:s29], [sflag:$0x7], $0x3000, $0x38;
	[tilespmem:$0x1FB80] =	vst v63  }
0x33: {  	_ =	swait.ge [sflag:s30], $0x3000  }
0x34: {  	[sflag:s30] =	ssyncset.done $0x0  }
0x35: {  	s22 =	rddreg [dreg:$0x5];
	[sflag:s30] =	ssyncadd.s32 $0xFFFFD000  }
0x36: {  	[spmem:s22] =	stream.linear.scatter [tilespmem:s29], [sflag:$0x7], $0x3000, $0x38;
	[tilespmem:$0x1FB80] =	vst v63  }
0x37: {  	_ =	swait.ge [sflag:s30], $0x3000  }
0x38: {  	[sflag:s30] =	ssyncset.done $0x0  }
0x39: {  	s23 =	rddreg [dreg:$0x6];
	[sflag:s30] =	ssyncadd.s32 $0xFFFFD000  }
0x3a: {  	[spmem:s23] =	stream.linear.scatter [tilespmem:s29], [sflag:$0x7], $0x3000, $0x38;
	[tilespmem:$0x1FB80] =	vst v63  }
0x3b: {  	_ =	swait.ge [sflag:s30], $0x3000  }
0x3c: {  	[sflag:s30] =	ssyncset.done $0x0  }
0x3d: {  	s25 =	rddreg [dreg:$0x7];
	[sflag:s30] =	ssyncadd.s32 $0xFFFFD000  }
0x3e: {  	[spmem:s25] =	stream.linear.scatter [tilespmem:s29], [sflag:$0x7], $0x3000, $0x38;
	[tilespmem:$0x1FB80] =	vst v63  }
0x3f: {  	_ =	swait.ge [sflag:s30], $0x3000  }
0x40: {  	[sflag:s30] =	ssyncset.done $0x0  }
0x41: {  	s10 =	rddreg [dreg:$0x8];
	[sflag:s30] =	ssyncadd.s32 $0xFFFFD000  }
0x42: {  	[spmem:s10] =	stream.linear.scatter [tilespmem:s29], [sflag:$0x7], $0x3000, $0x38;
	[tilespmem:$0x1FB80] =	vst v63  }
0x43: {  	_ =	swait.ge [sflag:s30], $0x3000  }
0x44: {  	[sflag:s30] =	ssyncset.done $0x0  }
0x45: {  	s19 =	rddreg [dreg:$0x9];
	[sflag:s30] =	ssyncadd.s32 $0xFFFFD000  }
0x46: {  	[spmem:s19] =	stream.linear.scatter [tilespmem:s29], [sflag:$0x7], $0x3000, $0x38;
	[tilespmem:$0x1FB80] =	vst v63  }
0x47: {  	_ =	swait.ge [sflag:s30], $0x3000  }
0x48: {  	[sflag:s30] =	ssyncset.done $0x0  }
0x49: {  	s20 =	rddreg [dreg:$0xa];
	[sflag:s30] =	ssyncadd.s32 $0xFFFFD000  }
0x4a: {  	[spmem:s20] =	stream.linear.scatter [tilespmem:s29], [sflag:$0x7], $0x3000, $0x38;
	[tilespmem:$0x1FB80] =	vst v63  }
0x4b: {  	_ =	swait.ge [sflag:s30], $0x3000  }
0x4c: {  	[sflag:s30] =	ssyncset.done $0x0  }
0x4d: {  	s21 =	rddreg [dreg:$0xb];
	[sflag:s30] =	ssyncadd.s32 $0xFFFFD000  }
0x4e: {  	[spmem:s21] =	stream.linear.scatter [tilespmem:s29], [sflag:$0x7], $0x3000, $0x38;
	[tilespmem:$0x1FB80] =	vst v63  }
0x4f: {  	_ =	swait.ge [sflag:s30], $0x3000  }
0x50: {  	[sflag:s30] =	ssyncset.done $0x0  }
0x51: {  	s22 =	rddreg [dreg:$0xc];
	[sflag:s30] =	ssyncadd.s32 $0xFFFFD000  }
0x52: {  	[spmem:s22] =	stream.linear.scatter [tilespmem:s29], [sflag:$0x7], $0x3000, $0x38;
	[tilespmem:$0x1FB80] =	vst v63  }
0x53: {  	_ =	swait.ge [sflag:s30], $0x3000  }
0x54: {  	[sflag:s30] =	ssyncset.done $0x0  }
0x55: {  	s23 =	rddreg [dreg:$0x15];
	[sflag:s30] =	ssyncadd.s32 $0xFFFFD000  }
0x56: {  	[spmem:s23] =	stream.linear.scatter [tilespmem:s29], [sflag:$0x7], $0x3000, $0x38;
	[tilespmem:$0x1FB80] =	vst v63  }
0x57: {  	_ =	swait.ge [sflag:s30], $0x3000  }
0x58: {  	[sflag:s30] =	ssyncset.done $0x0  }
0x59: {  	s25 =	rddreg [dreg:$0x16];
	[sflag:s30] =	ssyncadd.s32 $0xFFFFD000  }
0x5a: {  	[spmem:s25] =	stream.linear.scatter [tilespmem:s29], [sflag:$0x7], $0x1400, $0x38;
	[tilespmem:$0x1FB80] =	vst v63  }
0x5b: {  	_ =	swait.ge [sflag:s30], $0x1400  }
0x5c: {  	[sflag:s30] =	ssyncset.done $0x0  }
0x5d: {  	[sflag:s30] =	ssyncadd.s32 $0xFFFFEC00  }
.LBB2_5:
0x5e: {  	[dreg:$0x17] =	wrdreg s18  }
0x5f: {  	[bflag:$0x0] =	sbarrier.arrive $0xFFFF  }
0x60: {  	s21 =	simm.s32 $0x0;
	s8 =	rddreg [dreg:$0xd]  }
0x61: {  	[tilespmem:s21], [sflag:$0x7] =	stream.linear.gather [hbm4b:s8+s21], $0x60, $0x38;
	[tilespmem:$0x1FB80] =	vst v63  }
0x62: {  	_ =	swait.ge [sflag:s30], $0x60  }
0x63: {  	[sflag:s30] =	ssyncset.done $0x0  }
0x64: {  	s23 =	rddreg [dreg:$0xe];
	[sflag:s30] =	ssyncadd.s32 $0xFFFFFFA0  }
0x65: {  	[tilespmem:s31], [sflag:$0x7] =	stream.linear.gather [hbm4b:s23+s21], $0x60, $0x38;
	[tilespmem:$0x1FB80] =	vst v63  }
0x66: {  	_ =	swait.ge [sflag:s30], $0x60  }
0x67: {  	[sflag:s30] =	ssyncset.done $0x0  }
0x68: {  	[sflag:s30] =	ssyncadd.s32 $0xFFFFFFA0  }
0x69: {  	[tilespmem:s29], [sflag:$0x1] =	stream.indirect.gather [hbm4b:s0+s1], $0x80, s21, s1, $0xb8;
	[tilespmem:$0x1FB80] =	vst v63  }
0x6a: {  	s25 =	rddreg [dreg:$0xf]  }
0x6b: {  	[tilespmem:s24], [sflag:$0x2] =	stream.linear.gather [hbm4b:s25+s21], $0x3000, $0x38;
	[tilespmem:$0x1FB80] =	vst v63  }
.LBB2_6:
0x6c: {  	s8 =	smul.u32 $0xC0, s21;
	_ =	swait.ge [sflag:s11], $0x3000  }
0x6d: {  	[sflag:s11] =	ssyncset.done $0x0  }
0x6e: {  	s22 =	sadd.s32 s9, s8;
	[sflag:s11] =	ssyncadd.s32 $0xFFFFD000  }
0x6f: {  	_ =	swait.ge [sflag:s12], $0x3000;
	s8 =	sadd.s32 $0x60, s22  }
0x70: {  	[sflag:s12] =	ssyncset.done $0x0;
	s10 =	sshrl.u32 s8, $0x3  }
0x71: {  	[sflag:s12] =	ssyncadd.s32 $0xFFFFD000;
	s18 =	sadd.s32 s6, s10  }
0x72: {  	[tilespmem:s13], [sflag:$0x7] =	stream.linear.gather [hbm4b:s18+s4], $0x60, $0x38;
	[tilespmem:$0x1FB80] =	vst v63  }
0x73: {  	_ =	swait.ge [sflag:s30], $0x60  }
0x74: {  	[sflag:s30] =	ssyncset.done $0x0  }
0x75: {  	s10 =	sadd.s32 s7, s10;
	[sflag:s30] =	ssyncadd.s32 $0xFFFFFFA0  }
0x76: {  	[tilespmem:s14], [sflag:$0x7] =	stream.linear.gather [hbm4b:s10+s4], $0x60, $0x38;
	[tilespmem:$0x1FB80] =	vst v63  }
0x77: {  	_ =	swait.ge [sflag:s30], $0x60  }
0x78: {  	[sflag:s30] =	ssyncset.done $0x0  }
0x79: {  	s8 =	sshll.u32 s8, $0x4;
	[sflag:s30] =	ssyncadd.s32 $0xFFFFFFA0  }
0x7a: {  	[tilespmem:s15], [sflag:$0x4] =	stream.indirect.gather [hbm4b:s0+s1], $0x80, s13, s1, $0xb8;
	[tilespmem:$0x1FB80] =	vst v63  }
0x7b: {  	s23 =	simm.s32 $0x180;
	s8 =	sadd.s32 s5, s8  }
0x7c: {  	[tilespmem:s16], [sflag:$0x5] =	stream.linear.gather [hbm4b:s8+s4], $0x3000, $0x38;
	[tilespmem:$0x1FB80] =	vst v63  }
0x7d: {  	s19 =	simm.s32 $0x3180;
	v1 =	vld [tilespmem:s23+$0x0]  }
0x7e: {  	v2 =	vld [tilespmem:s19+$0x0];
	_ =	sdelay $0x3  }
0x7f: {  	v3 =	vld [tilespmem:s23+$0xFFFFFF80]  }
0x80: {  	v1 =	vmul.f32 v2, v1;
	v2 =	vld [tilespmem:s19+$0xFFFFFF80];
	_ =	sdelay $0x1  }
0x81: {  	[tilespmem:s23+$0x0] =	vst v1;
	v1 =	vld [tilespmem:s23+$0x10]  }
0x82: {  	v4 =	vld [tilespmem:s19+$0x10];
	_ =	sdelay $0x1  }
0x83: {  	v2 =	vmul.f32 v2, v3;
	_ =	sdelay $0x1  }
0x84: {  	v5 =	vld [tilespmem:s23+$0xFFFFFF90];
	[tilespmem:s23+$0xFFFFFF80] =	vst v2  }
0x85: {  	v1 =	vmul.f32 v4, v1;
	v2 =	vld [tilespmem:s19+$0xFFFFFF90];
	_ =	sdelay $0x1  }
0x86: {  	[tilespmem:s23+$0x10] =	vst v1;
	v1 =	vld [tilespmem:s23+$0x20]  }
0x87: {  	v4 =	vld [tilespmem:s19+$0x20]  }
0x88: {  	v6 =	vld [tilespmem:s23+$0xFFFFFFB0]  }
0x89: {  	s24 =	simm.s32 $0x280;
	v7 =	vld [tilespmem:s23+$0xFFFFFFD0];
	v2 =	vmul.f32 v2, v5  }
0x8a: {  	v8 =	vld [tilespmem:s24+$0x0]  }
0x8b: {  	v3 =	vld [tilespmem:s23+$0xFFFFFFA0];
	[tilespmem:s23+$0xFFFFFF90] =	vst v2  }
0x8c: {  	v1 =	vmul.f32 v4, v1;
	v2 =	vld [tilespmem:s19+$0xFFFFFFA0]  }
0x8d: {  	v9 =	vld [tilespmem:s23+$0xFFFFFFE0]  }
0x8e: {  	[tilespmem:s23+$0x20] =	vst v1;
	v1 =	vld [tilespmem:s23+$0x30]  }
0x8f: {  	s25 =	simm.s32 $0x3280;
	v4 =	vld [tilespmem:s19+$0x30]  }
0x90: {  	v11 =	vld [tilespmem:s25+$0xFFFFFF80]  }
0x91: {  	v2 =	vmul.f32 v2, v3;
	v3 =	vld [tilespmem:s25+$0x0]  }
0x92: {  	v13 =	vld [tilespmem:s24+$0xFFFFFF90]  }
0x93: {  	s18 =	simm.s32 $0x3380;
	v14 =	vld [tilespmem:s24+$0xFFFFFFD0]  }
0x94: {  	v16 =	vld [tilespmem:s18+$0xFFFFFF80];
	v1 =	vmul.f32 v4, v1  }
0x95: {  	[tilespmem:s23+$0xFFFFFFA0] =	vst v2;
	v2 =	vld [tilespmem:s23+$0x40]  }
0x96: {  	[tilespmem:s23+$0x30] =	vst v1;
	v3 =	vmul.f32 v3, v8;
	v8 =	vld [tilespmem:s24+$0xFFFFFF80]  }
0x97: {  	s10 =	simm.s32 $0x380;
	v10 =	vld [tilespmem:s19+$0x40]  }
0x98: {  	v17 =	vld [tilespmem:s10+$0xFFFFFF80]  }
0x99: {  	v4 =	vld [tilespmem:s19+$0xFFFFFFB0]  }
0x9a: {  	v18 =	vld [tilespmem:s24+$0x50]  }
0x9b: {  	[tilespmem:s24+$0x0] =	vst v3;
	v3 =	vld [tilespmem:s24+$0x10];
	v8 =	vmul.f32 v11, v8  }
0x9c: {  	v12 =	vld [tilespmem:s25+$0x10];
	v2 =	vmul.f32 v10, v2  }
0x9d: {  	v10 =	vld [tilespmem:s23+$0x50];
	[tilespmem:s24+$0xFFFFFF80] =	vst v8  }
0x9e: {  	[tilespmem:s23+$0x40] =	vst v2;
	v2 =	vmul.f32 v4, v6;
	v6 =	vld [tilespmem:s25+$0xFFFFFF90]  }
0x9f: {  	v4 =	vld [tilespmem:s19+$0x50]  }
0xa0: {  	v58 =	vld [tilespmem:s10+$0xFFFFFFA0]  }
0xa1: {  	v5 =	vld [tilespmem:s23+$0xFFFFFFC0];
	v3 =	vmul.f32 v12, v3;
	[tilespmem:s23+$0xFFFFFFB0] =	vst v2  }
0xa2: {  	v2 =	vld [tilespmem:s19+$0xFFFFFFC0]  }
0xa3: {  	[tilespmem:s24+$0x10] =	vst v3;
	v3 =	vld [tilespmem:s24+$0x20]  }
0xa4: {  	v6 =	vmul.f32 v6, v13;
	v4 =	vmul.f32 v4, v10;
	v10 =	vld [tilespmem:s25+$0x20]  }
0xa5: {  	v19 =	vld [tilespmem:s24+$0x60]  }
0xa6: {  	v16 =	vmul.f32 v16, v17;
	v11 =	vld [tilespmem:s24+$0xFFFFFFA0];
	[tilespmem:s24+$0xFFFFFF90] =	vst v6  }
0xa7: {  	v2 =	vmul.f32 v2, v5;
	v5 =	vld [tilespmem:s25+$0xFFFFFFA0]  }
0xa8: {  	v61 =	vld [tilespmem:s24+$0x70];
	[tilespmem:s10+$0xFFFFFF80] =	vst v16  }
0xa9: {  	v16 =	vld [tilespmem:s18+$0xFFFFFF90];
	[tilespmem:s23+$0xFFFFFFC0] =	vst v2;
	v2 =	vmul.f32 v10, v3  }
0xaa: {  	v1 =	vld [tilespmem:s23+$0xFFFFFFF0]  }
0xab: {  	v6 =	vld [tilespmem:s24+$0x30];
	[tilespmem:s24+$0x20] =	vst v2  }
0xac: {  	v5 =	vmul.f32 v5, v11;
	v11 =	vld [tilespmem:s25+$0x30]  }
0xad: {  	v3 =	vld [tilespmem:s19+$0xFFFFFFD0]  }
0xae: {  	v8 =	vld [tilespmem:s24+$0xFFFFFFB0]  }
0xaf: {  	v12 =	vld [tilespmem:s23+$0x60];
	[tilespmem:s23+$0x50] =	vst v4  }
0xb0: {  	v4 =	vld [tilespmem:s19+$0x60]  }
0xb1: {  	[tilespmem:s24+$0xFFFFFFA0] =	vst v5;
	v5 =	vld [tilespmem:s10+$0x0];
	v6 =	vmul.f32 v11, v6  }
0xb2: {  	v3 =	vmul.f32 v3, v7;
	v7 =	vld [tilespmem:s18+$0x0]  }
0xb3: {  	v11 =	vld [tilespmem:s24+$0x40];
	[tilespmem:s24+$0x30] =	vst v6  }
0xb4: {  	v6 =	vld [tilespmem:s25+$0x40]  }
0xb5: {  	v13 =	vld [tilespmem:s24+$0xFFFFFFC0];
	v4 =	vmul.f32 v4, v12  }
0xb6: {  	v10 =	vld [tilespmem:s23+$0x70]  }
0xb7: {  	[tilespmem:s23+$0x60] =	vst v4;
	v4 =	vld [tilespmem:s25+$0xFFFFFFB0];
	v5 =	vmul.f32 v7, v5  }
0xb8: {  	v7 =	vld [tilespmem:s10+$0xFFFFFF90]  }
0xb9: {  	[tilespmem:s10+$0x0] =	vst v5;
	v5 =	vld [tilespmem:s10+$0x10];
	v6 =	vmul.f32 v6, v11  }
0xba: {  	v11 =	vld [tilespmem:s18+$0x10]  }
0xbb: {  	v2 =	vld [tilespmem:s24+$0xFFFFFFE0];
	[tilespmem:s24+$0x40] =	vst v6  }
0xbc: {  	v4 =	vmul.f32 v4, v8;
	v8 =	vld [tilespmem:s25+$0x50]  }
0xbd: {  	v12 =	vld [tilespmem:s19+$0x70];
	[tilespmem:s23+$0xFFFFFFD0] =	vst v3  }
0xbe: {  	v3 =	vld [tilespmem:s24+$0xFFFFFFF0];
	[tilespmem:s24+$0xFFFFFFB0] =	vst v4;
	v7 =	vmul.f32 v16, v7  }
0xbf: {  	v4 =	vmul.f32 v11, v5;
	v11 =	vld [tilespmem:s25+$0xFFFFFFC0]  }
0xc0: {  	v15 =	vld [tilespmem:s19+$0xFFFFFFE0];
	[tilespmem:s10+$0xFFFFFF90] =	vst v7  }
0xc1: {  	v7 =	vld [tilespmem:s10+$0xFFFFFFE0];
	[tilespmem:s10+$0x10] =	vst v4;
	v4 =	vmul.f32 v8, v18  }
0xc2: {  	v8 =	vld [tilespmem:s10+$0x20]  }
0xc3: {  	v59 =	vld [tilespmem:s18+$0x20];
	[tilespmem:s24+$0x50] =	vst v4  }
0xc4: {  	v11 =	vmul.f32 v11, v13;
	v13 =	vld [tilespmem:s25+$0x60]  }
0xc5: {  	v6 =	vld [tilespmem:s10+$0xFFFFFFB0]  }
0xc6: {  	v60 =	vld [tilespmem:s18+$0xFFFFFFA0];
	[tilespmem:s24+$0xFFFFFFC0] =	vst v11  }
0xc7: {  	v11 =	vld [tilespmem:s25+$0xFFFFFFD0]  }
0xc8: {  	v5 =	vld [tilespmem:s10+$0xFFFFFFC0];
	v8 =	vmul.f32 v59, v8  }
0xc9: {  	v4 =	vld [tilespmem:s10+$0xFFFFFFD0];
	v13 =	vmul.f32 v13, v19  }
0xca: {  	[tilespmem:s10+$0x20] =	vst v8;
	v8 =	vmul.f32 v15, v9;
	v15 =	vld [tilespmem:s10+$0x30]  }
0xcb: {  	v9 =	vmul.f32 v60, v58;
	v62 =	vld [tilespmem:s18+$0x30];
	[tilespmem:s24+$0x60] =	vst v13  }
0xcc: {  	[tilespmem:s23+$0xFFFFFFE0] =	vst v8;
	v8 =	vmul.f32 v11, v14;
	v63 =	vld [tilespmem:s25+$0x70]  }
0xcd: {  	[tilespmem:s10+$0xFFFFFFA0] =	vst v9;
	v9 =	vld [tilespmem:s19+$0xFFFFFFF0]  }
0xce: {  	v13 =	vld [tilespmem:s18+$0xFFFFFFB0];
	[tilespmem:s24+$0xFFFFFFD0] =	vst v8  }
0xcf: {  	v11 =	vmul.f32 v12, v10;
	v10 =	vld [tilespmem:s25+$0xFFFFFFE0]  }
0xd0: {  	v8 =	vld [tilespmem:s10+$0xFFFFFFF0];
	v14 =	vmul.f32 v62, v15  }
0xd1: {  	s20 =	simm.s32 $0x480;
	s8 =	simm.s32 $0x4;
	s19 =	simm.s32 $0x3380;
	[tilespmem:s23+$0x70] =	vst v11;
	v11 =	vld [tilespmem:s10+$0x40];
	v12 =	vmul.f32 v63, v61  }
.LBB2_7:
0xd2: {  	v15 =	vld [tilespmem:s20+$0x0];
	[tilespmem:s10+$0x30] =	vst v14;
	s18 =	sadd.s32 $0x100, s18;
	v9 =	vmul.f32 v9, v1;
	v1 =	vmov v3  }
0xd3: {  	v14 =	vld [tilespmem:s18+$0x0];
	v13 =	vmul.f32 v13, v6;
	[tilespmem:s24+$0x70] =	vst v12  }
0xd4: {  	s8 =	sadd.s32 $0x2, s8;
	v6 =	vld [tilespmem:s19+$0x40];
	v10 =	vmul.f32 v10, v2;
	[tilespmem:s23+$0xFFFFFFF0] =	vst v9;
	v2 =	vmov v7;
	s23 =	smov.u32 s24;
	s24 =	smov.u32 s10  }
0xd5: {  	p1 =	slt.u32 s8, $0x5E;
	s10 =	smov.u32 s20;
	v7 =	vld [tilespmem:s18+$0xFFFFFF80];
	[tilespmem:s24+$0xFFFFFFB0] =	vst v13;
	v3 =	vmov v8  }
0xd6: {  	v8 =	vld [tilespmem:s20+$0xFFFFFF80];
	[tilespmem:s23+$0xFFFFFFE0] =	vst v10  }
0xd7: {  	v9 =	vld [tilespmem:s20+$0xFFFFFF90]  }
0xd8: {  	v10 =	vld [tilespmem:s20+$0xFFFFFFA0];
	v12 =	vmul.f32 v14, v15  }
0xd9: {  	v6 =	vmul.f32 v6, v11;
	v11 =	vld [tilespmem:s24+$0x50]  }
0xda: {  	[tilespmem:s20+$0x0] =	vst v12;
	v12 =	vld [tilespmem:s20+$0x10]  }
0xdb: {  	v7 =	vmul.f32 v7, v8;
	v8 =	vld [tilespmem:s18+$0x10];
	[tilespmem:s24+$0x40] =	vst v6  }
0xdc: {  	v13 =	vld [tilespmem:s19+$0x50]  }
0xdd: {  	[tilespmem:s20+$0xFFFFFF80] =	vst v7;
	v6 =	vld [tilespmem:s20+$0xFFFFFFB0]  }
0xde: {  	v7 =	vld [tilespmem:s18+$0xFFFFFF90]  }
0xdf: {  	v14 =	vld [tilespmem:s19+$0xFFFFFFC0]  }
0xe0: {  	v15 =	vld [tilespmem:s20+$0xFFFFFFC0];
	v8 =	vmul.f32 v8, v12  }
0xe1: {  	v11 =	vmul.f32 v13, v11;
	v12 =	vld [tilespmem:s24+$0x60]  }
0xe2: {  	[tilespmem:s20+$0x10] =	vst v8;
	v8 =	vld [tilespmem:s20+$0x20]  }
0xe3: {  	v7 =	vmul.f32 v7, v9;
	v9 =	vld [tilespmem:s18+$0x20];
	[tilespmem:s24+$0x50] =	vst v11  }
0xe4: {  	v11 =	vmul.f32 v14, v5;
	v13 =	vld [tilespmem:s19+$0x60]  }
0xe5: {  	[tilespmem:s20+$0xFFFFFF90] =	vst v7;
	v14 =	vld [tilespmem:s20+$0xFFFFFFD0];
	v5 =	vmov v15  }
0xe6: {  	v15 =	vld [tilespmem:s18+$0xFFFFFFA0];
	[tilespmem:s24+$0xFFFFFFC0] =	vst v11  }
0xe7: {  	v11 =	vld [tilespmem:s19+$0xFFFFFFD0]  }
0xe8: {  	v7 =	vld [tilespmem:s20+$0xFFFFFFE0];
	v8 =	vmul.f32 v9, v8  }
0xe9: {  	v9 =	vmul.f32 v13, v12;
	v12 =	vld [tilespmem:s24+$0x70]  }
0xea: {  	[tilespmem:s20+$0x20] =	vst v8;
	v16 =	vld [tilespmem:s20+$0x30]  }
0xeb: {  	v8 =	vmul.f32 v15, v10;
	v15 =	vld [tilespmem:s18+$0x30];
	[tilespmem:s24+$0x60] =	vst v9  }
0xec: {  	v10 =	vmul.f32 v11, v4;
	v17 =	vld [tilespmem:s19+$0x70];
	v4 =	vmov v14  }
.Ltmp2:
0xed: {  	[tilespmem:s20+$0xFFFFFFA0] =	vst v8;
	v9 =	vld [tilespmem:s25+$0xFFFFFFF0];
	s25 =	smov.u32 s19;
	s19 =	smov.u32 s18;
	(pc) =	sbr.rel @p1 .LBB2_7-.Ltmp2, $4  }
0xee: {  	v13 =	vld [tilespmem:s18+$0xFFFFFFB0];
	[tilespmem:s24+$0xFFFFFFD0] =	vst v10  }
0xef: {  	v10 =	vld [tilespmem:s25+$0xFFFFFFE0]  }
0xf0: {  	v8 =	vld [tilespmem:s20+$0xFFFFFFF0];
	v14 =	vmul.f32 v15, v16  }
0xf1: {  	s20 =	sadd.s32 $0x100, s20;
	v11 =	vld [tilespmem:s10+$0x40];
	v12 =	vmul.f32 v17, v12  }
0xf2: {  	_ = 	snop  }
0xf3: {  	[tilespmem:s10+$0x30] =	vst v14;
	v6 =	vmul.f32 v13, v6  }
0xf4: {  	v13 =	vld [tilespmem:s19+$0x40]  }
0xf5: {  	[tilespmem:s10+$0xFFFFFFB0] =	vst v6  }
0xf6: {  	v6 =	vld [tilespmem:s19+$0xFFFFFFC0];
	_ =	sdelay $0x2  }
0xf7: {  	v11 =	vmul.f32 v13, v11;
	_ =	sdelay $0x1  }
0xf8: {  	v13 =	vld [tilespmem:s10+$0x50];
	[tilespmem:s10+$0x40] =	vst v11;
	v5 =	vmul.f32 v6, v5  }
0xf9: {  	v6 =	vld [tilespmem:s19+$0x50]  }
0xfa: {  	[tilespmem:s10+$0xFFFFFFC0] =	vst v5  }
0xfb: {  	v5 =	vld [tilespmem:s19+$0xFFFFFFD0];
	_ =	sdelay $0x2  }
0xfc: {  	v6 =	vmul.f32 v6, v13;
	_ =	sdelay $0x1  }
0xfd: {  	v11 =	vld [tilespmem:s10+$0x60];
	[tilespmem:s10+$0x50] =	vst v6;
	v4 =	vmul.f32 v5, v4  }
0xfe: {  	v5 =	vld [tilespmem:s19+$0x60]  }
0xff: {  	[tilespmem:s10+$0xFFFFFFD0] =	vst v4  }
0x100: {  	v4 =	vld [tilespmem:s19+$0xFFFFFFE0];
	_ =	sdelay $0x2  }
0x101: {  	v5 =	vmul.f32 v5, v11  }
0x102: {  	v2 =	vmul.f32 v10, v2  }
0x103: {  	v6 =	vld [tilespmem:s10+$0x70];
	[tilespmem:s10+$0x60] =	vst v5;
	v4 =	vmul.f32 v4, v7  }
0x104: {  	[tilespmem:s24+$0xFFFFFFE0] =	vst v2;
	v2 =	vld [tilespmem:s19+$0x70]  }
0x105: {  	v5 =	vld [tilespmem:s25+$0xFFFFFFF0];
	[tilespmem:s10+$0xFFFFFFE0] =	vst v4  }
0x106: {  	v4 =	vld [tilespmem:s19+$0xFFFFFFF0];
	_ =	sdelay $0x1  }
0x107: {  	v1 =	vmul.f32 v9, v1  }
0x108: {  	[tilespmem:s24+$0x70] =	vst v12;
	v2 =	vmul.f32 v2, v6  }
0x109: {  	[tilespmem:s23+$0xFFFFFFF0] =	vst v1;
	v1 =	vmul.f32 v5, v3  }
0x10a: {  	[tilespmem:s10+$0x70] =	vst v2;
	v2 =	vmul.f32 v4, v8  }
0x10b: {  	[tilespmem:s24+$0xFFFFFFF0] =	vst v1  }
0x10c: {  	[tilespmem:s10+$0xFFFFFFF0] =	vst v2  }
0x10d: {  	[spmem:s3] =	stream.indirect.scatter.add.f32 [tilespmem:s29], [sflag:$0x3], $0x80, s31, s1, $0xb8;
	[tilespmem:$0x1FB80] =	vst v63  }
0x10e: {  	_ =	swait.ge [sflag:s17], $0x3000  }
0x10f: {  	[sflag:s17] =	ssyncset.done $0x0  }
0x110: {  	[sflag:s17] =	ssyncadd.s32 $0xFFFFD000  }
0x111: {  	_ =	swait.ge [sflag:s26], $0x3000  }
0x112: {  	[sflag:s26] =	ssyncset.done $0x0  }
0x113: {  	p1 =	seq.s32 s21, $0x19;
	[sflag:s26] =	ssyncadd.s32 $0xFFFFD000  }
0x114: {  	s8 =	sadd.s32 @!p1 $0xC0, s22;
	_ =	swait.ge [sflag:s28], $0x3000  }
0x115: {  	s10 =	sshrl.u32 @!p1 s8, $0x3;
	[sflag:s28] =	ssyncset.done $0x0  }
0x116: {  	s19 =	simm.s32 @!p1 $0x0;
	s18 =	sadd.s32 @!p1 s6, s10;
	[sflag:s28] =	ssyncadd.s32 $0xFFFFD000  }
0x117: {  	[tilespmem:s19], [sflag:$0x7] =	stream.linear.gather @!p1 [hbm4b:s18+s19], $0x60, $0x38;
	[tilespmem:$0x1FB80] =	vst v63  }
0x118: {  	s18 =	simm.s32 @!p1 $0x7  }
0x119: {  	_ =	swait.ge @!p1 [sflag:s18], $0x60  }
0x11a: {  	[sflag:s18] =	ssyncset.done @!p1 $0x0  }
0x11b: {  	s20 =	simm.s32 @!p1 $0x80;
	s10 =	sadd.s32 @!p1 s7, s10;
	[sflag:s18] =	ssyncadd.s32 @!p1 $0xFFFFFFA0  }
0x11c: {  	[tilespmem:s20], [sflag:$0x7] =	stream.linear.gather @!p1 [hbm4b:s10+s19], $0x60, $0x38;
	[tilespmem:$0x1FB80] =	vst v63  }
0x11d: {  	_ =	swait.ge @!p1 [sflag:s18], $0x60  }
0x11e: {  	s8 =	sshll.u32 @!p1 s8, $0x4;
	[sflag:s18] =	ssyncset.done @!p1 $0x0  }
0x11f: {  	s10 =	simm.s32 @!p1 $0x60;
	[sflag:s18] =	ssyncadd.s32 @!p1 $0xFFFFFFA0;
	s18 =	simm.s32 @!p1 $0x100  }
0x120: {  	[tilespmem:s18], [sflag:$0x1] =	stream.indirect.gather @!p1 [hbm4b:s0+s10], $0x80, s19, s10, $0xb8;
	[tilespmem:$0x1FB80] =	vst v63  }
0x121: {  	s22 =	simm.s32 $0x6280;
	s8 =	sadd.s32 @!p1 s5, s8;
	s10 =	simm.s32 @!p1 $0x3100  }
0x122: {  	[tilespmem:s10], [sflag:$0x2] =	stream.linear.gather @!p1 [hbm4b:s8+s19], $0x3000, $0x38;
	[tilespmem:$0x1FB80] =	vst v63  }
0x123: {  	s25 =	simm.s32 $0x9280;
	v1 =	vld [tilespmem:s22+$0x0]  }
0x124: {  	v2 =	vld [tilespmem:s25+$0x0];
	_ =	sdelay $0x3  }
0x125: {  	v3 =	vld [tilespmem:s22+$0xFFFFFF80]  }
0x126: {  	v1 =	vmul.f32 v2, v1;
	v2 =	vld [tilespmem:s25+$0xFFFFFF80];
	_ =	sdelay $0x1  }
0x127: {  	[tilespmem:s22+$0x0] =	vst v1;
	v1 =	vld [tilespmem:s22+$0x10]  }
0x128: {  	v4 =	vld [tilespmem:s25+$0x10];
	_ =	sdelay $0x1  }
0x129: {  	v2 =	vmul.f32 v2, v3;
	_ =	sdelay $0x1  }
0x12a: {  	v5 =	vld [tilespmem:s22+$0xFFFFFF90];
	[tilespmem:s22+$0xFFFFFF80] =	vst v2  }
0x12b: {  	v1 =	vmul.f32 v4, v1;
	v2 =	vld [tilespmem:s25+$0xFFFFFF90];
	_ =	sdelay $0x1  }
0x12c: {  	[tilespmem:s22+$0x10] =	vst v1;
	v1 =	vld [tilespmem:s22+$0x20]  }
0x12d: {  	v4 =	vld [tilespmem:s25+$0x20]  }
0x12e: {  	v6 =	vld [tilespmem:s22+$0xFFFFFFB0]  }
0x12f: {  	s23 =	simm.s32 $0x6380;
	v7 =	vld [tilespmem:s22+$0xFFFFFFD0];
	v2 =	vmul.f32 v2, v5  }
0x130: {  	v8 =	vld [tilespmem:s23+$0x0]  }
0x131: {  	v3 =	vld [tilespmem:s22+$0xFFFFFFA0];
	[tilespmem:s22+$0xFFFFFF90] =	vst v2  }
0x132: {  	v1 =	vmul.f32 v4, v1;
	v2 =	vld [tilespmem:s25+$0xFFFFFFA0]  }
0x133: {  	v9 =	vld [tilespmem:s22+$0xFFFFFFE0]  }
0x134: {  	[tilespmem:s22+$0x20] =	vst v1;
	v1 =	vld [tilespmem:s22+$0x30]  }
0x135: {  	s24 =	simm.s32 $0x9380;
	v4 =	vld [tilespmem:s25+$0x30]  }
0x136: {  	v11 =	vld [tilespmem:s24+$0xFFFFFF80]  }
0x137: {  	v2 =	vmul.f32 v2, v3;
	v3 =	vld [tilespmem:s24+$0x0]  }
0x138: {  	v13 =	vld [tilespmem:s23+$0xFFFFFF90]  }
0x139: {  	s18 =	simm.s32 $0x9480;
	v14 =	vld [tilespmem:s23+$0xFFFFFFD0]  }
0x13a: {  	v16 =	vld [tilespmem:s18+$0xFFFFFF80];
	v1 =	vmul.f32 v4, v1  }
0x13b: {  	[tilespmem:s22+$0xFFFFFFA0] =	vst v2;
	v2 =	vld [tilespmem:s22+$0x40]  }
0x13c: {  	[tilespmem:s22+$0x30] =	vst v1;
	v3 =	vmul.f32 v3, v8;
	v8 =	vld [tilespmem:s23+$0xFFFFFF80]  }
0x13d: {  	s10 =	simm.s32 $0x6480;
	v10 =	vld [tilespmem:s25+$0x40]  }
0x13e: {  	v17 =	vld [tilespmem:s10+$0xFFFFFF80]  }
0x13f: {  	v4 =	vld [tilespmem:s25+$0xFFFFFFB0]  }
0x140: {  	v18 =	vld [tilespmem:s23+$0x50]  }
0x141: {  	[tilespmem:s23+$0x0] =	vst v3;
	v3 =	vld [tilespmem:s23+$0x10];
	v8 =	vmul.f32 v11, v8  }
0x142: {  	v12 =	vld [tilespmem:s24+$0x10];
	v2 =	vmul.f32 v10, v2  }
0x143: {  	v10 =	vld [tilespmem:s22+$0x50];
	[tilespmem:s23+$0xFFFFFF80] =	vst v8  }
0x144: {  	[tilespmem:s22+$0x40] =	vst v2;
	v2 =	vmul.f32 v4, v6;
	v6 =	vld [tilespmem:s24+$0xFFFFFF90]  }
0x145: {  	v4 =	vld [tilespmem:s25+$0x50]  }
0x146: {  	v58 =	vld [tilespmem:s10+$0xFFFFFFA0]  }
0x147: {  	v5 =	vld [tilespmem:s22+$0xFFFFFFC0];
	v3 =	vmul.f32 v12, v3;
	[tilespmem:s22+$0xFFFFFFB0] =	vst v2  }
0x148: {  	v2 =	vld [tilespmem:s25+$0xFFFFFFC0]  }
0x149: {  	[tilespmem:s23+$0x10] =	vst v3;
	v3 =	vld [tilespmem:s23+$0x20]  }
0x14a: {  	v6 =	vmul.f32 v6, v13;
	v4 =	vmul.f32 v4, v10;
	v10 =	vld [tilespmem:s24+$0x20]  }
0x14b: {  	v19 =	vld [tilespmem:s23+$0x60]  }
0x14c: {  	v16 =	vmul.f32 v16, v17;
	v11 =	vld [tilespmem:s23+$0xFFFFFFA0];
	[tilespmem:s23+$0xFFFFFF90] =	vst v6  }
0x14d: {  	v2 =	vmul.f32 v2, v5;
	v5 =	vld [tilespmem:s24+$0xFFFFFFA0]  }
0x14e: {  	v61 =	vld [tilespmem:s23+$0x70];
	[tilespmem:s10+$0xFFFFFF80] =	vst v16  }
0x14f: {  	v16 =	vld [tilespmem:s18+$0xFFFFFF90];
	[tilespmem:s22+$0xFFFFFFC0] =	vst v2;
	v2 =	vmul.f32 v10, v3  }
0x150: {  	v1 =	vld [tilespmem:s22+$0xFFFFFFF0]  }
0x151: {  	v6 =	vld [tilespmem:s23+$0x30];
	[tilespmem:s23+$0x20] =	vst v2  }
0x152: {  	v5 =	vmul.f32 v5, v11;
	v11 =	vld [tilespmem:s24+$0x30]  }
0x153: {  	v3 =	vld [tilespmem:s25+$0xFFFFFFD0]  }
0x154: {  	v8 =	vld [tilespmem:s23+$0xFFFFFFB0]  }
0x155: {  	v12 =	vld [tilespmem:s22+$0x60];
	[tilespmem:s22+$0x50] =	vst v4  }
0x156: {  	v4 =	vld [tilespmem:s25+$0x60]  }
0x157: {  	[tilespmem:s23+$0xFFFFFFA0] =	vst v5;
	v5 =	vld [tilespmem:s10+$0x0];
	v6 =	vmul.f32 v11, v6  }
0x158: {  	v3 =	vmul.f32 v3, v7;
	v7 =	vld [tilespmem:s18+$0x0]  }
0x159: {  	v11 =	vld [tilespmem:s23+$0x40];
	[tilespmem:s23+$0x30] =	vst v6  }
0x15a: {  	v6 =	vld [tilespmem:s24+$0x40]  }
0x15b: {  	v13 =	vld [tilespmem:s23+$0xFFFFFFC0];
	v4 =	vmul.f32 v4, v12  }
0x15c: {  	v10 =	vld [tilespmem:s22+$0x70]  }
0x15d: {  	[tilespmem:s22+$0x60] =	vst v4;
	v4 =	vld [tilespmem:s24+$0xFFFFFFB0];
	v5 =	vmul.f32 v7, v5  }
0x15e: {  	v7 =	vld [tilespmem:s10+$0xFFFFFF90]  }
0x15f: {  	[tilespmem:s10+$0x0] =	vst v5;
	v5 =	vld [tilespmem:s10+$0x10];
	v6 =	vmul.f32 v6, v11  }
0x160: {  	v11 =	vld [tilespmem:s18+$0x10]  }
0x161: {  	v2 =	vld [tilespmem:s23+$0xFFFFFFE0];
	[tilespmem:s23+$0x40] =	vst v6  }
0x162: {  	v4 =	vmul.f32 v4, v8;
	v8 =	vld [tilespmem:s24+$0x50]  }
0x163: {  	v12 =	vld [tilespmem:s25+$0x70];
	[tilespmem:s22+$0xFFFFFFD0] =	vst v3  }
0x164: {  	v3 =	vld [tilespmem:s23+$0xFFFFFFF0];
	[tilespmem:s23+$0xFFFFFFB0] =	vst v4;
	v7 =	vmul.f32 v16, v7  }
0x165: {  	v4 =	vmul.f32 v11, v5;
	v11 =	vld [tilespmem:s24+$0xFFFFFFC0]  }
0x166: {  	v15 =	vld [tilespmem:s25+$0xFFFFFFE0];
	[tilespmem:s10+$0xFFFFFF90] =	vst v7  }
0x167: {  	v7 =	vld [tilespmem:s10+$0xFFFFFFE0];
	[tilespmem:s10+$0x10] =	vst v4;
	v4 =	vmul.f32 v8, v18  }
0x168: {  	v8 =	vld [tilespmem:s10+$0x20]  }
0x169: {  	v59 =	vld [tilespmem:s18+$0x20];
	[tilespmem:s23+$0x50] =	vst v4  }
0x16a: {  	v11 =	vmul.f32 v11, v13;
	v13 =	vld [tilespmem:s24+$0x60]  }
0x16b: {  	v6 =	vld [tilespmem:s10+$0xFFFFFFB0]  }
0x16c: {  	v60 =	vld [tilespmem:s18+$0xFFFFFFA0];
	[tilespmem:s23+$0xFFFFFFC0] =	vst v11  }
0x16d: {  	v11 =	vld [tilespmem:s24+$0xFFFFFFD0]  }
0x16e: {  	v5 =	vld [tilespmem:s10+$0xFFFFFFC0];
	v8 =	vmul.f32 v59, v8  }
0x16f: {  	v4 =	vld [tilespmem:s10+$0xFFFFFFD0];
	v13 =	vmul.f32 v13, v19  }
0x170: {  	[tilespmem:s10+$0x20] =	vst v8;
	v8 =	vmul.f32 v15, v9;
	v15 =	vld [tilespmem:s10+$0x30]  }
0x171: {  	v9 =	vmul.f32 v60, v58;
	v62 =	vld [tilespmem:s18+$0x30];
	[tilespmem:s23+$0x60] =	vst v13  }
0x172: {  	[tilespmem:s22+$0xFFFFFFE0] =	vst v8;
	v8 =	vmul.f32 v11, v14;
	v63 =	vld [tilespmem:s24+$0x70]  }
0x173: {  	[tilespmem:s10+$0xFFFFFFA0] =	vst v9;
	v9 =	vld [tilespmem:s25+$0xFFFFFFF0]  }
0x174: {  	v13 =	vld [tilespmem:s18+$0xFFFFFFB0];
	[tilespmem:s23+$0xFFFFFFD0] =	vst v8  }
0x175: {  	v11 =	vmul.f32 v12, v10;
	v10 =	vld [tilespmem:s24+$0xFFFFFFE0]  }
0x176: {  	v8 =	vld [tilespmem:s10+$0xFFFFFFF0];
	v14 =	vmul.f32 v62, v15  }
0x177: {  	s20 =	simm.s32 $0x6580;
	s8 =	simm.s32 $0x4;
	s19 =	simm.s32 $0x9480;
	[tilespmem:s22+$0x70] =	vst v11;
	v11 =	vld [tilespmem:s10+$0x40];
	v12 =	vmul.f32 v63, v61  }
.LBB2_9:
0x178: {  	v15 =	vld [tilespmem:s20+$0x0];
	[tilespmem:s10+$0x30] =	vst v14;
	s18 =	sadd.s32 $0x100, s18;
	v9 =	vmul.f32 v9, v1;
	v1 =	vmov v3  }
0x179: {  	v14 =	vld [tilespmem:s18+$0x0];
	v13 =	vmul.f32 v13, v6;
	[tilespmem:s23+$0x70] =	vst v12  }
0x17a: {  	s8 =	sadd.s32 $0x2, s8;
	v6 =	vld [tilespmem:s19+$0x40];
	v10 =	vmul.f32 v10, v2;
	[tilespmem:s22+$0xFFFFFFF0] =	vst v9;
	v2 =	vmov v7;
	s22 =	smov.u32 s23;
	s23 =	smov.u32 s10  }
0x17b: {  	p1 =	slt.u32 s8, $0x5E;
	s10 =	smov.u32 s20;
	v7 =	vld [tilespmem:s18+$0xFFFFFF80];
	[tilespmem:s23+$0xFFFFFFB0] =	vst v13;
	v3 =	vmov v8  }
0x17c: {  	v8 =	vld [tilespmem:s20+$0xFFFFFF80];
	[tilespmem:s22+$0xFFFFFFE0] =	vst v10  }
0x17d: {  	v9 =	vld [tilespmem:s20+$0xFFFFFF90]  }
0x17e: {  	v10 =	vld [tilespmem:s20+$0xFFFFFFA0];
	v12 =	vmul.f32 v14, v15  }
0x17f: {  	v6 =	vmul.f32 v6, v11;
	v11 =	vld [tilespmem:s23+$0x50]  }
0x180: {  	[tilespmem:s20+$0x0] =	vst v12;
	v12 =	vld [tilespmem:s20+$0x10]  }
0x181: {  	v7 =	vmul.f32 v7, v8;
	v8 =	vld [tilespmem:s18+$0x10];
	[tilespmem:s23+$0x40] =	vst v6  }
0x182: {  	v13 =	vld [tilespmem:s19+$0x50]  }
0x183: {  	[tilespmem:s20+$0xFFFFFF80] =	vst v7;
	v6 =	vld [tilespmem:s20+$0xFFFFFFB0]  }
0x184: {  	v7 =	vld [tilespmem:s18+$0xFFFFFF90]  }
0x185: {  	v14 =	vld [tilespmem:s19+$0xFFFFFFC0]  }
0x186: {  	v15 =	vld [tilespmem:s20+$0xFFFFFFC0];
	v8 =	vmul.f32 v8, v12  }
0x187: {  	v11 =	vmul.f32 v13, v11;
	v12 =	vld [tilespmem:s23+$0x60]  }
0x188: {  	[tilespmem:s20+$0x10] =	vst v8;
	v8 =	vld [tilespmem:s20+$0x20]  }
0x189: {  	v7 =	vmul.f32 v7, v9;
	v9 =	vld [tilespmem:s18+$0x20];
	[tilespmem:s23+$0x50] =	vst v11  }
0x18a: {  	v11 =	vmul.f32 v14, v5;
	v13 =	vld [tilespmem:s19+$0x60]  }
0x18b: {  	[tilespmem:s20+$0xFFFFFF90] =	vst v7;
	v14 =	vld [tilespmem:s20+$0xFFFFFFD0];
	v5 =	vmov v15  }
0x18c: {  	v15 =	vld [tilespmem:s18+$0xFFFFFFA0];
	[tilespmem:s23+$0xFFFFFFC0] =	vst v11  }
0x18d: {  	v11 =	vld [tilespmem:s19+$0xFFFFFFD0]  }
0x18e: {  	v7 =	vld [tilespmem:s20+$0xFFFFFFE0];
	v8 =	vmul.f32 v9, v8  }
0x18f: {  	v9 =	vmul.f32 v13, v12;
	v12 =	vld [tilespmem:s23+$0x70]  }
0x190: {  	[tilespmem:s20+$0x20] =	vst v8;
	v16 =	vld [tilespmem:s20+$0x30]  }
0x191: {  	v8 =	vmul.f32 v15, v10;
	v15 =	vld [tilespmem:s18+$0x30];
	[tilespmem:s23+$0x60] =	vst v9  }
0x192: {  	v10 =	vmul.f32 v11, v4;
	v17 =	vld [tilespmem:s19+$0x70];
	v4 =	vmov v14  }
.Ltmp3:
0x193: {  	[tilespmem:s20+$0xFFFFFFA0] =	vst v8;
	v9 =	vld [tilespmem:s24+$0xFFFFFFF0];
	s24 =	smov.u32 s19;
	s19 =	smov.u32 s18;
	(pc) =	sbr.rel @p1 .LBB2_9-.Ltmp3, $4  }
0x194: {  	v13 =	vld [tilespmem:s18+$0xFFFFFFB0];
	[tilespmem:s23+$0xFFFFFFD0] =	vst v10  }
0x195: {  	v10 =	vld [tilespmem:s24+$0xFFFFFFE0]  }
0x196: {  	v8 =	vld [tilespmem:s20+$0xFFFFFFF0];
	v14 =	vmul.f32 v15, v16  }
0x197: {  	s20 =	sadd.s32 $0x100, s20;
	v11 =	vld [tilespmem:s10+$0x40];
	v12 =	vmul.f32 v17, v12  }
0x198: {  	_ = 	snop  }
0x199: {  	[tilespmem:s10+$0x30] =	vst v14;
	v6 =	vmul.f32 v13, v6  }
0x19a: {  	v57 =	vld [tilespmem:s19+$0x40]  }
0x19b: {  	[tilespmem:s10+$0xFFFFFFB0] =	vst v6  }
0x19c: {  	v6 =	vld [tilespmem:s19+$0xFFFFFFC0];
	_ =	sdelay $0x2  }
0x19d: {  	v11 =	vmul.f32 v57, v11;
	_ =	sdelay $0x1  }
0x19e: {  	v58 =	vld [tilespmem:s10+$0x50];
	[tilespmem:s10+$0x40] =	vst v11;
	v5 =	vmul.f32 v6, v5  }
0x19f: {  	v59 =	vld [tilespmem:s19+$0x50]  }
0x1a0: {  	[tilespmem:s10+$0xFFFFFFC0] =	vst v5  }
0x1a1: {  	v5 =	vld [tilespmem:s19+$0xFFFFFFD0];
	_ =	sdelay $0x2  }
0x1a2: {  	v6 =	vmul.f32 v59, v58;
	_ =	sdelay $0x1  }
0x1a3: {  	v60 =	vld [tilespmem:s10+$0x60];
	[tilespmem:s10+$0x50] =	vst v6;
	v4 =	vmul.f32 v5, v4  }
0x1a4: {  	v61 =	vld [tilespmem:s19+$0x60]  }
0x1a5: {  	[tilespmem:s10+$0xFFFFFFD0] =	vst v4  }
0x1a6: {  	v4 =	vld [tilespmem:s19+$0xFFFFFFE0];
	_ =	sdelay $0x2  }
0x1a7: {  	v5 =	vmul.f32 v61, v60  }
0x1a8: {  	v2 =	vmul.f32 v10, v2  }
0x1a9: {  	v62 =	vld [tilespmem:s10+$0x70];
	[tilespmem:s10+$0x60] =	vst v5;
	v4 =	vmul.f32 v4, v7  }
0x1aa: {  	[tilespmem:s23+$0xFFFFFFE0] =	vst v2;
	v2 =	vld [tilespmem:s19+$0x70]  }
0x1ab: {  	v63 =	vld [tilespmem:s24+$0xFFFFFFF0];
	[tilespmem:s10+$0xFFFFFFE0] =	vst v4  }
0x1ac: {  	v4 =	vld [tilespmem:s19+$0xFFFFFFF0];
	_ =	sdelay $0x1  }
0x1ad: {  	v1 =	vmul.f32 v9, v1  }
0x1ae: {  	[tilespmem:s23+$0x70] =	vst v12;
	v2 =	vmul.f32 v2, v62  }
0x1af: {  	[tilespmem:s22+$0xFFFFFFF0] =	vst v1;
	v1 =	vmul.f32 v63, v3  }
0x1b0: {  	s21 =	sadd.s32 $0x1, s21;
	[tilespmem:s10+$0x70] =	vst v2;
	v2 =	vmul.f32 v4, v8  }
0x1b1: {  	p1 =	sne.s32 s21, $0x1A;
	[tilespmem:s23+$0xFFFFFFF0] =	vst v1  }
.Ltmp4:
0x1b2: {  	[tilespmem:s10+$0xFFFFFFF0] =	vst v2;
	(pc) =	sbr.rel @p1 .LBB2_6-.Ltmp4, $4  }
0x1b3: {  	[spmem:s3] =	stream.indirect.scatter.add.f32 [tilespmem:s15], [sflag:$0x6], $0x80, s14, s1, $0xb8;
	[tilespmem:$0x1FB80] =	vst v63  }
0x1b4: {  	_ =	swait.ge [sflag:s2], $0x3000  }
0x1b5: {  	[sflag:s2] =	ssyncset.done $0x0  }
0x1b6: {  	[sflag:s2] =	ssyncadd.s32 $0xFFFFD000  }
0x1b7: {  	s8 =	rddreg [dreg:$0x10];
	s10 =	simm.s32 $0xC200  }
0x1b8: {  	[tilespmem:s10], [sflag:$0x7] =	stream.linear.gather [hbm4b:s8+s4], $0x8, $0x38;
	[tilespmem:$0x1FB80] =	vst v63  }
0x1b9: {  	_ =	swait.ge [sflag:s30], $0x8  }
0x1ba: {  	[sflag:s30] =	ssyncset.done $0x0  }
0x1bb: {  	s25 =	simm.s32 $0xC280;
	s21 =	rddreg [dreg:$0x11];
	[sflag:s30] =	ssyncadd.s32 $0xFFFFFFF8  }
0x1bc: {  	[tilespmem:s25], [sflag:$0x7] =	stream.linear.gather [hbm4b:s21+s4], $0x8, $0x38;
	[tilespmem:$0x1FB80] =	vst v63  }
0x1bd: {  	_ =	swait.ge [sflag:s30], $0x8  }
0x1be: {  	[sflag:s30] =	ssyncset.done $0x0  }
0x1bf: {  	s22 =	simm.s32 $0x8;
	[sflag:s30] =	ssyncadd.s32 $0xFFFFFFF8  }
0x1c0: {  	[tilespmem:s29], [sflag:$0x1] =	stream.indirect.gather [hbm4b:s0+s22], $0x80, s10, s22, $0xb8;
	[tilespmem:$0x1FB80] =	vst v63  }
0x1c1: {  	_ =	swait.ge [sflag:s11], $0x400  }
0x1c2: {  	[sflag:s11] =	ssyncset.done $0x0  }
0x1c3: {  	s24 =	simm.s32 $0x3100;
	s23 =	rddreg [dreg:$0x12];
	[sflag:s11] =	ssyncadd.s32 $0xFFFFFC00  }
0x1c4: {  	[tilespmem:s24], [sflag:$0x7] =	stream.linear.gather [hbm4b:s23+s4], $0x400, $0x38;
	[tilespmem:$0x1FB80] =	vst v63  }
0x1c5: {  	_ =	swait.ge [sflag:s30], $0x400  }
0x1c6: {  	[sflag:s30] =	ssyncset.done $0x0  }
0x1c7: {  	s21 =	simm.s32 $0x180;
	[sflag:s30] =	ssyncadd.s32 $0xFFFFFC00  }
0x1c8: {  	s19 =	simm.s32 $0x3180;
	v1 =	vld [tilespmem:s21+$0x0]  }
0x1c9: {  	v2 =	vld [tilespmem:s19+$0x0];
	_ =	sdelay $0x3  }
0x1ca: {  	v3 =	vld [tilespmem:s21+$0xFFFFFF80]  }
0x1cb: {  	v1 =	vmul.f32 v2, v1;
	v2 =	vld [tilespmem:s19+$0xFFFFFF80];
	_ =	sdelay $0x1  }
0x1cc: {  	[tilespmem:s21+$0x0] =	vst v1;
	v1 =	vld [tilespmem:s21+$0x10]  }
0x1cd: {  	v4 =	vld [tilespmem:s19+$0x10];
	_ =	sdelay $0x1  }
0x1ce: {  	v2 =	vmul.f32 v2, v3;
	_ =	sdelay $0x1  }
0x1cf: {  	v5 =	vld [tilespmem:s21+$0xFFFFFF90];
	[tilespmem:s21+$0xFFFFFF80] =	vst v2  }
0x1d0: {  	v1 =	vmul.f32 v4, v1;
	v2 =	vld [tilespmem:s19+$0xFFFFFF90];
	_ =	sdelay $0x1  }
0x1d1: {  	[tilespmem:s21+$0x10] =	vst v1;
	v1 =	vld [tilespmem:s21+$0x20]  }
0x1d2: {  	v4 =	vld [tilespmem:s19+$0x20]  }
0x1d3: {  	v6 =	vld [tilespmem:s21+$0xFFFFFFB0]  }
0x1d4: {  	s22 =	simm.s32 $0x280;
	v7 =	vld [tilespmem:s21+$0xFFFFFFD0];
	v2 =	vmul.f32 v2, v5  }
0x1d5: {  	v8 =	vld [tilespmem:s22+$0x0]  }
0x1d6: {  	v3 =	vld [tilespmem:s21+$0xFFFFFFA0];
	[tilespmem:s21+$0xFFFFFF90] =	vst v2  }
0x1d7: {  	v1 =	vmul.f32 v4, v1;
	v2 =	vld [tilespmem:s19+$0xFFFFFFA0]  }
0x1d8: {  	v9 =	vld [tilespmem:s21+$0xFFFFFFE0]  }
0x1d9: {  	[tilespmem:s21+$0x20] =	vst v1;
	v1 =	vld [tilespmem:s21+$0x30]  }
0x1da: {  	s23 =	simm.s32 $0x3280;
	v4 =	vld [tilespmem:s19+$0x30]  }
0x1db: {  	v11 =	vld [tilespmem:s23+$0xFFFFFF80]  }
0x1dc: {  	v2 =	vmul.f32 v2, v3;
	v3 =	vld [tilespmem:s23+$0x0]  }
0x1dd: {  	v13 =	vld [tilespmem:s22+$0xFFFFFF90]  }
0x1de: {  	s18 =	simm.s32 $0x3380;
	v14 =	vld [tilespmem:s22+$0xFFFFFFD0]  }
0x1df: {  	v16 =	vld [tilespmem:s18+$0xFFFFFF80];
	v1 =	vmul.f32 v4, v1  }
0x1e0: {  	[tilespmem:s21+$0xFFFFFFA0] =	vst v2;
	v2 =	vld [tilespmem:s21+$0x40]  }
0x1e1: {  	[tilespmem:s21+$0x30] =	vst v1;
	v3 =	vmul.f32 v3, v8;
	v8 =	vld [tilespmem:s22+$0xFFFFFF80]  }
0x1e2: {  	s10 =	simm.s32 $0x380;
	v10 =	vld [tilespmem:s19+$0x40]  }
0x1e3: {  	v17 =	vld [tilespmem:s10+$0xFFFFFF80]  }
0x1e4: {  	v4 =	vld [tilespmem:s19+$0xFFFFFFB0]  }
0x1e5: {  	v18 =	vld [tilespmem:s22+$0x50]  }
0x1e6: {  	[tilespmem:s22+$0x0] =	vst v3;
	v3 =	vld [tilespmem:s22+$0x10];
	v8 =	vmul.f32 v11, v8  }
0x1e7: {  	v12 =	vld [tilespmem:s23+$0x10];
	v2 =	vmul.f32 v10, v2  }
0x1e8: {  	v10 =	vld [tilespmem:s21+$0x50];
	[tilespmem:s22+$0xFFFFFF80] =	vst v8  }
0x1e9: {  	[tilespmem:s21+$0x40] =	vst v2;
	v2 =	vmul.f32 v4, v6;
	v6 =	vld [tilespmem:s23+$0xFFFFFF90]  }
0x1ea: {  	v4 =	vld [tilespmem:s19+$0x50]  }
0x1eb: {  	v58 =	vld [tilespmem:s10+$0xFFFFFFA0]  }
0x1ec: {  	v5 =	vld [tilespmem:s21+$0xFFFFFFC0];
	v3 =	vmul.f32 v12, v3;
	[tilespmem:s21+$0xFFFFFFB0] =	vst v2  }
0x1ed: {  	v2 =	vld [tilespmem:s19+$0xFFFFFFC0]  }
0x1ee: {  	[tilespmem:s22+$0x10] =	vst v3;
	v3 =	vld [tilespmem:s22+$0x20]  }
0x1ef: {  	v6 =	vmul.f32 v6, v13;
	v4 =	vmul.f32 v4, v10;
	v10 =	vld [tilespmem:s23+$0x20]  }
0x1f0: {  	v19 =	vld [tilespmem:s22+$0x60]  }
0x1f1: {  	v16 =	vmul.f32 v16, v17;
	v11 =	vld [tilespmem:s22+$0xFFFFFFA0];
	[tilespmem:s22+$0xFFFFFF90] =	vst v6  }
0x1f2: {  	v2 =	vmul.f32 v2, v5;
	v5 =	vld [tilespmem:s23+$0xFFFFFFA0]  }
0x1f3: {  	v61 =	vld [tilespmem:s22+$0x70];
	[tilespmem:s10+$0xFFFFFF80] =	vst v16  }
0x1f4: {  	v16 =	vld [tilespmem:s18+$0xFFFFFF90];
	[tilespmem:s21+$0xFFFFFFC0] =	vst v2;
	v2 =	vmul.f32 v10, v3  }
0x1f5: {  	v1 =	vld [tilespmem:s21+$0xFFFFFFF0]  }
0x1f6: {  	v6 =	vld [tilespmem:s22+$0x30];
	[tilespmem:s22+$0x20] =	vst v2  }
0x1f7: {  	v5 =	vmul.f32 v5, v11;
	v11 =	vld [tilespmem:s23+$0x30]  }
0x1f8: {  	v3 =	vld [tilespmem:s19+$0xFFFFFFD0]  }
0x1f9: {  	v8 =	vld [tilespmem:s22+$0xFFFFFFB0]  }
0x1fa: {  	v12 =	vld [tilespmem:s21+$0x60];
	[tilespmem:s21+$0x50] =	vst v4  }
0x1fb: {  	v4 =	vld [tilespmem:s19+$0x60]  }
0x1fc: {  	[tilespmem:s22+$0xFFFFFFA0] =	vst v5;
	v5 =	vld [tilespmem:s10+$0x0];
	v6 =	vmul.f32 v11, v6  }
0x1fd: {  	v3 =	vmul.f32 v3, v7;
	v7 =	vld [tilespmem:s18+$0x0]  }
0x1fe: {  	v11 =	vld [tilespmem:s22+$0x40];
	[tilespmem:s22+$0x30] =	vst v6  }
0x1ff: {  	v6 =	vld [tilespmem:s23+$0x40]  }
0x200: {  	v13 =	vld [tilespmem:s22+$0xFFFFFFC0];
	v4 =	vmul.f32 v4, v12  }
0x201: {  	v10 =	vld [tilespmem:s21+$0x70]  }
0x202: {  	[tilespmem:s21+$0x60] =	vst v4;
	v4 =	vld [tilespmem:s23+$0xFFFFFFB0];
	v5 =	vmul.f32 v7, v5  }
0x203: {  	v7 =	vld [tilespmem:s10+$0xFFFFFF90]  }
0x204: {  	[tilespmem:s10+$0x0] =	vst v5;
	v5 =	vld [tilespmem:s10+$0x10];
	v6 =	vmul.f32 v6, v11  }
0x205: {  	v11 =	vld [tilespmem:s18+$0x10]  }
0x206: {  	v2 =	vld [tilespmem:s22+$0xFFFFFFE0];
	[tilespmem:s22+$0x40] =	vst v6  }
0x207: {  	v4 =	vmul.f32 v4, v8;
	v8 =	vld [tilespmem:s23+$0x50]  }
0x208: {  	v12 =	vld [tilespmem:s19+$0x70];
	[tilespmem:s21+$0xFFFFFFD0] =	vst v3  }
0x209: {  	v3 =	vld [tilespmem:s22+$0xFFFFFFF0];
	[tilespmem:s22+$0xFFFFFFB0] =	vst v4;
	v7 =	vmul.f32 v16, v7  }
0x20a: {  	v4 =	vmul.f32 v11, v5;
	v11 =	vld [tilespmem:s23+$0xFFFFFFC0]  }
0x20b: {  	v15 =	vld [tilespmem:s19+$0xFFFFFFE0];
	[tilespmem:s10+$0xFFFFFF90] =	vst v7  }
0x20c: {  	v7 =	vld [tilespmem:s10+$0xFFFFFFE0];
	[tilespmem:s10+$0x10] =	vst v4;
	v4 =	vmul.f32 v8, v18  }
0x20d: {  	v8 =	vld [tilespmem:s10+$0x20]  }
0x20e: {  	v59 =	vld [tilespmem:s18+$0x20];
	[tilespmem:s22+$0x50] =	vst v4  }
0x20f: {  	v11 =	vmul.f32 v11, v13;
	v13 =	vld [tilespmem:s23+$0x60]  }
0x210: {  	v6 =	vld [tilespmem:s10+$0xFFFFFFB0]  }
0x211: {  	v60 =	vld [tilespmem:s18+$0xFFFFFFA0];
	[tilespmem:s22+$0xFFFFFFC0] =	vst v11  }
0x212: {  	v11 =	vld [tilespmem:s23+$0xFFFFFFD0]  }
0x213: {  	v5 =	vld [tilespmem:s10+$0xFFFFFFC0];
	v8 =	vmul.f32 v59, v8  }
0x214: {  	v4 =	vld [tilespmem:s10+$0xFFFFFFD0];
	v13 =	vmul.f32 v13, v19  }
0x215: {  	[tilespmem:s10+$0x20] =	vst v8;
	v8 =	vmul.f32 v15, v9;
	v15 =	vld [tilespmem:s10+$0x30]  }
0x216: {  	v9 =	vmul.f32 v60, v58;
	v62 =	vld [tilespmem:s18+$0x30];
	[tilespmem:s22+$0x60] =	vst v13  }
0x217: {  	[tilespmem:s21+$0xFFFFFFE0] =	vst v8;
	v8 =	vmul.f32 v11, v14;
	v63 =	vld [tilespmem:s23+$0x70]  }
0x218: {  	[tilespmem:s10+$0xFFFFFFA0] =	vst v9;
	v9 =	vld [tilespmem:s19+$0xFFFFFFF0]  }
0x219: {  	v13 =	vld [tilespmem:s18+$0xFFFFFFB0];
	[tilespmem:s22+$0xFFFFFFD0] =	vst v8  }
0x21a: {  	v11 =	vmul.f32 v12, v10;
	v10 =	vld [tilespmem:s23+$0xFFFFFFE0]  }
0x21b: {  	v8 =	vld [tilespmem:s10+$0xFFFFFFF0];
	v14 =	vmul.f32 v62, v15  }
0x21c: {  	s20 =	simm.s32 $0x480;
	s8 =	simm.s32 $0x4;
	s19 =	simm.s32 $0x3380;
	[tilespmem:s21+$0x70] =	vst v11;
	v11 =	vld [tilespmem:s10+$0x40];
	v12 =	vmul.f32 v63, v61  }
.LBB2_12:
0x21d: {  	v15 =	vld [tilespmem:s20+$0x0];
	[tilespmem:s10+$0x30] =	vst v14;
	s18 =	sadd.s32 $0x100, s18;
	v9 =	vmul.f32 v9, v1;
	v1 =	vmov v3  }
0x21e: {  	v14 =	vld [tilespmem:s18+$0x0];
	v13 =	vmul.f32 v13, v6;
	[tilespmem:s22+$0x70] =	vst v12  }
0x21f: {  	s8 =	sadd.s32 $0x2, s8;
	v6 =	vld [tilespmem:s19+$0x40];
	v10 =	vmul.f32 v10, v2;
	[tilespmem:s21+$0xFFFFFFF0] =	vst v9;
	v2 =	vmov v7;
	s21 =	smov.u32 s22;
	s22 =	smov.u32 s10  }
0x220: {  	p1 =	slt.u32 s8, $0x6;
	s10 =	smov.u32 s20;
	v7 =	vld [tilespmem:s18+$0xFFFFFF80];
	[tilespmem:s22+$0xFFFFFFB0] =	vst v13;
	v3 =	vmov v8  }
0x221: {  	v8 =	vld [tilespmem:s20+$0xFFFFFF80];
	[tilespmem:s21+$0xFFFFFFE0] =	vst v10  }
0x222: {  	v9 =	vld [tilespmem:s20+$0xFFFFFF90]  }
0x223: {  	v10 =	vld [tilespmem:s20+$0xFFFFFFA0];
	v12 =	vmul.f32 v14, v15  }
0x224: {  	v6 =	vmul.f32 v6, v11;
	v11 =	vld [tilespmem:s22+$0x50]  }
0x225: {  	[tilespmem:s20+$0x0] =	vst v12;
	v12 =	vld [tilespmem:s20+$0x10]  }
0x226: {  	v7 =	vmul.f32 v7, v8;
	v8 =	vld [tilespmem:s18+$0x10];
	[tilespmem:s22+$0x40] =	vst v6  }
0x227: {  	v13 =	vld [tilespmem:s19+$0x50]  }
0x228: {  	[tilespmem:s20+$0xFFFFFF80] =	vst v7;
	v6 =	vld [tilespmem:s20+$0xFFFFFFB0]  }
0x229: {  	v7 =	vld [tilespmem:s18+$0xFFFFFF90]  }
0x22a: {  	v14 =	vld [tilespmem:s19+$0xFFFFFFC0]  }
0x22b: {  	v15 =	vld [tilespmem:s20+$0xFFFFFFC0];
	v8 =	vmul.f32 v8, v12  }
0x22c: {  	v11 =	vmul.f32 v13, v11;
	v12 =	vld [tilespmem:s22+$0x60]  }
0x22d: {  	[tilespmem:s20+$0x10] =	vst v8;
	v8 =	vld [tilespmem:s20+$0x20]  }
0x22e: {  	v7 =	vmul.f32 v7, v9;
	v9 =	vld [tilespmem:s18+$0x20];
	[tilespmem:s22+$0x50] =	vst v11  }
0x22f: {  	v11 =	vmul.f32 v14, v5;
	v13 =	vld [tilespmem:s19+$0x60]  }
0x230: {  	[tilespmem:s20+$0xFFFFFF90] =	vst v7;
	v14 =	vld [tilespmem:s20+$0xFFFFFFD0];
	v5 =	vmov v15  }
0x231: {  	v15 =	vld [tilespmem:s18+$0xFFFFFFA0];
	[tilespmem:s22+$0xFFFFFFC0] =	vst v11  }
0x232: {  	v11 =	vld [tilespmem:s19+$0xFFFFFFD0]  }
0x233: {  	v7 =	vld [tilespmem:s20+$0xFFFFFFE0];
	v8 =	vmul.f32 v9, v8  }
0x234: {  	v9 =	vmul.f32 v13, v12;
	v12 =	vld [tilespmem:s22+$0x70]  }
0x235: {  	[tilespmem:s20+$0x20] =	vst v8;
	v16 =	vld [tilespmem:s20+$0x30]  }
0x236: {  	v8 =	vmul.f32 v15, v10;
	v15 =	vld [tilespmem:s18+$0x30];
	[tilespmem:s22+$0x60] =	vst v9  }
0x237: {  	v10 =	vmul.f32 v11, v4;
	v17 =	vld [tilespmem:s19+$0x70];
	v4 =	vmov v14  }
.Ltmp5:
0x238: {  	[tilespmem:s20+$0xFFFFFFA0] =	vst v8;
	v9 =	vld [tilespmem:s23+$0xFFFFFFF0];
	s23 =	smov.u32 s19;
	s19 =	smov.u32 s18;
	(pc) =	sbr.rel @p1 .LBB2_12-.Ltmp5, $4  }
0x239: {  	v13 =	vld [tilespmem:s18+$0xFFFFFFB0];
	[tilespmem:s22+$0xFFFFFFD0] =	vst v10  }
0x23a: {  	v10 =	vld [tilespmem:s23+$0xFFFFFFE0]  }
0x23b: {  	v8 =	vld [tilespmem:s20+$0xFFFFFFF0];
	v14 =	vmul.f32 v15, v16  }
0x23c: {  	s20 =	sadd.s32 $0x100, s20;
	v11 =	vld [tilespmem:s10+$0x40];
	v12 =	vmul.f32 v17, v12  }
0x23d: {  	_ = 	snop  }
0x23e: {  	[tilespmem:s10+$0x30] =	vst v14;
	v6 =	vmul.f32 v13, v6  }
0x23f: {  	v57 =	vld [tilespmem:s19+$0x40]  }
0x240: {  	[tilespmem:s10+$0xFFFFFFB0] =	vst v6  }
0x241: {  	v6 =	vld [tilespmem:s19+$0xFFFFFFC0];
	_ =	sdelay $0x2  }
0x242: {  	v11 =	vmul.f32 v57, v11;
	_ =	sdelay $0x1  }
0x243: {  	v58 =	vld [tilespmem:s10+$0x50];
	[tilespmem:s10+$0x40] =	vst v11;
	v5 =	vmul.f32 v6, v5  }
0x244: {  	v59 =	vld [tilespmem:s19+$0x50]  }
0x245: {  	[tilespmem:s10+$0xFFFFFFC0] =	vst v5  }
0x246: {  	v5 =	vld [tilespmem:s19+$0xFFFFFFD0];
	_ =	sdelay $0x2  }
0x247: {  	v6 =	vmul.f32 v59, v58;
	_ =	sdelay $0x1  }
0x248: {  	v60 =	vld [tilespmem:s10+$0x60];
	[tilespmem:s10+$0x50] =	vst v6;
	v4 =	vmul.f32 v5, v4  }
0x249: {  	v61 =	vld [tilespmem:s19+$0x60]  }
0x24a: {  	[tilespmem:s10+$0xFFFFFFD0] =	vst v4  }
0x24b: {  	v4 =	vld [tilespmem:s19+$0xFFFFFFE0];
	_ =	sdelay $0x2  }
0x24c: {  	v5 =	vmul.f32 v61, v60  }
0x24d: {  	v2 =	vmul.f32 v10, v2  }
0x24e: {  	v62 =	vld [tilespmem:s10+$0x70];
	[tilespmem:s10+$0x60] =	vst v5;
	v4 =	vmul.f32 v4, v7  }
0x24f: {  	[tilespmem:s22+$0xFFFFFFE0] =	vst v2;
	v2 =	vld [tilespmem:s19+$0x70]  }
0x250: {  	v63 =	vld [tilespmem:s23+$0xFFFFFFF0];
	[tilespmem:s10+$0xFFFFFFE0] =	vst v4  }
0x251: {  	v4 =	vld [tilespmem:s19+$0xFFFFFFF0];
	_ =	sdelay $0x1  }
0x252: {  	v1 =	vmul.f32 v9, v1  }
0x253: {  	[tilespmem:s22+$0x70] =	vst v12;
	v2 =	vmul.f32 v2, v62  }
0x254: {  	[tilespmem:s21+$0xFFFFFFF0] =	vst v1;
	v1 =	vmul.f32 v63, v3  }
0x255: {  	[tilespmem:s10+$0x70] =	vst v2;
	v2 =	vmul.f32 v4, v8  }
0x256: {  	[tilespmem:s22+$0xFFFFFFF0] =	vst v1  }
0x257: {  	s8 =	simm.s32 $0x8;
	[tilespmem:s10+$0xFFFFFFF0] =	vst v2  }
0x258: {  	[spmem:s3] =	stream.indirect.scatter.add.f32 [tilespmem:s29], [sflag:$0x7], $0x80, s25, s8, $0xb8;
	[tilespmem:$0x1FB80] =	vst v63  }
0x259: {  	_ =	swait.ge [sflag:s30], $0x400  }
0x25a: {  	[sflag:s30] =	ssyncset.done $0x0  }
0x25b: {  	[sflag:s30] =	ssyncadd.s32 $0xFFFFFC00  }
0x25c: {  	s8 =	stileid.u32;
	[bflag:$0x0] =	sbarrier.arrive $0xFFFF  }
0x25d: {  	s8 =	sshll.u32 @!p0 s8, $0x6;
	s10 =	rddreg [dreg:$0x4]  }
0x25e: {  	s8 =	sor.u32 @!p0 $0x1C07, s8;
	s18 =	rddreg [dreg:$0x13];
	s10 =	sshrl.u32 @!p0 s10, $0x3  }
0x25f: {  	[hbm:s18], [sflag:s8] =	dma.local @!p0 [spmem:s10], $0x3E80  }
0x260: {  	s8 =	simm.s32 @!p0 $0x7  }
0x261: {  	_ =	swait.ge @!p0 [sflag:s8], $0x3E80  }
0x262: {  	s23 =	rddreg [dreg:$0x17]  }
0x263: {  	s25 =	rddreg [dreg:$0x14];
	s18 =	sadd.s32 $0x1, s23  }
0x264: {  	p1 =	sne.s32 s18, s25  }
.Ltmp6:
0x265: {  	_ = 	snop;
	(pc) =	sbr.rel @p1 .LBB2_1-.Ltmp6, $3  }
0x266: {  	_ =	sdelay $0x1  }
0x267: {  	[sflag:s8] =	ssyncset.done @!p0 $0x0  }
0x268: {  	[sflag:s8] =	ssyncadd.s32 @!p0 $0xFFFFC180  }
0x269: {  	_ =	sfence.sel $0x180000  }
0x26a: {  	[bflag:$0x0] =	sbarrier.arrive $0xFFFF  }
0x26b: {  	_ =	strace $0x90000047  }
0x26c: {  	s0 =	stileid.u32;
	[bflag:$0x2] =	sbarrier.arrive $0xFFFF  }
0x26d: {  	p0 =	sne.s32 s0, $0x0;
	s0 =	rddreg [dreg:$0x3]  }
0x26e: {  	s0 =	sadd.s32 @!p0 $0x100000, s0  }
0x26f: {  	[sflag:s0] =	ssyncadd.tile.s32 @!p0 $0x1;
	_ =	shalt  }
.Lfunc_end2:
_tile_overlayer_lowered:
.L_overlay_start_2:
0x270: {  	(tag) =	ssettag $0x2  }
0x271: {  	s0 =	rddreg [dreg:$0x0];
	s2 =	stileid.u32  }
0x272: {  	s1 =	rddreg [dreg:$0x1];
	p0 =	sne.s32 s2, $0x0  }
0x273: {  	s3 =	rddreg [dreg:$0x2];
	[bflag:$0x3] =	sbarrier.arrive $0xFFFF;
	s2 =	simm.s32 @!p0 $0x1C07  }
0x274: {  	[timem:s3], [sflag:s2] =	dma.local @!p0 [hbm:s0], s1  }
0x275: {  	s0 =	simm.s32 @!p0 $0x7  }
0x276: {  	_ =	swait.ge @!p0 [sflag:s0], s1  }
0x277: {  	s1 =	ssub.s32 @!p0 $0x0, s1;
	[sflag:s0] =	ssyncset.done @!p0 $0x0  }
0x278: {  	[sflag:s0] =	ssyncadd.s32 @!p0 s1  }
0x279: {  	[bflag:$0x3] =	sbarrier.arrive $0xFFFF  }
0x27a: {  	_ =	shalt  }

// kernel: kernel.8.cloned.1.call-start
scs
__scs_entry_jumppad:
0x0: {  	(pc) =	sbr.rel $0x88, $3  }
0x1: {  	(tag) =	ssettag $0x0;
	lr =	simm.s32 $0x1  }
0x2: {  	[smem:$0x3F94] =	sst lr;
	_ =	strace $0xD0000000  }
0x3: {  	_ = 	snop  }
0x4: {  	_ = 	snop  }
0x5: {  	_ = 	snop  }
0x6: {  	_ = 	snop  }
0x7: {  	_ = 	snop  }
__scs_overlays_trampoline_lowered:
0x8: {  	[smem:$0x3FA3] =	sst s0  }
0x9: {  	[smem:$0x3FA4] =	sst s1  }
0xa: {  	[smem:$0x3FA5] =	sst s2  }
0xb: {  	[smem:$0x3FA6] =	sst s3  }
0xc: {  	[smem:$0x3FA7] =	sst s4  }
0xd: {  	[smem:$0x3FA8] =	sst s5  }
0xe: {  	[smem:$0x3FA9] =	sst s6  }
0xf: {  	[smem:$0x3FAA] =	sst s7  }
0x10: {  	[smem:$0x3FAB] =	sst s8  }
0x11: {  	[smem:$0x3FAC] =	sst s9;
	s0 =	simm.s32 @!p0 $0x0  }
0x12: {  	s1 =	sld [smem:$0x3F92];
	s0 =	simm.s32 @p0 $0x1  }
0x13: {  	[smem:$0x3FAD] =	sst s0;
	s0 =	simm.s32 @!p1 $0x0  }
0x14: {  	s2 =	sld [smem:$0x3F91];
	s0 =	simm.s32 @p1 $0x1  }
0x15: {  	[smem:$0x3FAE] =	sst s0;
	s0 =	simm.s32 @!p2 $0x0  }
0x16: {  	s3 =	sld [smem:$0x3FDB];
	s0 =	simm.s32 @p2 $0x1  }
0x17: {  	s4 =	simm.s32 $0x1BF5;
	[smem:$0x3FB0] =	sst s0  }
0x18: {  	s0 =	sld [smem:$0x3F93];
	_ =	swait.ge [sflag:s4], $0x0  }
0x19: {  	s7 =	sld [smem:$0x3F94]  }
0x1a: {  	s8 =	sadd.s32 $0xFFFFE003, lr  }
0x1b: {  	s9 =	sadd.s32 $0xFFFFFEF7, lr;
	s5 =	simm.s32 $0xFFFFFFFF;
	p2 =	slt.u32 s8, $0xFFFFF086  }
0x1c: {  	p1 =	slt.u32 s9, $0xF7A;
	s5 =	simm.s32 @!p2 $0x0  }
0x1d: {  	s5 =	simm.s32 @p1 $0x1;
	p0 =	seq.s32 s7, s2  }
0x1e: {  	s7 =	smul.u32 @!p0 $0xF7A, s2;
	p2 =	seq.s32 @!p0 s5, $0x0  }
0x1f: {  	s9 =	smul.u32 $0xF7A, s1;
	s8 =	simm.s32 @!p0 $0x1BF5;
	p2 =	por !p2, p0  }
0x20: {  	[sflag:s8] =	ssyncset.s32 @!p0 $0xFFFFF086;
	s6 =	sadd.s32 @!p0 s3, s7;
	s7 =	simm.s32 @!p0 $0x108  }
0x21: {  	s3 =	sadd.s32 s3, s9;
	s6 =	sadd.s32 @!p0 $0x88, s6;
	s7 =	simm.s32 @p2 $0x1082  }
0x22: {  	[simem:s7], [sflag:s8] =	dma.local @!p0 [hbm:s6], $0xF7A  }
0x23: {  	s9 =	sor.u32 $0xD0000000, s2;
	s6 =	simm.s32 $0x108;
	_ =	swait.ge @!p0 [sflag:s8], $0x0  }
0x24: {  	s3 =	sadd.s32 $0x88, s3;
	s6 =	simm.s32 @!p1 $0x1082;
	[sflag:s4] =	ssyncset.s32 $0xFFFFF086  }
0x25: {  	[simem:s6], [sflag:s4] =	dma.local [hbm:s3], $0xF7A  }
0x26: {  	[smem:$0x3F94] =	sst s1;
	(tag) =	ssettag s2;
	_ =	strace s9  }
0x27: {  	s1 =	sld [smem:$0x3FA4]  }
0x28: {  	s2 =	sld [smem:$0x3FA5]  }
0x29: {  	s4 =	sld [smem:$0x3FA7]  }
0x2a: {  	p0 =	seq.s32 s5, $0x0;
	s5 =	sld [smem:$0x3FA8]  }
0x2b: {  	s6 =	sld [smem:$0x3FA9]  }
0x2c: {  	s7 =	sld [smem:$0x3FAA]  }
0x2d: {  	s3 =	simm.s32 $0x108;
	s8 =	sld [smem:$0x3FAB]  }
0x2e: {  	s3 =	simm.s32 @!p0 $0x1082;
	s9 =	sld [smem:$0x3FAC]  }
0x2f: {  	lr =	sadd.s32 s0, s3;
	s0 =	sld [smem:$0x3FA3]  }
0x30: {  	s3 =	sld [smem:$0x3FA6]  }
0x31: {  	[smem:$0x3FAF] =	sst s10  }
0x32: {  	s10 =	sld [smem:$0x3FAD];
	_ =	sdelay $0x3  }
0x33: {  	p0 =	seq.s32 s10, $0x1;
	s10 =	sld [smem:$0x3FAF];
	_ =	sdelay $0x3  }
0x34: {  	[smem:$0x3FAF] =	sst s10  }
0x35: {  	s10 =	sld [smem:$0x3FAE];
	_ =	sdelay $0x3  }
0x36: {  	p1 =	seq.s32 s10, $0x1;
	s10 =	sld [smem:$0x3FAF];
	_ =	sdelay $0x3  }
0x37: {  	[smem:$0x3FAF] =	sst s10  }
0x38: {  	s10 =	sld [smem:$0x3FB0]  }
0x39: {  	_ = 	snop;
	(pc) =	sbr.ind lr, $3  }
0x3a: {  	_ = 	snop  }
0x3b: {  	_ = 	snop  }
0x3c: {  	p2 =	seq.s32 s10, $0x1;
	s10 =	sld [smem:$0x3FAF]  }
0x3d: {  	_ =	shalt  }
0x3e: {  	_ =	shalt  }
0x3f: {  	_ =	shalt  }
0x40: {  	_ =	shalt  }
0x41: {  	_ =	shalt  }
0x42: {  	_ =	shalt  }
0x43: {  	_ =	shalt  }
0x44: {  	_ =	shalt  }
0x45: {  	_ =	shalt  }
0x46: {  	_ =	shalt  }
0x47: {  	_ =	shalt  }
0x48: {  	_ =	shalt  }
0x49: {  	_ =	shalt  }
0x4a: {  	_ =	shalt  }
0x4b: {  	_ =	shalt  }
0x4c: {  	_ =	shalt  }
0x4d: {  	_ =	shalt  }
0x4e: {  	_ =	shalt  }
0x4f: {  	_ =	shalt  }
0x50: {  	_ =	shalt  }
0x51: {  	_ =	shalt  }
0x52: {  	_ =	shalt  }
0x53: {  	_ =	shalt  }
0x54: {  	_ =	shalt  }
0x55: {  	_ =	shalt  }
0x56: {  	_ =	shalt  }
0x57: {  	_ =	shalt  }
0x58: {  	_ =	shalt  }
0x59: {  	_ =	shalt  }
0x5a: {  	_ =	shalt  }
0x5b: {  	_ =	shalt  }
0x5c: {  	_ =	shalt  }
0x5d: {  	_ =	shalt  }
0x5e: {  	_ =	shalt  }
0x5f: {  	_ =	shalt  }
0x60: {  	_ =	shalt  }
0x61: {  	_ =	shalt  }
0x62: {  	_ =	shalt  }
0x63: {  	_ =	shalt  }
0x64: {  	_ =	shalt  }
0x65: {  	_ =	shalt  }
0x66: {  	_ =	shalt  }
0x67: {  	_ =	shalt  }
0x68: {  	_ =	shalt  }
0x69: {  	_ =	shalt  }
0x6a: {  	_ =	shalt  }
0x6b: {  	_ =	shalt  }
0x6c: {  	_ =	shalt  }
0x6d: {  	_ =	shalt  }
0x6e: {  	_ =	shalt  }
0x6f: {  	_ =	shalt  }
0x70: {  	_ =	shalt  }
0x71: {  	_ =	shalt  }
0x72: {  	_ =	shalt  }
0x73: {  	_ =	shalt  }
0x74: {  	_ =	shalt  }
0x75: {  	_ =	shalt  }
0x76: {  	_ =	shalt  }
0x77: {  	_ =	shalt  }
0x78: {  	_ =	shalt  }
0x79: {  	_ =	shalt  }
0x7a: {  	_ =	shalt  }
0x7b: {  	_ =	shalt  }
0x7c: {  	_ =	shalt  }
0x7d: {  	_ =	shalt  }
0x7e: {  	_ =	shalt  }
0x7f: {  	_ =	shalt  }
0x80: {  	_ =	shalt  }
0x81: {  	_ =	shalt  }
0x82: {  	_ =	shalt  }
0x83: {  	_ =	shalt  }
0x84: {  	_ =	shalt  }
0x85: {  	_ =	shalt  }
0x86: {  	_ =	shalt  }
0x87: {  	_ =	shalt  }
.Lfunc_end0:
.L_simem_size_0:
called_computation_lowered:
.L_overlay_start_0:
0x88: {  	s2 =	sld [smem:$0x3FD9]  }
0x89: {  	s3 =	sld [smem:$0x3FFE];
	_ =	sdelay $0x1  }
0x8a: {  	s1 =	srdreg.scid  }
0x8b: {  	s0 =	sand.u32 $0x1, s1  }
0x8c: {  	s17 =	sshll.u32 s0, $0xA;
	s2 =	sadd.s32 s3, s2  }
0x8d: {  	s2 =	sadd.s32 s2, s17  }
0x8e: {  	[smem:$0x3FBB] =	sst s2  }
0x8f: {  	_ = 	snop  }
0x90: {  	s18 =	sld [smem:$0x3FD0];
	(tm) =	ssettm $0x1  }
0x91: {  	s19 =	sld [smem:$0x3FFB];
	_ =	sdelay $0x3  }
0x92: {  	_ =	strace s19  }
0x93: {  	s2 =	sld [smem:$0x3FFC];
	_ =	sdelay $0x3  }
0x94: {  	_ =	strace s2  }
0x95: {  	s2 =	sld [smem:$0x3FFD];
	_ =	sdelay $0x3  }
0x96: {  	_ =	strace s2  }
0x97: {  	_ =	strace $0x8FFFFFFF  }
0x98: {  	s20 =	sld [smem:$0x3FDB];
	_ =	sdelay $0x1  }
0x99: {  	s4 =	simm.s32 $_scs_section_size  }
0x9a: {  	s5 =	simm.s32 $_size__tile_overlayer_lowered;
	s6 =	simm.s32 $_tile_overlayer_lowered  }
0x9b: {  	s7 =	simm.s32 $0x1BFF;
	s21 =	sshll.u32 s6, $0x1;
	s4 =	sadd.s32 s4, s20  }
0x9c: {  	s22 =	simm.s32 $0x0;
	s5 =	sshll.u32 s5, $0x1;
	s6 =	sadd.s32 s21, s4  }
0x9d: {  	[timem:s22], [sflag:s7] =	dma.local [hbm:s6], s5  }
0x9e: {  	_ =	swait.ge [sflag:s7], s5  }
0x9f: {  	s5 =	ssub.s32 $0x0, s5;
	[sflag:s7] =	ssyncset.done $0x0  }
0xa0: {  	[sflag:s7] =	ssyncadd.s32 s5;
	_ =	sdelay $0x1  }
0xa1: {  	s23 =	simm.s32 $0x1B8B  }
0xa2: {  	_ =	swait.ge [sflag:s23], $0x1  }
0xa3: {  	[sflag:s23] =	ssyncset.done $0x0  }
0xa4: {  	[sflag:s23] =	ssyncadd.s32 $0xFFFFFFFF  }
0xa5: {  	s5 =	sld [smem:$0x0]  }
0xa6: {  	s6 =	sand.u32 $0xFFFFFFFE, s1  }
0xa7: {  	p0 =	sne.s32 s1, s6  }
0xa8: {  	s6 =	sshll.u32 @p0 s6, $0xE  }
0xa9: {  	s6 =	sadd.s32 @p0 $0x11B8D, s6;
	s7 =	sshll.u32 @p0 s5, $0x11  }
0xaa: {  	s6 =	sor.u32 @p0 s7, s6  }
0xab: {  	[sflag:s6] =	ssyncadd.remote.s32 @p0 $0x1;
	_ =	sdelay $0x1  }
0xac: {  	s6 =	simm.s32 @p0 $0x1B8D  }
0xad: {  	_ =	swait.eq @p0 [sflag:s6], $0x1  }
0xae: {  	[sflag:s6] =	ssyncadd.s32 @p0 $0xFFFFFFFF  }
0xaf: {  	s7 =	sshll.u32 @!p0 s1, $0xE  }
0xb0: {  	s7 =	sor.u32 @!p0 $0x4000, s7;
	s6 =	simm.s32 @!p0 $0x1B8D  }
0xb1: {  	s5 =	sshll.u32 @!p0 s5, $0x11;
	s7 =	sadd.s32 @!p0 $0x11B8D, s7;
	_ =	swait.eq @!p0 [sflag:s6], $0x1  }
0xb2: {  	s5 =	sor.u32 @!p0 s5, s7;
	[sflag:s6] =	ssyncadd.s32 @!p0 $0xFFFFFFFF  }
0xb3: {  	s25 =	simm.s32 $0x1B8E;
	s24 =	sld [smem:$0x3FFE];
	[sflag:s5] =	ssyncadd.remote.s32 @!p0 $0x1  }
0xb4: {  	s26 =	simm.s32 $execute0_lowered;
	[smem:$0x3FD2] =	sst s25  }
0xb5: {  	s6 =	sshll.u32 s26, $0x1;
	_ =	strace $0x80000049;
	[dreg:$0x1] =	wrdreg $0xFFFFFFFF  }
0xb6: {  	s28 =	simm.s32 $_size_execute0_lowered;
	s4 =	sadd.s32 s4, s6;
	[dreg:$0x0] =	wrdreg $0x0  }
0xb7: {  	s6 =	sshll.u32 s28, $0x1;
	[dreg:$0x2] =	wrdreg s4  }
0xb8: {  	[dreg:$0x3] =	wrdreg s6  }
0xb9: {  	[dreg:$0x4] =	wrdreg $0xC0  }
0xba: {  	_ =	task [dreg:s22], $0x5FFFF  }
0xbb: {  	[dreg:$0x1] =	wrdreg $0xFFFFFFFF  }
0xbc: {  	[dreg:$0x0] =	wrdreg $0x60  }
0xbd: {  	[dreg:$0x2] =	wrdreg s18  }
0xbe: {  	[dreg:$0x3] =	wrdreg s24  }
0xbf: {  	[dreg:$0x4] =	wrdreg $0xC3000  }
0xc0: {  	[dreg:$0x5] =	wrdreg $0x9  }
0xc1: {  	_ =	task.clear_ibuf [dreg:s22], $0x6FFFF;
	_ =	strace $0x90000049  }
0xc2: {  	s29 =	simm.s32 $0x9;
	_ =	strace $0x8000004B  }
0xc3: {  	_ =	swait.ge [sflag:s29], $0x1  }
0xc4: {  	[sflag:s29] =	ssyncadd.s32 $0xFFFFFFFF  }
0xc5: {  	_ =	strace $0x9000004B  }
0xc6: {  	_ =	sfence  }
0xc7: {  	s30 =	sld [smem:$0x0];
	_ =	sdelay $0x2  }
0xc8: {  	s31 =	sshll.u32 s1, $0xD;
	s1 =	sshrl.u32 s1, $0x2  }
0xc9: {  	s4 =	sand.u32 $0x4000, s31;
	s1 =	sadd.s32 s1, s30  }
0xca: {  	s0 =	sor.u32 s4, s0;
	s1 =	sshll.u32 s1, $0x11  }
0xcb: {  	s0 =	sor.u32 s1, s0  }
0xcc: {  	s0 =	sadd.s32 $0x8F2B, s0  }
0xcd: {  	[sflag:s0] =	ssyncadd.remote.s32 $0x1  }
0xce: {  	_ =	sfence.sel $0xFFFF  }
0xcf: {  	[dreg:$0x0] =	wrdreg $0xFFFFFFFF;
	(pc) =	sbr.abs _section_cstart, $3  }
0xd0: {  	[dreg:$0x1] =	wrdreg $0xFFFFFFFF  }
0xd1: {  	_ =	task.clear_ibuf [dreg:s22], $0x2FFFF;
	_ =	strace $0x9FFFFFFF  }
0xd2: {  	(tm) =	ssettm $0x7FFFFFFF  }
0xd3: {  	_ =	shalt  }
tec
execute0_lowered:
.L_overlay_start_1:
0x0: {  	(tag) =	ssettag $0x1  }
0x1: {  	s0 =	rddreg [dreg:$0x0]  }
0x2: {  	s1 =	rddreg [dreg:$0x1]  }
0x3: {  	s2 =	srdreg.scid;
	s3 =	rddreg [dreg:$0x2]  }
0x4: {  	s11 =	stileid.u32;
	s4 =	simm.s32 $0x0;
	s29 =	simm.s32 $0x100  }
0x5: {  	s30 =	simm.s32 $0x7;
	s31 =	simm.s32 $0x80;
	s28 =	simm.s32 $0x3  }
0x6: {  	s2 =	sand.u32 $0x1, s2;
	s6 =	smul.u32 $0x1F400, s11;
	[smem:$0x7FF] =	sst s4  }
0x7: {  	s9 =	smul.u32 $0x7D000, s11;
	s7 =	sadd.s32 $0x2A00, s1;
	p0 =	sgt.u32 s11, $0x9  }
0x8: {  	s5 =	smul.u32 $0x138800, s2;
	_ =	strace $0x8000004A;
	s24 =	ssub.s32 $0x2, s2  }
0x9: {  	s2 =	sshll.u32 s2, $0x4;
	s9 =	sshrl.u32 s9, $0x2;
	s10 =	sshrl.u32 s24, $0x1  }
0xa: {  	s2 =	sor.u32 s11, s2;
	s11 =	simm.s32 $0x1;
	s12 =	sadd.s32 s9, s3  }
0xb: {  	s6 =	sadd.s32 s6, s5;
	s25 =	sadd.s32 $0x3000, s12;
	[dreg:$0x4] =	wrdreg s12  }
0xc: {  	s5 =	sadd.s32 $0x7ADC00, s1;
	s26 =	sadd.s32 $0x6000, s12;
	[dreg:$0x5] =	wrdreg s25  }
0xd: {  	s9 =	smul.u32 $0x1388, s2;
	s13 =	sadd.s32 $0x9000, s12;
	[dreg:$0x6] =	wrdreg s26  }
0xe: {  	s2 =	smul.u32 $0x13880, s2;
	s14 =	sadd.s32 $0xC000, s12;
	[dreg:$0x7] =	wrdreg s13  }
0xf: {  	s8 =	sshrl.u32 s6, $0x3;
	s15 =	sadd.s32 $0xF000, s12;
	[dreg:$0x8] =	wrdreg s14  }
0x10: {  	s6 =	sadd.s32 $0x7A00, s1;
	s16 =	sadd.s32 $0x12000, s12;
	[dreg:$0x9] =	wrdreg s15  }
0x11: {  	s17 =	sadd.s32 $0x15000, s12;
	s18 =	sadd.s32 $0x18000, s12;
	[dreg:$0xa] =	wrdreg s16  }
0x12: {  	s1 =	sadd.s32 s8, s1;
	s8 =	ssub.s32 s24, s10;
	[dreg:$0xb] =	wrdreg s17  }
0x13: {  	[dreg:$0xc] =	wrdreg s18;
	s19 =	sshrl.u32 s9, $0x3;
	s20 =	sadd.s32 $0x1380, s9  }
0x14: {  	s2 =	sadd.s32 s5, s2;
	s25 =	sadd.s32 $0x1B000, s12;
	s26 =	sadd.s32 $0x1E000, s12  }
0x15: {  	s12 =	simm.s32 $0x2;
	s14 =	simm.s32 $0x6180;
	[dreg:$0xf] =	wrdreg s2  }
0x16: {  	s15 =	simm.s32 $0x6200;
	s16 =	simm.s32 $0x9200;
	[dreg:$0x15] =	wrdreg s25  }
0x17: {  	s17 =	simm.s32 $0x4;
	s13 =	sadd.s32 s6, s19;
	[dreg:$0x16] =	wrdreg s26  }
0x18: {  	s18 =	simm.s32 $0x0;
	s10 =	sadd.s32 s7, s19;
	[dreg:$0xd] =	wrdreg s13  }
0x19: {  	s21 =	sshrl.u32 s20, $0x3;
	s1 =	sadd.s32 $0x9EE00, s1;
	[dreg:$0xe] =	wrdreg s10  }
0x1a: {  	s24 =	smax.u32 s8, $0x1;
	s26 =	simm.s32 $0x5;
	[dreg:$0x13] =	wrdreg s1  }
0x1b: {  	s10 =	sshll.u32 s20, $0x4;
	s22 =	sadd.s32 s6, s21;
	[dreg:$0x14] =	wrdreg s24  }
0x1c: {  	s2 =	sadd.s32 s7, s21;
	s1 =	simm.s32 $0x60;
	[dreg:$0x10] =	wrdreg s22  }
0x1d: {  	s24 =	simm.s32 $0x3100;
	[dreg:$0x11] =	wrdreg s2;
	s23 =	sadd.s32 s5, s10  }
0x1e: {  	v0 =	vimm.f32 $0.0e+00;
	s13 =	simm.s32 $0x6100;
	s2 =	simm.s32 $0x6;
	[dreg:$0x12] =	wrdreg s23  }
.LBB2_1:
.Ltmp0:
0x1f: {  	(pc) =	sbr.rel @p0 .LBB2_5-.Ltmp0, $1  }
0x20: {  	_ =	sdelay $0x3  }
0x21: {  	s8 =	sshra.s32 s4, $0x2;
	s10 =	sadd.s32 $0x200, s4  }
.LBB2_3:
0x22: {  	p1 =	sne.s32 s10, $0xBE00;
	[tilespmem:s8+$0x170] =	vst v0  }
0x23: {  	[tilespmem:s8+$0x100] =	vst v0  }
0x24: {  	[tilespmem:s8+$0x110] =	vst v0  }
.Ltmp1:
0x25: {  	[tilespmem:s8+$0x120] =	vst v0;
	(pc) =	sbr.rel @p1 .LBB2_3-.Ltmp1, $4  }
0x26: {  	[tilespmem:s8+$0x130] =	vst v0  }
0x27: {  	[tilespmem:s8+$0x140] =	vst v0  }
0x28: {  	[tilespmem:s8+$0x150] =	vst v0  }
0x29: {  	[tilespmem:s8+$0x160] =	vst v0;
	s8 =	sshra.s32 s10, $0x2;
	s10 =	sadd.s32 $0x200, s10  }
0x2a: {  	[tilespmem:s8+$0x170] =	vst v0  }
0x2b: {  	[tilespmem:s8+$0x100] =	vst v0  }
0x2c: {  	[tilespmem:s8+$0x110] =	vst v0  }
0x2d: {  	[tilespmem:s8+$0x120] =	vst v0  }
0x2e: {  	[tilespmem:s8+$0x130] =	vst v0  }
0x2f: {  	[tilespmem:s8+$0x140] =	vst v0  }
0x30: {  	[tilespmem:s8+$0x150] =	vst v0  }
0x31: {  	[tilespmem:s8+$0x160] =	vst v0;
	s21 =	rddreg [dreg:$0x4]  }
0x32: {  	[spmem:s21] =	stream.linear.scatter [tilespmem:s29], [sflag:$0x7], $0x3000, $0x38;
	[tilespmem:$0x1FB80] =	vst v63  }
0x33: {  	_ =	swait.ge [sflag:s30], $0x3000  }
0x34: {  	[sflag:s30] =	ssyncset.done $0x0  }
0x35: {  	s22 =	rddreg [dreg:$0x5];
	[sflag:s30] =	ssyncadd.s32 $0xFFFFD000  }
0x36: {  	[spmem:s22] =	stream.linear.scatter [tilespmem:s29], [sflag:$0x7], $0x3000, $0x38;
	[tilespmem:$0x1FB80] =	vst v63  }
0x37: {  	_ =	swait.ge [sflag:s30], $0x3000  }
0x38: {  	[sflag:s30] =	ssyncset.done $0x0  }
0x39: {  	s23 =	rddreg [dreg:$0x6];
	[sflag:s30] =	ssyncadd.s32 $0xFFFFD000  }
0x3a: {  	[spmem:s23] =	stream.linear.scatter [tilespmem:s29], [sflag:$0x7], $0x3000, $0x38;
	[tilespmem:$0x1FB80] =	vst v63  }
0x3b: {  	_ =	swait.ge [sflag:s30], $0x3000  }
0x3c: {  	[sflag:s30] =	ssyncset.done $0x0  }
0x3d: {  	s25 =	rddreg [dreg:$0x7];
	[sflag:s30] =	ssyncadd.s32 $0xFFFFD000  }
0x3e: {  	[spmem:s25] =	stream.linear.scatter [tilespmem:s29], [sflag:$0x7], $0x3000, $0x38;
	[tilespmem:$0x1FB80] =	vst v63  }
0x3f: {  	_ =	swait.ge [sflag:s30], $0x3000  }
0x40: {  	[sflag:s30] =	ssyncset.done $0x0  }
0x41: {  	s10 =	rddreg [dreg:$0x8];
	[sflag:s30] =	ssyncadd.s32 $0xFFFFD000  }
0x42: {  	[spmem:s10] =	stream.linear.scatter [tilespmem:s29], [sflag:$0x7], $0x3000, $0x38;
	[tilespmem:$0x1FB80] =	vst v63  }
0x43: {  	_ =	swait.ge [sflag:s30], $0x3000  }
0x44: {  	[sflag:s30] =	ssyncset.done $0x0  }
0x45: {  	s19 =	rddreg [dreg:$0x9];
	[sflag:s30] =	ssyncadd.s32 $0xFFFFD000  }
0x46: {  	[spmem:s19] =	stream.linear.scatter [tilespmem:s29], [sflag:$0x7], $0x3000, $0x38;
	[tilespmem:$0x1FB80] =	vst v63  }
0x47: {  	_ =	swait.ge [sflag:s30], $0x3000  }
0x48: {  	[sflag:s30] =	ssyncset.done $0x0  }
0x49: {  	s20 =	rddreg [dreg:$0xa];
	[sflag:s30] =	ssyncadd.s32 $0xFFFFD000  }
0x4a: {  	[spmem:s20] =	stream.linear.scatter [tilespmem:s29], [sflag:$0x7], $0x3000, $0x38;
	[tilespmem:$0x1FB80] =	vst v63  }
0x4b: {  	_ =	swait.ge [sflag:s30], $0x3000  }
0x4c: {  	[sflag:s30] =	ssyncset.done $0x0  }
0x4d: {  	s21 =	rddreg [dreg:$0xb];
	[sflag:s30] =	ssyncadd.s32 $0xFFFFD000  }
0x4e: {  	[spmem:s21] =	stream.linear.scatter [tilespmem:s29], [sflag:$0x7], $0x3000, $0x38;
	[tilespmem:$0x1FB80] =	vst v63  }
0x4f: {  	_ =	swait.ge [sflag:s30], $0x3000  }
0x50: {  	[sflag:s30] =	ssyncset.done $0x0  }
0x51: {  	s22 =	rddreg [dreg:$0xc];
	[sflag:s30] =	ssyncadd.s32 $0xFFFFD000  }
0x52: {  	[spmem:s22] =	stream.linear.scatter [tilespmem:s29], [sflag:$0x7], $0x3000, $0x38;
	[tilespmem:$0x1FB80] =	vst v63  }
0x53: {  	_ =	swait.ge [sflag:s30], $0x3000  }
0x54: {  	[sflag:s30] =	ssyncset.done $0x0  }
0x55: {  	s23 =	rddreg [dreg:$0x15];
	[sflag:s30] =	ssyncadd.s32 $0xFFFFD000  }
0x56: {  	[spmem:s23] =	stream.linear.scatter [tilespmem:s29], [sflag:$0x7], $0x3000, $0x38;
	[tilespmem:$0x1FB80] =	vst v63  }
0x57: {  	_ =	swait.ge [sflag:s30], $0x3000  }
0x58: {  	[sflag:s30] =	ssyncset.done $0x0  }
0x59: {  	s25 =	rddreg [dreg:$0x16];
	[sflag:s30] =	ssyncadd.s32 $0xFFFFD000  }
0x5a: {  	[spmem:s25] =	stream.linear.scatter [tilespmem:s29], [sflag:$0x7], $0x1400, $0x38;
	[tilespmem:$0x1FB80] =	vst v63  }
0x5b: {  	_ =	swait.ge [sflag:s30], $0x1400  }
0x5c: {  	[sflag:s30] =	ssyncset.done $0x0  }
0x5d: {  	[sflag:s30] =	ssyncadd.s32 $0xFFFFEC00  }
.LBB2_5:
0x5e: {  	[dreg:$0x17] =	wrdreg s18  }
0x5f: {  	[bflag:$0x0] =	sbarrier.arrive $0xFFFF  }
0x60: {  	s21 =	simm.s32 $0x0;
	s8 =	rddreg [dreg:$0xd]  }
0x61: {  	[tilespmem:s21], [sflag:$0x7] =	stream.linear.gather [hbm4b:s8+s21], $0x60, $0x38;
	[tilespmem:$0x1FB80] =	vst v63  }
0x62: {  	_ =	swait.ge [sflag:s30], $0x60  }
0x63: {  	[sflag:s30] =	ssyncset.done $0x0  }
0x64: {  	s23 =	rddreg [dreg:$0xe];
	[sflag:s30] =	ssyncadd.s32 $0xFFFFFFA0  }
0x65: {  	[tilespmem:s31], [sflag:$0x7] =	stream.linear.gather [hbm4b:s23+s21], $0x60, $0x38;
	[tilespmem:$0x1FB80] =	vst v63  }
0x66: {  	_ =	swait.ge [sflag:s30], $0x60  }
0x67: {  	[sflag:s30] =	ssyncset.done $0x0  }
0x68: {  	[sflag:s30] =	ssyncadd.s32 $0xFFFFFFA0  }
0x69: {  	[tilespmem:s29], [sflag:$0x1] =	stream.indirect.gather [hbm4b:s0+s1], $0x80, s21, s1, $0xb8;
	[tilespmem:$0x1FB80] =	vst v63  }
0x6a: {  	s25 =	rddreg [dreg:$0xf]  }
0x6b: {  	[tilespmem:s24], [sflag:$0x2] =	stream.linear.gather [hbm4b:s25+s21], $0x3000, $0x38;
	[tilespmem:$0x1FB80] =	vst v63  }
.LBB2_6:
0x6c: {  	s8 =	smul.u32 $0xC0, s21;
	_ =	swait.ge [sflag:s11], $0x3000  }
0x6d: {  	[sflag:s11] =	ssyncset.done $0x0  }
0x6e: {  	s22 =	sadd.s32 s9, s8;
	[sflag:s11] =	ssyncadd.s32 $0xFFFFD000  }
0x6f: {  	_ =	swait.ge [sflag:s12], $0x3000;
	s8 =	sadd.s32 $0x60, s22  }
0x70: {  	[sflag:s12] =	ssyncset.done $0x0;
	s10 =	sshrl.u32 s8, $0x3  }
0x71: {  	[sflag:s12] =	ssyncadd.s32 $0xFFFFD000;
	s18 =	sadd.s32 s6, s10  }
0x72: {  	[tilespmem:s13], [sflag:$0x7] =	stream.linear.gather [hbm4b:s18+s4], $0x60, $0x38;
	[tilespmem:$0x1FB80] =	vst v63  }
0x73: {  	_ =	swait.ge [sflag:s30], $0x60  }
0x74: {  	[sflag:s30] =	ssyncset.done $0x0  }
0x75: {  	s10 =	sadd.s32 s7, s10;
	[sflag:s30] =	ssyncadd.s32 $0xFFFFFFA0  }
0x76: {  	[tilespmem:s14], [sflag:$0x7] =	stream.linear.gather [hbm4b:s10+s4], $0x60, $0x38;
	[tilespmem:$0x1FB80] =	vst v63  }
0x77: {  	_ =	swait.ge [sflag:s30], $0x60  }
0x78: {  	[sflag:s30] =	ssyncset.done $0x0  }
0x79: {  	s8 =	sshll.u32 s8, $0x4;
	[sflag:s30] =	ssyncadd.s32 $0xFFFFFFA0  }
0x7a: {  	[tilespmem:s15], [sflag:$0x4] =	stream.indirect.gather [hbm4b:s0+s1], $0x80, s13, s1, $0xb8;
	[tilespmem:$0x1FB80] =	vst v63  }
0x7b: {  	s23 =	simm.s32 $0x180;
	s8 =	sadd.s32 s5, s8  }
0x7c: {  	[tilespmem:s16], [sflag:$0x5] =	stream.linear.gather [hbm4b:s8+s4], $0x3000, $0x38;
	[tilespmem:$0x1FB80] =	vst v63  }
0x7d: {  	s19 =	simm.s32 $0x3180;
	v1 =	vld [tilespmem:s23+$0x0]  }
0x7e: {  	v2 =	vld [tilespmem:s19+$0x0];
	_ =	sdelay $0x3  }
0x7f: {  	v3 =	vld [tilespmem:s23+$0xFFFFFF80]  }
0x80: {  	v1 =	vmul.f32 v2, v1;
	v2 =	vld [tilespmem:s19+$0xFFFFFF80];
	_ =	sdelay $0x1  }
0x81: {  	[tilespmem:s23+$0x0] =	vst v1;
	v1 =	vld [tilespmem:s23+$0x10]  }
0x82: {  	v4 =	vld [tilespmem:s19+$0x10];
	_ =	sdelay $0x1  }
0x83: {  	v2 =	vmul.f32 v2, v3;
	_ =	sdelay $0x1  }
0x84: {  	v5 =	vld [tilespmem:s23+$0xFFFFFF90];
	[tilespmem:s23+$0xFFFFFF80] =	vst v2  }
0x85: {  	v1 =	vmul.f32 v4, v1;
	v2 =	vld [tilespmem:s19+$0xFFFFFF90];
	_ =	sdelay $0x1  }
0x86: {  	[tilespmem:s23+$0x10] =	vst v1;
	v1 =	vld [tilespmem:s23+$0x20]  }
0x87: {  	v4 =	vld [tilespmem:s19+$0x20]  }
0x88: {  	v6 =	vld [tilespmem:s23+$0xFFFFFFB0]  }
0x89: {  	s24 =	simm.s32 $0x280;
	v7 =	vld [tilespmem:s23+$0xFFFFFFD0];
	v2 =	vmul.f32 v2, v5  }
0x8a: {  	v8 =	vld [tilespmem:s24+$0x0]  }
0x8b: {  	v3 =	vld [tilespmem:s23+$0xFFFFFFA0];
	[tilespmem:s23+$0xFFFFFF90] =	vst v2  }
0x8c: {  	v1 =	vmul.f32 v4, v1;
	v2 =	vld [tilespmem:s19+$0xFFFFFFA0]  }
0x8d: {  	v9 =	vld [tilespmem:s23+$0xFFFFFFE0]  }
0x8e: {  	[tilespmem:s23+$0x20] =	vst v1;
	v1 =	vld [tilespmem:s23+$0x30]  }
0x8f: {  	s25 =	simm.s32 $0x3280;
	v4 =	vld [tilespmem:s19+$0x30]  }
0x90: {  	v11 =	vld [tilespmem:s25+$0xFFFFFF80]  }
0x91: {  	v2 =	vmul.f32 v2, v3;
	v3 =	vld [tilespmem:s25+$0x0]  }
0x92: {  	v13 =	vld [tilespmem:s24+$0xFFFFFF90]  }
0x93: {  	s18 =	simm.s32 $0x3380;
	v14 =	vld [tilespmem:s24+$0xFFFFFFD0]  }
0x94: {  	v16 =	vld [tilespmem:s18+$0xFFFFFF80];
	v1 =	vmul.f32 v4, v1  }
0x95: {  	[tilespmem:s23+$0xFFFFFFA0] =	vst v2;
	v2 =	vld [tilespmem:s23+$0x40]  }
0x96: {  	[tilespmem:s23+$0x30] =	vst v1;
	v3 =	vmul.f32 v3, v8;
	v8 =	vld [tilespmem:s24+$0xFFFFFF80]  }
0x97: {  	s10 =	simm.s32 $0x380;
	v10 =	vld [tilespmem:s19+$0x40]  }
0x98: {  	v17 =	vld [tilespmem:s10+$0xFFFFFF80]  }
0x99: {  	v4 =	vld [tilespmem:s19+$0xFFFFFFB0]  }
0x9a: {  	v18 =	vld [tilespmem:s24+$0x50]  }
0x9b: {  	[tilespmem:s24+$0x0] =	vst v3;
	v3 =	vld [tilespmem:s24+$0x10];
	v8 =	vmul.f32 v11, v8  }
0x9c: {  	v12 =	vld [tilespmem:s25+$0x10];
	v2 =	vmul.f32 v10, v2  }
0x9d: {  	v10 =	vld [tilespmem:s23+$0x50];
	[tilespmem:s24+$0xFFFFFF80] =	vst v8  }
0x9e: {  	[tilespmem:s23+$0x40] =	vst v2;
	v2 =	vmul.f32 v4, v6;
	v6 =	vld [tilespmem:s25+$0xFFFFFF90]  }
0x9f: {  	v4 =	vld [tilespmem:s19+$0x50]  }
0xa0: {  	v58 =	vld [tilespmem:s10+$0xFFFFFFA0]  }
0xa1: {  	v5 =	vld [tilespmem:s23+$0xFFFFFFC0];
	v3 =	vmul.f32 v12, v3;
	[tilespmem:s23+$0xFFFFFFB0] =	vst v2  }
0xa2: {  	v2 =	vld [tilespmem:s19+$0xFFFFFFC0]  }
0xa3: {  	[tilespmem:s24+$0x10] =	vst v3;
	v3 =	vld [tilespmem:s24+$0x20]  }
0xa4: {  	v6 =	vmul.f32 v6, v13;
	v4 =	vmul.f32 v4, v10;
	v10 =	vld [tilespmem:s25+$0x20]  }
0xa5: {  	v19 =	vld [tilespmem:s24+$0x60]  }
0xa6: {  	v16 =	vmul.f32 v16, v17;
	v11 =	vld [tilespmem:s24+$0xFFFFFFA0];
	[tilespmem:s24+$0xFFFFFF90] =	vst v6  }
0xa7: {  	v2 =	vmul.f32 v2, v5;
	v5 =	vld [tilespmem:s25+$0xFFFFFFA0]  }
0xa8: {  	v61 =	vld [tilespmem:s24+$0x70];
	[tilespmem:s10+$0xFFFFFF80] =	vst v16  }
0xa9: {  	v16 =	vld [tilespmem:s18+$0xFFFFFF90];
	[tilespmem:s23+$0xFFFFFFC0] =	vst v2;
	v2 =	vmul.f32 v10, v3  }
0xaa: {  	v1 =	vld [tilespmem:s23+$0xFFFFFFF0]  }
0xab: {  	v6 =	vld [tilespmem:s24+$0x30];
	[tilespmem:s24+$0x20] =	vst v2  }
0xac: {  	v5 =	vmul.f32 v5, v11;
	v11 =	vld [tilespmem:s25+$0x30]  }
0xad: {  	v3 =	vld [tilespmem:s19+$0xFFFFFFD0]  }
0xae: {  	v8 =	vld [tilespmem:s24+$0xFFFFFFB0]  }
0xaf: {  	v12 =	vld [tilespmem:s23+$0x60];
	[tilespmem:s23+$0x50] =	vst v4  }
0xb0: {  	v4 =	vld [tilespmem:s19+$0x60]  }
0xb1: {  	[tilespmem:s24+$0xFFFFFFA0] =	vst v5;
	v5 =	vld [tilespmem:s10+$0x0];
	v6 =	vmul.f32 v11, v6  }
0xb2: {  	v3 =	vmul.f32 v3, v7;
	v7 =	vld [tilespmem:s18+$0x0]  }
0xb3: {  	v11 =	vld [tilespmem:s24+$0x40];
	[tilespmem:s24+$0x30] =	vst v6  }
0xb4: {  	v6 =	vld [tilespmem:s25+$0x40]  }
0xb5: {  	v13 =	vld [tilespmem:s24+$0xFFFFFFC0];
	v4 =	vmul.f32 v4, v12  }
0xb6: {  	v10 =	vld [tilespmem:s23+$0x70]  }
0xb7: {  	[tilespmem:s23+$0x60] =	vst v4;
	v4 =	vld [tilespmem:s25+$0xFFFFFFB0];
	v5 =	vmul.f32 v7, v5  }
0xb8: {  	v7 =	vld [tilespmem:s10+$0xFFFFFF90]  }
0xb9: {  	[tilespmem:s10+$0x0] =	vst v5;
	v5 =	vld [tilespmem:s10+$0x10];
	v6 =	vmul.f32 v6, v11  }
0xba: {  	v11 =	vld [tilespmem:s18+$0x10]  }
0xbb: {  	v2 =	vld [tilespmem:s24+$0xFFFFFFE0];
	[tilespmem:s24+$0x40] =	vst v6  }
0xbc: {  	v4 =	vmul.f32 v4, v8;
	v8 =	vld [tilespmem:s25+$0x50]  }
0xbd: {  	v12 =	vld [tilespmem:s19+$0x70];
	[tilespmem:s23+$0xFFFFFFD0] =	vst v3  }
0xbe: {  	v3 =	vld [tilespmem:s24+$0xFFFFFFF0];
	[tilespmem:s24+$0xFFFFFFB0] =	vst v4;
	v7 =	vmul.f32 v16, v7  }
0xbf: {  	v4 =	vmul.f32 v11, v5;
	v11 =	vld [tilespmem:s25+$0xFFFFFFC0]  }
0xc0: {  	v15 =	vld [tilespmem:s19+$0xFFFFFFE0];
	[tilespmem:s10+$0xFFFFFF90] =	vst v7  }
0xc1: {  	v7 =	vld [tilespmem:s10+$0xFFFFFFE0];
	[tilespmem:s10+$0x10] =	vst v4;
	v4 =	vmul.f32 v8, v18  }
0xc2: {  	v8 =	vld [tilespmem:s10+$0x20]  }
0xc3: {  	v59 =	vld [tilespmem:s18+$0x20];
	[tilespmem:s24+$0x50] =	vst v4  }
0xc4: {  	v11 =	vmul.f32 v11, v13;
	v13 =	vld [tilespmem:s25+$0x60]  }
0xc5: {  	v6 =	vld [tilespmem:s10+$0xFFFFFFB0]  }
0xc6: {  	v60 =	vld [tilespmem:s18+$0xFFFFFFA0];
	[tilespmem:s24+$0xFFFFFFC0] =	vst v11  }
0xc7: {  	v11 =	vld [tilespmem:s25+$0xFFFFFFD0]  }
0xc8: {  	v5 =	vld [tilespmem:s10+$0xFFFFFFC0];
	v8 =	vmul.f32 v59, v8  }
0xc9: {  	v4 =	vld [tilespmem:s10+$0xFFFFFFD0];
	v13 =	vmul.f32 v13, v19  }
0xca: {  	[tilespmem:s10+$0x20] =	vst v8;
	v8 =	vmul.f32 v15, v9;
	v15 =	vld [tilespmem:s10+$0x30]  }
0xcb: {  	v9 =	vmul.f32 v60, v58;
	v62 =	vld [tilespmem:s18+$0x30];
	[tilespmem:s24+$0x60] =	vst v13  }
0xcc: {  	[tilespmem:s23+$0xFFFFFFE0] =	vst v8;
	v8 =	vmul.f32 v11, v14;
	v63 =	vld [tilespmem:s25+$0x70]  }
0xcd: {  	[tilespmem:s10+$0xFFFFFFA0] =	vst v9;
	v9 =	vld [tilespmem:s19+$0xFFFFFFF0]  }
0xce: {  	v13 =	vld [tilespmem:s18+$0xFFFFFFB0];
	[tilespmem:s24+$0xFFFFFFD0] =	vst v8  }
0xcf: {  	v11 =	vmul.f32 v12, v10;
	v10 =	vld [tilespmem:s25+$0xFFFFFFE0]  }
0xd0: {  	v8 =	vld [tilespmem:s10+$0xFFFFFFF0];
	v14 =	vmul.f32 v62, v15  }
0xd1: {  	s20 =	simm.s32 $0x480;
	s8 =	simm.s32 $0x4;
	s19 =	simm.s32 $0x3380;
	[tilespmem:s23+$0x70] =	vst v11;
	v11 =	vld [tilespmem:s10+$0x40];
	v12 =	vmul.f32 v63, v61  }
.LBB2_7:
0xd2: {  	v15 =	vld [tilespmem:s20+$0x0];
	[tilespmem:s10+$0x30] =	vst v14;
	s18 =	sadd.s32 $0x100, s18;
	v9 =	vmul.f32 v9, v1;
	v1 =	vmov v3  }
0xd3: {  	v14 =	vld [tilespmem:s18+$0x0];
	v13 =	vmul.f32 v13, v6;
	[tilespmem:s24+$0x70] =	vst v12  }
0xd4: {  	s8 =	sadd.s32 $0x2, s8;
	v6 =	vld [tilespmem:s19+$0x40];
	v10 =	vmul.f32 v10, v2;
	[tilespmem:s23+$0xFFFFFFF0] =	vst v9;
	v2 =	vmov v7;
	s23 =	smov.u32 s24;
	s24 =	smov.u32 s10  }
0xd5: {  	p1 =	slt.u32 s8, $0x5E;
	s10 =	smov.u32 s20;
	v7 =	vld [tilespmem:s18+$0xFFFFFF80];
	[tilespmem:s24+$0xFFFFFFB0] =	vst v13;
	v3 =	vmov v8  }
0xd6: {  	v8 =	vld [tilespmem:s20+$0xFFFFFF80];
	[tilespmem:s23+$0xFFFFFFE0] =	vst v10  }
0xd7: {  	v9 =	vld [tilespmem:s20+$0xFFFFFF90]  }
0xd8: {  	v10 =	vld [tilespmem:s20+$0xFFFFFFA0];
	v12 =	vmul.f32 v14, v15  }
0xd9: {  	v6 =	vmul.f32 v6, v11;
	v11 =	vld [tilespmem:s24+$0x50]  }
0xda: {  	[tilespmem:s20+$0x0] =	vst v12;
	v12 =	vld [tilespmem:s20+$0x10]  }
0xdb: {  	v7 =	vmul.f32 v7, v8;
	v8 =	vld [tilespmem:s18+$0x10];
	[tilespmem:s24+$0x40] =	vst v6  }
0xdc: {  	v13 =	vld [tilespmem:s19+$0x50]  }
0xdd: {  	[tilespmem:s20+$0xFFFFFF80] =	vst v7;
	v6 =	vld [tilespmem:s20+$0xFFFFFFB0]  }
0xde: {  	v7 =	vld [tilespmem:s18+$0xFFFFFF90]  }
0xdf: {  	v14 =	vld [tilespmem:s19+$0xFFFFFFC0]  }
0xe0: {  	v15 =	vld [tilespmem:s20+$0xFFFFFFC0];
	v8 =	vmul.f32 v8, v12  }
0xe1: {  	v11 =	vmul.f32 v13, v11;
	v12 =	vld [tilespmem:s24+$0x60]  }
0xe2: {  	[tilespmem:s20+$0x10] =	vst v8;
	v8 =	vld [tilespmem:s20+$0x20]  }
0xe3: {  	v7 =	vmul.f32 v7, v9;
	v9 =	vld [tilespmem:s18+$0x20];
	[tilespmem:s24+$0x50] =	vst v11  }
0xe4: {  	v11 =	vmul.f32 v14, v5;
	v13 =	vld [tilespmem:s19+$0x60]  }
0xe5: {  	[tilespmem:s20+$0xFFFFFF90] =	vst v7;
	v14 =	vld [tilespmem:s20+$0xFFFFFFD0];
	v5 =	vmov v15  }
0xe6: {  	v15 =	vld [tilespmem:s18+$0xFFFFFFA0];
	[tilespmem:s24+$0xFFFFFFC0] =	vst v11  }
0xe7: {  	v11 =	vld [tilespmem:s19+$0xFFFFFFD0]  }
0xe8: {  	v7 =	vld [tilespmem:s20+$0xFFFFFFE0];
	v8 =	vmul.f32 v9, v8  }
0xe9: {  	v9 =	vmul.f32 v13, v12;
	v12 =	vld [tilespmem:s24+$0x70]  }
0xea: {  	[tilespmem:s20+$0x20] =	vst v8;
	v16 =	vld [tilespmem:s20+$0x30]  }
0xeb: {  	v8 =	vmul.f32 v15, v10;
	v15 =	vld [tilespmem:s18+$0x30];
	[tilespmem:s24+$0x60] =	vst v9  }
0xec: {  	v10 =	vmul.f32 v11, v4;
	v17 =	vld [tilespmem:s19+$0x70];
	v4 =	vmov v14  }
.Ltmp2:
0xed: {  	[tilespmem:s20+$0xFFFFFFA0] =	vst v8;
	v9 =	vld [tilespmem:s25+$0xFFFFFFF0];
	s25 =	smov.u32 s19;
	s19 =	smov.u32 s18;
	(pc) =	sbr.rel @p1 .LBB2_7-.Ltmp2, $4  }
0xee: {  	v13 =	vld [tilespmem:s18+$0xFFFFFFB0];
	[tilespmem:s24+$0xFFFFFFD0] =	vst v10  }
0xef: {  	v10 =	vld [tilespmem:s25+$0xFFFFFFE0]  }
0xf0: {  	v8 =	vld [tilespmem:s20+$0xFFFFFFF0];
	v14 =	vmul.f32 v15, v16  }
0xf1: {  	s20 =	sadd.s32 $0x100, s20;
	v11 =	vld [tilespmem:s10+$0x40];
	v12 =	vmul.f32 v17, v12  }
0xf2: {  	_ = 	snop  }
0xf3: {  	[tilespmem:s10+$0x30] =	vst v14;
	v6 =	vmul.f32 v13, v6  }
0xf4: {  	v13 =	vld [tilespmem:s19+$0x40]  }
0xf5: {  	[tilespmem:s10+$0xFFFFFFB0] =	vst v6  }
0xf6: {  	v6 =	vld [tilespmem:s19+$0xFFFFFFC0];
	_ =	sdelay $0x2  }
0xf7: {  	v11 =	vmul.f32 v13, v11;
	_ =	sdelay $0x1  }
0xf8: {  	v13 =	vld [tilespmem:s10+$0x50];
	[tilespmem:s10+$0x40] =	vst v11;
	v5 =	vmul.f32 v6, v5  }
0xf9: {  	v6 =	vld [tilespmem:s19+$0x50]  }
0xfa: {  	[tilespmem:s10+$0xFFFFFFC0] =	vst v5  }
0xfb: {  	v5 =	vld [tilespmem:s19+$0xFFFFFFD0];
	_ =	sdelay $0x2  }
0xfc: {  	v6 =	vmul.f32 v6, v13;
	_ =	sdelay $0x1  }
0xfd: {  	v11 =	vld [tilespmem:s10+$0x60];
	[tilespmem:s10+$0x50] =	vst v6;
	v4 =	vmul.f32 v5, v4  }
0xfe: {  	v5 =	vld [tilespmem:s19+$0x60]  }
0xff: {  	[tilespmem:s10+$0xFFFFFFD0] =	vst v4  }
0x100: {  	v4 =	vld [tilespmem:s19+$0xFFFFFFE0];
	_ =	sdelay $0x2  }
0x101: {  	v5 =	vmul.f32 v5, v11  }
0x102: {  	v2 =	vmul.f32 v10, v2  }
0x103: {  	v6 =	vld [tilespmem:s10+$0x70];
	[tilespmem:s10+$0x60] =	vst v5;
	v4 =	vmul.f32 v4, v7  }
0x104: {  	[tilespmem:s24+$0xFFFFFFE0] =	vst v2;
	v2 =	vld [tilespmem:s19+$0x70]  }
0x105: {  	v5 =	vld [tilespmem:s25+$0xFFFFFFF0];
	[tilespmem:s10+$0xFFFFFFE0] =	vst v4  }
0x106: {  	v4 =	vld [tilespmem:s19+$0xFFFFFFF0];
	_ =	sdelay $0x1  }
0x107: {  	v1 =	vmul.f32 v9, v1  }
0x108: {  	[tilespmem:s24+$0x70] =	vst v12;
	v2 =	vmul.f32 v2, v6  }
0x109: {  	[tilespmem:s23+$0xFFFFFFF0] =	vst v1;
	v1 =	vmul.f32 v5, v3  }
0x10a: {  	[tilespmem:s10+$0x70] =	vst v2;
	v2 =	vmul.f32 v4, v8  }
0x10b: {  	[tilespmem:s24+$0xFFFFFFF0] =	vst v1  }
0x10c: {  	[tilespmem:s10+$0xFFFFFFF0] =	vst v2  }
0x10d: {  	[spmem:s3] =	stream.indirect.scatter.add.f32 [tilespmem:s29], [sflag:$0x3], $0x80, s31, s1, $0xb8;
	[tilespmem:$0x1FB80] =	vst v63  }
0x10e: {  	_ =	swait.ge [sflag:s17], $0x3000  }
0x10f: {  	[sflag:s17] =	ssyncset.done $0x0  }
0x110: {  	[sflag:s17] =	ssyncadd.s32 $0xFFFFD000  }
0x111: {  	_ =	swait.ge [sflag:s26], $0x3000  }
0x112: {  	[sflag:s26] =	ssyncset.done $0x0  }
0x113: {  	p1 =	seq.s32 s21, $0x19;
	[sflag:s26] =	ssyncadd.s32 $0xFFFFD000  }
0x114: {  	s8 =	sadd.s32 @!p1 $0xC0, s22;
	_ =	swait.ge [sflag:s28], $0x3000  }
0x115: {  	s10 =	sshrl.u32 @!p1 s8, $0x3;
	[sflag:s28] =	ssyncset.done $0x0  }
0x116: {  	s19 =	simm.s32 @!p1 $0x0;
	s18 =	sadd.s32 @!p1 s6, s10;
	[sflag:s28] =	ssyncadd.s32 $0xFFFFD000  }
0x117: {  	[tilespmem:s19], [sflag:$0x7] =	stream.linear.gather @!p1 [hbm4b:s18+s19], $0x60, $0x38;
	[tilespmem:$0x1FB80] =	vst v63  }
0x118: {  	s18 =	simm.s32 @!p1 $0x7  }
0x119: {  	_ =	swait.ge @!p1 [sflag:s18], $0x60  }
0x11a: {  	[sflag:s18] =	ssyncset.done @!p1 $0x0  }
0x11b: {  	s20 =	simm.s32 @!p1 $0x80;
	s10 =	sadd.s32 @!p1 s7, s10;
	[sflag:s18] =	ssyncadd.s32 @!p1 $0xFFFFFFA0  }
0x11c: {  	[tilespmem:s20], [sflag:$0x7] =	stream.linear.gather @!p1 [hbm4b:s10+s19], $0x60, $0x38;
	[tilespmem:$0x1FB80] =	vst v63  }
0x11d: {  	_ =	swait.ge @!p1 [sflag:s18], $0x60  }
0x11e: {  	s8 =	sshll.u32 @!p1 s8, $0x4;
	[sflag:s18] =	ssyncset.done @!p1 $0x0  }
0x11f: {  	s10 =	simm.s32 @!p1 $0x60;
	[sflag:s18] =	ssyncadd.s32 @!p1 $0xFFFFFFA0;
	s18 =	simm.s32 @!p1 $0x100  }
0x120: {  	[tilespmem:s18], [sflag:$0x1] =	stream.indirect.gather @!p1 [hbm4b:s0+s10], $0x80, s19, s10, $0xb8;
	[tilespmem:$0x1FB80] =	vst v63  }
0x121: {  	s22 =	simm.s32 $0x6280;
	s8 =	sadd.s32 @!p1 s5, s8;
	s10 =	simm.s32 @!p1 $0x3100  }
0x122: {  	[tilespmem:s10], [sflag:$0x2] =	stream.linear.gather @!p1 [hbm4b:s8+s19], $0x3000, $0x38;
	[tilespmem:$0x1FB80] =	vst v63  }
0x123: {  	s25 =	simm.s32 $0x9280;
	v1 =	vld [tilespmem:s22+$0x0]  }
0x124: {  	v2 =	vld [tilespmem:s25+$0x0];
	_ =	sdelay $0x3  }
0x125: {  	v3 =	vld [tilespmem:s22+$0xFFFFFF80]  }
0x126: {  	v1 =	vmul.f32 v2, v1;
	v2 =	vld [tilespmem:s25+$0xFFFFFF80];
	_ =	sdelay $0x1  }
0x127: {  	[tilespmem:s22+$0x0] =	vst v1;
	v1 =	vld [tilespmem:s22+$0x10]  }
0x128: {  	v4 =	vld [tilespmem:s25+$0x10];
	_ =	sdelay $0x1  }
0x129: {  	v2 =	vmul.f32 v2, v3;
	_ =	sdelay $0x1  }
0x12a: {  	v5 =	vld [tilespmem:s22+$0xFFFFFF90];
	[tilespmem:s22+$0xFFFFFF80] =	vst v2  }
0x12b: {  	v1 =	vmul.f32 v4, v1;
	v2 =	vld [tilespmem:s25+$0xFFFFFF90];
	_ =	sdelay $0x1  }
0x12c: {  	[tilespmem:s22+$0x10] =	vst v1;
	v1 =	vld [tilespmem:s22+$0x20]  }
0x12d: {  	v4 =	vld [tilespmem:s25+$0x20]  }
0x12e: {  	v6 =	vld [tilespmem:s22+$0xFFFFFFB0]  }
0x12f: {  	s23 =	simm.s32 $0x6380;
	v7 =	vld [tilespmem:s22+$0xFFFFFFD0];
	v2 =	vmul.f32 v2, v5  }
0x130: {  	v8 =	vld [tilespmem:s23+$0x0]  }
0x131: {  	v3 =	vld [tilespmem:s22+$0xFFFFFFA0];
	[tilespmem:s22+$0xFFFFFF90] =	vst v2  }
0x132: {  	v1 =	vmul.f32 v4, v1;
	v2 =	vld [tilespmem:s25+$0xFFFFFFA0]  }
0x133: {  	v9 =	vld [tilespmem:s22+$0xFFFFFFE0]  }
0x134: {  	[tilespmem:s22+$0x20] =	vst v1;
	v1 =	vld [tilespmem:s22+$0x30]  }
0x135: {  	s24 =	simm.s32 $0x9380;
	v4 =	vld [tilespmem:s25+$0x30]  }
0x136: {  	v11 =	vld [tilespmem:s24+$0xFFFFFF80]  }
0x137: {  	v2 =	vmul.f32 v2, v3;
	v3 =	vld [tilespmem:s24+$0x0]  }
0x138: {  	v13 =	vld [tilespmem:s23+$0xFFFFFF90]  }
0x139: {  	s18 =	simm.s32 $0x9480;
	v14 =	vld [tilespmem:s23+$0xFFFFFFD0]  }
0x13a: {  	v16 =	vld [tilespmem:s18+$0xFFFFFF80];
	v1 =	vmul.f32 v4, v1  }
0x13b: {  	[tilespmem:s22+$0xFFFFFFA0] =	vst v2;
	v2 =	vld [tilespmem:s22+$0x40]  }
0x13c: {  	[tilespmem:s22+$0x30] =	vst v1;
	v3 =	vmul.f32 v3, v8;
	v8 =	vld [tilespmem:s23+$0xFFFFFF80]  }
0x13d: {  	s10 =	simm.s32 $0x6480;
	v10 =	vld [tilespmem:s25+$0x40]  }
0x13e: {  	v17 =	vld [tilespmem:s10+$0xFFFFFF80]  }
0x13f: {  	v4 =	vld [tilespmem:s25+$0xFFFFFFB0]  }
0x140: {  	v18 =	vld [tilespmem:s23+$0x50]  }
0x141: {  	[tilespmem:s23+$0x0] =	vst v3;
	v3 =	vld [tilespmem:s23+$0x10];
	v8 =	vmul.f32 v11, v8  }
0x142: {  	v12 =	vld [tilespmem:s24+$0x10];
	v2 =	vmul.f32 v10, v2  }
0x143: {  	v10 =	vld [tilespmem:s22+$0x50];
	[tilespmem:s23+$0xFFFFFF80] =	vst v8  }
0x144: {  	[tilespmem:s22+$0x40] =	vst v2;
	v2 =	vmul.f32 v4, v6;
	v6 =	vld [tilespmem:s24+$0xFFFFFF90]  }
0x145: {  	v4 =	vld [tilespmem:s25+$0x50]  }
0x146: {  	v58 =	vld [tilespmem:s10+$0xFFFFFFA0]  }
0x147: {  	v5 =	vld [tilespmem:s22+$0xFFFFFFC0];
	v3 =	vmul.f32 v12, v3;
	[tilespmem:s22+$0xFFFFFFB0] =	vst v2  }
0x148: {  	v2 =	vld [tilespmem:s25+$0xFFFFFFC0]  }
0x149: {  	[tilespmem:s23+$0x10] =	vst v3;
	v3 =	vld [tilespmem:s23+$0x20]  }
0x14a: {  	v6 =	vmul.f32 v6, v13;
	v4 =	vmul.f32 v4, v10;
	v10 =	vld [tilespmem:s24+$0x20]  }
0x14b: {  	v19 =	vld [tilespmem:s23+$0x60]  }
0x14c: {  	v16 =	vmul.f32 v16, v17;
	v11 =	vld [tilespmem:s23+$0xFFFFFFA0];
	[tilespmem:s23+$0xFFFFFF90] =	vst v6  }
0x14d: {  	v2 =	vmul.f32 v2, v5;
	v5 =	vld [tilespmem:s24+$0xFFFFFFA0]  }
0x14e: {  	v61 =	vld [tilespmem:s23+$0x70];
	[tilespmem:s10+$0xFFFFFF80] =	vst v16  }
0x14f: {  	v16 =	vld [tilespmem:s18+$0xFFFFFF90];
	[tilespmem:s22+$0xFFFFFFC0] =	vst v2;
	v2 =	vmul.f32 v10, v3  }
0x150: {  	v1 =	vld [tilespmem:s22+$0xFFFFFFF0]  }
0x151: {  	v6 =	vld [tilespmem:s23+$0x30];
	[tilespmem:s23+$0x20] =	vst v2  }
0x152: {  	v5 =	vmul.f32 v5, v11;
	v11 =	vld [tilespmem:s24+$0x30]  }
0x153: {  	v3 =	vld [tilespmem:s25+$0xFFFFFFD0]  }
0x154: {  	v8 =	vld [tilespmem:s23+$0xFFFFFFB0]  }
0x155: {  	v12 =	vld [tilespmem:s22+$0x60];
	[tilespmem:s22+$0x50] =	vst v4  }
0x156: {  	v4 =	vld [tilespmem:s25+$0x60]  }
0x157: {  	[tilespmem:s23+$0xFFFFFFA0] =	vst v5;
	v5 =	vld [tilespmem:s10+$0x0];
	v6 =	vmul.f32 v11, v6  }
0x158: {  	v3 =	vmul.f32 v3, v7;
	v7 =	vld [tilespmem:s18+$0x0]  }
0x159: {  	v11 =	vld [tilespmem:s23+$0x40];
	[tilespmem:s23+$0x30] =	vst v6  }
0x15a: {  	v6 =	vld [tilespmem:s24+$0x40]  }
0x15b: {  	v13 =	vld [tilespmem:s23+$0xFFFFFFC0];
	v4 =	vmul.f32 v4, v12  }
0x15c: {  	v10 =	vld [tilespmem:s22+$0x70]  }
0x15d: {  	[tilespmem:s22+$0x60] =	vst v4;
	v4 =	vld [tilespmem:s24+$0xFFFFFFB0];
	v5 =	vmul.f32 v7, v5  }
0x15e: {  	v7 =	vld [tilespmem:s10+$0xFFFFFF90]  }
0x15f: {  	[tilespmem:s10+$0x0] =	vst v5;
	v5 =	vld [tilespmem:s10+$0x10];
	v6 =	vmul.f32 v6, v11  }
0x160: {  	v11 =	vld [tilespmem:s18+$0x10]  }
0x161: {  	v2 =	vld [tilespmem:s23+$0xFFFFFFE0];
	[tilespmem:s23+$0x40] =	vst v6  }
0x162: {  	v4 =	vmul.f32 v4, v8;
	v8 =	vld [tilespmem:s24+$0x50]  }
0x163: {  	v12 =	vld [tilespmem:s25+$0x70];
	[tilespmem:s22+$0xFFFFFFD0] =	vst v3  }
0x164: {  	v3 =	vld [tilespmem:s23+$0xFFFFFFF0];
	[tilespmem:s23+$0xFFFFFFB0] =	vst v4;
	v7 =	vmul.f32 v16, v7  }
0x165: {  	v4 =	vmul.f32 v11, v5;
	v11 =	vld [tilespmem:s24+$0xFFFFFFC0]  }
0x166: {  	v15 =	vld [tilespmem:s25+$0xFFFFFFE0];
	[tilespmem:s10+$0xFFFFFF90] =	vst v7  }
0x167: {  	v7 =	vld [tilespmem:s10+$0xFFFFFFE0];
	[tilespmem:s10+$0x10] =	vst v4;
	v4 =	vmul.f32 v8, v18  }
0x168: {  	v8 =	vld [tilespmem:s10+$0x20]  }
0x169: {  	v59 =	vld [tilespmem:s18+$0x20];
	[tilespmem:s23+$0x50] =	vst v4  }
0x16a: {  	v11 =	vmul.f32 v11, v13;
	v13 =	vld [tilespmem:s24+$0x60]  }
0x16b: {  	v6 =	vld [tilespmem:s10+$0xFFFFFFB0]  }
0x16c: {  	v60 =	vld [tilespmem:s18+$0xFFFFFFA0];
	[tilespmem:s23+$0xFFFFFFC0] =	vst v11  }
0x16d: {  	v11 =	vld [tilespmem:s24+$0xFFFFFFD0]  }
0x16e: {  	v5 =	vld [tilespmem:s10+$0xFFFFFFC0];
	v8 =	vmul.f32 v59, v8  }
0x16f: {  	v4 =	vld [tilespmem:s10+$0xFFFFFFD0];
	v13 =	vmul.f32 v13, v19  }
0x170: {  	[tilespmem:s10+$0x20] =	vst v8;
	v8 =	vmul.f32 v15, v9;
	v15 =	vld [tilespmem:s10+$0x30]  }
0x171: {  	v9 =	vmul.f32 v60, v58;
	v62 =	vld [tilespmem:s18+$0x30];
	[tilespmem:s23+$0x60] =	vst v13  }
0x172: {  	[tilespmem:s22+$0xFFFFFFE0] =	vst v8;
	v8 =	vmul.f32 v11, v14;
	v63 =	vld [tilespmem:s24+$0x70]  }
0x173: {  	[tilespmem:s10+$0xFFFFFFA0] =	vst v9;
	v9 =	vld [tilespmem:s25+$0xFFFFFFF0]  }
0x174: {  	v13 =	vld [tilespmem:s18+$0xFFFFFFB0];
	[tilespmem:s23+$0xFFFFFFD0] =	vst v8  }
0x175: {  	v11 =	vmul.f32 v12, v10;
	v10 =	vld [tilespmem:s24+$0xFFFFFFE0]  }
0x176: {  	v8 =	vld [tilespmem:s10+$0xFFFFFFF0];
	v14 =	vmul.f32 v62, v15  }
0x177: {  	s20 =	simm.s32 $0x6580;
	s8 =	simm.s32 $0x4;
	s19 =	simm.s32 $0x9480;
	[tilespmem:s22+$0x70] =	vst v11;
	v11 =	vld [tilespmem:s10+$0x40];
	v12 =	vmul.f32 v63, v61  }
.LBB2_9:
0x178: {  	v15 =	vld [tilespmem:s20+$0x0];
	[tilespmem:s10+$0x30] =	vst v14;
	s18 =	sadd.s32 $0x100, s18;
	v9 =	vmul.f32 v9, v1;
	v1 =	vmov v3  }
0x179: {  	v14 =	vld [tilespmem:s18+$0x0];
	v13 =	vmul.f32 v13, v6;
	[tilespmem:s23+$0x70] =	vst v12  }
0x17a: {  	s8 =	sadd.s32 $0x2, s8;
	v6 =	vld [tilespmem:s19+$0x40];
	v10 =	vmul.f32 v10, v2;
	[tilespmem:s22+$0xFFFFFFF0] =	vst v9;
	v2 =	vmov v7;
	s22 =	smov.u32 s23;
	s23 =	smov.u32 s10  }
0x17b: {  	p1 =	slt.u32 s8, $0x5E;
	s10 =	smov.u32 s20;
	v7 =	vld [tilespmem:s18+$0xFFFFFF80];
	[tilespmem:s23+$0xFFFFFFB0] =	vst v13;
	v3 =	vmov v8  }
0x17c: {  	v8 =	vld [tilespmem:s20+$0xFFFFFF80];
	[tilespmem:s22+$0xFFFFFFE0] =	vst v10  }
0x17d: {  	v9 =	vld [tilespmem:s20+$0xFFFFFF90]  }
0x17e: {  	v10 =	vld [tilespmem:s20+$0xFFFFFFA0];
	v12 =	vmul.f32 v14, v15  }
0x17f: {  	v6 =	vmul.f32 v6, v11;
	v11 =	vld [tilespmem:s23+$0x50]  }
0x180: {  	[tilespmem:s20+$0x0] =	vst v12;
	v12 =	vld [tilespmem:s20+$0x10]  }
0x181: {  	v7 =	vmul.f32 v7, v8;
	v8 =	vld [tilespmem:s18+$0x10];
	[tilespmem:s23+$0x40] =	vst v6  }
0x182: {  	v13 =	vld [tilespmem:s19+$0x50]  }
0x183: {  	[tilespmem:s20+$0xFFFFFF80] =	vst v7;
	v6 =	vld [tilespmem:s20+$0xFFFFFFB0]  }
0x184: {  	v7 =	vld [tilespmem:s18+$0xFFFFFF90]  }
0x185: {  	v14 =	vld [tilespmem:s19+$0xFFFFFFC0]  }
0x186: {  	v15 =	vld [tilespmem:s20+$0xFFFFFFC0];
	v8 =	vmul.f32 v8, v12  }
0x187: {  	v11 =	vmul.f32 v13, v11;
	v12 =	vld [tilespmem:s23+$0x60]  }
0x188: {  	[tilespmem:s20+$0x10] =	vst v8;
	v8 =	vld [tilespmem:s20+$0x20]  }
0x189: {  	v7 =	vmul.f32 v7, v9;
	v9 =	vld [tilespmem:s18+$0x20];
	[tilespmem:s23+$0x50] =	vst v11  }
0x18a: {  	v11 =	vmul.f32 v14, v5;
	v13 =	vld [tilespmem:s19+$0x60]  }
0x18b: {  	[tilespmem:s20+$0xFFFFFF90] =	vst v7;
	v14 =	vld [tilespmem:s20+$0xFFFFFFD0];
	v5 =	vmov v15  }
0x18c: {  	v15 =	vld [tilespmem:s18+$0xFFFFFFA0];
	[tilespmem:s23+$0xFFFFFFC0] =	vst v11  }
0x18d: {  	v11 =	vld [tilespmem:s19+$0xFFFFFFD0]  }
0x18e: {  	v7 =	vld [tilespmem:s20+$0xFFFFFFE0];
	v8 =	vmul.f32 v9, v8  }
0x18f: {  	v9 =	vmul.f32 v13, v12;
	v12 =	vld [tilespmem:s23+$0x70]  }
0x190: {  	[tilespmem:s20+$0x20] =	vst v8;
	v16 =	vld [tilespmem:s20+$0x30]  }
0x191: {  	v8 =	vmul.f32 v15, v10;
	v15 =	vld [tilespmem:s18+$0x30];
	[tilespmem:s23+$0x60] =	vst v9  }
0x192: {  	v10 =	vmul.f32 v11, v4;
	v17 =	vld [tilespmem:s19+$0x70];
	v4 =	vmov v14  }
.Ltmp3:
0x193: {  	[tilespmem:s20+$0xFFFFFFA0] =	vst v8;
	v9 =	vld [tilespmem:s24+$0xFFFFFFF0];
	s24 =	smov.u32 s19;
	s19 =	smov.u32 s18;
	(pc) =	sbr.rel @p1 .LBB2_9-.Ltmp3, $4  }
0x194: {  	v13 =	vld [tilespmem:s18+$0xFFFFFFB0];
	[tilespmem:s23+$0xFFFFFFD0] =	vst v10  }
0x195: {  	v10 =	vld [tilespmem:s24+$0xFFFFFFE0]  }
0x196: {  	v8 =	vld [tilespmem:s20+$0xFFFFFFF0];
	v14 =	vmul.f32 v15, v16  }
0x197: {  	s20 =	sadd.s32 $0x100, s20;
	v11 =	vld [tilespmem:s10+$0x40];
	v12 =	vmul.f32 v17, v12  }
0x198: {  	_ = 	snop  }
0x199: {  	[tilespmem:s10+$0x30] =	vst v14;
	v6 =	vmul.f32 v13, v6  }
0x19a: {  	v57 =	vld [tilespmem:s19+$0x40]  }
0x19b: {  	[tilespmem:s10+$0xFFFFFFB0] =	vst v6  }
0x19c: {  	v6 =	vld [tilespmem:s19+$0xFFFFFFC0];
	_ =	sdelay $0x2  }
0x19d: {  	v11 =	vmul.f32 v57, v11;
	_ =	sdelay $0x1  }
0x19e: {  	v58 =	vld [tilespmem:s10+$0x50];
	[tilespmem:s10+$0x40] =	vst v11;
	v5 =	vmul.f32 v6, v5  }
0x19f: {  	v59 =	vld [tilespmem:s19+$0x50]  }
0x1a0: {  	[tilespmem:s10+$0xFFFFFFC0] =	vst v5  }
0x1a1: {  	v5 =	vld [tilespmem:s19+$0xFFFFFFD0];
	_ =	sdelay $0x2  }
0x1a2: {  	v6 =	vmul.f32 v59, v58;
	_ =	sdelay $0x1  }
0x1a3: {  	v60 =	vld [tilespmem:s10+$0x60];
	[tilespmem:s10+$0x50] =	vst v6;
	v4 =	vmul.f32 v5, v4  }
0x1a4: {  	v61 =	vld [tilespmem:s19+$0x60]  }
0x1a5: {  	[tilespmem:s10+$0xFFFFFFD0] =	vst v4  }
0x1a6: {  	v4 =	vld [tilespmem:s19+$0xFFFFFFE0];
	_ =	sdelay $0x2  }
0x1a7: {  	v5 =	vmul.f32 v61, v60  }
0x1a8: {  	v2 =	vmul.f32 v10, v2  }
0x1a9: {  	v62 =	vld [tilespmem:s10+$0x70];
	[tilespmem:s10+$0x60] =	vst v5;
	v4 =	vmul.f32 v4, v7  }
0x1aa: {  	[tilespmem:s23+$0xFFFFFFE0] =	vst v2;
	v2 =	vld [tilespmem:s19+$0x70]  }
0x1ab: {  	v63 =	vld [tilespmem:s24+$0xFFFFFFF0];
	[tilespmem:s10+$0xFFFFFFE0] =	vst v4  }
0x1ac: {  	v4 =	vld [tilespmem:s19+$0xFFFFFFF0];
	_ =	sdelay $0x1  }
0x1ad: {  	v1 =	vmul.f32 v9, v1  }
0x1ae: {  	[tilespmem:s23+$0x70] =	vst v12;
	v2 =	vmul.f32 v2, v62  }
0x1af: {  	[tilespmem:s22+$0xFFFFFFF0] =	vst v1;
	v1 =	vmul.f32 v63, v3  }
0x1b0: {  	s21 =	sadd.s32 $0x1, s21;
	[tilespmem:s10+$0x70] =	vst v2;
	v2 =	vmul.f32 v4, v8  }
0x1b1: {  	p1 =	sne.s32 s21, $0x1A;
	[tilespmem:s23+$0xFFFFFFF0] =	vst v1  }
.Ltmp4:
0x1b2: {  	[tilespmem:s10+$0xFFFFFFF0] =	vst v2;
	(pc) =	sbr.rel @p1 .LBB2_6-.Ltmp4, $4  }
0x1b3: {  	[spmem:s3] =	stream.indirect.scatter.add.f32 [tilespmem:s15], [sflag:$0x6], $0x80, s14, s1, $0xb8;
	[tilespmem:$0x1FB80] =	vst v63  }
0x1b4: {  	_ =	swait.ge [sflag:s2], $0x3000  }
0x1b5: {  	[sflag:s2] =	ssyncset.done $0x0  }
0x1b6: {  	[sflag:s2] =	ssyncadd.s32 $0xFFFFD000  }
0x1b7: {  	s8 =	rddreg [dreg:$0x10];
	s10 =	simm.s32 $0xC200  }
0x1b8: {  	[tilespmem:s10], [sflag:$0x7] =	stream.linear.gather [hbm4b:s8+s4], $0x8, $0x38;
	[tilespmem:$0x1FB80] =	vst v63  }
0x1b9: {  	_ =	swait.ge [sflag:s30], $0x8  }
0x1ba: {  	[sflag:s30] =	ssyncset.done $0x0  }
0x1bb: {  	s25 =	simm.s32 $0xC280;
	s21 =	rddreg [dreg:$0x11];
	[sflag:s30] =	ssyncadd.s32 $0xFFFFFFF8  }
0x1bc: {  	[tilespmem:s25], [sflag:$0x7] =	stream.linear.gather [hbm4b:s21+s4], $0x8, $0x38;
	[tilespmem:$0x1FB80] =	vst v63  }
0x1bd: {  	_ =	swait.ge [sflag:s30], $0x8  }
0x1be: {  	[sflag:s30] =	ssyncset.done $0x0  }
0x1bf: {  	s22 =	simm.s32 $0x8;
	[sflag:s30] =	ssyncadd.s32 $0xFFFFFFF8  }
0x1c0: {  	[tilespmem:s29], [sflag:$0x1] =	stream.indirect.gather [hbm4b:s0+s22], $0x80, s10, s22, $0xb8;
	[tilespmem:$0x1FB80] =	vst v63  }
0x1c1: {  	_ =	swait.ge [sflag:s11], $0x400  }
0x1c2: {  	[sflag:s11] =	ssyncset.done $0x0  }
0x1c3: {  	s24 =	simm.s32 $0x3100;
	s23 =	rddreg [dreg:$0x12];
	[sflag:s11] =	ssyncadd.s32 $0xFFFFFC00  }
0x1c4: {  	[tilespmem:s24], [sflag:$0x7] =	stream.linear.gather [hbm4b:s23+s4], $0x400, $0x38;
	[tilespmem:$0x1FB80] =	vst v63  }
0x1c5: {  	_ =	swait.ge [sflag:s30], $0x400  }
0x1c6: {  	[sflag:s30] =	ssyncset.done $0x0  }
0x1c7: {  	s21 =	simm.s32 $0x180;
	[sflag:s30] =	ssyncadd.s32 $0xFFFFFC00  }
0x1c8: {  	s19 =	simm.s32 $0x3180;
	v1 =	vld [tilespmem:s21+$0x0]  }
0x1c9: {  	v2 =	vld [tilespmem:s19+$0x0];
	_ =	sdelay $0x3  }
0x1ca: {  	v3 =	vld [tilespmem:s21+$0xFFFFFF80]  }
0x1cb: {  	v1 =	vmul.f32 v2, v1;
	v2 =	vld [tilespmem:s19+$0xFFFFFF80];
	_ =	sdelay $0x1  }
0x1cc: {  	[tilespmem:s21+$0x0] =	vst v1;
	v1 =	vld [tilespmem:s21+$0x10]  }
0x1cd: {  	v4 =	vld [tilespmem:s19+$0x10];
	_ =	sdelay $0x1  }
0x1ce: {  	v2 =	vmul.f32 v2, v3;
	_ =	sdelay $0x1  }
0x1cf: {  	v5 =	vld [tilespmem:s21+$0xFFFFFF90];
	[tilespmem:s21+$0xFFFFFF80] =	vst v2  }
0x1d0: {  	v1 =	vmul.f32 v4, v1;
	v2 =	vld [tilespmem:s19+$0xFFFFFF90];
	_ =	sdelay $0x1  }
0x1d1: {  	[tilespmem:s21+$0x10] =	vst v1;
	v1 =	vld [tilespmem:s21+$0x20]  }
0x1d2: {  	v4 =	vld [tilespmem:s19+$0x20]  }
0x1d3: {  	v6 =	vld [tilespmem:s21+$0xFFFFFFB0]  }
0x1d4: {  	s22 =	simm.s32 $0x280;
	v7 =	vld [tilespmem:s21+$0xFFFFFFD0];
	v2 =	vmul.f32 v2, v5  }
0x1d5: {  	v8 =	vld [tilespmem:s22+$0x0]  }
0x1d6: {  	v3 =	vld [tilespmem:s21+$0xFFFFFFA0];
	[tilespmem:s21+$0xFFFFFF90] =	vst v2  }
0x1d7: {  	v1 =	vmul.f32 v4, v1;
	v2 =	vld [tilespmem:s19+$0xFFFFFFA0]  }
0x1d8: {  	v9 =	vld [tilespmem:s21+$0xFFFFFFE0]  }
0x1d9: {  	[tilespmem:s21+$0x20] =	vst v1;
	v1 =	vld [tilespmem:s21+$0x30]  }
0x1da: {  	s23 =	simm.s32 $0x3280;
	v4 =	vld [tilespmem:s19+$0x30]  }
0x1db: {  	v11 =	vld [tilespmem:s23+$0xFFFFFF80]  }
0x1dc: {  	v2 =	vmul.f32 v2, v3;
	v3 =	vld [tilespmem:s23+$0x0]  }
0x1dd: {  	v13 =	vld [tilespmem:s22+$0xFFFFFF90]  }
0x1de: {  	s18 =	simm.s32 $0x3380;
	v14 =	vld [tilespmem:s22+$0xFFFFFFD0]  }
0x1df: {  	v16 =	vld [tilespmem:s18+$0xFFFFFF80];
	v1 =	vmul.f32 v4, v1  }
0x1e0: {  	[tilespmem:s21+$0xFFFFFFA0] =	vst v2;
	v2 =	vld [tilespmem:s21+$0x40]  }
0x1e1: {  	[tilespmem:s21+$0x30] =	vst v1;
	v3 =	vmul.f32 v3, v8;
	v8 =	vld [tilespmem:s22+$0xFFFFFF80]  }
0x1e2: {  	s10 =	simm.s32 $0x380;
	v10 =	vld [tilespmem:s19+$0x40]  }
0x1e3: {  	v17 =	vld [tilespmem:s10+$0xFFFFFF80]  }
0x1e4: {  	v4 =	vld [tilespmem:s19+$0xFFFFFFB0]  }
0x1e5: {  	v18 =	vld [tilespmem:s22+$0x50]  }
0x1e6: {  	[tilespmem:s22+$0x0] =	vst v3;
	v3 =	vld [tilespmem:s22+$0x10];
	v8 =	vmul.f32 v11, v8  }
0x1e7: {  	v12 =	vld [tilespmem:s23+$0x10];
	v2 =	vmul.f32 v10, v2  }
0x1e8: {  	v10 =	vld [tilespmem:s21+$0x50];
	[tilespmem:s22+$0xFFFFFF80] =	vst v8  }
0x1e9: {  	[tilespmem:s21+$0x40] =	vst v2;
	v2 =	vmul.f32 v4, v6;
	v6 =	vld [tilespmem:s23+$0xFFFFFF90]  }
0x1ea: {  	v4 =	vld [tilespmem:s19+$0x50]  }
0x1eb: {  	v58 =	vld [tilespmem:s10+$0xFFFFFFA0]  }
0x1ec: {  	v5 =	vld [tilespmem:s21+$0xFFFFFFC0];
	v3 =	vmul.f32 v12, v3;
	[tilespmem:s21+$0xFFFFFFB0] =	vst v2  }
0x1ed: {  	v2 =	vld [tilespmem:s19+$0xFFFFFFC0]  }
0x1ee: {  	[tilespmem:s22+$0x10] =	vst v3;
	v3 =	vld [tilespmem:s22+$0x20]  }
0x1ef: {  	v6 =	vmul.f32 v6, v13;
	v4 =	vmul.f32 v4, v10;
	v10 =	vld [tilespmem:s23+$0x20]  }
0x1f0: {  	v19 =	vld [tilespmem:s22+$0x60]  }
0x1f1: {  	v16 =	vmul.f32 v16, v17;
	v11 =	vld [tilespmem:s22+$0xFFFFFFA0];
	[tilespmem:s22+$0xFFFFFF90] =	vst v6  }
0x1f2: {  	v2 =	vmul.f32 v2, v5;
	v5 =	vld [tilespmem:s23+$0xFFFFFFA0]  }
0x1f3: {  	v61 =	vld [tilespmem:s22+$0x70];
	[tilespmem:s10+$0xFFFFFF80] =	vst v16  }
0x1f4: {  	v16 =	vld [tilespmem:s18+$0xFFFFFF90];
	[tilespmem:s21+$0xFFFFFFC0] =	vst v2;
	v2 =	vmul.f32 v10, v3  }
0x1f5: {  	v1 =	vld [tilespmem:s21+$0xFFFFFFF0]  }
0x1f6: {  	v6 =	vld [tilespmem:s22+$0x30];
	[tilespmem:s22+$0x20] =	vst v2  }
0x1f7: {  	v5 =	vmul.f32 v5, v11;
	v11 =	vld [tilespmem:s23+$0x30]  }
0x1f8: {  	v3 =	vld [tilespmem:s19+$0xFFFFFFD0]  }
0x1f9: {  	v8 =	vld [tilespmem:s22+$0xFFFFFFB0]  }
0x1fa: {  	v12 =	vld [tilespmem:s21+$0x60];
	[tilespmem:s21+$0x50] =	vst v4  }
0x1fb: {  	v4 =	vld [tilespmem:s19+$0x60]  }
0x1fc: {  	[tilespmem:s22+$0xFFFFFFA0] =	vst v5;
	v5 =	vld [tilespmem:s10+$0x0];
	v6 =	vmul.f32 v11, v6  }
0x1fd: {  	v3 =	vmul.f32 v3, v7;
	v7 =	vld [tilespmem:s18+$0x0]  }
0x1fe: {  	v11 =	vld [tilespmem:s22+$0x40];
	[tilespmem:s22+$0x30] =	vst v6  }
0x1ff: {  	v6 =	vld [tilespmem:s23+$0x40]  }
0x200: {  	v13 =	vld [tilespmem:s22+$0xFFFFFFC0];
	v4 =	vmul.f32 v4, v12  }
0x201: {  	v10 =	vld [tilespmem:s21+$0x70]  }
0x202: {  	[tilespmem:s21+$0x60] =	vst v4;
	v4 =	vld [tilespmem:s23+$0xFFFFFFB0];
	v5 =	vmul.f32 v7, v5  }
0x203: {  	v7 =	vld [tilespmem:s10+$0xFFFFFF90]  }
0x204: {  	[tilespmem:s10+$0x0] =	vst v5;
	v5 =	vld [tilespmem:s10+$0x10];
	v6 =	vmul.f32 v6, v11  }
0x205: {  	v11 =	vld [tilespmem:s18+$0x10]  }
0x206: {  	v2 =	vld [tilespmem:s22+$0xFFFFFFE0];
	[tilespmem:s22+$0x40] =	vst v6  }
0x207: {  	v4 =	vmul.f32 v4, v8;
	v8 =	vld [tilespmem:s23+$0x50]  }
0x208: {  	v12 =	vld [tilespmem:s19+$0x70];
	[tilespmem:s21+$0xFFFFFFD0] =	vst v3  }
0x209: {  	v3 =	vld [tilespmem:s22+$0xFFFFFFF0];
	[tilespmem:s22+$0xFFFFFFB0] =	vst v4;
	v7 =	vmul.f32 v16, v7  }
0x20a: {  	v4 =	vmul.f32 v11, v5;
	v11 =	vld [tilespmem:s23+$0xFFFFFFC0]  }
0x20b: {  	v15 =	vld [tilespmem:s19+$0xFFFFFFE0];
	[tilespmem:s10+$0xFFFFFF90] =	vst v7  }
0x20c: {  	v7 =	vld [tilespmem:s10+$0xFFFFFFE0];
	[tilespmem:s10+$0x10] =	vst v4;
	v4 =	vmul.f32 v8, v18  }
0x20d: {  	v8 =	vld [tilespmem:s10+$0x20]  }
0x20e: {  	v59 =	vld [tilespmem:s18+$0x20];
	[tilespmem:s22+$0x50] =	vst v4  }
0x20f: {  	v11 =	vmul.f32 v11, v13;
	v13 =	vld [tilespmem:s23+$0x60]  }
0x210: {  	v6 =	vld [tilespmem:s10+$0xFFFFFFB0]  }
0x211: {  	v60 =	vld [tilespmem:s18+$0xFFFFFFA0];
	[tilespmem:s22+$0xFFFFFFC0] =	vst v11  }
0x212: {  	v11 =	vld [tilespmem:s23+$0xFFFFFFD0]  }
0x213: {  	v5 =	vld [tilespmem:s10+$0xFFFFFFC0];
	v8 =	vmul.f32 v59, v8  }
0x214: {  	v4 =	vld [tilespmem:s10+$0xFFFFFFD0];
	v13 =	vmul.f32 v13, v19  }
0x215: {  	[tilespmem:s10+$0x20] =	vst v8;
	v8 =	vmul.f32 v15, v9;
	v15 =	vld [tilespmem:s10+$0x30]  }
0x216: {  	v9 =	vmul.f32 v60, v58;
	v62 =	vld [tilespmem:s18+$0x30];
	[tilespmem:s22+$0x60] =	vst v13  }
0x217: {  	[tilespmem:s21+$0xFFFFFFE0] =	vst v8;
	v8 =	vmul.f32 v11, v14;
	v63 =	vld [tilespmem:s23+$0x70]  }
0x218: {  	[tilespmem:s10+$0xFFFFFFA0] =	vst v9;
	v9 =	vld [tilespmem:s19+$0xFFFFFFF0]  }
0x219: {  	v13 =	vld [tilespmem:s18+$0xFFFFFFB0];
	[tilespmem:s22+$0xFFFFFFD0] =	vst v8  }
0x21a: {  	v11 =	vmul.f32 v12, v10;
	v10 =	vld [tilespmem:s23+$0xFFFFFFE0]  }
0x21b: {  	v8 =	vld [tilespmem:s10+$0xFFFFFFF0];
	v14 =	vmul.f32 v62, v15  }
0x21c: {  	s20 =	simm.s32 $0x480;
	s8 =	simm.s32 $0x4;
	s19 =	simm.s32 $0x3380;
	[tilespmem:s21+$0x70] =	vst v11;
	v11 =	vld [tilespmem:s10+$0x40];
	v12 =	vmul.f32 v63, v61  }
.LBB2_12:
0x21d: {  	v15 =	vld [tilespmem:s20+$0x0];
	[tilespmem:s10+$0x30] =	vst v14;
	s18 =	sadd.s32 $0x100, s18;
	v9 =	vmul.f32 v9, v1;
	v1 =	vmov v3  }
0x21e: {  	v14 =	vld [tilespmem:s18+$0x0];
	v13 =	vmul.f32 v13, v6;
	[tilespmem:s22+$0x70] =	vst v12  }
0x21f: {  	s8 =	sadd.s32 $0x2, s8;
	v6 =	vld [tilespmem:s19+$0x40];
	v10 =	vmul.f32 v10, v2;
	[tilespmem:s21+$0xFFFFFFF0] =	vst v9;
	v2 =	vmov v7;
	s21 =	smov.u32 s22;
	s22 =	smov.u32 s10  }
0x220: {  	p1 =	slt.u32 s8, $0x6;
	s10 =	smov.u32 s20;
	v7 =	vld [tilespmem:s18+$0xFFFFFF80];
	[tilespmem:s22+$0xFFFFFFB0] =	vst v13;
	v3 =	vmov v8  }
0x221: {  	v8 =	vld [tilespmem:s20+$0xFFFFFF80];
	[tilespmem:s21+$0xFFFFFFE0] =	vst v10  }
0x222: {  	v9 =	vld [tilespmem:s20+$0xFFFFFF90]  }
0x223: {  	v10 =	vld [tilespmem:s20+$0xFFFFFFA0];
	v12 =	vmul.f32 v14, v15  }
0x224: {  	v6 =	vmul.f32 v6, v11;
	v11 =	vld [tilespmem:s22+$0x50]  }
0x225: {  	[tilespmem:s20+$0x0] =	vst v12;
	v12 =	vld [tilespmem:s20+$0x10]  }
0x226: {  	v7 =	vmul.f32 v7, v8;
	v8 =	vld [tilespmem:s18+$0x10];
	[tilespmem:s22+$0x40] =	vst v6  }
0x227: {  	v13 =	vld [tilespmem:s19+$0x50]  }
0x228: {  	[tilespmem:s20+$0xFFFFFF80] =	vst v7;
	v6 =	vld [tilespmem:s20+$0xFFFFFFB0]  }
0x229: {  	v7 =	vld [tilespmem:s18+$0xFFFFFF90]  }
0x22a: {  	v14 =	vld [tilespmem:s19+$0xFFFFFFC0]  }
0x22b: {  	v15 =	vld [tilespmem:s20+$0xFFFFFFC0];
	v8 =	vmul.f32 v8, v12  }
0x22c: {  	v11 =	vmul.f32 v13, v11;
	v12 =	vld [tilespmem:s22+$0x60]  }
0x22d: {  	[tilespmem:s20+$0x10] =	vst v8;
	v8 =	vld [tilespmem:s20+$0x20]  }
0x22e: {  	v7 =	vmul.f32 v7, v9;
	v9 =	vld [tilespmem:s18+$0x20];
	[tilespmem:s22+$0x50] =	vst v11  }
0x22f: {  	v11 =	vmul.f32 v14, v5;
	v13 =	vld [tilespmem:s19+$0x60]  }
0x230: {  	[tilespmem:s20+$0xFFFFFF90] =	vst v7;
	v14 =	vld [tilespmem:s20+$0xFFFFFFD0];
	v5 =	vmov v15  }
0x231: {  	v15 =	vld [tilespmem:s18+$0xFFFFFFA0];
	[tilespmem:s22+$0xFFFFFFC0] =	vst v11  }
0x232: {  	v11 =	vld [tilespmem:s19+$0xFFFFFFD0]  }
0x233: {  	v7 =	vld [tilespmem:s20+$0xFFFFFFE0];
	v8 =	vmul.f32 v9, v8  }
0x234: {  	v9 =	vmul.f32 v13, v12;
	v12 =	vld [tilespmem:s22+$0x70]  }
0x235: {  	[tilespmem:s20+$0x20] =	vst v8;
	v16 =	vld [tilespmem:s20+$0x30]  }
0x236: {  	v8 =	vmul.f32 v15, v10;
	v15 =	vld [tilespmem:s18+$0x30];
	[tilespmem:s22+$0x60] =	vst v9  }
0x237: {  	v10 =	vmul.f32 v11, v4;
	v17 =	vld [tilespmem:s19+$0x70];
	v4 =	vmov v14  }
.Ltmp5:
0x238: {  	[tilespmem:s20+$0xFFFFFFA0] =	vst v8;
	v9 =	vld [tilespmem:s23+$0xFFFFFFF0];
	s23 =	smov.u32 s19;
	s19 =	smov.u32 s18;
	(pc) =	sbr.rel @p1 .LBB2_12-.Ltmp5, $4  }
0x239: {  	v13 =	vld [tilespmem:s18+$0xFFFFFFB0];
	[tilespmem:s22+$0xFFFFFFD0] =	vst v10  }
0x23a: {  	v10 =	vld [tilespmem:s23+$0xFFFFFFE0]  }
0x23b: {  	v8 =	vld [tilespmem:s20+$0xFFFFFFF0];
	v14 =	vmul.f32 v15, v16  }
0x23c: {  	s20 =	sadd.s32 $0x100, s20;
	v11 =	vld [tilespmem:s10+$0x40];
	v12 =	vmul.f32 v17, v12  }
0x23d: {  	_ = 	snop  }
0x23e: {  	[tilespmem:s10+$0x30] =	vst v14;
	v6 =	vmul.f32 v13, v6  }
0x23f: {  	v57 =	vld [tilespmem:s19+$0x40]  }
0x240: {  	[tilespmem:s10+$0xFFFFFFB0] =	vst v6  }
0x241: {  	v6 =	vld [tilespmem:s19+$0xFFFFFFC0];
	_ =	sdelay $0x2  }
0x242: {  	v11 =	vmul.f32 v57, v11;
	_ =	sdelay $0x1  }
0x243: {  	v58 =	vld [tilespmem:s10+$0x50];
	[tilespmem:s10+$0x40] =	vst v11;
	v5 =	vmul.f32 v6, v5  }
0x244: {  	v59 =	vld [tilespmem:s19+$0x50]  }
0x245: {  	[tilespmem:s10+$0xFFFFFFC0] =	vst v5  }
0x246: {  	v5 =	vld [tilespmem:s19+$0xFFFFFFD0];
	_ =	sdelay $0x2  }
0x247: {  	v6 =	vmul.f32 v59, v58;
	_ =	sdelay $0x1  }
0x248: {  	v60 =	vld [tilespmem:s10+$0x60];
	[tilespmem:s10+$0x50] =	vst v6;
	v4 =	vmul.f32 v5, v4  }
0x249: {  	v61 =	vld [tilespmem:s19+$0x60]  }
0x24a: {  	[tilespmem:s10+$0xFFFFFFD0] =	vst v4  }
0x24b: {  	v4 =	vld [tilespmem:s19+$0xFFFFFFE0];
	_ =	sdelay $0x2  }
0x24c: {  	v5 =	vmul.f32 v61, v60  }
0x24d: {  	v2 =	vmul.f32 v10, v2  }
0x24e: {  	v62 =	vld [tilespmem:s10+$0x70];
	[tilespmem:s10+$0x60] =	vst v5;
	v4 =	vmul.f32 v4, v7  }
0x24f: {  	[tilespmem:s22+$0xFFFFFFE0] =	vst v2;
	v2 =	vld [tilespmem:s19+$0x70]  }
0x250: {  	v63 =	vld [tilespmem:s23+$0xFFFFFFF0];
	[tilespmem:s10+$0xFFFFFFE0] =	vst v4  }
0x251: {  	v4 =	vld [tilespmem:s19+$0xFFFFFFF0];
	_ =	sdelay $0x1  }
0x252: {  	v1 =	vmul.f32 v9, v1  }
0x253: {  	[tilespmem:s22+$0x70] =	vst v12;
	v2 =	vmul.f32 v2, v62  }
0x254: {  	[tilespmem:s21+$0xFFFFFFF0] =	vst v1;
	v1 =	vmul.f32 v63, v3  }
0x255: {  	[tilespmem:s10+$0x70] =	vst v2;
	v2 =	vmul.f32 v4, v8  }
0x256: {  	[tilespmem:s22+$0xFFFFFFF0] =	vst v1  }
0x257: {  	s8 =	simm.s32 $0x8;
	[tilespmem:s10+$0xFFFFFFF0] =	vst v2  }
0x258: {  	[spmem:s3] =	stream.indirect.scatter.add.f32 [tilespmem:s29], [sflag:$0x7], $0x80, s25, s8, $0xb8;
	[tilespmem:$0x1FB80] =	vst v63  }
0x259: {  	_ =	swait.ge [sflag:s30], $0x400  }
0x25a: {  	[sflag:s30] =	ssyncset.done $0x0  }
0x25b: {  	[sflag:s30] =	ssyncadd.s32 $0xFFFFFC00  }
0x25c: {  	s8 =	stileid.u32;
	[bflag:$0x0] =	sbarrier.arrive $0xFFFF  }
0x25d: {  	s8 =	sshll.u32 @!p0 s8, $0x6;
	s10 =	rddreg [dreg:$0x4]  }
0x25e: {  	s8 =	sor.u32 @!p0 $0x1C07, s8;
	s18 =	rddreg [dreg:$0x13];
	s10 =	sshrl.u32 @!p0 s10, $0x3  }
0x25f: {  	[hbm:s18], [sflag:s8] =	dma.local @!p0 [spmem:s10], $0x3E80  }
0x260: {  	s8 =	simm.s32 @!p0 $0x7  }
0x261: {  	_ =	swait.ge @!p0 [sflag:s8], $0x3E80  }
0x262: {  	s23 =	rddreg [dreg:$0x17]  }
0x263: {  	s25 =	rddreg [dreg:$0x14];
	s18 =	sadd.s32 $0x1, s23  }
0x264: {  	p1 =	sne.s32 s18, s25  }
.Ltmp6:
0x265: {  	_ = 	snop;
	(pc) =	sbr.rel @p1 .LBB2_1-.Ltmp6, $3  }
0x266: {  	_ =	sdelay $0x1  }
0x267: {  	[sflag:s8] =	ssyncset.done @!p0 $0x0  }
0x268: {  	[sflag:s8] =	ssyncadd.s32 @!p0 $0xFFFFC180  }
0x269: {  	_ =	sfence.sel $0x180000  }
0x26a: {  	[bflag:$0x0] =	sbarrier.arrive $0xFFFF  }
0x26b: {  	_ =	strace $0x9000004A  }
0x26c: {  	s0 =	stileid.u32;
	[bflag:$0x2] =	sbarrier.arrive $0xFFFF  }
0x26d: {  	p0 =	sne.s32 s0, $0x0;
	s0 =	rddreg [dreg:$0x3]  }
0x26e: {  	s0 =	sadd.s32 @!p0 $0x100000, s0  }
0x26f: {  	[sflag:s0] =	ssyncadd.tile.s32 @!p0 $0x1;
	_ =	shalt  }
.Lfunc_end2:
_tile_overlayer_lowered:
.L_overlay_start_2:
0x270: {  	(tag) =	ssettag $0x2  }
0x271: {  	s0 =	rddreg [dreg:$0x0];
	s2 =	stileid.u32  }
0x272: {  	s1 =	rddreg [dreg:$0x1];
	p0 =	sne.s32 s2, $0x0  }
0x273: {  	s3 =	rddreg [dreg:$0x2];
	[bflag:$0x3] =	sbarrier.arrive $0xFFFF;
	s2 =	simm.s32 @!p0 $0x1C07  }
0x274: {  	[timem:s3], [sflag:s2] =	dma.local @!p0 [hbm:s0], s1  }
0x275: {  	s0 =	simm.s32 @!p0 $0x7  }
0x276: {  	_ =	swait.ge @!p0 [sflag:s0], s1  }
0x277: {  	s1 =	ssub.s32 @!p0 $0x0, s1;
	[sflag:s0] =	ssyncset.done @!p0 $0x0  }
0x278: {  	[sflag:s0] =	ssyncadd.s32 @!p0 s1  }
0x279: {  	[bflag:$0x3] =	sbarrier.arrive $0xFFFF  }
0x27a: {  	_ =	shalt  }

</sc_bundles>
